<compile_context>
chip_gen: v7x
topology: tpu7x:2x2x1
jax: 0.10.2.dev20260603
libtpu: 0.0.44.dev20260713+nightly
codegen_flags: <defaults>
</compile_context>

<pallas_src>
import functools

import numpy as np
import jax
import jax.numpy as jnp
from jax import lax
from jax.experimental import pallas as pl
from jax.experimental.pallas import tpu as pltpu
from jax.experimental.pallas import tpu_sc as plsc

B = 100000
D = 11
G = 10
LANES = 16

NUM_CORES = 2
NUM_SUBCORES = 16
NW = NUM_CORES * NUM_SUBCORES

CHUNK = 512
NFULL = 195
EXTRA_BASE = NFULL * CHUNK
EXTRA = 128
TAIL_BASE = EXTRA_BASE + EXTRA
TAIL = B - TAIL_BASE
MAX_CHUNKS = NFULL // NW + 1
UNROLL = 4

EXTRA_WID = NFULL - (MAX_CHUNKS - 1) * NW
TAIL_WID = EXTRA_WID + 1


def _sq_thresholds():
    out = []
    for t in (0.1, 0.2, 0.3, 0.4, 0.5, 0.6, 0.7, 0.8, 0.9):
        t32 = np.float32(t)
        s = np.float32(t32 * t32)
        while np.float32(np.sqrt(np.nextafter(s, np.float32(0)))) >= t32:
            s = np.nextafter(s, np.float32(0))
        while np.float32(np.sqrt(s)) < t32:
            s = np.nextafter(s, np.float32(np.inf))
        out.append(float(s))
    return tuple(out)


_SQ_T = _sq_thresholds()


def _build():
    mesh = plsc.VectorSubcoreMesh(core_axis_name="c", subcore_axis_name="s")

    @functools.partial(
        pl.kernel,
        out_type=jax.ShapeDtypeStruct((B,), jnp.float32),
        mesh=mesh,
        compiler_params=pltpu.CompilerParams(
            needs_layout_passes=False, skip_device_barrier=True),
        scratch_types=[
            pltpu.VMEM((8, CHUNK), jnp.float32),
            pltpu.VMEM((8, CHUNK), jnp.float32),
            pltpu.VMEM((8, CHUNK), jnp.float32),
            pltpu.VMEM((8, CHUNK), jnp.float32),
            pltpu.VMEM((G, CHUNK), jnp.float32),
            pltpu.VMEM((G, CHUNK), jnp.float32),
            pltpu.VMEM((CHUNK,), jnp.float32),
            pltpu.VMEM((CHUNK,), jnp.float32),
            pltpu.VMEM((8, TAIL), jnp.float32),
            pltpu.VMEM((8, TAIL), jnp.float32),
            pltpu.VMEM((G, TAIL), jnp.float32),
            pltpu.VMEM((TAIL,), jnp.float32),
            pltpu.SemaphoreType.DMA,
            pltpu.SemaphoreType.DMA,
            pltpu.SemaphoreType.DMA,
            pltpu.SemaphoreType.DMA,
        ],
    )
    def k(z1_hbm, z2_hbm, dg_hbm, out_hbm,
          z1a, z1b, z2a, z2b, dga, dgb, outa, outb,
          z1t, z2t, dgt, outt,
          isem_a, isem_b, osem_a, osem_b):
        z1buf = (z1a, z1b)
        z2buf = (z2a, z2b)
        dgbuf = (dga, dgb)
        outbuf = (outa, outb)
        isem = (isem_a, isem_b)
        osem = (osem_a, osem_b)

        wid = lax.axis_index("s") * NUM_CORES + lax.axis_index("c")
        lane = lax.iota(jnp.int32, LANES)

        def full_base(i):
            return pl.multiple_of((wid + i * NW) * CHUNK, 128)

        def in_copies(i):
            b = i % 2
            base = full_base(i)
            return (
                pltpu.make_async_copy(
                    z1_hbm.at[pl.ds(0, 8), pl.ds(base, CHUNK)],
                    z1buf[b], isem[b]),
                pltpu.make_async_copy(
                    z2_hbm.at[pl.ds(0, 8), pl.ds(base, CHUNK)],
                    z2buf[b], isem[b]),
                pltpu.make_async_copy(
                    dg_hbm.at[:, pl.ds(base, CHUNK)],
                    dgbuf[b], isem[b]),
            )

        def extra_in_copies():
            b = (MAX_CHUNKS - 1) % 2
            return (
                pltpu.make_async_copy(
                    z1_hbm.at[pl.ds(0, 8), pl.ds(EXTRA_BASE, EXTRA)],
                    z1buf[b].at[:, pl.ds(0, EXTRA)], isem[b]),
                pltpu.make_async_copy(
                    z2_hbm.at[pl.ds(0, 8), pl.ds(EXTRA_BASE, EXTRA)],
                    z2buf[b].at[:, pl.ds(0, EXTRA)], isem[b]),
                pltpu.make_async_copy(
                    dg_hbm.at[:, pl.ds(EXTRA_BASE, EXTRA)],
                    dgbuf[b].at[:, pl.ds(0, EXTRA)], isem[b]),
            )

        def tail_in_copies():
            b = (MAX_CHUNKS - 1) % 2
            return (
                pltpu.make_async_copy(
                    z1_hbm.at[pl.ds(0, 8), pl.ds(TAIL_BASE, TAIL)],
                    z1t, isem[b]),
                pltpu.make_async_copy(
                    z2_hbm.at[pl.ds(0, 8), pl.ds(TAIL_BASE, TAIL)],
                    z2t, isem[b]),
                pltpu.make_async_copy(
                    dg_hbm.at[:, pl.ds(TAIL_BASE, TAIL)],
                    dgt, isem[b]),
            )

        def out_copy(i):
            b = i % 2
            return pltpu.make_async_copy(
                outbuf[b], out_hbm.at[pl.ds(full_base(i), CHUNK)], osem[b])

        def extra_out_copy():
            b = (MAX_CHUNKS - 1) % 2
            return pltpu.make_async_copy(
                outbuf[b].at[pl.ds(0, EXTRA)],
                out_hbm.at[pl.ds(EXTRA_BASE, EXTRA)], osem[b])

        def tail_out_copy():
            b = (MAX_CHUNKS - 1) % 2
            return pltpu.make_async_copy(
                outt, out_hbm.at[pl.ds(TAIL_BASE, TAIL)], osem[b])

        def start_in(i):
            if i < MAX_CHUNKS - 1:
                for c in in_copies(i):
                    c.start()
            else:
                @pl.when(wid < NFULL - (MAX_CHUNKS - 1) * NW)
                def _():
                    for c in in_copies(i):
                        c.start()

                @pl.when(wid == EXTRA_WID)
                def _():
                    for c in extra_in_copies():
                        c.start()

                @pl.when(wid == TAIL_WID)
                def _():
                    for c in tail_in_copies():
                        c.start()

        def compute_group(z1r, z2r, dgr, outr, offs):
            xs = []
            for off in offs:
                x1 = z1r[0, pl.ds(off, LANES)]
                y1 = z1r[2, pl.ds(off, LANES)]
                x2 = z2r[0, pl.ds(off, LANES)]
                y2 = z2r[2, pl.ds(off, LANES)]
                xs.append((x2 - x1, y2 - y1))
            ss = [dx * dx + dy * dy for dx, dy in xs]
            dids = []
            for s in ss:
                did = jnp.zeros((LANES,), jnp.int32)
                for thr in _SQ_T:
                    did = did + (s >= jnp.float32(thr)).astype(jnp.int32)
                dids.append(did)
            for off, did in zip(offs, dids):
                g = plsc.load_gather(dgr, [did, lane + off])
                outr[pl.ds(off, LANES)] = g

        def compute(i):
            b = i % 2
            for c in in_copies(i):
                c.wait()

            @plsc.parallel_loop(0, CHUNK // LANES, unroll=UNROLL)
            def _(v):
                compute_group(z1buf[b], z2buf[b], dgbuf[b], outbuf[b],
                              [v * LANES])

            out_copy(i).start()

        def compute_extra():
            b = (MAX_CHUNKS - 1) % 2
            for c in extra_in_copies():
                c.wait()
            compute_group(z1buf[b], z2buf[b], dgbuf[b], outbuf[b],
                          [v * LANES for v in range(EXTRA // LANES)])
            extra_out_copy().start()

        def compute_tail():
            for c in tail_in_copies():
                c.wait()
            compute_group(z1t, z2t, dgt, outt,
                          [v * LANES for v in range(TAIL // LANES)])
            tail_out_copy().start()

        start_in(0)
        for i in range(MAX_CHUNKS):
            if i + 1 < MAX_CHUNKS:
                start_in(i + 1)
            if i >= 2:
                out_copy(i - 2).wait()
            if i < MAX_CHUNKS - 1:
                compute(i)
            else:
                pl.when(wid < NFULL - i * NW)(lambda: compute(i))
                pl.when(wid == EXTRA_WID)(compute_extra)
                pl.when(wid == TAIL_WID)(compute_tail)

        out_copy(MAX_CHUNKS - 2).wait()
        last = MAX_CHUNKS - 1
        pl.when(wid < NFULL - last * NW)(lambda: out_copy(last).wait())
        pl.when(wid == EXTRA_WID)(lambda: extra_out_copy().wait())
        pl.when(wid == TAIL_WID)(lambda: tail_out_copy().wait())

    return k


_sc_kernel = _build()


def kernel(z_1, z_2, dist_grade):
    return _sc_kernel(z_1.T, z_2.T, dist_grade.T)

# --- scband reference (transcript-rebuilt; emitter-appended) ---
"""Pipeline reference for scband-fcnnrho-valuation-function-39977555591639 (READ-ONLY COPY).

The authoritative reference and input builder live on the scoring server;
editing this copy changes nothing except your own understanding.
"""

import jax, jax.numpy as jnp
import numpy as np

B = 100000
D = 11
N_GRADES = 10


def setup_inputs(seed: int = 0) -> dict:
    key = jax.random.key(seed)
    k1, k2, k3 = jax.random.split(key, 3)
    z_1 = jax.random.uniform(k1, (B, D), dtype=jnp.float32)
    z_2 = jax.random.uniform(k2, (B, D), dtype=jnp.float32)
    dist_grade = jax.random.uniform(k3, (B, N_GRADES), dtype=jnp.float32)
    return {"z_1": z_1, "z_2": z_2, "dist_grade": dist_grade}


def _to_center(z):
    return jnp.stack((z[:, 0], z[:, 2]))


def _cart2pol(x, y):
    rho = jnp.sqrt(x ** 2 + y ** 2)
    phi = jnp.rad2deg(jnp.arctan2(y, x))
    return rho, phi


def _forward(z_1, z_2, dist_grade):
    c_1 = _to_center(z_1)
    c_2 = _to_center(z_2)
    dir_vec = c_2 - c_1
    dir_vec = dir_vec.at[1].set(-dir_vec[1])
    rho, phi = _cart2pol(dir_vec[0], dir_vec[1])
    # thresholded binning: dist_id in {0,...,9}; nested >= thresholds are
    # equivalent to summing the indicator of each threshold crossed.
    dist_id = jnp.zeros(rho.shape, dtype=jnp.int32)
    for t in (0.1, 0.2, 0.3, 0.4, 0.5, 0.6, 0.7, 0.8, 0.9):
        dist_id = dist_id + (rho >= t).astype(jnp.int32)
    # one-hot scatter of the bin id (torch loop: dist_pred[i, dist_id[i]] = 1)
    dist_pred = jax.nn.one_hot(dist_id, dist_grade.shape[1], dtype=dist_grade.dtype)
    return (dist_grade * dist_pred).sum(axis=1)


def reference(z_1, z_2, dist_grade):
    return _forward(z_1, z_2, dist_grade)

if __name__ == "__main__":
    import jax
    _d = setup_inputs()
    print(jax.jit(kernel)(*tuple(_d.values())))

</pallas_src>

<mosaic_0001>
#map = affine_map<(d0, d1) -> (0, 0)>
#map1 = affine_map<(d0, d1) -> (0)>
module attributes {stable_mosaic.version = 14 : i64} {
  func.func @k(%arg0: i32, %arg1: i32, %arg2: memref<11x100000xf32, #tpu.memory_space<hbm>>, %arg3: memref<11x100000xf32, #tpu.memory_space<hbm>>, %arg4: memref<10x100000xf32, #tpu.memory_space<hbm>>, %arg5: memref<100000xf32, #tpu.memory_space<hbm>>, %arg6: memref<8x512xf32, #tpu.memory_space<vmem>>, %arg7: memref<8x512xf32, #tpu.memory_space<vmem>>, %arg8: memref<8x512xf32, #tpu.memory_space<vmem>>, %arg9: memref<8x512xf32, #tpu.memory_space<vmem>>, %arg10: memref<10x512xf32, #tpu.memory_space<vmem>>, %arg11: memref<10x512xf32, #tpu.memory_space<vmem>>, %arg12: memref<512xf32, #tpu.memory_space<vmem>>, %arg13: memref<512xf32, #tpu.memory_space<vmem>>, %arg14: memref<8x32xf32, #tpu.memory_space<vmem>>, %arg15: memref<8x32xf32, #tpu.memory_space<vmem>>, %arg16: memref<10x32xf32, #tpu.memory_space<vmem>>, %arg17: memref<32xf32, #tpu.memory_space<vmem>>, %arg18: memref<!tpu.dma_semaphore, #tpu.memory_space<semaphore_mem>>, %arg19: memref<!tpu.dma_semaphore, #tpu.memory_space<semaphore_mem>>, %arg20: memref<!tpu.dma_semaphore, #tpu.memory_space<semaphore_mem>>, %arg21: memref<!tpu.dma_semaphore, #tpu.memory_space<semaphore_mem>>) attributes {dimension_semantics = [#tpu.dimension_semantics<core_parallel>, #tpu.dimension_semantics<subcore_parallel>], iteration_bounds = array<i64: 2, 16>, scalar_prefetch = 0 : i64, scratch_operands = 16 : i64, tpu.core_type = #tpu.core_type<sc_vector_subcore>, window_params = [{transform_indices = #map}, {transform_indices = #map}, {transform_indices = #map}, {transform_indices = #map1}]} {
    %mul3A = arith.constant 2 : i32
    %mul3A_0 = arith.muli %arg1, %mul3A : i32
    %add3A = arith.addi %mul3A_0, %arg0 : i32
    %iota3A = tpu.iota {dimensions = array<i32: 0>} : vector<16xi32>
    %add3A_1 = arith.constant 0 : i32
    %add3A_2 = arith.addi %add3A, %add3A_1 : i32
    %mul3A_3 = arith.constant 512 : i32
    %mul3A_4 = arith.muli %add3A_2, %mul3A_3 : i32
    %multiple_of3A = tpu.assume_multiple %mul3A_4, 128 : i32
    %dma_start3A = arith.constant 0 : i32
    %dma_start3A_5 = tpu.memref_slice %arg2[%dma_start3A, %multiple_of3A] : memref<11x100000xf32, #tpu.memory_space<hbm>> -> memref<8x512xf32, #tpu.memory_space<hbm>>
    %dma_start3A_6 = arith.constant 0 : i32
    %dma_start3A_7 = tpu.memref_slice %arg2[%dma_start3A_6, %multiple_of3A] : memref<11x100000xf32, #tpu.memory_space<hbm>> -> memref<8x512xf32, #tpu.memory_space<hbm>>
    tpu.enqueue_dma source(%dma_start3A_7 : memref<8x512xf32, #tpu.memory_space<hbm>>) target(%arg6 : memref<8x512xf32, #tpu.memory_space<vmem>>) target_semaphore(%arg18 : memref<!tpu.dma_semaphore, #tpu.memory_space<semaphore_mem>>)
    %dma_start3A_8 = arith.constant 0 : i32
    %dma_start3A_9 = tpu.memref_slice %arg3[%dma_start3A_8, %multiple_of3A] : memref<11x100000xf32, #tpu.memory_space<hbm>> -> memref<8x512xf32, #tpu.memory_space<hbm>>
    %dma_start3A_10 = arith.constant 0 : i32
    %dma_start3A_11 = tpu.memref_slice %arg3[%dma_start3A_10, %multiple_of3A] : memref<11x100000xf32, #tpu.memory_space<hbm>> -> memref<8x512xf32, #tpu.memory_space<hbm>>
    tpu.enqueue_dma source(%dma_start3A_11 : memref<8x512xf32, #tpu.memory_space<hbm>>) target(%arg8 : memref<8x512xf32, #tpu.memory_space<vmem>>) target_semaphore(%arg18 : memref<!tpu.dma_semaphore, #tpu.memory_space<semaphore_mem>>)
    %dma_start3A_12 = arith.constant 0 : i32
    %dma_start3A_13 = tpu.memref_slice %arg4[%dma_start3A_12, %multiple_of3A] : memref<10x100000xf32, #tpu.memory_space<hbm>> -> memref<10x512xf32, #tpu.memory_space<hbm>>
    %dma_start3A_14 = arith.constant 0 : i32
    %dma_start3A_15 = tpu.memref_slice %arg4[%dma_start3A_14, %multiple_of3A] : memref<10x100000xf32, #tpu.memory_space<hbm>> -> memref<10x512xf32, #tpu.memory_space<hbm>>
    tpu.enqueue_dma source(%dma_start3A_15 : memref<10x512xf32, #tpu.memory_space<hbm>>) target(%arg10 : memref<10x512xf32, #tpu.memory_space<vmem>>) target_semaphore(%arg18 : memref<!tpu.dma_semaphore, #tpu.memory_space<semaphore_mem>>)
    %add3A_16 = arith.constant 32 : i32
    %add3A_17 = arith.addi %add3A, %add3A_16 : i32
    %mul3A_18 = arith.constant 512 : i32
    %mul3A_19 = arith.muli %add3A_17, %mul3A_18 : i32
    %multiple_of3A_20 = tpu.assume_multiple %mul3A_19, 128 : i32
    %dma_start3A_21 = arith.constant 0 : i32
    %dma_start3A_22 = tpu.memref_slice %arg2[%dma_start3A_21, %multiple_of3A_20] : memref<11x100000xf32, #tpu.memory_space<hbm>> -> memref<8x512xf32, #tpu.memory_space<hbm>>
    %dma_start3A_23 = arith.constant 0 : i32
    %dma_start3A_24 = tpu.memref_slice %arg2[%dma_start3A_23, %multiple_of3A_20] : memref<11x100000xf32, #tpu.memory_space<hbm>> -> memref<8x512xf32, #tpu.memory_space<hbm>>
    tpu.enqueue_dma source(%dma_start3A_24 : memref<8x512xf32, #tpu.memory_space<hbm>>) target(%arg7 : memref<8x512xf32, #tpu.memory_space<vmem>>) target_semaphore(%arg19 : memref<!tpu.dma_semaphore, #tpu.memory_space<semaphore_mem>>)
    %dma_start3A_25 = arith.constant 0 : i32
    %dma_start3A_26 = tpu.memref_slice %arg3[%dma_start3A_25, %multiple_of3A_20] : memref<11x100000xf32, #tpu.memory_space<hbm>> -> memref<8x512xf32, #tpu.memory_space<hbm>>
    %dma_start3A_27 = arith.constant 0 : i32
    %dma_start3A_28 = tpu.memref_slice %arg3[%dma_start3A_27, %multiple_of3A_20] : memref<11x100000xf32, #tpu.memory_space<hbm>> -> memref<8x512xf32, #tpu.memory_space<hbm>>
    tpu.enqueue_dma source(%dma_start3A_28 : memref<8x512xf32, #tpu.memory_space<hbm>>) target(%arg9 : memref<8x512xf32, #tpu.memory_space<vmem>>) target_semaphore(%arg19 : memref<!tpu.dma_semaphore, #tpu.memory_space<semaphore_mem>>)
    %dma_start3A_29 = arith.constant 0 : i32
    %dma_start3A_30 = tpu.memref_slice %arg4[%dma_start3A_29, %multiple_of3A_20] : memref<10x100000xf32, #tpu.memory_space<hbm>> -> memref<10x512xf32, #tpu.memory_space<hbm>>
    %dma_start3A_31 = arith.constant 0 : i32
    %dma_start3A_32 = tpu.memref_slice %arg4[%dma_start3A_31, %multiple_of3A_20] : memref<10x100000xf32, #tpu.memory_space<hbm>> -> memref<10x512xf32, #tpu.memory_space<hbm>>
    tpu.enqueue_dma source(%dma_start3A_32 : memref<10x512xf32, #tpu.memory_space<hbm>>) target(%arg11 : memref<10x512xf32, #tpu.memory_space<vmem>>) target_semaphore(%arg19 : memref<!tpu.dma_semaphore, #tpu.memory_space<semaphore_mem>>)
    %add3A_33 = arith.constant 0 : i32
    %add3A_34 = arith.addi %add3A, %add3A_33 : i32
    %mul3A_35 = arith.constant 512 : i32
    %mul3A_36 = arith.muli %add3A_34, %mul3A_35 : i32
    %multiple_of3A_37 = tpu.assume_multiple %mul3A_36, 128 : i32
    %dma_wait3A = arith.constant 0 : i32
    %dma_wait3A_38 = tpu.memref_slice %arg2[%dma_wait3A, %multiple_of3A_37] : memref<11x100000xf32, #tpu.memory_space<hbm>> -> memref<8x512xf32, #tpu.memory_space<hbm>>
    %dma_wait3A_39 = arith.constant 0 : i32
    %dma_wait3A_40 = tpu.memref_slice %arg2[%dma_wait3A_39, %multiple_of3A_37] : memref<11x100000xf32, #tpu.memory_space<hbm>> -> memref<8x512xf32, #tpu.memory_space<hbm>>
    tpu.wait_dma2 semaphore(%arg18 : memref<!tpu.dma_semaphore, #tpu.memory_space<semaphore_mem>>) src(%dma_wait3A_40 : memref<8x512xf32, #tpu.memory_space<hbm>>) dst(%arg6 : memref<8x512xf32, #tpu.memory_space<vmem>>)
    %dma_wait3A_41 = arith.constant 0 : i32
    %dma_wait3A_42 = tpu.memref_slice %arg3[%dma_wait3A_41, %multiple_of3A_37] : memref<11x100000xf32, #tpu.memory_space<hbm>> -> memref<8x512xf32, #tpu.memory_space<hbm>>
    %dma_wait3A_43 = arith.constant 0 : i32
    %dma_wait3A_44 = tpu.memref_slice %arg3[%dma_wait3A_43, %multiple_of3A_37] : memref<11x100000xf32, #tpu.memory_space<hbm>> -> memref<8x512xf32, #tpu.memory_space<hbm>>
    tpu.wait_dma2 semaphore(%arg18 : memref<!tpu.dma_semaphore, #tpu.memory_space<semaphore_mem>>) src(%dma_wait3A_44 : memref<8x512xf32, #tpu.memory_space<hbm>>) dst(%arg8 : memref<8x512xf32, #tpu.memory_space<vmem>>)
    %dma_wait3A_45 = arith.constant 0 : i32
    %dma_wait3A_46 = tpu.memref_slice %arg4[%dma_wait3A_45, %multiple_of3A_37] : memref<10x100000xf32, #tpu.memory_space<hbm>> -> memref<10x512xf32, #tpu.memory_space<hbm>>
    %dma_wait3A_47 = arith.constant 0 : i32
    %dma_wait3A_48 = tpu.memref_slice %arg4[%dma_wait3A_47, %multiple_of3A_37] : memref<10x100000xf32, #tpu.memory_space<hbm>> -> memref<10x512xf32, #tpu.memory_space<hbm>>
    tpu.wait_dma2 semaphore(%arg18 : memref<!tpu.dma_semaphore, #tpu.memory_space<semaphore_mem>>) src(%dma_wait3A_48 : memref<10x512xf32, #tpu.memory_space<hbm>>) dst(%arg10 : memref<10x512xf32, #tpu.memory_space<vmem>>)
    %parallel_loop3A = arith.constant 0 : i32
    %parallel_loop3A_49 = arith.constant 32 : i32
    %parallel_loop3A_50 = arith.constant 1 : i32
    scf.for %parallel_loop3A_344 = %parallel_loop3A to %parallel_loop3A_49 step %parallel_loop3A_50  : i32 {
      %parallel_loop3A_345 = arith.constant 16 : i32
      %parallel_loop3A_346 = arith.muli %parallel_loop3A_344, %parallel_loop3A_345 : i32
      %parallel_loop3A_347 = arith.constant 0 : i32
      %parallel_loop3A_348 = arith.index_cast %parallel_loop3A_347 : i32 to index
      %parallel_loop3A_349 = arith.index_cast %parallel_loop3A_346 : i32 to index
      %parallel_loop3A_350 = tpu.vector_load %arg6[%parallel_loop3A_348, %parallel_loop3A_349] {strides = array<i32>} : memref<8x512xf32, #tpu.memory_space<vmem>>, vector<16xf32>,
      %parallel_loop3A_351 = arith.constant 2 : i32
      %parallel_loop3A_352 = arith.index_cast %parallel_loop3A_351 : i32 to index
      %parallel_loop3A_353 = arith.index_cast %parallel_loop3A_346 : i32 to index
      %parallel_loop3A_354 = tpu.vector_load %arg6[%parallel_loop3A_352, %parallel_loop3A_353] {strides = array<i32>} : memref<8x512xf32, #tpu.memory_space<vmem>>, vector<16xf32>,
      %parallel_loop3A_355 = arith.constant 0 : i32
      %parallel_loop3A_356 = arith.index_cast %parallel_loop3A_355 : i32 to index
      %parallel_loop3A_357 = arith.index_cast %parallel_loop3A_346 : i32 to index
      %parallel_loop3A_358 = tpu.vector_load %arg8[%parallel_loop3A_356, %parallel_loop3A_357] {strides = array<i32>} : memref<8x512xf32, #tpu.memory_space<vmem>>, vector<16xf32>,
      %parallel_loop3A_359 = arith.constant 2 : i32
      %parallel_loop3A_360 = arith.index_cast %parallel_loop3A_359 : i32 to index
      %parallel_loop3A_361 = arith.index_cast %parallel_loop3A_346 : i32 to index
      %parallel_loop3A_362 = tpu.vector_load %arg8[%parallel_loop3A_360, %parallel_loop3A_361] {strides = array<i32>} : memref<8x512xf32, #tpu.memory_space<vmem>>, vector<16xf32>,
      %parallel_loop3A_363 = arith.subf %parallel_loop3A_358, %parallel_loop3A_350 : vector<16xf32>
      %parallel_loop3A_364 = arith.subf %parallel_loop3A_362, %parallel_loop3A_354 : vector<16xf32>
      %parallel_loop3A_365 = arith.mulf %parallel_loop3A_363, %parallel_loop3A_363 : vector<16xf32>
      %parallel_loop3A_366 = arith.mulf %parallel_loop3A_364, %parallel_loop3A_364 : vector<16xf32>
      %parallel_loop3A_367 = arith.addf %parallel_loop3A_365, %parallel_loop3A_366 : vector<16xf32>
      %parallel_loop3A_368 = arith.constant 0 : i32
      %parallel_loop3A_369 = vector.broadcast %parallel_loop3A_368 : i32 to vector<16xi32>
      %parallel_loop3A_370 = arith.constant 0.00999999977 : f32
      %parallel_loop3A_371 = vector.broadcast %parallel_loop3A_370 : f32 to vector<16xf32>
      %parallel_loop3A_372 = arith.cmpf oge, %parallel_loop3A_367, %parallel_loop3A_371 : vector<16xf32>
      %parallel_loop3A_373 = arith.extui %parallel_loop3A_372 : vector<16xi1> to vector<16xi32>
      %parallel_loop3A_374 = arith.addi %parallel_loop3A_369, %parallel_loop3A_373 : vector<16xi32>
      %parallel_loop3A_375 = arith.constant 4.000000e-02 : f32
      %parallel_loop3A_376 = vector.broadcast %parallel_loop3A_375 : f32 to vector<16xf32>
      %parallel_loop3A_377 = arith.cmpf oge, %parallel_loop3A_367, %parallel_loop3A_376 : vector<16xf32>
      %parallel_loop3A_378 = arith.extui %parallel_loop3A_377 : vector<16xi1> to vector<16xi32>
      %parallel_loop3A_379 = arith.addi %parallel_loop3A_374, %parallel_loop3A_378 : vector<16xi32>
      %parallel_loop3A_380 = arith.constant 9.000000e-02 : f32
      %parallel_loop3A_381 = vector.broadcast %parallel_loop3A_380 : f32 to vector<16xf32>
      %parallel_loop3A_382 = arith.cmpf oge, %parallel_loop3A_367, %parallel_loop3A_381 : vector<16xf32>
      %parallel_loop3A_383 = arith.extui %parallel_loop3A_382 : vector<16xi1> to vector<16xi32>
      %parallel_loop3A_384 = arith.addi %parallel_loop3A_379, %parallel_loop3A_383 : vector<16xi32>
      %parallel_loop3A_385 = arith.constant 1.600000e-01 : f32
      %parallel_loop3A_386 = vector.broadcast %parallel_loop3A_385 : f32 to vector<16xf32>
      %parallel_loop3A_387 = arith.cmpf oge, %parallel_loop3A_367, %parallel_loop3A_386 : vector<16xf32>
      %parallel_loop3A_388 = arith.extui %parallel_loop3A_387 : vector<16xi1> to vector<16xi32>
      %parallel_loop3A_389 = arith.addi %parallel_loop3A_384, %parallel_loop3A_388 : vector<16xi32>
      %parallel_loop3A_390 = arith.constant 2.500000e-01 : f32
      %parallel_loop3A_391 = vector.broadcast %parallel_loop3A_390 : f32 to vector<16xf32>
      %parallel_loop3A_392 = arith.cmpf oge, %parallel_loop3A_367, %parallel_loop3A_391 : vector<16xf32>
      %parallel_loop3A_393 = arith.extui %parallel_loop3A_392 : vector<16xi1> to vector<16xi32>
      %parallel_loop3A_394 = arith.addi %parallel_loop3A_389, %parallel_loop3A_393 : vector<16xi32>
      %parallel_loop3A_395 = arith.constant 3.600000e-01 : f32
      %parallel_loop3A_396 = vector.broadcast %parallel_loop3A_395 : f32 to vector<16xf32>
      %parallel_loop3A_397 = arith.cmpf oge, %parallel_loop3A_367, %parallel_loop3A_396 : vector<16xf32>
      %parallel_loop3A_398 = arith.extui %parallel_loop3A_397 : vector<16xi1> to vector<16xi32>
      %parallel_loop3A_399 = arith.addi %parallel_loop3A_394, %parallel_loop3A_398 : vector<16xi32>
      %parallel_loop3A_400 = arith.constant 0.48999995 : f32
      %parallel_loop3A_401 = vector.broadcast %parallel_loop3A_400 : f32 to vector<16xf32>
      %parallel_loop3A_402 = arith.cmpf oge, %parallel_loop3A_367, %parallel_loop3A_401 : vector<16xf32>
      %parallel_loop3A_403 = arith.extui %parallel_loop3A_402 : vector<16xi1> to vector<16xi32>
      %parallel_loop3A_404 = arith.addi %parallel_loop3A_399, %parallel_loop3A_403 : vector<16xi32>
      %parallel_loop3A_405 = arith.constant 6.400000e-01 : f32
      %parallel_loop3A_406 = vector.broadcast %parallel_loop3A_405 : f32 to vector<16xf32>
      %parallel_loop3A_407 = arith.cmpf oge, %parallel_loop3A_367, %parallel_loop3A_406 : vector<16xf32>
      %parallel_loop3A_408 = arith.extui %parallel_loop3A_407 : vector<16xi1> to vector<16xi32>
      %parallel_loop3A_409 = arith.addi %parallel_loop3A_404, %parallel_loop3A_408 : vector<16xi32>
      %parallel_loop3A_410 = arith.constant 0.809999942 : f32
      %parallel_loop3A_411 = vector.broadcast %parallel_loop3A_410 : f32 to vector<16xf32>
      %parallel_loop3A_412 = arith.cmpf oge, %parallel_loop3A_367, %parallel_loop3A_411 : vector<16xf32>
      %parallel_loop3A_413 = arith.extui %parallel_loop3A_412 : vector<16xi1> to vector<16xi32>
      %parallel_loop3A_414 = arith.addi %parallel_loop3A_409, %parallel_loop3A_413 : vector<16xi32>
      %parallel_loop3A_415 = vector.broadcast %parallel_loop3A_346 : i32 to vector<16xi32>
      %parallel_loop3A_416 = arith.addi %iota3A, %parallel_loop3A_415 : vector<16xi32>
      %parallel_loop3A_417 = tpu.vector_load_idx %arg10[%parallel_loop3A_414, %parallel_loop3A_416] : memref<10x512xf32, #tpu.memory_space<vmem>>[vector<16xi32>, vector<16xi32>], vector<16xf32>,
      %parallel_loop3A_418 = arith.index_cast %parallel_loop3A_346 : i32 to index
      %parallel_loop3A_419 = tpu.vector_load %arg12[%parallel_loop3A_418] {strides = array<i32>} : memref<512xf32, #tpu.memory_space<vmem>>, vector<16xf32>,
      tpu.vector_store %arg12[%parallel_loop3A_418], %parallel_loop3A_417 {strides = array<i32>} : memref<512xf32, #tpu.memory_space<vmem>>, vector<16xf32>,
    } {sc.loop_unroll_factor = 4 : i64, sc.parallel_access}
    %add3A_51 = arith.constant 0 : i32
    %add3A_52 = arith.addi %add3A, %add3A_51 : i32
    %mul3A_53 = arith.constant 512 : i32
    %mul3A_54 = arith.muli %add3A_52, %mul3A_53 : i32
    %multiple_of3A_55 = tpu.assume_multiple %mul3A_54, 128 : i32
    %dma_start3A_56 = tpu.memref_slice %arg5[%multiple_of3A_55] : memref<100000xf32, #tpu.memory_space<hbm>> -> memref<512xf32, #tpu.memory_space<hbm>>
    %dma_start3A_57 = tpu.memref_slice %arg5[%multiple_of3A_55] : memref<100000xf32, #tpu.memory_space<hbm>> -> memref<512xf32, #tpu.memory_space<hbm>>
    tpu.enqueue_dma source(%arg12 : memref<512xf32, #tpu.memory_space<vmem>>) target(%dma_start3A_57 : memref<512xf32, #tpu.memory_space<hbm>>) target_semaphore(%arg20 : memref<!tpu.dma_semaphore, #tpu.memory_space<semaphore_mem>>)
    %add3A_58 = arith.constant 64 : i32
    %add3A_59 = arith.addi %add3A, %add3A_58 : i32
    %mul3A_60 = arith.constant 512 : i32
    %mul3A_61 = arith.muli %add3A_59, %mul3A_60 : i32
    %multiple_of3A_62 = tpu.assume_multiple %mul3A_61, 128 : i32
    %dma_start3A_63 = arith.constant 0 : i32
    %dma_start3A_64 = tpu.memref_slice %arg2[%dma_start3A_63, %multiple_of3A_62] : memref<11x100000xf32, #tpu.memory_space<hbm>> -> memref<8x512xf32, #tpu.memory_space<hbm>>
    %dma_start3A_65 = arith.constant 0 : i32
    %dma_start3A_66 = tpu.memref_slice %arg2[%dma_start3A_65, %multiple_of3A_62] : memref<11x100000xf32, #tpu.memory_space<hbm>> -> memref<8x512xf32, #tpu.memory_space<hbm>>
    tpu.enqueue_dma source(%dma_start3A_66 : memref<8x512xf32, #tpu.memory_space<hbm>>) target(%arg6 : memref<8x512xf32, #tpu.memory_space<vmem>>) target_semaphore(%arg18 : memref<!tpu.dma_semaphore, #tpu.memory_space<semaphore_mem>>)
    %dma_start3A_67 = arith.constant 0 : i32
    %dma_start3A_68 = tpu.memref_slice %arg3[%dma_start3A_67, %multiple_of3A_62] : memref<11x100000xf32, #tpu.memory_space<hbm>> -> memref<8x512xf32, #tpu.memory_space<hbm>>
    %dma_start3A_69 = arith.constant 0 : i32
    %dma_start3A_70 = tpu.memref_slice %arg3[%dma_start3A_69, %multiple_of3A_62] : memref<11x100000xf32, #tpu.memory_space<hbm>> -> memref<8x512xf32, #tpu.memory_space<hbm>>
    tpu.enqueue_dma source(%dma_start3A_70 : memref<8x512xf32, #tpu.memory_space<hbm>>) target(%arg8 : memref<8x512xf32, #tpu.memory_space<vmem>>) target_semaphore(%arg18 : memref<!tpu.dma_semaphore, #tpu.memory_space<semaphore_mem>>)
    %dma_start3A_71 = arith.constant 0 : i32
    %dma_start3A_72 = tpu.memref_slice %arg4[%dma_start3A_71, %multiple_of3A_62] : memref<10x100000xf32, #tpu.memory_space<hbm>> -> memref<10x512xf32, #tpu.memory_space<hbm>>
    %dma_start3A_73 = arith.constant 0 : i32
    %dma_start3A_74 = tpu.memref_slice %arg4[%dma_start3A_73, %multiple_of3A_62] : memref<10x100000xf32, #tpu.memory_space<hbm>> -> memref<10x512xf32, #tpu.memory_space<hbm>>
    tpu.enqueue_dma source(%dma_start3A_74 : memref<10x512xf32, #tpu.memory_space<hbm>>) target(%arg10 : memref<10x512xf32, #tpu.memory_space<vmem>>) target_semaphore(%arg18 : memref<!tpu.dma_semaphore, #tpu.memory_space<semaphore_mem>>)
    %add3A_75 = arith.constant 32 : i32
    %add3A_76 = arith.addi %add3A, %add3A_75 : i32
    %mul3A_77 = arith.constant 512 : i32
    %mul3A_78 = arith.muli %add3A_76, %mul3A_77 : i32
    %multiple_of3A_79 = tpu.assume_multiple %mul3A_78, 128 : i32
    %dma_wait3A_80 = arith.constant 0 : i32
    %dma_wait3A_81 = tpu.memref_slice %arg2[%dma_wait3A_80, %multiple_of3A_79] : memref<11x100000xf32, #tpu.memory_space<hbm>> -> memref<8x512xf32, #tpu.memory_space<hbm>>
    %dma_wait3A_82 = arith.constant 0 : i32
    %dma_wait3A_83 = tpu.memref_slice %arg2[%dma_wait3A_82, %multiple_of3A_79] : memref<11x100000xf32, #tpu.memory_space<hbm>> -> memref<8x512xf32, #tpu.memory_space<hbm>>
    tpu.wait_dma2 semaphore(%arg19 : memref<!tpu.dma_semaphore, #tpu.memory_space<semaphore_mem>>) src(%dma_wait3A_83 : memref<8x512xf32, #tpu.memory_space<hbm>>) dst(%arg7 : memref<8x512xf32, #tpu.memory_space<vmem>>)
    %dma_wait3A_84 = arith.constant 0 : i32
    %dma_wait3A_85 = tpu.memref_slice %arg3[%dma_wait3A_84, %multiple_of3A_79] : memref<11x100000xf32, #tpu.memory_space<hbm>> -> memref<8x512xf32, #tpu.memory_space<hbm>>
    %dma_wait3A_86 = arith.constant 0 : i32
    %dma_wait3A_87 = tpu.memref_slice %arg3[%dma_wait3A_86, %multiple_of3A_79] : memref<11x100000xf32, #tpu.memory_space<hbm>> -> memref<8x512xf32, #tpu.memory_space<hbm>>
    tpu.wait_dma2 semaphore(%arg19 : memref<!tpu.dma_semaphore, #tpu.memory_space<semaphore_mem>>) src(%dma_wait3A_87 : memref<8x512xf32, #tpu.memory_space<hbm>>) dst(%arg9 : memref<8x512xf32, #tpu.memory_space<vmem>>)
    %dma_wait3A_88 = arith.constant 0 : i32
    %dma_wait3A_89 = tpu.memref_slice %arg4[%dma_wait3A_88, %multiple_of3A_79] : memref<10x100000xf32, #tpu.memory_space<hbm>> -> memref<10x512xf32, #tpu.memory_space<hbm>>
    %dma_wait3A_90 = arith.constant 0 : i32
    %dma_wait3A_91 = tpu.memref_slice %arg4[%dma_wait3A_90, %multiple_of3A_79] : memref<10x100000xf32, #tpu.memory_space<hbm>> -> memref<10x512xf32, #tpu.memory_space<hbm>>
    tpu.wait_dma2 semaphore(%arg19 : memref<!tpu.dma_semaphore, #tpu.memory_space<semaphore_mem>>) src(%dma_wait3A_91 : memref<10x512xf32, #tpu.memory_space<hbm>>) dst(%arg11 : memref<10x512xf32, #tpu.memory_space<vmem>>)
    %parallel_loop3A_92 = arith.constant 0 : i32
    %parallel_loop3A_93 = arith.constant 32 : i32
    %parallel_loop3A_94 = arith.constant 1 : i32
    scf.for %parallel_loop3A_344 = %parallel_loop3A_92 to %parallel_loop3A_93 step %parallel_loop3A_94  : i32 {
      %parallel_loop3A_345 = arith.constant 16 : i32
      %parallel_loop3A_346 = arith.muli %parallel_loop3A_344, %parallel_loop3A_345 : i32
      %parallel_loop3A_347 = arith.constant 0 : i32
      %parallel_loop3A_348 = arith.index_cast %parallel_loop3A_347 : i32 to index
      %parallel_loop3A_349 = arith.index_cast %parallel_loop3A_346 : i32 to index
      %parallel_loop3A_350 = tpu.vector_load %arg7[%parallel_loop3A_348, %parallel_loop3A_349] {strides = array<i32>} : memref<8x512xf32, #tpu.memory_space<vmem>>, vector<16xf32>,
      %parallel_loop3A_351 = arith.constant 2 : i32
      %parallel_loop3A_352 = arith.index_cast %parallel_loop3A_351 : i32 to index
      %parallel_loop3A_353 = arith.index_cast %parallel_loop3A_346 : i32 to index
      %parallel_loop3A_354 = tpu.vector_load %arg7[%parallel_loop3A_352, %parallel_loop3A_353] {strides = array<i32>} : memref<8x512xf32, #tpu.memory_space<vmem>>, vector<16xf32>,
      %parallel_loop3A_355 = arith.constant 0 : i32
      %parallel_loop3A_356 = arith.index_cast %parallel_loop3A_355 : i32 to index
      %parallel_loop3A_357 = arith.index_cast %parallel_loop3A_346 : i32 to index
      %parallel_loop3A_358 = tpu.vector_load %arg9[%parallel_loop3A_356, %parallel_loop3A_357] {strides = array<i32>} : memref<8x512xf32, #tpu.memory_space<vmem>>, vector<16xf32>,
      %parallel_loop3A_359 = arith.constant 2 : i32
      %parallel_loop3A_360 = arith.index_cast %parallel_loop3A_359 : i32 to index
      %parallel_loop3A_361 = arith.index_cast %parallel_loop3A_346 : i32 to index
      %parallel_loop3A_362 = tpu.vector_load %arg9[%parallel_loop3A_360, %parallel_loop3A_361] {strides = array<i32>} : memref<8x512xf32, #tpu.memory_space<vmem>>, vector<16xf32>,
      %parallel_loop3A_363 = arith.subf %parallel_loop3A_358, %parallel_loop3A_350 : vector<16xf32>
      %parallel_loop3A_364 = arith.subf %parallel_loop3A_362, %parallel_loop3A_354 : vector<16xf32>
      %parallel_loop3A_365 = arith.mulf %parallel_loop3A_363, %parallel_loop3A_363 : vector<16xf32>
      %parallel_loop3A_366 = arith.mulf %parallel_loop3A_364, %parallel_loop3A_364 : vector<16xf32>
      %parallel_loop3A_367 = arith.addf %parallel_loop3A_365, %parallel_loop3A_366 : vector<16xf32>
      %parallel_loop3A_368 = arith.constant 0 : i32
      %parallel_loop3A_369 = vector.broadcast %parallel_loop3A_368 : i32 to vector<16xi32>
      %parallel_loop3A_370 = arith.constant 0.00999999977 : f32
      %parallel_loop3A_371 = vector.broadcast %parallel_loop3A_370 : f32 to vector<16xf32>
      %parallel_loop3A_372 = arith.cmpf oge, %parallel_loop3A_367, %parallel_loop3A_371 : vector<16xf32>
      %parallel_loop3A_373 = arith.extui %parallel_loop3A_372 : vector<16xi1> to vector<16xi32>
      %parallel_loop3A_374 = arith.addi %parallel_loop3A_369, %parallel_loop3A_373 : vector<16xi32>
      %parallel_loop3A_375 = arith.constant 4.000000e-02 : f32
      %parallel_loop3A_376 = vector.broadcast %parallel_loop3A_375 : f32 to vector<16xf32>
      %parallel_loop3A_377 = arith.cmpf oge, %parallel_loop3A_367, %parallel_loop3A_376 : vector<16xf32>
      %parallel_loop3A_378 = arith.extui %parallel_loop3A_377 : vector<16xi1> to vector<16xi32>
      %parallel_loop3A_379 = arith.addi %parallel_loop3A_374, %parallel_loop3A_378 : vector<16xi32>
      %parallel_loop3A_380 = arith.constant 9.000000e-02 : f32
      %parallel_loop3A_381 = vector.broadcast %parallel_loop3A_380 : f32 to vector<16xf32>
      %parallel_loop3A_382 = arith.cmpf oge, %parallel_loop3A_367, %parallel_loop3A_381 : vector<16xf32>
      %parallel_loop3A_383 = arith.extui %parallel_loop3A_382 : vector<16xi1> to vector<16xi32>
      %parallel_loop3A_384 = arith.addi %parallel_loop3A_379, %parallel_loop3A_383 : vector<16xi32>
      %parallel_loop3A_385 = arith.constant 1.600000e-01 : f32
      %parallel_loop3A_386 = vector.broadcast %parallel_loop3A_385 : f32 to vector<16xf32>
      %parallel_loop3A_387 = arith.cmpf oge, %parallel_loop3A_367, %parallel_loop3A_386 : vector<16xf32>
      %parallel_loop3A_388 = arith.extui %parallel_loop3A_387 : vector<16xi1> to vector<16xi32>
      %parallel_loop3A_389 = arith.addi %parallel_loop3A_384, %parallel_loop3A_388 : vector<16xi32>
      %parallel_loop3A_390 = arith.constant 2.500000e-01 : f32
      %parallel_loop3A_391 = vector.broadcast %parallel_loop3A_390 : f32 to vector<16xf32>
      %parallel_loop3A_392 = arith.cmpf oge, %parallel_loop3A_367, %parallel_loop3A_391 : vector<16xf32>
      %parallel_loop3A_393 = arith.extui %parallel_loop3A_392 : vector<16xi1> to vector<16xi32>
      %parallel_loop3A_394 = arith.addi %parallel_loop3A_389, %parallel_loop3A_393 : vector<16xi32>
      %parallel_loop3A_395 = arith.constant 3.600000e-01 : f32
      %parallel_loop3A_396 = vector.broadcast %parallel_loop3A_395 : f32 to vector<16xf32>
      %parallel_loop3A_397 = arith.cmpf oge, %parallel_loop3A_367, %parallel_loop3A_396 : vector<16xf32>
      %parallel_loop3A_398 = arith.extui %parallel_loop3A_397 : vector<16xi1> to vector<16xi32>
      %parallel_loop3A_399 = arith.addi %parallel_loop3A_394, %parallel_loop3A_398 : vector<16xi32>
      %parallel_loop3A_400 = arith.constant 0.48999995 : f32
      %parallel_loop3A_401 = vector.broadcast %parallel_loop3A_400 : f32 to vector<16xf32>
      %parallel_loop3A_402 = arith.cmpf oge, %parallel_loop3A_367, %parallel_loop3A_401 : vector<16xf32>
      %parallel_loop3A_403 = arith.extui %parallel_loop3A_402 : vector<16xi1> to vector<16xi32>
      %parallel_loop3A_404 = arith.addi %parallel_loop3A_399, %parallel_loop3A_403 : vector<16xi32>
      %parallel_loop3A_405 = arith.constant 6.400000e-01 : f32
      %parallel_loop3A_406 = vector.broadcast %parallel_loop3A_405 : f32 to vector<16xf32>
      %parallel_loop3A_407 = arith.cmpf oge, %parallel_loop3A_367, %parallel_loop3A_406 : vector<16xf32>
      %parallel_loop3A_408 = arith.extui %parallel_loop3A_407 : vector<16xi1> to vector<16xi32>
      %parallel_loop3A_409 = arith.addi %parallel_loop3A_404, %parallel_loop3A_408 : vector<16xi32>
      %parallel_loop3A_410 = arith.constant 0.809999942 : f32
      %parallel_loop3A_411 = vector.broadcast %parallel_loop3A_410 : f32 to vector<16xf32>
      %parallel_loop3A_412 = arith.cmpf oge, %parallel_loop3A_367, %parallel_loop3A_411 : vector<16xf32>
      %parallel_loop3A_413 = arith.extui %parallel_loop3A_412 : vector<16xi1> to vector<16xi32>
      %parallel_loop3A_414 = arith.addi %parallel_loop3A_409, %parallel_loop3A_413 : vector<16xi32>
      %parallel_loop3A_415 = vector.broadcast %parallel_loop3A_346 : i32 to vector<16xi32>
      %parallel_loop3A_416 = arith.addi %iota3A, %parallel_loop3A_415 : vector<16xi32>
      %parallel_loop3A_417 = tpu.vector_load_idx %arg11[%parallel_loop3A_414, %parallel_loop3A_416] : memref<10x512xf32, #tpu.memory_space<vmem>>[vector<16xi32>, vector<16xi32>], vector<16xf32>,
      %parallel_loop3A_418 = arith.index_cast %parallel_loop3A_346 : i32 to index
      %parallel_loop3A_419 = tpu.vector_load %arg13[%parallel_loop3A_418] {strides = array<i32>} : memref<512xf32, #tpu.memory_space<vmem>>, vector<16xf32>,
      tpu.vector_store %arg13[%parallel_loop3A_418], %parallel_loop3A_417 {strides = array<i32>} : memref<512xf32, #tpu.memory_space<vmem>>, vector<16xf32>,
    } {sc.loop_unroll_factor = 4 : i64, sc.parallel_access}
    %add3A_95 = arith.constant 32 : i32
    %add3A_96 = arith.addi %add3A, %add3A_95 : i32
    %mul3A_97 = arith.constant 512 : i32
    %mul3A_98 = arith.muli %add3A_96, %mul3A_97 : i32
    %multiple_of3A_99 = tpu.assume_multiple %mul3A_98, 128 : i32
    %dma_start3A_100 = tpu.memref_slice %arg5[%multiple_of3A_99] : memref<100000xf32, #tpu.memory_space<hbm>> -> memref<512xf32, #tpu.memory_space<hbm>>
    %dma_start3A_101 = tpu.memref_slice %arg5[%multiple_of3A_99] : memref<100000xf32, #tpu.memory_space<hbm>> -> memref<512xf32, #tpu.memory_space<hbm>>
    tpu.enqueue_dma source(%arg13 : memref<512xf32, #tpu.memory_space<vmem>>) target(%dma_start3A_101 : memref<512xf32, #tpu.memory_space<hbm>>) target_semaphore(%arg21 : memref<!tpu.dma_semaphore, #tpu.memory_space<semaphore_mem>>)
    %add3A_102 = arith.constant 96 : i32
    %add3A_103 = arith.addi %add3A, %add3A_102 : i32
    %mul3A_104 = arith.constant 512 : i32
    %mul3A_105 = arith.muli %add3A_103, %mul3A_104 : i32
    %multiple_of3A_106 = tpu.assume_multiple %mul3A_105, 128 : i32
    %dma_start3A_107 = arith.constant 0 : i32
    %dma_start3A_108 = tpu.memref_slice %arg2[%dma_start3A_107, %multiple_of3A_106] : memref<11x100000xf32, #tpu.memory_space<hbm>> -> memref<8x512xf32, #tpu.memory_space<hbm>>
    %dma_start3A_109 = arith.constant 0 : i32
    %dma_start3A_110 = tpu.memref_slice %arg2[%dma_start3A_109, %multiple_of3A_106] : memref<11x100000xf32, #tpu.memory_space<hbm>> -> memref<8x512xf32, #tpu.memory_space<hbm>>
    tpu.enqueue_dma source(%dma_start3A_110 : memref<8x512xf32, #tpu.memory_space<hbm>>) target(%arg7 : memref<8x512xf32, #tpu.memory_space<vmem>>) target_semaphore(%arg19 : memref<!tpu.dma_semaphore, #tpu.memory_space<semaphore_mem>>)
    %dma_start3A_111 = arith.constant 0 : i32
    %dma_start3A_112 = tpu.memref_slice %arg3[%dma_start3A_111, %multiple_of3A_106] : memref<11x100000xf32, #tpu.memory_space<hbm>> -> memref<8x512xf32, #tpu.memory_space<hbm>>
    %dma_start3A_113 = arith.constant 0 : i32
    %dma_start3A_114 = tpu.memref_slice %arg3[%dma_start3A_113, %multiple_of3A_106] : memref<11x100000xf32, #tpu.memory_space<hbm>> -> memref<8x512xf32, #tpu.memory_space<hbm>>
    tpu.enqueue_dma source(%dma_start3A_114 : memref<8x512xf32, #tpu.memory_space<hbm>>) target(%arg9 : memref<8x512xf32, #tpu.memory_space<vmem>>) target_semaphore(%arg19 : memref<!tpu.dma_semaphore, #tpu.memory_space<semaphore_mem>>)
    %dma_start3A_115 = arith.constant 0 : i32
    %dma_start3A_116 = tpu.memref_slice %arg4[%dma_start3A_115, %multiple_of3A_106] : memref<10x100000xf32, #tpu.memory_space<hbm>> -> memref<10x512xf32, #tpu.memory_space<hbm>>
    %dma_start3A_117 = arith.constant 0 : i32
    %dma_start3A_118 = tpu.memref_slice %arg4[%dma_start3A_117, %multiple_of3A_106] : memref<10x100000xf32, #tpu.memory_space<hbm>> -> memref<10x512xf32, #tpu.memory_space<hbm>>
    tpu.enqueue_dma source(%dma_start3A_118 : memref<10x512xf32, #tpu.memory_space<hbm>>) target(%arg11 : memref<10x512xf32, #tpu.memory_space<vmem>>) target_semaphore(%arg19 : memref<!tpu.dma_semaphore, #tpu.memory_space<semaphore_mem>>)
    %add3A_119 = arith.constant 0 : i32
    %add3A_120 = arith.addi %add3A, %add3A_119 : i32
    %mul3A_121 = arith.constant 512 : i32
    %mul3A_122 = arith.muli %add3A_120, %mul3A_121 : i32
    %multiple_of3A_123 = tpu.assume_multiple %mul3A_122, 128 : i32
    %dma_wait3A_124 = tpu.memref_slice %arg5[%multiple_of3A_123] : memref<100000xf32, #tpu.memory_space<hbm>> -> memref<512xf32, #tpu.memory_space<hbm>>
    %dma_wait3A_125 = tpu.memref_slice %arg5[%multiple_of3A_123] : memref<100000xf32, #tpu.memory_space<hbm>> -> memref<512xf32, #tpu.memory_space<hbm>>
    tpu.wait_dma2 semaphore(%arg20 : memref<!tpu.dma_semaphore, #tpu.memory_space<semaphore_mem>>) src(%arg12 : memref<512xf32, #tpu.memory_space<vmem>>) dst(%dma_wait3A_125 : memref<512xf32, #tpu.memory_space<hbm>>)
    %add3A_126 = arith.constant 64 : i32
    %add3A_127 = arith.addi %add3A, %add3A_126 : i32
    %mul3A_128 = arith.constant 512 : i32
    %mul3A_129 = arith.muli %add3A_127, %mul3A_128 : i32
    %multiple_of3A_130 = tpu.assume_multiple %mul3A_129, 128 : i32
    %dma_wait3A_131 = arith.constant 0 : i32
    %dma_wait3A_132 = tpu.memref_slice %arg2[%dma_wait3A_131, %multiple_of3A_130] : memref<11x100000xf32, #tpu.memory_space<hbm>> -> memref<8x512xf32, #tpu.memory_space<hbm>>
    %dma_wait3A_133 = arith.constant 0 : i32
    %dma_wait3A_134 = tpu.memref_slice %arg2[%dma_wait3A_133, %multiple_of3A_130] : memref<11x100000xf32, #tpu.memory_space<hbm>> -> memref<8x512xf32, #tpu.memory_space<hbm>>
    tpu.wait_dma2 semaphore(%arg18 : memref<!tpu.dma_semaphore, #tpu.memory_space<semaphore_mem>>) src(%dma_wait3A_134 : memref<8x512xf32, #tpu.memory_space<hbm>>) dst(%arg6 : memref<8x512xf32, #tpu.memory_space<vmem>>)
    %dma_wait3A_135 = arith.constant 0 : i32
    %dma_wait3A_136 = tpu.memref_slice %arg3[%dma_wait3A_135, %multiple_of3A_130] : memref<11x100000xf32, #tpu.memory_space<hbm>> -> memref<8x512xf32, #tpu.memory_space<hbm>>
    %dma_wait3A_137 = arith.constant 0 : i32
    %dma_wait3A_138 = tpu.memref_slice %arg3[%dma_wait3A_137, %multiple_of3A_130] : memref<11x100000xf32, #tpu.memory_space<hbm>> -> memref<8x512xf32, #tpu.memory_space<hbm>>
    tpu.wait_dma2 semaphore(%arg18 : memref<!tpu.dma_semaphore, #tpu.memory_space<semaphore_mem>>) src(%dma_wait3A_138 : memref<8x512xf32, #tpu.memory_space<hbm>>) dst(%arg8 : memref<8x512xf32, #tpu.memory_space<vmem>>)
    %dma_wait3A_139 = arith.constant 0 : i32
    %dma_wait3A_140 = tpu.memref_slice %arg4[%dma_wait3A_139, %multiple_of3A_130] : memref<10x100000xf32, #tpu.memory_space<hbm>> -> memref<10x512xf32, #tpu.memory_space<hbm>>
    %dma_wait3A_141 = arith.constant 0 : i32
    %dma_wait3A_142 = tpu.memref_slice %arg4[%dma_wait3A_141, %multiple_of3A_130] : memref<10x100000xf32, #tpu.memory_space<hbm>> -> memref<10x512xf32, #tpu.memory_space<hbm>>
    tpu.wait_dma2 semaphore(%arg18 : memref<!tpu.dma_semaphore, #tpu.memory_space<semaphore_mem>>) src(%dma_wait3A_142 : memref<10x512xf32, #tpu.memory_space<hbm>>) dst(%arg10 : memref<10x512xf32, #tpu.memory_space<vmem>>)
    %parallel_loop3A_143 = arith.constant 0 : i32
    %parallel_loop3A_144 = arith.constant 32 : i32
    %parallel_loop3A_145 = arith.constant 1 : i32
    scf.for %parallel_loop3A_344 = %parallel_loop3A_143 to %parallel_loop3A_144 step %parallel_loop3A_145  : i32 {
      %parallel_loop3A_345 = arith.constant 16 : i32
      %parallel_loop3A_346 = arith.muli %parallel_loop3A_344, %parallel_loop3A_345 : i32
      %parallel_loop3A_347 = arith.constant 0 : i32
      %parallel_loop3A_348 = arith.index_cast %parallel_loop3A_347 : i32 to index
      %parallel_loop3A_349 = arith.index_cast %parallel_loop3A_346 : i32 to index
      %parallel_loop3A_350 = tpu.vector_load %arg6[%parallel_loop3A_348, %parallel_loop3A_349] {strides = array<i32>} : memref<8x512xf32, #tpu.memory_space<vmem>>, vector<16xf32>,
      %parallel_loop3A_351 = arith.constant 2 : i32
      %parallel_loop3A_352 = arith.index_cast %parallel_loop3A_351 : i32 to index
      %parallel_loop3A_353 = arith.index_cast %parallel_loop3A_346 : i32 to index
      %parallel_loop3A_354 = tpu.vector_load %arg6[%parallel_loop3A_352, %parallel_loop3A_353] {strides = array<i32>} : memref<8x512xf32, #tpu.memory_space<vmem>>, vector<16xf32>,
      %parallel_loop3A_355 = arith.constant 0 : i32
      %parallel_loop3A_356 = arith.index_cast %parallel_loop3A_355 : i32 to index
      %parallel_loop3A_357 = arith.index_cast %parallel_loop3A_346 : i32 to index
      %parallel_loop3A_358 = tpu.vector_load %arg8[%parallel_loop3A_356, %parallel_loop3A_357] {strides = array<i32>} : memref<8x512xf32, #tpu.memory_space<vmem>>, vector<16xf32>,
      %parallel_loop3A_359 = arith.constant 2 : i32
      %parallel_loop3A_360 = arith.index_cast %parallel_loop3A_359 : i32 to index
      %parallel_loop3A_361 = arith.index_cast %parallel_loop3A_346 : i32 to index
      %parallel_loop3A_362 = tpu.vector_load %arg8[%parallel_loop3A_360, %parallel_loop3A_361] {strides = array<i32>} : memref<8x512xf32, #tpu.memory_space<vmem>>, vector<16xf32>,
      %parallel_loop3A_363 = arith.subf %parallel_loop3A_358, %parallel_loop3A_350 : vector<16xf32>
      %parallel_loop3A_364 = arith.subf %parallel_loop3A_362, %parallel_loop3A_354 : vector<16xf32>
      %parallel_loop3A_365 = arith.mulf %parallel_loop3A_363, %parallel_loop3A_363 : vector<16xf32>
      %parallel_loop3A_366 = arith.mulf %parallel_loop3A_364, %parallel_loop3A_364 : vector<16xf32>
      %parallel_loop3A_367 = arith.addf %parallel_loop3A_365, %parallel_loop3A_366 : vector<16xf32>
      %parallel_loop3A_368 = arith.constant 0 : i32
      %parallel_loop3A_369 = vector.broadcast %parallel_loop3A_368 : i32 to vector<16xi32>
      %parallel_loop3A_370 = arith.constant 0.00999999977 : f32
      %parallel_loop3A_371 = vector.broadcast %parallel_loop3A_370 : f32 to vector<16xf32>
      %parallel_loop3A_372 = arith.cmpf oge, %parallel_loop3A_367, %parallel_loop3A_371 : vector<16xf32>
      %parallel_loop3A_373 = arith.extui %parallel_loop3A_372 : vector<16xi1> to vector<16xi32>
      %parallel_loop3A_374 = arith.addi %parallel_loop3A_369, %parallel_loop3A_373 : vector<16xi32>
      %parallel_loop3A_375 = arith.constant 4.000000e-02 : f32
      %parallel_loop3A_376 = vector.broadcast %parallel_loop3A_375 : f32 to vector<16xf32>
      %parallel_loop3A_377 = arith.cmpf oge, %parallel_loop3A_367, %parallel_loop3A_376 : vector<16xf32>
      %parallel_loop3A_378 = arith.extui %parallel_loop3A_377 : vector<16xi1> to vector<16xi32>
      %parallel_loop3A_379 = arith.addi %parallel_loop3A_374, %parallel_loop3A_378 : vector<16xi32>
      %parallel_loop3A_380 = arith.constant 9.000000e-02 : f32
      %parallel_loop3A_381 = vector.broadcast %parallel_loop3A_380 : f32 to vector<16xf32>
      %parallel_loop3A_382 = arith.cmpf oge, %parallel_loop3A_367, %parallel_loop3A_381 : vector<16xf32>
      %parallel_loop3A_383 = arith.extui %parallel_loop3A_382 : vector<16xi1> to vector<16xi32>
      %parallel_loop3A_384 = arith.addi %parallel_loop3A_379, %parallel_loop3A_383 : vector<16xi32>
      %parallel_loop3A_385 = arith.constant 1.600000e-01 : f32
      %parallel_loop3A_386 = vector.broadcast %parallel_loop3A_385 : f32 to vector<16xf32>
      %parallel_loop3A_387 = arith.cmpf oge, %parallel_loop3A_367, %parallel_loop3A_386 : vector<16xf32>
      %parallel_loop3A_388 = arith.extui %parallel_loop3A_387 : vector<16xi1> to vector<16xi32>
      %parallel_loop3A_389 = arith.addi %parallel_loop3A_384, %parallel_loop3A_388 : vector<16xi32>
      %parallel_loop3A_390 = arith.constant 2.500000e-01 : f32
      %parallel_loop3A_391 = vector.broadcast %parallel_loop3A_390 : f32 to vector<16xf32>
      %parallel_loop3A_392 = arith.cmpf oge, %parallel_loop3A_367, %parallel_loop3A_391 : vector<16xf32>
      %parallel_loop3A_393 = arith.extui %parallel_loop3A_392 : vector<16xi1> to vector<16xi32>
      %parallel_loop3A_394 = arith.addi %parallel_loop3A_389, %parallel_loop3A_393 : vector<16xi32>
      %parallel_loop3A_395 = arith.constant 3.600000e-01 : f32
      %parallel_loop3A_396 = vector.broadcast %parallel_loop3A_395 : f32 to vector<16xf32>
      %parallel_loop3A_397 = arith.cmpf oge, %parallel_loop3A_367, %parallel_loop3A_396 : vector<16xf32>
      %parallel_loop3A_398 = arith.extui %parallel_loop3A_397 : vector<16xi1> to vector<16xi32>
      %parallel_loop3A_399 = arith.addi %parallel_loop3A_394, %parallel_loop3A_398 : vector<16xi32>
      %parallel_loop3A_400 = arith.constant 0.48999995 : f32
      %parallel_loop3A_401 = vector.broadcast %parallel_loop3A_400 : f32 to vector<16xf32>
      %parallel_loop3A_402 = arith.cmpf oge, %parallel_loop3A_367, %parallel_loop3A_401 : vector<16xf32>
      %parallel_loop3A_403 = arith.extui %parallel_loop3A_402 : vector<16xi1> to vector<16xi32>
      %parallel_loop3A_404 = arith.addi %parallel_loop3A_399, %parallel_loop3A_403 : vector<16xi32>
      %parallel_loop3A_405 = arith.constant 6.400000e-01 : f32
      %parallel_loop3A_406 = vector.broadcast %parallel_loop3A_405 : f32 to vector<16xf32>
      %parallel_loop3A_407 = arith.cmpf oge, %parallel_loop3A_367, %parallel_loop3A_406 : vector<16xf32>
      %parallel_loop3A_408 = arith.extui %parallel_loop3A_407 : vector<16xi1> to vector<16xi32>
      %parallel_loop3A_409 = arith.addi %parallel_loop3A_404, %parallel_loop3A_408 : vector<16xi32>
      %parallel_loop3A_410 = arith.constant 0.809999942 : f32
      %parallel_loop3A_411 = vector.broadcast %parallel_loop3A_410 : f32 to vector<16xf32>
      %parallel_loop3A_412 = arith.cmpf oge, %parallel_loop3A_367, %parallel_loop3A_411 : vector<16xf32>
      %parallel_loop3A_413 = arith.extui %parallel_loop3A_412 : vector<16xi1> to vector<16xi32>
      %parallel_loop3A_414 = arith.addi %parallel_loop3A_409, %parallel_loop3A_413 : vector<16xi32>
      %parallel_loop3A_415 = vector.broadcast %parallel_loop3A_346 : i32 to vector<16xi32>
      %parallel_loop3A_416 = arith.addi %iota3A, %parallel_loop3A_415 : vector<16xi32>
      %parallel_loop3A_417 = tpu.vector_load_idx %arg10[%parallel_loop3A_414, %parallel_loop3A_416] : memref<10x512xf32, #tpu.memory_space<vmem>>[vector<16xi32>, vector<16xi32>], vector<16xf32>,
      %parallel_loop3A_418 = arith.index_cast %parallel_loop3A_346 : i32 to index
      %parallel_loop3A_419 = tpu.vector_load %arg12[%parallel_loop3A_418] {strides = array<i32>} : memref<512xf32, #tpu.memory_space<vmem>>, vector<16xf32>,
      tpu.vector_store %arg12[%parallel_loop3A_418], %parallel_loop3A_417 {strides = array<i32>} : memref<512xf32, #tpu.memory_space<vmem>>, vector<16xf32>,
    } {sc.loop_unroll_factor = 4 : i64, sc.parallel_access}
    %add3A_146 = arith.constant 64 : i32
    %add3A_147 = arith.addi %add3A, %add3A_146 : i32
    %mul3A_148 = arith.constant 512 : i32
    %mul3A_149 = arith.muli %add3A_147, %mul3A_148 : i32
    %multiple_of3A_150 = tpu.assume_multiple %mul3A_149, 128 : i32
    %dma_start3A_151 = tpu.memref_slice %arg5[%multiple_of3A_150] : memref<100000xf32, #tpu.memory_space<hbm>> -> memref<512xf32, #tpu.memory_space<hbm>>
    %dma_start3A_152 = tpu.memref_slice %arg5[%multiple_of3A_150] : memref<100000xf32, #tpu.memory_space<hbm>> -> memref<512xf32, #tpu.memory_space<hbm>>
    tpu.enqueue_dma source(%arg12 : memref<512xf32, #tpu.memory_space<vmem>>) target(%dma_start3A_152 : memref<512xf32, #tpu.memory_space<hbm>>) target_semaphore(%arg20 : memref<!tpu.dma_semaphore, #tpu.memory_space<semaphore_mem>>)
    %add3A_153 = arith.constant 128 : i32
    %add3A_154 = arith.addi %add3A, %add3A_153 : i32
    %mul3A_155 = arith.constant 512 : i32
    %mul3A_156 = arith.muli %add3A_154, %mul3A_155 : i32
    %multiple_of3A_157 = tpu.assume_multiple %mul3A_156, 128 : i32
    %dma_start3A_158 = arith.constant 0 : i32
    %dma_start3A_159 = tpu.memref_slice %arg2[%dma_start3A_158, %multiple_of3A_157] : memref<11x100000xf32, #tpu.memory_space<hbm>> -> memref<8x512xf32, #tpu.memory_space<hbm>>
    %dma_start3A_160 = arith.constant 0 : i32
    %dma_start3A_161 = tpu.memref_slice %arg2[%dma_start3A_160, %multiple_of3A_157] : memref<11x100000xf32, #tpu.memory_space<hbm>> -> memref<8x512xf32, #tpu.memory_space<hbm>>
    tpu.enqueue_dma source(%dma_start3A_161 : memref<8x512xf32, #tpu.memory_space<hbm>>) target(%arg6 : memref<8x512xf32, #tpu.memory_space<vmem>>) target_semaphore(%arg18 : memref<!tpu.dma_semaphore, #tpu.memory_space<semaphore_mem>>)
    %dma_start3A_162 = arith.constant 0 : i32
    %dma_start3A_163 = tpu.memref_slice %arg3[%dma_start3A_162, %multiple_of3A_157] : memref<11x100000xf32, #tpu.memory_space<hbm>> -> memref<8x512xf32, #tpu.memory_space<hbm>>
    %dma_start3A_164 = arith.constant 0 : i32
    %dma_start3A_165 = tpu.memref_slice %arg3[%dma_start3A_164, %multiple_of3A_157] : memref<11x100000xf32, #tpu.memory_space<hbm>> -> memref<8x512xf32, #tpu.memory_space<hbm>>
    tpu.enqueue_dma source(%dma_start3A_165 : memref<8x512xf32, #tpu.memory_space<hbm>>) target(%arg8 : memref<8x512xf32, #tpu.memory_space<vmem>>) target_semaphore(%arg18 : memref<!tpu.dma_semaphore, #tpu.memory_space<semaphore_mem>>)
    %dma_start3A_166 = arith.constant 0 : i32
    %dma_start3A_167 = tpu.memref_slice %arg4[%dma_start3A_166, %multiple_of3A_157] : memref<10x100000xf32, #tpu.memory_space<hbm>> -> memref<10x512xf32, #tpu.memory_space<hbm>>
    %dma_start3A_168 = arith.constant 0 : i32
    %dma_start3A_169 = tpu.memref_slice %arg4[%dma_start3A_168, %multiple_of3A_157] : memref<10x100000xf32, #tpu.memory_space<hbm>> -> memref<10x512xf32, #tpu.memory_space<hbm>>
    tpu.enqueue_dma source(%dma_start3A_169 : memref<10x512xf32, #tpu.memory_space<hbm>>) target(%arg10 : memref<10x512xf32, #tpu.memory_space<vmem>>) target_semaphore(%arg18 : memref<!tpu.dma_semaphore, #tpu.memory_space<semaphore_mem>>)
    %add3A_170 = arith.constant 32 : i32
    %add3A_171 = arith.addi %add3A, %add3A_170 : i32
    %mul3A_172 = arith.constant 512 : i32
    %mul3A_173 = arith.muli %add3A_171, %mul3A_172 : i32
    %multiple_of3A_174 = tpu.assume_multiple %mul3A_173, 128 : i32
    %dma_wait3A_175 = tpu.memref_slice %arg5[%multiple_of3A_174] : memref<100000xf32, #tpu.memory_space<hbm>> -> memref<512xf32, #tpu.memory_space<hbm>>
    %dma_wait3A_176 = tpu.memref_slice %arg5[%multiple_of3A_174] : memref<100000xf32, #tpu.memory_space<hbm>> -> memref<512xf32, #tpu.memory_space<hbm>>
    tpu.wait_dma2 semaphore(%arg21 : memref<!tpu.dma_semaphore, #tpu.memory_space<semaphore_mem>>) src(%arg13 : memref<512xf32, #tpu.memory_space<vmem>>) dst(%dma_wait3A_176 : memref<512xf32, #tpu.memory_space<hbm>>)
    %add3A_177 = arith.constant 96 : i32
    %add3A_178 = arith.addi %add3A, %add3A_177 : i32
    %mul3A_179 = arith.constant 512 : i32
    %mul3A_180 = arith.muli %add3A_178, %mul3A_179 : i32
    %multiple_of3A_181 = tpu.assume_multiple %mul3A_180, 128 : i32
    %dma_wait3A_182 = arith.constant 0 : i32
    %dma_wait3A_183 = tpu.memref_slice %arg2[%dma_wait3A_182, %multiple_of3A_181] : memref<11x100000xf32, #tpu.memory_space<hbm>> -> memref<8x512xf32, #tpu.memory_space<hbm>>
    %dma_wait3A_184 = arith.constant 0 : i32
    %dma_wait3A_185 = tpu.memref_slice %arg2[%dma_wait3A_184, %multiple_of3A_181] : memref<11x100000xf32, #tpu.memory_space<hbm>> -> memref<8x512xf32, #tpu.memory_space<hbm>>
    tpu.wait_dma2 semaphore(%arg19 : memref<!tpu.dma_semaphore, #tpu.memory_space<semaphore_mem>>) src(%dma_wait3A_185 : memref<8x512xf32, #tpu.memory_space<hbm>>) dst(%arg7 : memref<8x512xf32, #tpu.memory_space<vmem>>)
    %dma_wait3A_186 = arith.constant 0 : i32
    %dma_wait3A_187 = tpu.memref_slice %arg3[%dma_wait3A_186, %multiple_of3A_181] : memref<11x100000xf32, #tpu.memory_space<hbm>> -> memref<8x512xf32, #tpu.memory_space<hbm>>
    %dma_wait3A_188 = arith.constant 0 : i32
    %dma_wait3A_189 = tpu.memref_slice %arg3[%dma_wait3A_188, %multiple_of3A_181] : memref<11x100000xf32, #tpu.memory_space<hbm>> -> memref<8x512xf32, #tpu.memory_space<hbm>>
    tpu.wait_dma2 semaphore(%arg19 : memref<!tpu.dma_semaphore, #tpu.memory_space<semaphore_mem>>) src(%dma_wait3A_189 : memref<8x512xf32, #tpu.memory_space<hbm>>) dst(%arg9 : memref<8x512xf32, #tpu.memory_space<vmem>>)
    %dma_wait3A_190 = arith.constant 0 : i32
    %dma_wait3A_191 = tpu.memref_slice %arg4[%dma_wait3A_190, %multiple_of3A_181] : memref<10x100000xf32, #tpu.memory_space<hbm>> -> memref<10x512xf32, #tpu.memory_space<hbm>>
    %dma_wait3A_192 = arith.constant 0 : i32
    %dma_wait3A_193 = tpu.memref_slice %arg4[%dma_wait3A_192, %multiple_of3A_181] : memref<10x100000xf32, #tpu.memory_space<hbm>> -> memref<10x512xf32, #tpu.memory_space<hbm>>
    tpu.wait_dma2 semaphore(%arg19 : memref<!tpu.dma_semaphore, #tpu.memory_space<semaphore_mem>>) src(%dma_wait3A_193 : memref<10x512xf32, #tpu.memory_space<hbm>>) dst(%arg11 : memref<10x512xf32, #tpu.memory_space<vmem>>)
    %parallel_loop3A_194 = arith.constant 0 : i32
    %parallel_loop3A_195 = arith.constant 32 : i32
    %parallel_loop3A_196 = arith.constant 1 : i32
    scf.for %parallel_loop3A_344 = %parallel_loop3A_194 to %parallel_loop3A_195 step %parallel_loop3A_196  : i32 {
      %parallel_loop3A_345 = arith.constant 16 : i32
      %parallel_loop3A_346 = arith.muli %parallel_loop3A_344, %parallel_loop3A_345 : i32
      %parallel_loop3A_347 = arith.constant 0 : i32
      %parallel_loop3A_348 = arith.index_cast %parallel_loop3A_347 : i32 to index
      %parallel_loop3A_349 = arith.index_cast %parallel_loop3A_346 : i32 to index
      %parallel_loop3A_350 = tpu.vector_load %arg7[%parallel_loop3A_348, %parallel_loop3A_349] {strides = array<i32>} : memref<8x512xf32, #tpu.memory_space<vmem>>, vector<16xf32>,
      %parallel_loop3A_351 = arith.constant 2 : i32
      %parallel_loop3A_352 = arith.index_cast %parallel_loop3A_351 : i32 to index
      %parallel_loop3A_353 = arith.index_cast %parallel_loop3A_346 : i32 to index
      %parallel_loop3A_354 = tpu.vector_load %arg7[%parallel_loop3A_352, %parallel_loop3A_353] {strides = array<i32>} : memref<8x512xf32, #tpu.memory_space<vmem>>, vector<16xf32>,
      %parallel_loop3A_355 = arith.constant 0 : i32
      %parallel_loop3A_356 = arith.index_cast %parallel_loop3A_355 : i32 to index
      %parallel_loop3A_357 = arith.index_cast %parallel_loop3A_346 : i32 to index
      %parallel_loop3A_358 = tpu.vector_load %arg9[%parallel_loop3A_356, %parallel_loop3A_357] {strides = array<i32>} : memref<8x512xf32, #tpu.memory_space<vmem>>, vector<16xf32>,
      %parallel_loop3A_359 = arith.constant 2 : i32
      %parallel_loop3A_360 = arith.index_cast %parallel_loop3A_359 : i32 to index
      %parallel_loop3A_361 = arith.index_cast %parallel_loop3A_346 : i32 to index
      %parallel_loop3A_362 = tpu.vector_load %arg9[%parallel_loop3A_360, %parallel_loop3A_361] {strides = array<i32>} : memref<8x512xf32, #tpu.memory_space<vmem>>, vector<16xf32>,
      %parallel_loop3A_363 = arith.subf %parallel_loop3A_358, %parallel_loop3A_350 : vector<16xf32>
      %parallel_loop3A_364 = arith.subf %parallel_loop3A_362, %parallel_loop3A_354 : vector<16xf32>
      %parallel_loop3A_365 = arith.mulf %parallel_loop3A_363, %parallel_loop3A_363 : vector<16xf32>
      %parallel_loop3A_366 = arith.mulf %parallel_loop3A_364, %parallel_loop3A_364 : vector<16xf32>
      %parallel_loop3A_367 = arith.addf %parallel_loop3A_365, %parallel_loop3A_366 : vector<16xf32>
      %parallel_loop3A_368 = arith.constant 0 : i32
      %parallel_loop3A_369 = vector.broadcast %parallel_loop3A_368 : i32 to vector<16xi32>
      %parallel_loop3A_370 = arith.constant 0.00999999977 : f32
      %parallel_loop3A_371 = vector.broadcast %parallel_loop3A_370 : f32 to vector<16xf32>
      %parallel_loop3A_372 = arith.cmpf oge, %parallel_loop3A_367, %parallel_loop3A_371 : vector<16xf32>
      %parallel_loop3A_373 = arith.extui %parallel_loop3A_372 : vector<16xi1> to vector<16xi32>
      %parallel_loop3A_374 = arith.addi %parallel_loop3A_369, %parallel_loop3A_373 : vector<16xi32>
      %parallel_loop3A_375 = arith.constant 4.000000e-02 : f32
      %parallel_loop3A_376 = vector.broadcast %parallel_loop3A_375 : f32 to vector<16xf32>
      %parallel_loop3A_377 = arith.cmpf oge, %parallel_loop3A_367, %parallel_loop3A_376 : vector<16xf32>
      %parallel_loop3A_378 = arith.extui %parallel_loop3A_377 : vector<16xi1> to vector<16xi32>
      %parallel_loop3A_379 = arith.addi %parallel_loop3A_374, %parallel_loop3A_378 : vector<16xi32>
      %parallel_loop3A_380 = arith.constant 9.000000e-02 : f32
      %parallel_loop3A_381 = vector.broadcast %parallel_loop3A_380 : f32 to vector<16xf32>
      %parallel_loop3A_382 = arith.cmpf oge, %parallel_loop3A_367, %parallel_loop3A_381 : vector<16xf32>
      %parallel_loop3A_383 = arith.extui %parallel_loop3A_382 : vector<16xi1> to vector<16xi32>
      %parallel_loop3A_384 = arith.addi %parallel_loop3A_379, %parallel_loop3A_383 : vector<16xi32>
      %parallel_loop3A_385 = arith.constant 1.600000e-01 : f32
      %parallel_loop3A_386 = vector.broadcast %parallel_loop3A_385 : f32 to vector<16xf32>
      %parallel_loop3A_387 = arith.cmpf oge, %parallel_loop3A_367, %parallel_loop3A_386 : vector<16xf32>
      %parallel_loop3A_388 = arith.extui %parallel_loop3A_387 : vector<16xi1> to vector<16xi32>
      %parallel_loop3A_389 = arith.addi %parallel_loop3A_384, %parallel_loop3A_388 : vector<16xi32>
      %parallel_loop3A_390 = arith.constant 2.500000e-01 : f32
      %parallel_loop3A_391 = vector.broadcast %parallel_loop3A_390 : f32 to vector<16xf32>
      %parallel_loop3A_392 = arith.cmpf oge, %parallel_loop3A_367, %parallel_loop3A_391 : vector<16xf32>
      %parallel_loop3A_393 = arith.extui %parallel_loop3A_392 : vector<16xi1> to vector<16xi32>
      %parallel_loop3A_394 = arith.addi %parallel_loop3A_389, %parallel_loop3A_393 : vector<16xi32>
      %parallel_loop3A_395 = arith.constant 3.600000e-01 : f32
      %parallel_loop3A_396 = vector.broadcast %parallel_loop3A_395 : f32 to vector<16xf32>
      %parallel_loop3A_397 = arith.cmpf oge, %parallel_loop3A_367, %parallel_loop3A_396 : vector<16xf32>
      %parallel_loop3A_398 = arith.extui %parallel_loop3A_397 : vector<16xi1> to vector<16xi32>
      %parallel_loop3A_399 = arith.addi %parallel_loop3A_394, %parallel_loop3A_398 : vector<16xi32>
      %parallel_loop3A_400 = arith.constant 0.48999995 : f32
      %parallel_loop3A_401 = vector.broadcast %parallel_loop3A_400 : f32 to vector<16xf32>
      %parallel_loop3A_402 = arith.cmpf oge, %parallel_loop3A_367, %parallel_loop3A_401 : vector<16xf32>
      %parallel_loop3A_403 = arith.extui %parallel_loop3A_402 : vector<16xi1> to vector<16xi32>
      %parallel_loop3A_404 = arith.addi %parallel_loop3A_399, %parallel_loop3A_403 : vector<16xi32>
      %parallel_loop3A_405 = arith.constant 6.400000e-01 : f32
      %parallel_loop3A_406 = vector.broadcast %parallel_loop3A_405 : f32 to vector<16xf32>
      %parallel_loop3A_407 = arith.cmpf oge, %parallel_loop3A_367, %parallel_loop3A_406 : vector<16xf32>
      %parallel_loop3A_408 = arith.extui %parallel_loop3A_407 : vector<16xi1> to vector<16xi32>
      %parallel_loop3A_409 = arith.addi %parallel_loop3A_404, %parallel_loop3A_408 : vector<16xi32>
      %parallel_loop3A_410 = arith.constant 0.809999942 : f32
      %parallel_loop3A_411 = vector.broadcast %parallel_loop3A_410 : f32 to vector<16xf32>
      %parallel_loop3A_412 = arith.cmpf oge, %parallel_loop3A_367, %parallel_loop3A_411 : vector<16xf32>
      %parallel_loop3A_413 = arith.extui %parallel_loop3A_412 : vector<16xi1> to vector<16xi32>
      %parallel_loop3A_414 = arith.addi %parallel_loop3A_409, %parallel_loop3A_413 : vector<16xi32>
      %parallel_loop3A_415 = vector.broadcast %parallel_loop3A_346 : i32 to vector<16xi32>
      %parallel_loop3A_416 = arith.addi %iota3A, %parallel_loop3A_415 : vector<16xi32>
      %parallel_loop3A_417 = tpu.vector_load_idx %arg11[%parallel_loop3A_414, %parallel_loop3A_416] : memref<10x512xf32, #tpu.memory_space<vmem>>[vector<16xi32>, vector<16xi32>], vector<16xf32>,
      %parallel_loop3A_418 = arith.index_cast %parallel_loop3A_346 : i32 to index
      %parallel_loop3A_419 = tpu.vector_load %arg13[%parallel_loop3A_418] {strides = array<i32>} : memref<512xf32, #tpu.memory_space<vmem>>, vector<16xf32>,
      tpu.vector_store %arg13[%parallel_loop3A_418], %parallel_loop3A_417 {strides = array<i32>} : memref<512xf32, #tpu.memory_space<vmem>>, vector<16xf32>,
    } {sc.loop_unroll_factor = 4 : i64, sc.parallel_access}
    %add3A_197 = arith.constant 96 : i32
    %add3A_198 = arith.addi %add3A, %add3A_197 : i32
    %mul3A_199 = arith.constant 512 : i32
    %mul3A_200 = arith.muli %add3A_198, %mul3A_199 : i32
    %multiple_of3A_201 = tpu.assume_multiple %mul3A_200, 128 : i32
    %dma_start3A_202 = tpu.memref_slice %arg5[%multiple_of3A_201] : memref<100000xf32, #tpu.memory_space<hbm>> -> memref<512xf32, #tpu.memory_space<hbm>>
    %dma_start3A_203 = tpu.memref_slice %arg5[%multiple_of3A_201] : memref<100000xf32, #tpu.memory_space<hbm>> -> memref<512xf32, #tpu.memory_space<hbm>>
    tpu.enqueue_dma source(%arg13 : memref<512xf32, #tpu.memory_space<vmem>>) target(%dma_start3A_203 : memref<512xf32, #tpu.memory_space<hbm>>) target_semaphore(%arg21 : memref<!tpu.dma_semaphore, #tpu.memory_space<semaphore_mem>>)
    %add3A_204 = arith.constant 160 : i32
    %add3A_205 = arith.addi %add3A, %add3A_204 : i32
    %mul3A_206 = arith.constant 512 : i32
    %mul3A_207 = arith.muli %add3A_205, %mul3A_206 : i32
    %multiple_of3A_208 = tpu.assume_multiple %mul3A_207, 128 : i32
    %dma_start3A_209 = arith.constant 0 : i32
    %dma_start3A_210 = tpu.memref_slice %arg2[%dma_start3A_209, %multiple_of3A_208] : memref<11x100000xf32, #tpu.memory_space<hbm>> -> memref<8x512xf32, #tpu.memory_space<hbm>>
    %dma_start3A_211 = arith.constant 0 : i32
    %dma_start3A_212 = tpu.memref_slice %arg2[%dma_start3A_211, %multiple_of3A_208] : memref<11x100000xf32, #tpu.memory_space<hbm>> -> memref<8x512xf32, #tpu.memory_space<hbm>>
    tpu.enqueue_dma source(%dma_start3A_212 : memref<8x512xf32, #tpu.memory_space<hbm>>) target(%arg7 : memref<8x512xf32, #tpu.memory_space<vmem>>) target_semaphore(%arg19 : memref<!tpu.dma_semaphore, #tpu.memory_space<semaphore_mem>>)
    %dma_start3A_213 = arith.constant 0 : i32
    %dma_start3A_214 = tpu.memref_slice %arg3[%dma_start3A_213, %multiple_of3A_208] : memref<11x100000xf32, #tpu.memory_space<hbm>> -> memref<8x512xf32, #tpu.memory_space<hbm>>
    %dma_start3A_215 = arith.constant 0 : i32
    %dma_start3A_216 = tpu.memref_slice %arg3[%dma_start3A_215, %multiple_of3A_208] : memref<11x100000xf32, #tpu.memory_space<hbm>> -> memref<8x512xf32, #tpu.memory_space<hbm>>
    tpu.enqueue_dma source(%dma_start3A_216 : memref<8x512xf32, #tpu.memory_space<hbm>>) target(%arg9 : memref<8x512xf32, #tpu.memory_space<vmem>>) target_semaphore(%arg19 : memref<!tpu.dma_semaphore, #tpu.memory_space<semaphore_mem>>)
    %dma_start3A_217 = arith.constant 0 : i32
    %dma_start3A_218 = tpu.memref_slice %arg4[%dma_start3A_217, %multiple_of3A_208] : memref<10x100000xf32, #tpu.memory_space<hbm>> -> memref<10x512xf32, #tpu.memory_space<hbm>>
    %dma_start3A_219 = arith.constant 0 : i32
    %dma_start3A_220 = tpu.memref_slice %arg4[%dma_start3A_219, %multiple_of3A_208] : memref<10x100000xf32, #tpu.memory_space<hbm>> -> memref<10x512xf32, #tpu.memory_space<hbm>>
    tpu.enqueue_dma source(%dma_start3A_220 : memref<10x512xf32, #tpu.memory_space<hbm>>) target(%arg11 : memref<10x512xf32, #tpu.memory_space<vmem>>) target_semaphore(%arg19 : memref<!tpu.dma_semaphore, #tpu.memory_space<semaphore_mem>>)
    %add3A_221 = arith.constant 64 : i32
    %add3A_222 = arith.addi %add3A, %add3A_221 : i32
    %mul3A_223 = arith.constant 512 : i32
    %mul3A_224 = arith.muli %add3A_222, %mul3A_223 : i32
    %multiple_of3A_225 = tpu.assume_multiple %mul3A_224, 128 : i32
    %dma_wait3A_226 = tpu.memref_slice %arg5[%multiple_of3A_225] : memref<100000xf32, #tpu.memory_space<hbm>> -> memref<512xf32, #tpu.memory_space<hbm>>
    %dma_wait3A_227 = tpu.memref_slice %arg5[%multiple_of3A_225] : memref<100000xf32, #tpu.memory_space<hbm>> -> memref<512xf32, #tpu.memory_space<hbm>>
    tpu.wait_dma2 semaphore(%arg20 : memref<!tpu.dma_semaphore, #tpu.memory_space<semaphore_mem>>) src(%arg12 : memref<512xf32, #tpu.memory_space<vmem>>) dst(%dma_wait3A_227 : memref<512xf32, #tpu.memory_space<hbm>>)
    %add3A_228 = arith.constant 128 : i32
    %add3A_229 = arith.addi %add3A, %add3A_228 : i32
    %mul3A_230 = arith.constant 512 : i32
    %mul3A_231 = arith.muli %add3A_229, %mul3A_230 : i32
    %multiple_of3A_232 = tpu.assume_multiple %mul3A_231, 128 : i32
    %dma_wait3A_233 = arith.constant 0 : i32
    %dma_wait3A_234 = tpu.memref_slice %arg2[%dma_wait3A_233, %multiple_of3A_232] : memref<11x100000xf32, #tpu.memory_space<hbm>> -> memref<8x512xf32, #tpu.memory_space<hbm>>
    %dma_wait3A_235 = arith.constant 0 : i32
    %dma_wait3A_236 = tpu.memref_slice %arg2[%dma_wait3A_235, %multiple_of3A_232] : memref<11x100000xf32, #tpu.memory_space<hbm>> -> memref<8x512xf32, #tpu.memory_space<hbm>>
    tpu.wait_dma2 semaphore(%arg18 : memref<!tpu.dma_semaphore, #tpu.memory_space<semaphore_mem>>) src(%dma_wait3A_236 : memref<8x512xf32, #tpu.memory_space<hbm>>) dst(%arg6 : memref<8x512xf32, #tpu.memory_space<vmem>>)
    %dma_wait3A_237 = arith.constant 0 : i32
    %dma_wait3A_238 = tpu.memref_slice %arg3[%dma_wait3A_237, %multiple_of3A_232] : memref<11x100000xf32, #tpu.memory_space<hbm>> -> memref<8x512xf32, #tpu.memory_space<hbm>>
    %dma_wait3A_239 = arith.constant 0 : i32
    %dma_wait3A_240 = tpu.memref_slice %arg3[%dma_wait3A_239, %multiple_of3A_232] : memref<11x100000xf32, #tpu.memory_space<hbm>> -> memref<8x512xf32, #tpu.memory_space<hbm>>
    tpu.wait_dma2 semaphore(%arg18 : memref<!tpu.dma_semaphore, #tpu.memory_space<semaphore_mem>>) src(%dma_wait3A_240 : memref<8x512xf32, #tpu.memory_space<hbm>>) dst(%arg8 : memref<8x512xf32, #tpu.memory_space<vmem>>)
    %dma_wait3A_241 = arith.constant 0 : i32
    %dma_wait3A_242 = tpu.memref_slice %arg4[%dma_wait3A_241, %multiple_of3A_232] : memref<10x100000xf32, #tpu.memory_space<hbm>> -> memref<10x512xf32, #tpu.memory_space<hbm>>
    %dma_wait3A_243 = arith.constant 0 : i32
    %dma_wait3A_244 = tpu.memref_slice %arg4[%dma_wait3A_243, %multiple_of3A_232] : memref<10x100000xf32, #tpu.memory_space<hbm>> -> memref<10x512xf32, #tpu.memory_space<hbm>>
    tpu.wait_dma2 semaphore(%arg18 : memref<!tpu.dma_semaphore, #tpu.memory_space<semaphore_mem>>) src(%dma_wait3A_244 : memref<10x512xf32, #tpu.memory_space<hbm>>) dst(%arg10 : memref<10x512xf32, #tpu.memory_space<vmem>>)
    %parallel_loop3A_245 = arith.constant 0 : i32
    %parallel_loop3A_246 = arith.constant 32 : i32
    %parallel_loop3A_247 = arith.constant 1 : i32
    scf.for %parallel_loop3A_344 = %parallel_loop3A_245 to %parallel_loop3A_246 step %parallel_loop3A_247  : i32 {
      %parallel_loop3A_345 = arith.constant 16 : i32
      %parallel_loop3A_346 = arith.muli %parallel_loop3A_344, %parallel_loop3A_345 : i32
      %parallel_loop3A_347 = arith.constant 0 : i32
      %parallel_loop3A_348 = arith.index_cast %parallel_loop3A_347 : i32 to index
      %parallel_loop3A_349 = arith.index_cast %parallel_loop3A_346 : i32 to index
      %parallel_loop3A_350 = tpu.vector_load %arg6[%parallel_loop3A_348, %parallel_loop3A_349] {strides = array<i32>} : memref<8x512xf32, #tpu.memory_space<vmem>>, vector<16xf32>,
      %parallel_loop3A_351 = arith.constant 2 : i32
      %parallel_loop3A_352 = arith.index_cast %parallel_loop3A_351 : i32 to index
      %parallel_loop3A_353 = arith.index_cast %parallel_loop3A_346 : i32 to index
      %parallel_loop3A_354 = tpu.vector_load %arg6[%parallel_loop3A_352, %parallel_loop3A_353] {strides = array<i32>} : memref<8x512xf32, #tpu.memory_space<vmem>>, vector<16xf32>,
      %parallel_loop3A_355 = arith.constant 0 : i32
      %parallel_loop3A_356 = arith.index_cast %parallel_loop3A_355 : i32 to index
      %parallel_loop3A_357 = arith.index_cast %parallel_loop3A_346 : i32 to index
      %parallel_loop3A_358 = tpu.vector_load %arg8[%parallel_loop3A_356, %parallel_loop3A_357] {strides = array<i32>} : memref<8x512xf32, #tpu.memory_space<vmem>>, vector<16xf32>,
      %parallel_loop3A_359 = arith.constant 2 : i32
      %parallel_loop3A_360 = arith.index_cast %parallel_loop3A_359 : i32 to index
      %parallel_loop3A_361 = arith.index_cast %parallel_loop3A_346 : i32 to index
      %parallel_loop3A_362 = tpu.vector_load %arg8[%parallel_loop3A_360, %parallel_loop3A_361] {strides = array<i32>} : memref<8x512xf32, #tpu.memory_space<vmem>>, vector<16xf32>,
      %parallel_loop3A_363 = arith.subf %parallel_loop3A_358, %parallel_loop3A_350 : vector<16xf32>
      %parallel_loop3A_364 = arith.subf %parallel_loop3A_362, %parallel_loop3A_354 : vector<16xf32>
      %parallel_loop3A_365 = arith.mulf %parallel_loop3A_363, %parallel_loop3A_363 : vector<16xf32>
      %parallel_loop3A_366 = arith.mulf %parallel_loop3A_364, %parallel_loop3A_364 : vector<16xf32>
      %parallel_loop3A_367 = arith.addf %parallel_loop3A_365, %parallel_loop3A_366 : vector<16xf32>
      %parallel_loop3A_368 = arith.constant 0 : i32
      %parallel_loop3A_369 = vector.broadcast %parallel_loop3A_368 : i32 to vector<16xi32>
      %parallel_loop3A_370 = arith.constant 0.00999999977 : f32
      %parallel_loop3A_371 = vector.broadcast %parallel_loop3A_370 : f32 to vector<16xf32>
      %parallel_loop3A_372 = arith.cmpf oge, %parallel_loop3A_367, %parallel_loop3A_371 : vector<16xf32>
      %parallel_loop3A_373 = arith.extui %parallel_loop3A_372 : vector<16xi1> to vector<16xi32>
      %parallel_loop3A_374 = arith.addi %parallel_loop3A_369, %parallel_loop3A_373 : vector<16xi32>
      %parallel_loop3A_375 = arith.constant 4.000000e-02 : f32
      %parallel_loop3A_376 = vector.broadcast %parallel_loop3A_375 : f32 to vector<16xf32>
      %parallel_loop3A_377 = arith.cmpf oge, %parallel_loop3A_367, %parallel_loop3A_376 : vector<16xf32>
      %parallel_loop3A_378 = arith.extui %parallel_loop3A_377 : vector<16xi1> to vector<16xi32>
      %parallel_loop3A_379 = arith.addi %parallel_loop3A_374, %parallel_loop3A_378 : vector<16xi32>
      %parallel_loop3A_380 = arith.constant 9.000000e-02 : f32
      %parallel_loop3A_381 = vector.broadcast %parallel_loop3A_380 : f32 to vector<16xf32>
      %parallel_loop3A_382 = arith.cmpf oge, %parallel_loop3A_367, %parallel_loop3A_381 : vector<16xf32>
      %parallel_loop3A_383 = arith.extui %parallel_loop3A_382 : vector<16xi1> to vector<16xi32>
      %parallel_loop3A_384 = arith.addi %parallel_loop3A_379, %parallel_loop3A_383 : vector<16xi32>
      %parallel_loop3A_385 = arith.constant 1.600000e-01 : f32
      %parallel_loop3A_386 = vector.broadcast %parallel_loop3A_385 : f32 to vector<16xf32>
      %parallel_loop3A_387 = arith.cmpf oge, %parallel_loop3A_367, %parallel_loop3A_386 : vector<16xf32>
      %parallel_loop3A_388 = arith.extui %parallel_loop3A_387 : vector<16xi1> to vector<16xi32>
      %parallel_loop3A_389 = arith.addi %parallel_loop3A_384, %parallel_loop3A_388 : vector<16xi32>
      %parallel_loop3A_390 = arith.constant 2.500000e-01 : f32
      %parallel_loop3A_391 = vector.broadcast %parallel_loop3A_390 : f32 to vector<16xf32>
      %parallel_loop3A_392 = arith.cmpf oge, %parallel_loop3A_367, %parallel_loop3A_391 : vector<16xf32>
      %parallel_loop3A_393 = arith.extui %parallel_loop3A_392 : vector<16xi1> to vector<16xi32>
      %parallel_loop3A_394 = arith.addi %parallel_loop3A_389, %parallel_loop3A_393 : vector<16xi32>
      %parallel_loop3A_395 = arith.constant 3.600000e-01 : f32
      %parallel_loop3A_396 = vector.broadcast %parallel_loop3A_395 : f32 to vector<16xf32>
      %parallel_loop3A_397 = arith.cmpf oge, %parallel_loop3A_367, %parallel_loop3A_396 : vector<16xf32>
      %parallel_loop3A_398 = arith.extui %parallel_loop3A_397 : vector<16xi1> to vector<16xi32>
      %parallel_loop3A_399 = arith.addi %parallel_loop3A_394, %parallel_loop3A_398 : vector<16xi32>
      %parallel_loop3A_400 = arith.constant 0.48999995 : f32
      %parallel_loop3A_401 = vector.broadcast %parallel_loop3A_400 : f32 to vector<16xf32>
      %parallel_loop3A_402 = arith.cmpf oge, %parallel_loop3A_367, %parallel_loop3A_401 : vector<16xf32>
      %parallel_loop3A_403 = arith.extui %parallel_loop3A_402 : vector<16xi1> to vector<16xi32>
      %parallel_loop3A_404 = arith.addi %parallel_loop3A_399, %parallel_loop3A_403 : vector<16xi32>
      %parallel_loop3A_405 = arith.constant 6.400000e-01 : f32
      %parallel_loop3A_406 = vector.broadcast %parallel_loop3A_405 : f32 to vector<16xf32>
      %parallel_loop3A_407 = arith.cmpf oge, %parallel_loop3A_367, %parallel_loop3A_406 : vector<16xf32>
      %parallel_loop3A_408 = arith.extui %parallel_loop3A_407 : vector<16xi1> to vector<16xi32>
      %parallel_loop3A_409 = arith.addi %parallel_loop3A_404, %parallel_loop3A_408 : vector<16xi32>
      %parallel_loop3A_410 = arith.constant 0.809999942 : f32
      %parallel_loop3A_411 = vector.broadcast %parallel_loop3A_410 : f32 to vector<16xf32>
      %parallel_loop3A_412 = arith.cmpf oge, %parallel_loop3A_367, %parallel_loop3A_411 : vector<16xf32>
      %parallel_loop3A_413 = arith.extui %parallel_loop3A_412 : vector<16xi1> to vector<16xi32>
      %parallel_loop3A_414 = arith.addi %parallel_loop3A_409, %parallel_loop3A_413 : vector<16xi32>
      %parallel_loop3A_415 = vector.broadcast %parallel_loop3A_346 : i32 to vector<16xi32>
      %parallel_loop3A_416 = arith.addi %iota3A, %parallel_loop3A_415 : vector<16xi32>
      %parallel_loop3A_417 = tpu.vector_load_idx %arg10[%parallel_loop3A_414, %parallel_loop3A_416] : memref<10x512xf32, #tpu.memory_space<vmem>>[vector<16xi32>, vector<16xi32>], vector<16xf32>,
      %parallel_loop3A_418 = arith.index_cast %parallel_loop3A_346 : i32 to index
      %parallel_loop3A_419 = tpu.vector_load %arg12[%parallel_loop3A_418] {strides = array<i32>} : memref<512xf32, #tpu.memory_space<vmem>>, vector<16xf32>,
      tpu.vector_store %arg12[%parallel_loop3A_418], %parallel_loop3A_417 {strides = array<i32>} : memref<512xf32, #tpu.memory_space<vmem>>, vector<16xf32>,
    } {sc.loop_unroll_factor = 4 : i64, sc.parallel_access}
    %add3A_248 = arith.constant 128 : i32
    %add3A_249 = arith.addi %add3A, %add3A_248 : i32
    %mul3A_250 = arith.constant 512 : i32
    %mul3A_251 = arith.muli %add3A_249, %mul3A_250 : i32
    %multiple_of3A_252 = tpu.assume_multiple %mul3A_251, 128 : i32
    %dma_start3A_253 = tpu.memref_slice %arg5[%multiple_of3A_252] : memref<100000xf32, #tpu.memory_space<hbm>> -> memref<512xf32, #tpu.memory_space<hbm>>
    %dma_start3A_254 = tpu.memref_slice %arg5[%multiple_of3A_252] : memref<100000xf32, #tpu.memory_space<hbm>> -> memref<512xf32, #tpu.memory_space<hbm>>
    tpu.enqueue_dma source(%arg12 : memref<512xf32, #tpu.memory_space<vmem>>) target(%dma_start3A_254 : memref<512xf32, #tpu.memory_space<hbm>>) target_semaphore(%arg20 : memref<!tpu.dma_semaphore, #tpu.memory_space<semaphore_mem>>)
    %lt3A = arith.constant 3 : i32
    %lt3A_255 = arith.cmpi slt, %add3A, %lt3A : i32
    %convert_element_type3A = arith.extui %lt3A_255 : i1 to i32
    %cond3A = arith.constant 0 : i32
    %cond3A_256 = arith.cmpi ne, %convert_element_type3A, %cond3A : i32
    scf.if %cond3A_256 {
      %add3A_344 = arith.constant 192 : i32
      %add3A_345 = arith.addi %add3A, %add3A_344 : i32
      %mul3A_346 = arith.constant 512 : i32
      %mul3A_347 = arith.muli %add3A_345, %mul3A_346 : i32
      %multiple_of3A_348 = tpu.assume_multiple %mul3A_347, 128 : i32
      %dma_start3A_349 = arith.constant 0 : i32
      %dma_start3A_350 = tpu.memref_slice %arg2[%dma_start3A_349, %multiple_of3A_348] : memref<11x100000xf32, #tpu.memory_space<hbm>> -> memref<8x512xf32, #tpu.memory_space<hbm>>
      %dma_start3A_351 = arith.constant 0 : i32
      %dma_start3A_352 = tpu.memref_slice %arg2[%dma_start3A_351, %multiple_of3A_348] : memref<11x100000xf32, #tpu.memory_space<hbm>> -> memref<8x512xf32, #tpu.memory_space<hbm>>
      tpu.enqueue_dma source(%dma_start3A_352 : memref<8x512xf32, #tpu.memory_space<hbm>>) target(%arg6 : memref<8x512xf32, #tpu.memory_space<vmem>>) target_semaphore(%arg18 : memref<!tpu.dma_semaphore, #tpu.memory_space<semaphore_mem>>)
      %dma_start3A_353 = arith.constant 0 : i32
      %dma_start3A_354 = tpu.memref_slice %arg3[%dma_start3A_353, %multiple_of3A_348] : memref<11x100000xf32, #tpu.memory_space<hbm>> -> memref<8x512xf32, #tpu.memory_space<hbm>>
      %dma_start3A_355 = arith.constant 0 : i32
      %dma_start3A_356 = tpu.memref_slice %arg3[%dma_start3A_355, %multiple_of3A_348] : memref<11x100000xf32, #tpu.memory_space<hbm>> -> memref<8x512xf32, #tpu.memory_space<hbm>>
      tpu.enqueue_dma source(%dma_start3A_356 : memref<8x512xf32, #tpu.memory_space<hbm>>) target(%arg8 : memref<8x512xf32, #tpu.memory_space<vmem>>) target_semaphore(%arg18 : memref<!tpu.dma_semaphore, #tpu.memory_space<semaphore_mem>>)
      %dma_start3A_357 = arith.constant 0 : i32
      %dma_start3A_358 = tpu.memref_slice %arg4[%dma_start3A_357, %multiple_of3A_348] : memref<10x100000xf32, #tpu.memory_space<hbm>> -> memref<10x512xf32, #tpu.memory_space<hbm>>
      %dma_start3A_359 = arith.constant 0 : i32
      %dma_start3A_360 = tpu.memref_slice %arg4[%dma_start3A_359, %multiple_of3A_348] : memref<10x100000xf32, #tpu.memory_space<hbm>> -> memref<10x512xf32, #tpu.memory_space<hbm>>
      tpu.enqueue_dma source(%dma_start3A_360 : memref<10x512xf32, #tpu.memory_space<hbm>>) target(%arg10 : memref<10x512xf32, #tpu.memory_space<vmem>>) target_semaphore(%arg18 : memref<!tpu.dma_semaphore, #tpu.memory_space<semaphore_mem>>)
    } else {
    }
    %eq3A = arith.constant 3 : i32
    %eq3A_257 = arith.cmpi eq, %add3A, %eq3A : i32
    %convert_element_type3A_258 = arith.extui %eq3A_257 : i1 to i32
    %cond3A_259 = arith.constant 0 : i32
    %cond3A_260 = arith.cmpi ne, %convert_element_type3A_258, %cond3A_259 : i32
    scf.if %cond3A_260 {
      %dma_start3A_344 = arith.constant 0 : i32
      %dma_start3A_345 = arith.constant 0 : i32
      %dma_start3A_346 = tpu.memref_slice %arg6[%dma_start3A_344, %dma_start3A_345] : memref<8x512xf32, #tpu.memory_space<vmem>> -> memref<8x128xf32, #tpu.memory_space<vmem>>
      %dma_start3A_347 = arith.constant 0 : i32
      %dma_start3A_348 = arith.constant 99840 : i32
      %dma_start3A_349 = tpu.memref_slice %arg2[%dma_start3A_347, %dma_start3A_348] : memref<11x100000xf32, #tpu.memory_space<hbm>> -> memref<8x128xf32, #tpu.memory_space<hbm>>
      %dma_start3A_350 = arith.constant 0 : i32
      %dma_start3A_351 = arith.constant 0 : i32
      %dma_start3A_352 = tpu.memref_slice %arg6[%dma_start3A_350, %dma_start3A_351] : memref<8x512xf32, #tpu.memory_space<vmem>> -> memref<8x128xf32, #tpu.memory_space<vmem>>
      %dma_start3A_353 = arith.constant 0 : i32
      %dma_start3A_354 = arith.constant 99840 : i32
      %dma_start3A_355 = tpu.memref_slice %arg2[%dma_start3A_353, %dma_start3A_354] : memref<11x100000xf32, #tpu.memory_space<hbm>> -> memref<8x128xf32, #tpu.memory_space<hbm>>
      tpu.enqueue_dma source(%dma_start3A_355 : memref<8x128xf32, #tpu.memory_space<hbm>>) target(%dma_start3A_352 : memref<8x128xf32, #tpu.memory_space<vmem>>) target_semaphore(%arg18 : memref<!tpu.dma_semaphore, #tpu.memory_space<semaphore_mem>>)
      %dma_start3A_356 = arith.constant 0 : i32
      %dma_start3A_357 = arith.constant 0 : i32
      %dma_start3A_358 = tpu.memref_slice %arg8[%dma_start3A_356, %dma_start3A_357] : memref<8x512xf32, #tpu.memory_space<vmem>> -> memref<8x128xf32, #tpu.memory_space<vmem>>
      %dma_start3A_359 = arith.constant 0 : i32
      %dma_start3A_360 = arith.constant 99840 : i32
      %dma_start3A_361 = tpu.memref_slice %arg3[%dma_start3A_359, %dma_start3A_360] : memref<11x100000xf32, #tpu.memory_space<hbm>> -> memref<8x128xf32, #tpu.memory_space<hbm>>
      %dma_start3A_362 = arith.constant 0 : i32
      %dma_start3A_363 = arith.constant 0 : i32
      %dma_start3A_364 = tpu.memref_slice %arg8[%dma_start3A_362, %dma_start3A_363] : memref<8x512xf32, #tpu.memory_space<vmem>> -> memref<8x128xf32, #tpu.memory_space<vmem>>
      %dma_start3A_365 = arith.constant 0 : i32
      %dma_start3A_366 = arith.constant 99840 : i32
      %dma_start3A_367 = tpu.memref_slice %arg3[%dma_start3A_365, %dma_start3A_366] : memref<11x100000xf32, #tpu.memory_space<hbm>> -> memref<8x128xf32, #tpu.memory_space<hbm>>
      tpu.enqueue_dma source(%dma_start3A_367 : memref<8x128xf32, #tpu.memory_space<hbm>>) target(%dma_start3A_364 : memref<8x128xf32, #tpu.memory_space<vmem>>) target_semaphore(%arg18 : memref<!tpu.dma_semaphore, #tpu.memory_space<semaphore_mem>>)
      %dma_start3A_368 = arith.constant 0 : i32
      %dma_start3A_369 = arith.constant 0 : i32
      %dma_start3A_370 = tpu.memref_slice %arg10[%dma_start3A_368, %dma_start3A_369] : memref<10x512xf32, #tpu.memory_space<vmem>> -> memref<10x128xf32, #tpu.memory_space<vmem>>
      %dma_start3A_371 = arith.constant 0 : i32
      %dma_start3A_372 = arith.constant 99840 : i32
      %dma_start3A_373 = tpu.memref_slice %arg4[%dma_start3A_371, %dma_start3A_372] : memref<10x100000xf32, #tpu.memory_space<hbm>> -> memref<10x128xf32, #tpu.memory_space<hbm>>
      %dma_start3A_374 = arith.constant 0 : i32
      %dma_start3A_375 = arith.constant 0 : i32
      %dma_start3A_376 = tpu.memref_slice %arg10[%dma_start3A_374, %dma_start3A_375] : memref<10x512xf32, #tpu.memory_space<vmem>> -> memref<10x128xf32, #tpu.memory_space<vmem>>
      %dma_start3A_377 = arith.constant 0 : i32
      %dma_start3A_378 = arith.constant 99840 : i32
      %dma_start3A_379 = tpu.memref_slice %arg4[%dma_start3A_377, %dma_start3A_378] : memref<10x100000xf32, #tpu.memory_space<hbm>> -> memref<10x128xf32, #tpu.memory_space<hbm>>
      tpu.enqueue_dma source(%dma_start3A_379 : memref<10x128xf32, #tpu.memory_space<hbm>>) target(%dma_start3A_376 : memref<10x128xf32, #tpu.memory_space<vmem>>) target_semaphore(%arg18 : memref<!tpu.dma_semaphore, #tpu.memory_space<semaphore_mem>>)
    } else {
    }
    %eq3A_261 = arith.constant 4 : i32
    %eq3A_262 = arith.cmpi eq, %add3A, %eq3A_261 : i32
    %convert_element_type3A_263 = arith.extui %eq3A_262 : i1 to i32
    %cond3A_264 = arith.constant 0 : i32
    %cond3A_265 = arith.cmpi ne, %convert_element_type3A_263, %cond3A_264 : i32
    scf.if %cond3A_265 {
      %dma_start3A_344 = arith.constant 0 : i32
      %dma_start3A_345 = arith.constant 99968 : i32
      %dma_start3A_346 = tpu.memref_slice %arg2[%dma_start3A_344, %dma_start3A_345] : memref<11x100000xf32, #tpu.memory_space<hbm>> -> memref<8x32xf32, #tpu.memory_space<hbm>>
      %dma_start3A_347 = arith.constant 0 : i32
      %dma_start3A_348 = arith.constant 99968 : i32
      %dma_start3A_349 = tpu.memref_slice %arg2[%dma_start3A_347, %dma_start3A_348] : memref<11x100000xf32, #tpu.memory_space<hbm>> -> memref<8x32xf32, #tpu.memory_space<hbm>>
      tpu.enqueue_dma source(%dma_start3A_349 : memref<8x32xf32, #tpu.memory_space<hbm>>) target(%arg14 : memref<8x32xf32, #tpu.memory_space<vmem>>) target_semaphore(%arg18 : memref<!tpu.dma_semaphore, #tpu.memory_space<semaphore_mem>>)
      %dma_start3A_350 = arith.constant 0 : i32
      %dma_start3A_351 = arith.constant 99968 : i32
      %dma_start3A_352 = tpu.memref_slice %arg3[%dma_start3A_350, %dma_start3A_351] : memref<11x100000xf32, #tpu.memory_space<hbm>> -> memref<8x32xf32, #tpu.memory_space<hbm>>
      %dma_start3A_353 = arith.constant 0 : i32
      %dma_start3A_354 = arith.constant 99968 : i32
      %dma_start3A_355 = tpu.memref_slice %arg3[%dma_start3A_353, %dma_start3A_354] : memref<11x100000xf32, #tpu.memory_space<hbm>> -> memref<8x32xf32, #tpu.memory_space<hbm>>
      tpu.enqueue_dma source(%dma_start3A_355 : memref<8x32xf32, #tpu.memory_space<hbm>>) target(%arg15 : memref<8x32xf32, #tpu.memory_space<vmem>>) target_semaphore(%arg18 : memref<!tpu.dma_semaphore, #tpu.memory_space<semaphore_mem>>)
      %dma_start3A_356 = arith.constant 0 : i32
      %dma_start3A_357 = arith.constant 99968 : i32
      %dma_start3A_358 = tpu.memref_slice %arg4[%dma_start3A_356, %dma_start3A_357] : memref<10x100000xf32, #tpu.memory_space<hbm>> -> memref<10x32xf32, #tpu.memory_space<hbm>>
      %dma_start3A_359 = arith.constant 0 : i32
      %dma_start3A_360 = arith.constant 99968 : i32
      %dma_start3A_361 = tpu.memref_slice %arg4[%dma_start3A_359, %dma_start3A_360] : memref<10x100000xf32, #tpu.memory_space<hbm>> -> memref<10x32xf32, #tpu.memory_space<hbm>>
      tpu.enqueue_dma source(%dma_start3A_361 : memref<10x32xf32, #tpu.memory_space<hbm>>) target(%arg16 : memref<10x32xf32, #tpu.memory_space<vmem>>) target_semaphore(%arg18 : memref<!tpu.dma_semaphore, #tpu.memory_space<semaphore_mem>>)
    } else {
    }
    %add3A_266 = arith.constant 96 : i32
    %add3A_267 = arith.addi %add3A, %add3A_266 : i32
    %mul3A_268 = arith.constant 512 : i32
    %mul3A_269 = arith.muli %add3A_267, %mul3A_268 : i32
    %multiple_of3A_270 = tpu.assume_multiple %mul3A_269, 128 : i32
    %dma_wait3A_271 = tpu.memref_slice %arg5[%multiple_of3A_270] : memref<100000xf32, #tpu.memory_space<hbm>> -> memref<512xf32, #tpu.memory_space<hbm>>
    %dma_wait3A_272 = tpu.memref_slice %arg5[%multiple_of3A_270] : memref<100000xf32, #tpu.memory_space<hbm>> -> memref<512xf32, #tpu.memory_space<hbm>>
    tpu.wait_dma2 semaphore(%arg21 : memref<!tpu.dma_semaphore, #tpu.memory_space<semaphore_mem>>) src(%arg13 : memref<512xf32, #tpu.memory_space<vmem>>) dst(%dma_wait3A_272 : memref<512xf32, #tpu.memory_space<hbm>>)
    %add3A_273 = arith.constant 160 : i32
    %add3A_274 = arith.addi %add3A, %add3A_273 : i32
    %mul3A_275 = arith.constant 512 : i32
    %mul3A_276 = arith.muli %add3A_274, %mul3A_275 : i32
    %multiple_of3A_277 = tpu.assume_multiple %mul3A_276, 128 : i32
    %dma_wait3A_278 = arith.constant 0 : i32
    %dma_wait3A_279 = tpu.memref_slice %arg2[%dma_wait3A_278, %multiple_of3A_277] : memref<11x100000xf32, #tpu.memory_space<hbm>> -> memref<8x512xf32, #tpu.memory_space<hbm>>
    %dma_wait3A_280 = arith.constant 0 : i32
    %dma_wait3A_281 = tpu.memref_slice %arg2[%dma_wait3A_280, %multiple_of3A_277] : memref<11x100000xf32, #tpu.memory_space<hbm>> -> memref<8x512xf32, #tpu.memory_space<hbm>>
    tpu.wait_dma2 semaphore(%arg19 : memref<!tpu.dma_semaphore, #tpu.memory_space<semaphore_mem>>) src(%dma_wait3A_281 : memref<8x512xf32, #tpu.memory_space<hbm>>) dst(%arg7 : memref<8x512xf32, #tpu.memory_space<vmem>>)
    %dma_wait3A_282 = arith.constant 0 : i32
    %dma_wait3A_283 = tpu.memref_slice %arg3[%dma_wait3A_282, %multiple_of3A_277] : memref<11x100000xf32, #tpu.memory_space<hbm>> -> memref<8x512xf32, #tpu.memory_space<hbm>>
    %dma_wait3A_284 = arith.constant 0 : i32
    %dma_wait3A_285 = tpu.memref_slice %arg3[%dma_wait3A_284, %multiple_of3A_277] : memref<11x100000xf32, #tpu.memory_space<hbm>> -> memref<8x512xf32, #tpu.memory_space<hbm>>
    tpu.wait_dma2 semaphore(%arg19 : memref<!tpu.dma_semaphore, #tpu.memory_space<semaphore_mem>>) src(%dma_wait3A_285 : memref<8x512xf32, #tpu.memory_space<hbm>>) dst(%arg9 : memref<8x512xf32, #tpu.memory_space<vmem>>)
    %dma_wait3A_286 = arith.constant 0 : i32
    %dma_wait3A_287 = tpu.memref_slice %arg4[%dma_wait3A_286, %multiple_of3A_277] : memref<10x100000xf32, #tpu.memory_space<hbm>> -> memref<10x512xf32, #tpu.memory_space<hbm>>
    %dma_wait3A_288 = arith.constant 0 : i32
    %dma_wait3A_289 = tpu.memref_slice %arg4[%dma_wait3A_288, %multiple_of3A_277] : memref<10x100000xf32, #tpu.memory_space<hbm>> -> memref<10x512xf32, #tpu.memory_space<hbm>>
    tpu.wait_dma2 semaphore(%arg19 : memref<!tpu.dma_semaphore, #tpu.memory_space<semaphore_mem>>) src(%dma_wait3A_289 : memref<10x512xf32, #tpu.memory_space<hbm>>) dst(%arg11 : memref<10x512xf32, #tpu.memory_space<vmem>>)
    %parallel_loop3A_290 = arith.constant 0 : i32
    %parallel_loop3A_291 = arith.constant 32 : i32
    %parallel_loop3A_292 = arith.constant 1 : i32
    scf.for %parallel_loop3A_344 = %parallel_loop3A_290 to %parallel_loop3A_291 step %parallel_loop3A_292  : i32 {
      %parallel_loop3A_345 = arith.constant 16 : i32
      %parallel_loop3A_346 = arith.muli %parallel_loop3A_344, %parallel_loop3A_345 : i32
      %parallel_loop3A_347 = arith.constant 0 : i32
      %parallel_loop3A_348 = arith.index_cast %parallel_loop3A_347 : i32 to index
      %parallel_loop3A_349 = arith.index_cast %parallel_loop3A_346 : i32 to index
      %parallel_loop3A_350 = tpu.vector_load %arg7[%parallel_loop3A_348, %parallel_loop3A_349] {strides = array<i32>} : memref<8x512xf32, #tpu.memory_space<vmem>>, vector<16xf32>,
      %parallel_loop3A_351 = arith.constant 2 : i32
      %parallel_loop3A_352 = arith.index_cast %parallel_loop3A_351 : i32 to index
      %parallel_loop3A_353 = arith.index_cast %parallel_loop3A_346 : i32 to index
      %parallel_loop3A_354 = tpu.vector_load %arg7[%parallel_loop3A_352, %parallel_loop3A_353] {strides = array<i32>} : memref<8x512xf32, #tpu.memory_space<vmem>>, vector<16xf32>,
      %parallel_loop3A_355 = arith.constant 0 : i32
      %parallel_loop3A_356 = arith.index_cast %parallel_loop3A_355 : i32 to index
      %parallel_loop3A_357 = arith.index_cast %parallel_loop3A_346 : i32 to index
      %parallel_loop3A_358 = tpu.vector_load %arg9[%parallel_loop3A_356, %parallel_loop3A_357] {strides = array<i32>} : memref<8x512xf32, #tpu.memory_space<vmem>>, vector<16xf32>,
      %parallel_loop3A_359 = arith.constant 2 : i32
      %parallel_loop3A_360 = arith.index_cast %parallel_loop3A_359 : i32 to index
      %parallel_loop3A_361 = arith.index_cast %parallel_loop3A_346 : i32 to index
      %parallel_loop3A_362 = tpu.vector_load %arg9[%parallel_loop3A_360, %parallel_loop3A_361] {strides = array<i32>} : memref<8x512xf32, #tpu.memory_space<vmem>>, vector<16xf32>,
      %parallel_loop3A_363 = arith.subf %parallel_loop3A_358, %parallel_loop3A_350 : vector<16xf32>
      %parallel_loop3A_364 = arith.subf %parallel_loop3A_362, %parallel_loop3A_354 : vector<16xf32>
      %parallel_loop3A_365 = arith.mulf %parallel_loop3A_363, %parallel_loop3A_363 : vector<16xf32>
      %parallel_loop3A_366 = arith.mulf %parallel_loop3A_364, %parallel_loop3A_364 : vector<16xf32>
      %parallel_loop3A_367 = arith.addf %parallel_loop3A_365, %parallel_loop3A_366 : vector<16xf32>
      %parallel_loop3A_368 = arith.constant 0 : i32
      %parallel_loop3A_369 = vector.broadcast %parallel_loop3A_368 : i32 to vector<16xi32>
      %parallel_loop3A_370 = arith.constant 0.00999999977 : f32
      %parallel_loop3A_371 = vector.broadcast %parallel_loop3A_370 : f32 to vector<16xf32>
      %parallel_loop3A_372 = arith.cmpf oge, %parallel_loop3A_367, %parallel_loop3A_371 : vector<16xf32>
      %parallel_loop3A_373 = arith.extui %parallel_loop3A_372 : vector<16xi1> to vector<16xi32>
      %parallel_loop3A_374 = arith.addi %parallel_loop3A_369, %parallel_loop3A_373 : vector<16xi32>
      %parallel_loop3A_375 = arith.constant 4.000000e-02 : f32
      %parallel_loop3A_376 = vector.broadcast %parallel_loop3A_375 : f32 to vector<16xf32>
      %parallel_loop3A_377 = arith.cmpf oge, %parallel_loop3A_367, %parallel_loop3A_376 : vector<16xf32>
      %parallel_loop3A_378 = arith.extui %parallel_loop3A_377 : vector<16xi1> to vector<16xi32>
      %parallel_loop3A_379 = arith.addi %parallel_loop3A_374, %parallel_loop3A_378 : vector<16xi32>
      %parallel_loop3A_380 = arith.constant 9.000000e-02 : f32
      %parallel_loop3A_381 = vector.broadcast %parallel_loop3A_380 : f32 to vector<16xf32>
      %parallel_loop3A_382 = arith.cmpf oge, %parallel_loop3A_367, %parallel_loop3A_381 : vector<16xf32>
      %parallel_loop3A_383 = arith.extui %parallel_loop3A_382 : vector<16xi1> to vector<16xi32>
      %parallel_loop3A_384 = arith.addi %parallel_loop3A_379, %parallel_loop3A_383 : vector<16xi32>
      %parallel_loop3A_385 = arith.constant 1.600000e-01 : f32
      %parallel_loop3A_386 = vector.broadcast %parallel_loop3A_385 : f32 to vector<16xf32>
      %parallel_loop3A_387 = arith.cmpf oge, %parallel_loop3A_367, %parallel_loop3A_386 : vector<16xf32>
      %parallel_loop3A_388 = arith.extui %parallel_loop3A_387 : vector<16xi1> to vector<16xi32>
      %parallel_loop3A_389 = arith.addi %parallel_loop3A_384, %parallel_loop3A_388 : vector<16xi32>
      %parallel_loop3A_390 = arith.constant 2.500000e-01 : f32
      %parallel_loop3A_391 = vector.broadcast %parallel_loop3A_390 : f32 to vector<16xf32>
      %parallel_loop3A_392 = arith.cmpf oge, %parallel_loop3A_367, %parallel_loop3A_391 : vector<16xf32>
      %parallel_loop3A_393 = arith.extui %parallel_loop3A_392 : vector<16xi1> to vector<16xi32>
      %parallel_loop3A_394 = arith.addi %parallel_loop3A_389, %parallel_loop3A_393 : vector<16xi32>
      %parallel_loop3A_395 = arith.constant 3.600000e-01 : f32
      %parallel_loop3A_396 = vector.broadcast %parallel_loop3A_395 : f32 to vector<16xf32>
      %parallel_loop3A_397 = arith.cmpf oge, %parallel_loop3A_367, %parallel_loop3A_396 : vector<16xf32>
      %parallel_loop3A_398 = arith.extui %parallel_loop3A_397 : vector<16xi1> to vector<16xi32>
      %parallel_loop3A_399 = arith.addi %parallel_loop3A_394, %parallel_loop3A_398 : vector<16xi32>
      %parallel_loop3A_400 = arith.constant 0.48999995 : f32
      %parallel_loop3A_401 = vector.broadcast %parallel_loop3A_400 : f32 to vector<16xf32>
      %parallel_loop3A_402 = arith.cmpf oge, %parallel_loop3A_367, %parallel_loop3A_401 : vector<16xf32>
      %parallel_loop3A_403 = arith.extui %parallel_loop3A_402 : vector<16xi1> to vector<16xi32>
      %parallel_loop3A_404 = arith.addi %parallel_loop3A_399, %parallel_loop3A_403 : vector<16xi32>
      %parallel_loop3A_405 = arith.constant 6.400000e-01 : f32
      %parallel_loop3A_406 = vector.broadcast %parallel_loop3A_405 : f32 to vector<16xf32>
      %parallel_loop3A_407 = arith.cmpf oge, %parallel_loop3A_367, %parallel_loop3A_406 : vector<16xf32>
      %parallel_loop3A_408 = arith.extui %parallel_loop3A_407 : vector<16xi1> to vector<16xi32>
      %parallel_loop3A_409 = arith.addi %parallel_loop3A_404, %parallel_loop3A_408 : vector<16xi32>
      %parallel_loop3A_410 = arith.constant 0.809999942 : f32
      %parallel_loop3A_411 = vector.broadcast %parallel_loop3A_410 : f32 to vector<16xf32>
      %parallel_loop3A_412 = arith.cmpf oge, %parallel_loop3A_367, %parallel_loop3A_411 : vector<16xf32>
      %parallel_loop3A_413 = arith.extui %parallel_loop3A_412 : vector<16xi1> to vector<16xi32>
      %parallel_loop3A_414 = arith.addi %parallel_loop3A_409, %parallel_loop3A_413 : vector<16xi32>
      %parallel_loop3A_415 = vector.broadcast %parallel_loop3A_346 : i32 to vector<16xi32>
      %parallel_loop3A_416 = arith.addi %iota3A, %parallel_loop3A_415 : vector<16xi32>
      %parallel_loop3A_417 = tpu.vector_load_idx %arg11[%parallel_loop3A_414, %parallel_loop3A_416] : memref<10x512xf32, #tpu.memory_space<vmem>>[vector<16xi32>, vector<16xi32>], vector<16xf32>,
      %parallel_loop3A_418 = arith.index_cast %parallel_loop3A_346 : i32 to index
      %parallel_loop3A_419 = tpu.vector_load %arg13[%parallel_loop3A_418] {strides = array<i32>} : memref<512xf32, #tpu.memory_space<vmem>>, vector<16xf32>,
      tpu.vector_store %arg13[%parallel_loop3A_418], %parallel_loop3A_417 {strides = array<i32>} : memref<512xf32, #tpu.memory_space<vmem>>, vector<16xf32>,
    } {sc.loop_unroll_factor = 4 : i64, sc.parallel_access}
    %add3A_293 = arith.constant 160 : i32
    %add3A_294 = arith.addi %add3A, %add3A_293 : i32
    %mul3A_295 = arith.constant 512 : i32
    %mul3A_296 = arith.muli %add3A_294, %mul3A_295 : i32
    %multiple_of3A_297 = tpu.assume_multiple %mul3A_296, 128 : i32
    %dma_start3A_298 = tpu.memref_slice %arg5[%multiple_of3A_297] : memref<100000xf32, #tpu.memory_space<hbm>> -> memref<512xf32, #tpu.memory_space<hbm>>
    %dma_start3A_299 = tpu.memref_slice %arg5[%multiple_of3A_297] : memref<100000xf32, #tpu.memory_space<hbm>> -> memref<512xf32, #tpu.memory_space<hbm>>
    tpu.enqueue_dma source(%arg13 : memref<512xf32, #tpu.memory_space<vmem>>) target(%dma_start3A_299 : memref<512xf32, #tpu.memory_space<hbm>>) target_semaphore(%arg21 : memref<!tpu.dma_semaphore, #tpu.memory_space<semaphore_mem>>)
    %add3A_300 = arith.constant 128 : i32
    %add3A_301 = arith.addi %add3A, %add3A_300 : i32
    %mul3A_302 = arith.constant 512 : i32
    %mul3A_303 = arith.muli %add3A_301, %mul3A_302 : i32
    %multiple_of3A_304 = tpu.assume_multiple %mul3A_303, 128 : i32
    %dma_wait3A_305 = tpu.memref_slice %arg5[%multiple_of3A_304] : memref<100000xf32, #tpu.memory_space<hbm>> -> memref<512xf32, #tpu.memory_space<hbm>>
    %dma_wait3A_306 = tpu.memref_slice %arg5[%multiple_of3A_304] : memref<100000xf32, #tpu.memory_space<hbm>> -> memref<512xf32, #tpu.memory_space<hbm>>
    tpu.wait_dma2 semaphore(%arg20 : memref<!tpu.dma_semaphore, #tpu.memory_space<semaphore_mem>>) src(%arg12 : memref<512xf32, #tpu.memory_space<vmem>>) dst(%dma_wait3A_306 : memref<512xf32, #tpu.memory_space<hbm>>)
    %lt3A_307 = arith.constant 3 : i32
    %lt3A_308 = arith.cmpi slt, %add3A, %lt3A_307 : i32
    %convert_element_type3A_309 = arith.extui %lt3A_308 : i1 to i32
    %cond3A_310 = arith.constant 0 : i32
    %cond3A_311 = arith.cmpi ne, %convert_element_type3A_309, %cond3A_310 : i32
    scf.if %cond3A_311 {
      %add3A_344 = arith.constant 192 : i32
      %add3A_345 = arith.addi %add3A, %add3A_344 : i32
      %mul3A_346 = arith.constant 512 : i32
      %mul3A_347 = arith.muli %add3A_345, %mul3A_346 : i32
      %multiple_of3A_348 = tpu.assume_multiple %mul3A_347, 128 : i32
      %dma_wait3A_349 = arith.constant 0 : i32
      %dma_wait3A_350 = tpu.memref_slice %arg2[%dma_wait3A_349, %multiple_of3A_348] : memref<11x100000xf32, #tpu.memory_space<hbm>> -> memref<8x512xf32, #tpu.memory_space<hbm>>
      %dma_wait3A_351 = arith.constant 0 : i32
      %dma_wait3A_352 = tpu.memref_slice %arg2[%dma_wait3A_351, %multiple_of3A_348] : memref<11x100000xf32, #tpu.memory_space<hbm>> -> memref<8x512xf32, #tpu.memory_space<hbm>>
      tpu.wait_dma2 semaphore(%arg18 : memref<!tpu.dma_semaphore, #tpu.memory_space<semaphore_mem>>) src(%dma_wait3A_352 : memref<8x512xf32, #tpu.memory_space<hbm>>) dst(%arg6 : memref<8x512xf32, #tpu.memory_space<vmem>>)
      %dma_wait3A_353 = arith.constant 0 : i32
      %dma_wait3A_354 = tpu.memref_slice %arg3[%dma_wait3A_353, %multiple_of3A_348] : memref<11x100000xf32, #tpu.memory_space<hbm>> -> memref<8x512xf32, #tpu.memory_space<hbm>>
      %dma_wait3A_355 = arith.constant 0 : i32
      %dma_wait3A_356 = tpu.memref_slice %arg3[%dma_wait3A_355, %multiple_of3A_348] : memref<11x100000xf32, #tpu.memory_space<hbm>> -> memref<8x512xf32, #tpu.memory_space<hbm>>
      tpu.wait_dma2 semaphore(%arg18 : memref<!tpu.dma_semaphore, #tpu.memory_space<semaphore_mem>>) src(%dma_wait3A_356 : memref<8x512xf32, #tpu.memory_space<hbm>>) dst(%arg8 : memref<8x512xf32, #tpu.memory_space<vmem>>)
      %dma_wait3A_357 = arith.constant 0 : i32
      %dma_wait3A_358 = tpu.memref_slice %arg4[%dma_wait3A_357, %multiple_of3A_348] : memref<10x100000xf32, #tpu.memory_space<hbm>> -> memref<10x512xf32, #tpu.memory_space<hbm>>
      %dma_wait3A_359 = arith.constant 0 : i32
      %dma_wait3A_360 = tpu.memref_slice %arg4[%dma_wait3A_359, %multiple_of3A_348] : memref<10x100000xf32, #tpu.memory_space<hbm>> -> memref<10x512xf32, #tpu.memory_space<hbm>>
      tpu.wait_dma2 semaphore(%arg18 : memref<!tpu.dma_semaphore, #tpu.memory_space<semaphore_mem>>) src(%dma_wait3A_360 : memref<10x512xf32, #tpu.memory_space<hbm>>) dst(%arg10 : memref<10x512xf32, #tpu.memory_space<vmem>>)
      %parallel_loop3A_361 = arith.constant 0 : i32
      %parallel_loop3A_362 = arith.constant 32 : i32
      %parallel_loop3A_363 = arith.constant 1 : i32
      scf.for %parallel_loop3A_371 = %parallel_loop3A_361 to %parallel_loop3A_362 step %parallel_loop3A_363  : i32 {
        %parallel_loop3A_372 = arith.constant 16 : i32
        %parallel_loop3A_373 = arith.muli %parallel_loop3A_371, %parallel_loop3A_372 : i32
        %parallel_loop3A_374 = arith.constant 0 : i32
        %parallel_loop3A_375 = arith.index_cast %parallel_loop3A_374 : i32 to index
        %parallel_loop3A_376 = arith.index_cast %parallel_loop3A_373 : i32 to index
        %parallel_loop3A_377 = tpu.vector_load %arg6[%parallel_loop3A_375, %parallel_loop3A_376] {strides = array<i32>} : memref<8x512xf32, #tpu.memory_space<vmem>>, vector<16xf32>,
        %parallel_loop3A_378 = arith.constant 2 : i32
        %parallel_loop3A_379 = arith.index_cast %parallel_loop3A_378 : i32 to index
        %parallel_loop3A_380 = arith.index_cast %parallel_loop3A_373 : i32 to index
        %parallel_loop3A_381 = tpu.vector_load %arg6[%parallel_loop3A_379, %parallel_loop3A_380] {strides = array<i32>} : memref<8x512xf32, #tpu.memory_space<vmem>>, vector<16xf32>,
        %parallel_loop3A_382 = arith.constant 0 : i32
        %parallel_loop3A_383 = arith.index_cast %parallel_loop3A_382 : i32 to index
        %parallel_loop3A_384 = arith.index_cast %parallel_loop3A_373 : i32 to index
        %parallel_loop3A_385 = tpu.vector_load %arg8[%parallel_loop3A_383, %parallel_loop3A_384] {strides = array<i32>} : memref<8x512xf32, #tpu.memory_space<vmem>>, vector<16xf32>,
        %parallel_loop3A_386 = arith.constant 2 : i32
        %parallel_loop3A_387 = arith.index_cast %parallel_loop3A_386 : i32 to index
        %parallel_loop3A_388 = arith.index_cast %parallel_loop3A_373 : i32 to index
        %parallel_loop3A_389 = tpu.vector_load %arg8[%parallel_loop3A_387, %parallel_loop3A_388] {strides = array<i32>} : memref<8x512xf32, #tpu.memory_space<vmem>>, vector<16xf32>,
        %parallel_loop3A_390 = arith.subf %parallel_loop3A_385, %parallel_loop3A_377 : vector<16xf32>
        %parallel_loop3A_391 = arith.subf %parallel_loop3A_389, %parallel_loop3A_381 : vector<16xf32>
        %parallel_loop3A_392 = arith.mulf %parallel_loop3A_390, %parallel_loop3A_390 : vector<16xf32>
        %parallel_loop3A_393 = arith.mulf %parallel_loop3A_391, %parallel_loop3A_391 : vector<16xf32>
        %parallel_loop3A_394 = arith.addf %parallel_loop3A_392, %parallel_loop3A_393 : vector<16xf32>
        %parallel_loop3A_395 = arith.constant 0 : i32
        %parallel_loop3A_396 = vector.broadcast %parallel_loop3A_395 : i32 to vector<16xi32>
        %parallel_loop3A_397 = arith.constant 0.00999999977 : f32
        %parallel_loop3A_398 = vector.broadcast %parallel_loop3A_397 : f32 to vector<16xf32>
        %parallel_loop3A_399 = arith.cmpf oge, %parallel_loop3A_394, %parallel_loop3A_398 : vector<16xf32>
        %parallel_loop3A_400 = arith.extui %parallel_loop3A_399 : vector<16xi1> to vector<16xi32>
        %parallel_loop3A_401 = arith.addi %parallel_loop3A_396, %parallel_loop3A_400 : vector<16xi32>
        %parallel_loop3A_402 = arith.constant 4.000000e-02 : f32
        %parallel_loop3A_403 = vector.broadcast %parallel_loop3A_402 : f32 to vector<16xf32>
        %parallel_loop3A_404 = arith.cmpf oge, %parallel_loop3A_394, %parallel_loop3A_403 : vector<16xf32>
        %parallel_loop3A_405 = arith.extui %parallel_loop3A_404 : vector<16xi1> to vector<16xi32>
        %parallel_loop3A_406 = arith.addi %parallel_loop3A_401, %parallel_loop3A_405 : vector<16xi32>
        %parallel_loop3A_407 = arith.constant 9.000000e-02 : f32
        %parallel_loop3A_408 = vector.broadcast %parallel_loop3A_407 : f32 to vector<16xf32>
        %parallel_loop3A_409 = arith.cmpf oge, %parallel_loop3A_394, %parallel_loop3A_408 : vector<16xf32>
        %parallel_loop3A_410 = arith.extui %parallel_loop3A_409 : vector<16xi1> to vector<16xi32>
        %parallel_loop3A_411 = arith.addi %parallel_loop3A_406, %parallel_loop3A_410 : vector<16xi32>
        %parallel_loop3A_412 = arith.constant 1.600000e-01 : f32
        %parallel_loop3A_413 = vector.broadcast %parallel_loop3A_412 : f32 to vector<16xf32>
        %parallel_loop3A_414 = arith.cmpf oge, %parallel_loop3A_394, %parallel_loop3A_413 : vector<16xf32>
        %parallel_loop3A_415 = arith.extui %parallel_loop3A_414 : vector<16xi1> to vector<16xi32>
        %parallel_loop3A_416 = arith.addi %parallel_loop3A_411, %parallel_loop3A_415 : vector<16xi32>
        %parallel_loop3A_417 = arith.constant 2.500000e-01 : f32
        %parallel_loop3A_418 = vector.broadcast %parallel_loop3A_417 : f32 to vector<16xf32>
        %parallel_loop3A_419 = arith.cmpf oge, %parallel_loop3A_394, %parallel_loop3A_418 : vector<16xf32>
        %parallel_loop3A_420 = arith.extui %parallel_loop3A_419 : vector<16xi1> to vector<16xi32>
        %parallel_loop3A_421 = arith.addi %parallel_loop3A_416, %parallel_loop3A_420 : vector<16xi32>
        %parallel_loop3A_422 = arith.constant 3.600000e-01 : f32
        %parallel_loop3A_423 = vector.broadcast %parallel_loop3A_422 : f32 to vector<16xf32>
        %parallel_loop3A_424 = arith.cmpf oge, %parallel_loop3A_394, %parallel_loop3A_423 : vector<16xf32>
        %parallel_loop3A_425 = arith.extui %parallel_loop3A_424 : vector<16xi1> to vector<16xi32>
        %parallel_loop3A_426 = arith.addi %parallel_loop3A_421, %parallel_loop3A_425 : vector<16xi32>
        %parallel_loop3A_427 = arith.constant 0.48999995 : f32
        %parallel_loop3A_428 = vector.broadcast %parallel_loop3A_427 : f32 to vector<16xf32>
        %parallel_loop3A_429 = arith.cmpf oge, %parallel_loop3A_394, %parallel_loop3A_428 : vector<16xf32>
        %parallel_loop3A_430 = arith.extui %parallel_loop3A_429 : vector<16xi1> to vector<16xi32>
        %parallel_loop3A_431 = arith.addi %parallel_loop3A_426, %parallel_loop3A_430 : vector<16xi32>
        %parallel_loop3A_432 = arith.constant 6.400000e-01 : f32
        %parallel_loop3A_433 = vector.broadcast %parallel_loop3A_432 : f32 to vector<16xf32>
        %parallel_loop3A_434 = arith.cmpf oge, %parallel_loop3A_394, %parallel_loop3A_433 : vector<16xf32>
        %parallel_loop3A_435 = arith.extui %parallel_loop3A_434 : vector<16xi1> to vector<16xi32>
        %parallel_loop3A_436 = arith.addi %parallel_loop3A_431, %parallel_loop3A_435 : vector<16xi32>
        %parallel_loop3A_437 = arith.constant 0.809999942 : f32
        %parallel_loop3A_438 = vector.broadcast %parallel_loop3A_437 : f32 to vector<16xf32>
        %parallel_loop3A_439 = arith.cmpf oge, %parallel_loop3A_394, %parallel_loop3A_438 : vector<16xf32>
        %parallel_loop3A_440 = arith.extui %parallel_loop3A_439 : vector<16xi1> to vector<16xi32>
        %parallel_loop3A_441 = arith.addi %parallel_loop3A_436, %parallel_loop3A_440 : vector<16xi32>
        %parallel_loop3A_442 = vector.broadcast %parallel_loop3A_373 : i32 to vector<16xi32>
        %parallel_loop3A_443 = arith.addi %iota3A, %parallel_loop3A_442 : vector<16xi32>
        %parallel_loop3A_444 = tpu.vector_load_idx %arg10[%parallel_loop3A_441, %parallel_loop3A_443] : memref<10x512xf32, #tpu.memory_space<vmem>>[vector<16xi32>, vector<16xi32>], vector<16xf32>,
        %parallel_loop3A_445 = arith.index_cast %parallel_loop3A_373 : i32 to index
        %parallel_loop3A_446 = tpu.vector_load %arg12[%parallel_loop3A_445] {strides = array<i32>} : memref<512xf32, #tpu.memory_space<vmem>>, vector<16xf32>,
        tpu.vector_store %arg12[%parallel_loop3A_445], %parallel_loop3A_444 {strides = array<i32>} : memref<512xf32, #tpu.memory_space<vmem>>, vector<16xf32>,
      } {sc.loop_unroll_factor = 4 : i64, sc.parallel_access}
      %add3A_364 = arith.constant 192 : i32
      %add3A_365 = arith.addi %add3A, %add3A_364 : i32
      %mul3A_366 = arith.constant 512 : i32
      %mul3A_367 = arith.muli %add3A_365, %mul3A_366 : i32
      %multiple_of3A_368 = tpu.assume_multiple %mul3A_367, 128 : i32
      %dma_start3A_369 = tpu.memref_slice %arg5[%multiple_of3A_368] : memref<100000xf32, #tpu.memory_space<hbm>> -> memref<512xf32, #tpu.memory_space<hbm>>
      %dma_start3A_370 = tpu.memref_slice %arg5[%multiple_of3A_368] : memref<100000xf32, #tpu.memory_space<hbm>> -> memref<512xf32, #tpu.memory_space<hbm>>
      tpu.enqueue_dma source(%arg12 : memref<512xf32, #tpu.memory_space<vmem>>) target(%dma_start3A_370 : memref<512xf32, #tpu.memory_space<hbm>>) target_semaphore(%arg20 : memref<!tpu.dma_semaphore, #tpu.memory_space<semaphore_mem>>)
    } else {
    }
    %eq3A_312 = arith.constant 3 : i32
    %eq3A_313 = arith.cmpi eq, %add3A, %eq3A_312 : i32
    %convert_element_type3A_314 = arith.extui %eq3A_313 : i1 to i32
    %cond3A_315 = arith.constant 0 : i32
    %cond3A_316 = arith.cmpi ne, %convert_element_type3A_314, %cond3A_315 : i32
    scf.if %cond3A_316 {
      %dma_wait3A_344 = arith.constant 0 : i32
      %dma_wait3A_345 = arith.constant 0 : i32
      %dma_wait3A_346 = tpu.memref_slice %arg6[%dma_wait3A_344, %dma_wait3A_345] : memref<8x512xf32, #tpu.memory_space<vmem>> -> memref<8x128xf32, #tpu.memory_space<vmem>>
      %dma_wait3A_347 = arith.constant 0 : i32
      %dma_wait3A_348 = arith.constant 99840 : i32
      %dma_wait3A_349 = tpu.memref_slice %arg2[%dma_wait3A_347, %dma_wait3A_348] : memref<11x100000xf32, #tpu.memory_space<hbm>> -> memref<8x128xf32, #tpu.memory_space<hbm>>
      %dma_wait3A_350 = arith.constant 0 : i32
      %dma_wait3A_351 = arith.constant 0 : i32
      %dma_wait3A_352 = tpu.memref_slice %arg6[%dma_wait3A_350, %dma_wait3A_351] : memref<8x512xf32, #tpu.memory_space<vmem>> -> memref<8x128xf32, #tpu.memory_space<vmem>>
      %dma_wait3A_353 = arith.constant 0 : i32
      %dma_wait3A_354 = arith.constant 99840 : i32
      %dma_wait3A_355 = tpu.memref_slice %arg2[%dma_wait3A_353, %dma_wait3A_354] : memref<11x100000xf32, #tpu.memory_space<hbm>> -> memref<8x128xf32, #tpu.memory_space<hbm>>
      tpu.wait_dma2 semaphore(%arg18 : memref<!tpu.dma_semaphore, #tpu.memory_space<semaphore_mem>>) src(%dma_wait3A_355 : memref<8x128xf32, #tpu.memory_space<hbm>>) dst(%dma_wait3A_352 : memref<8x128xf32, #tpu.memory_space<vmem>>)
      %dma_wait3A_356 = arith.constant 0 : i32
      %dma_wait3A_357 = arith.constant 0 : i32
      %dma_wait3A_358 = tpu.memref_slice %arg8[%dma_wait3A_356, %dma_wait3A_357] : memref<8x512xf32, #tpu.memory_space<vmem>> -> memref<8x128xf32, #tpu.memory_space<vmem>>
      %dma_wait3A_359 = arith.constant 0 : i32
      %dma_wait3A_360 = arith.constant 99840 : i32
      %dma_wait3A_361 = tpu.memref_slice %arg3[%dma_wait3A_359, %dma_wait3A_360] : memref<11x100000xf32, #tpu.memory_space<hbm>> -> memref<8x128xf32, #tpu.memory_space<hbm>>
      %dma_wait3A_362 = arith.constant 0 : i32
      %dma_wait3A_363 = arith.constant 0 : i32
      %dma_wait3A_364 = tpu.memref_slice %arg8[%dma_wait3A_362, %dma_wait3A_363] : memref<8x512xf32, #tpu.memory_space<vmem>> -> memref<8x128xf32, #tpu.memory_space<vmem>>
      %dma_wait3A_365 = arith.constant 0 : i32
      %dma_wait3A_366 = arith.constant 99840 : i32
      %dma_wait3A_367 = tpu.memref_slice %arg3[%dma_wait3A_365, %dma_wait3A_366] : memref<11x100000xf32, #tpu.memory_space<hbm>> -> memref<8x128xf32, #tpu.memory_space<hbm>>
      tpu.wait_dma2 semaphore(%arg18 : memref<!tpu.dma_semaphore, #tpu.memory_space<semaphore_mem>>) src(%dma_wait3A_367 : memref<8x128xf32, #tpu.memory_space<hbm>>) dst(%dma_wait3A_364 : memref<8x128xf32, #tpu.memory_space<vmem>>)
      %dma_wait3A_368 = arith.constant 0 : i32
      %dma_wait3A_369 = arith.constant 0 : i32
      %dma_wait3A_370 = tpu.memref_slice %arg10[%dma_wait3A_368, %dma_wait3A_369] : memref<10x512xf32, #tpu.memory_space<vmem>> -> memref<10x128xf32, #tpu.memory_space<vmem>>
      %dma_wait3A_371 = arith.constant 0 : i32
      %dma_wait3A_372 = arith.constant 99840 : i32
      %dma_wait3A_373 = tpu.memref_slice %arg4[%dma_wait3A_371, %dma_wait3A_372] : memref<10x100000xf32, #tpu.memory_space<hbm>> -> memref<10x128xf32, #tpu.memory_space<hbm>>
      %dma_wait3A_374 = arith.constant 0 : i32
      %dma_wait3A_375 = arith.constant 0 : i32
      %dma_wait3A_376 = tpu.memref_slice %arg10[%dma_wait3A_374, %dma_wait3A_375] : memref<10x512xf32, #tpu.memory_space<vmem>> -> memref<10x128xf32, #tpu.memory_space<vmem>>
      %dma_wait3A_377 = arith.constant 0 : i32
      %dma_wait3A_378 = arith.constant 99840 : i32
      %dma_wait3A_379 = tpu.memref_slice %arg4[%dma_wait3A_377, %dma_wait3A_378] : memref<10x100000xf32, #tpu.memory_space<hbm>> -> memref<10x128xf32, #tpu.memory_space<hbm>>
      tpu.wait_dma2 semaphore(%arg18 : memref<!tpu.dma_semaphore, #tpu.memory_space<semaphore_mem>>) src(%dma_wait3A_379 : memref<10x128xf32, #tpu.memory_space<hbm>>) dst(%dma_wait3A_376 : memref<10x128xf32, #tpu.memory_space<vmem>>)
      %get3A = arith.constant 0 : i32
      %get3A_380 = arith.index_cast %get3A : i32 to index
      %get3A_381 = arith.constant 0 : index
      %get3A_382 = tpu.vector_load %arg6[%get3A_380, %get3A_381] {strides = array<i32>} : memref<8x512xf32, #tpu.memory_space<vmem>>, vector<16xf32>,
      %get3A_383 = arith.constant 2 : i32
      %get3A_384 = arith.index_cast %get3A_383 : i32 to index
      %get3A_385 = arith.constant 0 : index
      %get3A_386 = tpu.vector_load %arg6[%get3A_384, %get3A_385] {strides = array<i32>} : memref<8x512xf32, #tpu.memory_space<vmem>>, vector<16xf32>,
      %get3A_387 = arith.constant 0 : i32
      %get3A_388 = arith.index_cast %get3A_387 : i32 to index
      %get3A_389 = arith.constant 0 : index
      %get3A_390 = tpu.vector_load %arg8[%get3A_388, %get3A_389] {strides = array<i32>} : memref<8x512xf32, #tpu.memory_space<vmem>>, vector<16xf32>,
      %get3A_391 = arith.constant 2 : i32
      %get3A_392 = arith.index_cast %get3A_391 : i32 to index
      %get3A_393 = arith.constant 0 : index
      %get3A_394 = tpu.vector_load %arg8[%get3A_392, %get3A_393] {strides = array<i32>} : memref<8x512xf32, #tpu.memory_space<vmem>>, vector<16xf32>,
      %sub3A = arith.subf %get3A_390, %get3A_382 : vector<16xf32>
      %sub3A_395 = arith.subf %get3A_394, %get3A_386 : vector<16xf32>
      %get3A_396 = arith.constant 0 : i32
      %get3A_397 = arith.index_cast %get3A_396 : i32 to index
      %get3A_398 = arith.constant 16 : index
      %get3A_399 = tpu.vector_load %arg6[%get3A_397, %get3A_398] {strides = array<i32>} : memref<8x512xf32, #tpu.memory_space<vmem>>, vector<16xf32>,
      %get3A_400 = arith.constant 2 : i32
      %get3A_401 = arith.index_cast %get3A_400 : i32 to index
      %get3A_402 = arith.constant 16 : index
      %get3A_403 = tpu.vector_load %arg6[%get3A_401, %get3A_402] {strides = array<i32>} : memref<8x512xf32, #tpu.memory_space<vmem>>, vector<16xf32>,
      %get3A_404 = arith.constant 0 : i32
      %get3A_405 = arith.index_cast %get3A_404 : i32 to index
      %get3A_406 = arith.constant 16 : index
      %get3A_407 = tpu.vector_load %arg8[%get3A_405, %get3A_406] {strides = array<i32>} : memref<8x512xf32, #tpu.memory_space<vmem>>, vector<16xf32>,
      %get3A_408 = arith.constant 2 : i32
      %get3A_409 = arith.index_cast %get3A_408 : i32 to index
      %get3A_410 = arith.constant 16 : index
      %get3A_411 = tpu.vector_load %arg8[%get3A_409, %get3A_410] {strides = array<i32>} : memref<8x512xf32, #tpu.memory_space<vmem>>, vector<16xf32>,
      %sub3A_412 = arith.subf %get3A_407, %get3A_399 : vector<16xf32>
      %sub3A_413 = arith.subf %get3A_411, %get3A_403 : vector<16xf32>
      %get3A_414 = arith.constant 0 : i32
      %get3A_415 = arith.index_cast %get3A_414 : i32 to index
      %get3A_416 = arith.constant 32 : index
      %get3A_417 = tpu.vector_load %arg6[%get3A_415, %get3A_416] {strides = array<i32>} : memref<8x512xf32, #tpu.memory_space<vmem>>, vector<16xf32>,
      %get3A_418 = arith.constant 2 : i32
      %get3A_419 = arith.index_cast %get3A_418 : i32 to index
      %get3A_420 = arith.constant 32 : index
      %get3A_421 = tpu.vector_load %arg6[%get3A_419, %get3A_420] {strides = array<i32>} : memref<8x512xf32, #tpu.memory_space<vmem>>, vector<16xf32>,
      %get3A_422 = arith.constant 0 : i32
      %get3A_423 = arith.index_cast %get3A_422 : i32 to index
      %get3A_424 = arith.constant 32 : index
      %get3A_425 = tpu.vector_load %arg8[%get3A_423, %get3A_424] {strides = array<i32>} : memref<8x512xf32, #tpu.memory_space<vmem>>, vector<16xf32>,
      %get3A_426 = arith.constant 2 : i32
      %get3A_427 = arith.index_cast %get3A_426 : i32 to index
      %get3A_428 = arith.constant 32 : index
      %get3A_429 = tpu.vector_load %arg8[%get3A_427, %get3A_428] {strides = array<i32>} : memref<8x512xf32, #tpu.memory_space<vmem>>, vector<16xf32>,
      %sub3A_430 = arith.subf %get3A_425, %get3A_417 : vector<16xf32>
      %sub3A_431 = arith.subf %get3A_429, %get3A_421 : vector<16xf32>
      %get3A_432 = arith.constant 0 : i32
      %get3A_433 = arith.index_cast %get3A_432 : i32 to index
      %get3A_434 = arith.constant 48 : index
      %get3A_435 = tpu.vector_load %arg6[%get3A_433, %get3A_434] {strides = array<i32>} : memref<8x512xf32, #tpu.memory_space<vmem>>, vector<16xf32>,
      %get3A_436 = arith.constant 2 : i32
      %get3A_437 = arith.index_cast %get3A_436 : i32 to index
      %get3A_438 = arith.constant 48 : index
      %get3A_439 = tpu.vector_load %arg6[%get3A_437, %get3A_438] {strides = array<i32>} : memref<8x512xf32, #tpu.memory_space<vmem>>, vector<16xf32>,
      %get3A_440 = arith.constant 0 : i32
      %get3A_441 = arith.index_cast %get3A_440 : i32 to index
      %get3A_442 = arith.constant 48 : index
      %get3A_443 = tpu.vector_load %arg8[%get3A_441, %get3A_442] {strides = array<i32>} : memref<8x512xf32, #tpu.memory_space<vmem>>, vector<16xf32>,
      %get3A_444 = arith.constant 2 : i32
      %get3A_445 = arith.index_cast %get3A_444 : i32 to index
      %get3A_446 = arith.constant 48 : index
      %get3A_447 = tpu.vector_load %arg8[%get3A_445, %get3A_446] {strides = array<i32>} : memref<8x512xf32, #tpu.memory_space<vmem>>, vector<16xf32>,
      %sub3A_448 = arith.subf %get3A_443, %get3A_435 : vector<16xf32>
      %sub3A_449 = arith.subf %get3A_447, %get3A_439 : vector<16xf32>
      %get3A_450 = arith.constant 0 : i32
      %get3A_451 = arith.index_cast %get3A_450 : i32 to index
      %get3A_452 = arith.constant 64 : index
      %get3A_453 = tpu.vector_load %arg6[%get3A_451, %get3A_452] {strides = array<i32>} : memref<8x512xf32, #tpu.memory_space<vmem>>, vector<16xf32>,
      %get3A_454 = arith.constant 2 : i32
      %get3A_455 = arith.index_cast %get3A_454 : i32 to index
      %get3A_456 = arith.constant 64 : index
      %get3A_457 = tpu.vector_load %arg6[%get3A_455, %get3A_456] {strides = array<i32>} : memref<8x512xf32, #tpu.memory_space<vmem>>, vector<16xf32>,
      %get3A_458 = arith.constant 0 : i32
      %get3A_459 = arith.index_cast %get3A_458 : i32 to index
      %get3A_460 = arith.constant 64 : index
      %get3A_461 = tpu.vector_load %arg8[%get3A_459, %get3A_460] {strides = array<i32>} : memref<8x512xf32, #tpu.memory_space<vmem>>, vector<16xf32>,
      %get3A_462 = arith.constant 2 : i32
      %get3A_463 = arith.index_cast %get3A_462 : i32 to index
      %get3A_464 = arith.constant 64 : index
      %get3A_465 = tpu.vector_load %arg8[%get3A_463, %get3A_464] {strides = array<i32>} : memref<8x512xf32, #tpu.memory_space<vmem>>, vector<16xf32>,
      %sub3A_466 = arith.subf %get3A_461, %get3A_453 : vector<16xf32>
      %sub3A_467 = arith.subf %get3A_465, %get3A_457 : vector<16xf32>
      %get3A_468 = arith.constant 0 : i32
      %get3A_469 = arith.index_cast %get3A_468 : i32 to index
      %get3A_470 = arith.constant 80 : index
      %get3A_471 = tpu.vector_load %arg6[%get3A_469, %get3A_470] {strides = array<i32>} : memref<8x512xf32, #tpu.memory_space<vmem>>, vector<16xf32>,
      %get3A_472 = arith.constant 2 : i32
      %get3A_473 = arith.index_cast %get3A_472 : i32 to index
      %get3A_474 = arith.constant 80 : index
      %get3A_475 = tpu.vector_load %arg6[%get3A_473, %get3A_474] {strides = array<i32>} : memref<8x512xf32, #tpu.memory_space<vmem>>, vector<16xf32>,
      %get3A_476 = arith.constant 0 : i32
      %get3A_477 = arith.index_cast %get3A_476 : i32 to index
      %get3A_478 = arith.constant 80 : index
      %get3A_479 = tpu.vector_load %arg8[%get3A_477, %get3A_478] {strides = array<i32>} : memref<8x512xf32, #tpu.memory_space<vmem>>, vector<16xf32>,
      %get3A_480 = arith.constant 2 : i32
      %get3A_481 = arith.index_cast %get3A_480 : i32 to index
      %get3A_482 = arith.constant 80 : index
      %get3A_483 = tpu.vector_load %arg8[%get3A_481, %get3A_482] {strides = array<i32>} : memref<8x512xf32, #tpu.memory_space<vmem>>, vector<16xf32>,
      %sub3A_484 = arith.subf %get3A_479, %get3A_471 : vector<16xf32>
      %sub3A_485 = arith.subf %get3A_483, %get3A_475 : vector<16xf32>
      %get3A_486 = arith.constant 0 : i32
      %get3A_487 = arith.index_cast %get3A_486 : i32 to index
      %get3A_488 = arith.constant 96 : index
      %get3A_489 = tpu.vector_load %arg6[%get3A_487, %get3A_488] {strides = array<i32>} : memref<8x512xf32, #tpu.memory_space<vmem>>, vector<16xf32>,
      %get3A_490 = arith.constant 2 : i32
      %get3A_491 = arith.index_cast %get3A_490 : i32 to index
      %get3A_492 = arith.constant 96 : index
      %get3A_493 = tpu.vector_load %arg6[%get3A_491, %get3A_492] {strides = array<i32>} : memref<8x512xf32, #tpu.memory_space<vmem>>, vector<16xf32>,
      %get3A_494 = arith.constant 0 : i32
      %get3A_495 = arith.index_cast %get3A_494 : i32 to index
      %get3A_496 = arith.constant 96 : index
      %get3A_497 = tpu.vector_load %arg8[%get3A_495, %get3A_496] {strides = array<i32>} : memref<8x512xf32, #tpu.memory_space<vmem>>, vector<16xf32>,
      %get3A_498 = arith.constant 2 : i32
      %get3A_499 = arith.index_cast %get3A_498 : i32 to index
      %get3A_500 = arith.constant 96 : index
      %get3A_501 = tpu.vector_load %arg8[%get3A_499, %get3A_500] {strides = array<i32>} : memref<8x512xf32, #tpu.memory_space<vmem>>, vector<16xf32>,
      %sub3A_502 = arith.subf %get3A_497, %get3A_489 : vector<16xf32>
      %sub3A_503 = arith.subf %get3A_501, %get3A_493 : vector<16xf32>
      %get3A_504 = arith.constant 0 : i32
      %get3A_505 = arith.index_cast %get3A_504 : i32 to index
      %get3A_506 = arith.constant 112 : index
      %get3A_507 = tpu.vector_load %arg6[%get3A_505, %get3A_506] {strides = array<i32>} : memref<8x512xf32, #tpu.memory_space<vmem>>, vector<16xf32>,
      %get3A_508 = arith.constant 2 : i32
      %get3A_509 = arith.index_cast %get3A_508 : i32 to index
      %get3A_510 = arith.constant 112 : index
      %get3A_511 = tpu.vector_load %arg6[%get3A_509, %get3A_510] {strides = array<i32>} : memref<8x512xf32, #tpu.memory_space<vmem>>, vector<16xf32>,
      %get3A_512 = arith.constant 0 : i32
      %get3A_513 = arith.index_cast %get3A_512 : i32 to index
      %get3A_514 = arith.constant 112 : index
      %get3A_515 = tpu.vector_load %arg8[%get3A_513, %get3A_514] {strides = array<i32>} : memref<8x512xf32, #tpu.memory_space<vmem>>, vector<16xf32>,
      %get3A_516 = arith.constant 2 : i32
      %get3A_517 = arith.index_cast %get3A_516 : i32 to index
      %get3A_518 = arith.constant 112 : index
      %get3A_519 = tpu.vector_load %arg8[%get3A_517, %get3A_518] {strides = array<i32>} : memref<8x512xf32, #tpu.memory_space<vmem>>, vector<16xf32>,
      %sub3A_520 = arith.subf %get3A_515, %get3A_507 : vector<16xf32>
      %sub3A_521 = arith.subf %get3A_519, %get3A_511 : vector<16xf32>
      %mul3A_522 = arith.mulf %sub3A, %sub3A : vector<16xf32>
      %mul3A_523 = arith.mulf %sub3A_395, %sub3A_395 : vector<16xf32>
      %add3A_524 = arith.addf %mul3A_522, %mul3A_523 : vector<16xf32>
      %mul3A_525 = arith.mulf %sub3A_412, %sub3A_412 : vector<16xf32>
      %mul3A_526 = arith.mulf %sub3A_413, %sub3A_413 : vector<16xf32>
      %add3A_527 = arith.addf %mul3A_525, %mul3A_526 : vector<16xf32>
      %mul3A_528 = arith.mulf %sub3A_430, %sub3A_430 : vector<16xf32>
      %mul3A_529 = arith.mulf %sub3A_431, %sub3A_431 : vector<16xf32>
      %add3A_530 = arith.addf %mul3A_528, %mul3A_529 : vector<16xf32>
      %mul3A_531 = arith.mulf %sub3A_448, %sub3A_448 : vector<16xf32>
      %mul3A_532 = arith.mulf %sub3A_449, %sub3A_449 : vector<16xf32>
      %add3A_533 = arith.addf %mul3A_531, %mul3A_532 : vector<16xf32>
      %mul3A_534 = arith.mulf %sub3A_466, %sub3A_466 : vector<16xf32>
      %mul3A_535 = arith.mulf %sub3A_467, %sub3A_467 : vector<16xf32>
      %add3A_536 = arith.addf %mul3A_534, %mul3A_535 : vector<16xf32>
      %mul3A_537 = arith.mulf %sub3A_484, %sub3A_484 : vector<16xf32>
      %mul3A_538 = arith.mulf %sub3A_485, %sub3A_485 : vector<16xf32>
      %add3A_539 = arith.addf %mul3A_537, %mul3A_538 : vector<16xf32>
      %mul3A_540 = arith.mulf %sub3A_502, %sub3A_502 : vector<16xf32>
      %mul3A_541 = arith.mulf %sub3A_503, %sub3A_503 : vector<16xf32>
      %add3A_542 = arith.addf %mul3A_540, %mul3A_541 : vector<16xf32>
      %mul3A_543 = arith.mulf %sub3A_520, %sub3A_520 : vector<16xf32>
      %mul3A_544 = arith.mulf %sub3A_521, %sub3A_521 : vector<16xf32>
      %add3A_545 = arith.addf %mul3A_543, %mul3A_544 : vector<16xf32>
      %broadcast_in_dim3A = arith.constant 0 : i32
      %broadcast_in_dim3A_546 = vector.broadcast %broadcast_in_dim3A : i32 to vector<16xi32>
      %ge3A = arith.constant 0.00999999977 : f32
      %ge3A_547 = vector.broadcast %ge3A : f32 to vector<16xf32>
      %ge3A_548 = arith.cmpf oge, %add3A_524, %ge3A_547 : vector<16xf32>
      %convert_element_type3A_549 = arith.extui %ge3A_548 : vector<16xi1> to vector<16xi32>
      %add3A_550 = arith.addi %broadcast_in_dim3A_546, %convert_element_type3A_549 : vector<16xi32>
      %ge3A_551 = arith.constant 4.000000e-02 : f32
      %ge3A_552 = vector.broadcast %ge3A_551 : f32 to vector<16xf32>
      %ge3A_553 = arith.cmpf oge, %add3A_524, %ge3A_552 : vector<16xf32>
      %convert_element_type3A_554 = arith.extui %ge3A_553 : vector<16xi1> to vector<16xi32>
      %add3A_555 = arith.addi %add3A_550, %convert_element_type3A_554 : vector<16xi32>
      %ge3A_556 = arith.constant 9.000000e-02 : f32
      %ge3A_557 = vector.broadcast %ge3A_556 : f32 to vector<16xf32>
      %ge3A_558 = arith.cmpf oge, %add3A_524, %ge3A_557 : vector<16xf32>
      %convert_element_type3A_559 = arith.extui %ge3A_558 : vector<16xi1> to vector<16xi32>
      %add3A_560 = arith.addi %add3A_555, %convert_element_type3A_559 : vector<16xi32>
      %ge3A_561 = arith.constant 1.600000e-01 : f32
      %ge3A_562 = vector.broadcast %ge3A_561 : f32 to vector<16xf32>
      %ge3A_563 = arith.cmpf oge, %add3A_524, %ge3A_562 : vector<16xf32>
      %convert_element_type3A_564 = arith.extui %ge3A_563 : vector<16xi1> to vector<16xi32>
      %add3A_565 = arith.addi %add3A_560, %convert_element_type3A_564 : vector<16xi32>
      %ge3A_566 = arith.constant 2.500000e-01 : f32
      %ge3A_567 = vector.broadcast %ge3A_566 : f32 to vector<16xf32>
      %ge3A_568 = arith.cmpf oge, %add3A_524, %ge3A_567 : vector<16xf32>
      %convert_element_type3A_569 = arith.extui %ge3A_568 : vector<16xi1> to vector<16xi32>
      %add3A_570 = arith.addi %add3A_565, %convert_element_type3A_569 : vector<16xi32>
      %ge3A_571 = arith.constant 3.600000e-01 : f32
      %ge3A_572 = vector.broadcast %ge3A_571 : f32 to vector<16xf32>
      %ge3A_573 = arith.cmpf oge, %add3A_524, %ge3A_572 : vector<16xf32>
      %convert_element_type3A_574 = arith.extui %ge3A_573 : vector<16xi1> to vector<16xi32>
      %add3A_575 = arith.addi %add3A_570, %convert_element_type3A_574 : vector<16xi32>
      %ge3A_576 = arith.constant 0.48999995 : f32
      %ge3A_577 = vector.broadcast %ge3A_576 : f32 to vector<16xf32>
      %ge3A_578 = arith.cmpf oge, %add3A_524, %ge3A_577 : vector<16xf32>
      %convert_element_type3A_579 = arith.extui %ge3A_578 : vector<16xi1> to vector<16xi32>
      %add3A_580 = arith.addi %add3A_575, %convert_element_type3A_579 : vector<16xi32>
      %ge3A_581 = arith.constant 6.400000e-01 : f32
      %ge3A_582 = vector.broadcast %ge3A_581 : f32 to vector<16xf32>
      %ge3A_583 = arith.cmpf oge, %add3A_524, %ge3A_582 : vector<16xf32>
      %convert_element_type3A_584 = arith.extui %ge3A_583 : vector<16xi1> to vector<16xi32>
      %add3A_585 = arith.addi %add3A_580, %convert_element_type3A_584 : vector<16xi32>
      %ge3A_586 = arith.constant 0.809999942 : f32
      %ge3A_587 = vector.broadcast %ge3A_586 : f32 to vector<16xf32>
      %ge3A_588 = arith.cmpf oge, %add3A_524, %ge3A_587 : vector<16xf32>
      %convert_element_type3A_589 = arith.extui %ge3A_588 : vector<16xi1> to vector<16xi32>
      %add3A_590 = arith.addi %add3A_585, %convert_element_type3A_589 : vector<16xi32>
      %broadcast_in_dim3A_591 = arith.constant 0 : i32
      %broadcast_in_dim3A_592 = vector.broadcast %broadcast_in_dim3A_591 : i32 to vector<16xi32>
      %ge3A_593 = arith.constant 0.00999999977 : f32
      %ge3A_594 = vector.broadcast %ge3A_593 : f32 to vector<16xf32>
      %ge3A_595 = arith.cmpf oge, %add3A_527, %ge3A_594 : vector<16xf32>
      %convert_element_type3A_596 = arith.extui %ge3A_595 : vector<16xi1> to vector<16xi32>
      %add3A_597 = arith.addi %broadcast_in_dim3A_592, %convert_element_type3A_596 : vector<16xi32>
      %ge3A_598 = arith.constant 4.000000e-02 : f32
      %ge3A_599 = vector.broadcast %ge3A_598 : f32 to vector<16xf32>
      %ge3A_600 = arith.cmpf oge, %add3A_527, %ge3A_599 : vector<16xf32>
      %convert_element_type3A_601 = arith.extui %ge3A_600 : vector<16xi1> to vector<16xi32>
      %add3A_602 = arith.addi %add3A_597, %convert_element_type3A_601 : vector<16xi32>
      %ge3A_603 = arith.constant 9.000000e-02 : f32
      %ge3A_604 = vector.broadcast %ge3A_603 : f32 to vector<16xf32>
      %ge3A_605 = arith.cmpf oge, %add3A_527, %ge3A_604 : vector<16xf32>
      %convert_element_type3A_606 = arith.extui %ge3A_605 : vector<16xi1> to vector<16xi32>
      %add3A_607 = arith.addi %add3A_602, %convert_element_type3A_606 : vector<16xi32>
      %ge3A_608 = arith.constant 1.600000e-01 : f32
      %ge3A_609 = vector.broadcast %ge3A_608 : f32 to vector<16xf32>
      %ge3A_610 = arith.cmpf oge, %add3A_527, %ge3A_609 : vector<16xf32>
      %convert_element_type3A_611 = arith.extui %ge3A_610 : vector<16xi1> to vector<16xi32>
      %add3A_612 = arith.addi %add3A_607, %convert_element_type3A_611 : vector<16xi32>
      %ge3A_613 = arith.constant 2.500000e-01 : f32
      %ge3A_614 = vector.broadcast %ge3A_613 : f32 to vector<16xf32>
      %ge3A_615 = arith.cmpf oge, %add3A_527, %ge3A_614 : vector<16xf32>
      %convert_element_type3A_616 = arith.extui %ge3A_615 : vector<16xi1> to vector<16xi32>
      %add3A_617 = arith.addi %add3A_612, %convert_element_type3A_616 : vector<16xi32>
      %ge3A_618 = arith.constant 3.600000e-01 : f32
      %ge3A_619 = vector.broadcast %ge3A_618 : f32 to vector<16xf32>
      %ge3A_620 = arith.cmpf oge, %add3A_527, %ge3A_619 : vector<16xf32>
      %convert_element_type3A_621 = arith.extui %ge3A_620 : vector<16xi1> to vector<16xi32>
      %add3A_622 = arith.addi %add3A_617, %convert_element_type3A_621 : vector<16xi32>
      %ge3A_623 = arith.constant 0.48999995 : f32
      %ge3A_624 = vector.broadcast %ge3A_623 : f32 to vector<16xf32>
      %ge3A_625 = arith.cmpf oge, %add3A_527, %ge3A_624 : vector<16xf32>
      %convert_element_type3A_626 = arith.extui %ge3A_625 : vector<16xi1> to vector<16xi32>
      %add3A_627 = arith.addi %add3A_622, %convert_element_type3A_626 : vector<16xi32>
      %ge3A_628 = arith.constant 6.400000e-01 : f32
      %ge3A_629 = vector.broadcast %ge3A_628 : f32 to vector<16xf32>
      %ge3A_630 = arith.cmpf oge, %add3A_527, %ge3A_629 : vector<16xf32>
      %convert_element_type3A_631 = arith.extui %ge3A_630 : vector<16xi1> to vector<16xi32>
      %add3A_632 = arith.addi %add3A_627, %convert_element_type3A_631 : vector<16xi32>
      %ge3A_633 = arith.constant 0.809999942 : f32
      %ge3A_634 = vector.broadcast %ge3A_633 : f32 to vector<16xf32>
      %ge3A_635 = arith.cmpf oge, %add3A_527, %ge3A_634 : vector<16xf32>
      %convert_element_type3A_636 = arith.extui %ge3A_635 : vector<16xi1> to vector<16xi32>
      %add3A_637 = arith.addi %add3A_632, %convert_element_type3A_636 : vector<16xi32>
      %broadcast_in_dim3A_638 = arith.constant 0 : i32
      %broadcast_in_dim3A_639 = vector.broadcast %broadcast_in_dim3A_638 : i32 to vector<16xi32>
      %ge3A_640 = arith.constant 0.00999999977 : f32
      %ge3A_641 = vector.broadcast %ge3A_640 : f32 to vector<16xf32>
      %ge3A_642 = arith.cmpf oge, %add3A_530, %ge3A_641 : vector<16xf32>
      %convert_element_type3A_643 = arith.extui %ge3A_642 : vector<16xi1> to vector<16xi32>
      %add3A_644 = arith.addi %broadcast_in_dim3A_639, %convert_element_type3A_643 : vector<16xi32>
      %ge3A_645 = arith.constant 4.000000e-02 : f32
      %ge3A_646 = vector.broadcast %ge3A_645 : f32 to vector<16xf32>
      %ge3A_647 = arith.cmpf oge, %add3A_530, %ge3A_646 : vector<16xf32>
      %convert_element_type3A_648 = arith.extui %ge3A_647 : vector<16xi1> to vector<16xi32>
      %add3A_649 = arith.addi %add3A_644, %convert_element_type3A_648 : vector<16xi32>
      %ge3A_650 = arith.constant 9.000000e-02 : f32
      %ge3A_651 = vector.broadcast %ge3A_650 : f32 to vector<16xf32>
      %ge3A_652 = arith.cmpf oge, %add3A_530, %ge3A_651 : vector<16xf32>
      %convert_element_type3A_653 = arith.extui %ge3A_652 : vector<16xi1> to vector<16xi32>
      %add3A_654 = arith.addi %add3A_649, %convert_element_type3A_653 : vector<16xi32>
      %ge3A_655 = arith.constant 1.600000e-01 : f32
      %ge3A_656 = vector.broadcast %ge3A_655 : f32 to vector<16xf32>
      %ge3A_657 = arith.cmpf oge, %add3A_530, %ge3A_656 : vector<16xf32>
      %convert_element_type3A_658 = arith.extui %ge3A_657 : vector<16xi1> to vector<16xi32>
      %add3A_659 = arith.addi %add3A_654, %convert_element_type3A_658 : vector<16xi32>
      %ge3A_660 = arith.constant 2.500000e-01 : f32
      %ge3A_661 = vector.broadcast %ge3A_660 : f32 to vector<16xf32>
      %ge3A_662 = arith.cmpf oge, %add3A_530, %ge3A_661 : vector<16xf32>
      %convert_element_type3A_663 = arith.extui %ge3A_662 : vector<16xi1> to vector<16xi32>
      %add3A_664 = arith.addi %add3A_659, %convert_element_type3A_663 : vector<16xi32>
      %ge3A_665 = arith.constant 3.600000e-01 : f32
      %ge3A_666 = vector.broadcast %ge3A_665 : f32 to vector<16xf32>
      %ge3A_667 = arith.cmpf oge, %add3A_530, %ge3A_666 : vector<16xf32>
      %convert_element_type3A_668 = arith.extui %ge3A_667 : vector<16xi1> to vector<16xi32>
      %add3A_669 = arith.addi %add3A_664, %convert_element_type3A_668 : vector<16xi32>
      %ge3A_670 = arith.constant 0.48999995 : f32
      %ge3A_671 = vector.broadcast %ge3A_670 : f32 to vector<16xf32>
      %ge3A_672 = arith.cmpf oge, %add3A_530, %ge3A_671 : vector<16xf32>
      %convert_element_type3A_673 = arith.extui %ge3A_672 : vector<16xi1> to vector<16xi32>
      %add3A_674 = arith.addi %add3A_669, %convert_element_type3A_673 : vector<16xi32>
      %ge3A_675 = arith.constant 6.400000e-01 : f32
      %ge3A_676 = vector.broadcast %ge3A_675 : f32 to vector<16xf32>
      %ge3A_677 = arith.cmpf oge, %add3A_530, %ge3A_676 : vector<16xf32>
      %convert_element_type3A_678 = arith.extui %ge3A_677 : vector<16xi1> to vector<16xi32>
      %add3A_679 = arith.addi %add3A_674, %convert_element_type3A_678 : vector<16xi32>
      %ge3A_680 = arith.constant 0.809999942 : f32
      %ge3A_681 = vector.broadcast %ge3A_680 : f32 to vector<16xf32>
      %ge3A_682 = arith.cmpf oge, %add3A_530, %ge3A_681 : vector<16xf32>
      %convert_element_type3A_683 = arith.extui %ge3A_682 : vector<16xi1> to vector<16xi32>
      %add3A_684 = arith.addi %add3A_679, %convert_element_type3A_683 : vector<16xi32>
      %broadcast_in_dim3A_685 = arith.constant 0 : i32
      %broadcast_in_dim3A_686 = vector.broadcast %broadcast_in_dim3A_685 : i32 to vector<16xi32>
      %ge3A_687 = arith.constant 0.00999999977 : f32
      %ge3A_688 = vector.broadcast %ge3A_687 : f32 to vector<16xf32>
      %ge3A_689 = arith.cmpf oge, %add3A_533, %ge3A_688 : vector<16xf32>
      %convert_element_type3A_690 = arith.extui %ge3A_689 : vector<16xi1> to vector<16xi32>
      %add3A_691 = arith.addi %broadcast_in_dim3A_686, %convert_element_type3A_690 : vector<16xi32>
      %ge3A_692 = arith.constant 4.000000e-02 : f32
      %ge3A_693 = vector.broadcast %ge3A_692 : f32 to vector<16xf32>
      %ge3A_694 = arith.cmpf oge, %add3A_533, %ge3A_693 : vector<16xf32>
      %convert_element_type3A_695 = arith.extui %ge3A_694 : vector<16xi1> to vector<16xi32>
      %add3A_696 = arith.addi %add3A_691, %convert_element_type3A_695 : vector<16xi32>
      %ge3A_697 = arith.constant 9.000000e-02 : f32
      %ge3A_698 = vector.broadcast %ge3A_697 : f32 to vector<16xf32>
      %ge3A_699 = arith.cmpf oge, %add3A_533, %ge3A_698 : vector<16xf32>
      %convert_element_type3A_700 = arith.extui %ge3A_699 : vector<16xi1> to vector<16xi32>
      %add3A_701 = arith.addi %add3A_696, %convert_element_type3A_700 : vector<16xi32>
      %ge3A_702 = arith.constant 1.600000e-01 : f32
      %ge3A_703 = vector.broadcast %ge3A_702 : f32 to vector<16xf32>
      %ge3A_704 = arith.cmpf oge, %add3A_533, %ge3A_703 : vector<16xf32>
      %convert_element_type3A_705 = arith.extui %ge3A_704 : vector<16xi1> to vector<16xi32>
      %add3A_706 = arith.addi %add3A_701, %convert_element_type3A_705 : vector<16xi32>
      %ge3A_707 = arith.constant 2.500000e-01 : f32
      %ge3A_708 = vector.broadcast %ge3A_707 : f32 to vector<16xf32>
      %ge3A_709 = arith.cmpf oge, %add3A_533, %ge3A_708 : vector<16xf32>
      %convert_element_type3A_710 = arith.extui %ge3A_709 : vector<16xi1> to vector<16xi32>
      %add3A_711 = arith.addi %add3A_706, %convert_element_type3A_710 : vector<16xi32>
      %ge3A_712 = arith.constant 3.600000e-01 : f32
      %ge3A_713 = vector.broadcast %ge3A_712 : f32 to vector<16xf32>
      %ge3A_714 = arith.cmpf oge, %add3A_533, %ge3A_713 : vector<16xf32>
      %convert_element_type3A_715 = arith.extui %ge3A_714 : vector<16xi1> to vector<16xi32>
      %add3A_716 = arith.addi %add3A_711, %convert_element_type3A_715 : vector<16xi32>
      %ge3A_717 = arith.constant 0.48999995 : f32
      %ge3A_718 = vector.broadcast %ge3A_717 : f32 to vector<16xf32>
      %ge3A_719 = arith.cmpf oge, %add3A_533, %ge3A_718 : vector<16xf32>
      %convert_element_type3A_720 = arith.extui %ge3A_719 : vector<16xi1> to vector<16xi32>
      %add3A_721 = arith.addi %add3A_716, %convert_element_type3A_720 : vector<16xi32>
      %ge3A_722 = arith.constant 6.400000e-01 : f32
      %ge3A_723 = vector.broadcast %ge3A_722 : f32 to vector<16xf32>
      %ge3A_724 = arith.cmpf oge, %add3A_533, %ge3A_723 : vector<16xf32>
      %convert_element_type3A_725 = arith.extui %ge3A_724 : vector<16xi1> to vector<16xi32>
      %add3A_726 = arith.addi %add3A_721, %convert_element_type3A_725 : vector<16xi32>
      %ge3A_727 = arith.constant 0.809999942 : f32
      %ge3A_728 = vector.broadcast %ge3A_727 : f32 to vector<16xf32>
      %ge3A_729 = arith.cmpf oge, %add3A_533, %ge3A_728 : vector<16xf32>
      %convert_element_type3A_730 = arith.extui %ge3A_729 : vector<16xi1> to vector<16xi32>
      %add3A_731 = arith.addi %add3A_726, %convert_element_type3A_730 : vector<16xi32>
      %broadcast_in_dim3A_732 = arith.constant 0 : i32
      %broadcast_in_dim3A_733 = vector.broadcast %broadcast_in_dim3A_732 : i32 to vector<16xi32>
      %ge3A_734 = arith.constant 0.00999999977 : f32
      %ge3A_735 = vector.broadcast %ge3A_734 : f32 to vector<16xf32>
      %ge3A_736 = arith.cmpf oge, %add3A_536, %ge3A_735 : vector<16xf32>
      %convert_element_type3A_737 = arith.extui %ge3A_736 : vector<16xi1> to vector<16xi32>
      %add3A_738 = arith.addi %broadcast_in_dim3A_733, %convert_element_type3A_737 : vector<16xi32>
      %ge3A_739 = arith.constant 4.000000e-02 : f32
      %ge3A_740 = vector.broadcast %ge3A_739 : f32 to vector<16xf32>
      %ge3A_741 = arith.cmpf oge, %add3A_536, %ge3A_740 : vector<16xf32>
      %convert_element_type3A_742 = arith.extui %ge3A_741 : vector<16xi1> to vector<16xi32>
      %add3A_743 = arith.addi %add3A_738, %convert_element_type3A_742 : vector<16xi32>
      %ge3A_744 = arith.constant 9.000000e-02 : f32
      %ge3A_745 = vector.broadcast %ge3A_744 : f32 to vector<16xf32>
      %ge3A_746 = arith.cmpf oge, %add3A_536, %ge3A_745 : vector<16xf32>
      %convert_element_type3A_747 = arith.extui %ge3A_746 : vector<16xi1> to vector<16xi32>
      %add3A_748 = arith.addi %add3A_743, %convert_element_type3A_747 : vector<16xi32>
      %ge3A_749 = arith.constant 1.600000e-01 : f32
      %ge3A_750 = vector.broadcast %ge3A_749 : f32 to vector<16xf32>
      %ge3A_751 = arith.cmpf oge, %add3A_536, %ge3A_750 : vector<16xf32>
      %convert_element_type3A_752 = arith.extui %ge3A_751 : vector<16xi1> to vector<16xi32>
      %add3A_753 = arith.addi %add3A_748, %convert_element_type3A_752 : vector<16xi32>
      %ge3A_754 = arith.constant 2.500000e-01 : f32
      %ge3A_755 = vector.broadcast %ge3A_754 : f32 to vector<16xf32>
      %ge3A_756 = arith.cmpf oge, %add3A_536, %ge3A_755 : vector<16xf32>
      %convert_element_type3A_757 = arith.extui %ge3A_756 : vector<16xi1> to vector<16xi32>
      %add3A_758 = arith.addi %add3A_753, %convert_element_type3A_757 : vector<16xi32>
      %ge3A_759 = arith.constant 3.600000e-01 : f32
      %ge3A_760 = vector.broadcast %ge3A_759 : f32 to vector<16xf32>
      %ge3A_761 = arith.cmpf oge, %add3A_536, %ge3A_760 : vector<16xf32>
      %convert_element_type3A_762 = arith.extui %ge3A_761 : vector<16xi1> to vector<16xi32>
      %add3A_763 = arith.addi %add3A_758, %convert_element_type3A_762 : vector<16xi32>
      %ge3A_764 = arith.constant 0.48999995 : f32
      %ge3A_765 = vector.broadcast %ge3A_764 : f32 to vector<16xf32>
      %ge3A_766 = arith.cmpf oge, %add3A_536, %ge3A_765 : vector<16xf32>
      %convert_element_type3A_767 = arith.extui %ge3A_766 : vector<16xi1> to vector<16xi32>
      %add3A_768 = arith.addi %add3A_763, %convert_element_type3A_767 : vector<16xi32>
      %ge3A_769 = arith.constant 6.400000e-01 : f32
      %ge3A_770 = vector.broadcast %ge3A_769 : f32 to vector<16xf32>
      %ge3A_771 = arith.cmpf oge, %add3A_536, %ge3A_770 : vector<16xf32>
      %convert_element_type3A_772 = arith.extui %ge3A_771 : vector<16xi1> to vector<16xi32>
      %add3A_773 = arith.addi %add3A_768, %convert_element_type3A_772 : vector<16xi32>
      %ge3A_774 = arith.constant 0.809999942 : f32
      %ge3A_775 = vector.broadcast %ge3A_774 : f32 to vector<16xf32>
      %ge3A_776 = arith.cmpf oge, %add3A_536, %ge3A_775 : vector<16xf32>
      %convert_element_type3A_777 = arith.extui %ge3A_776 : vector<16xi1> to vector<16xi32>
      %add3A_778 = arith.addi %add3A_773, %convert_element_type3A_777 : vector<16xi32>
      %broadcast_in_dim3A_779 = arith.constant 0 : i32
      %broadcast_in_dim3A_780 = vector.broadcast %broadcast_in_dim3A_779 : i32 to vector<16xi32>
      %ge3A_781 = arith.constant 0.00999999977 : f32
      %ge3A_782 = vector.broadcast %ge3A_781 : f32 to vector<16xf32>
      %ge3A_783 = arith.cmpf oge, %add3A_539, %ge3A_782 : vector<16xf32>
      %convert_element_type3A_784 = arith.extui %ge3A_783 : vector<16xi1> to vector<16xi32>
      %add3A_785 = arith.addi %broadcast_in_dim3A_780, %convert_element_type3A_784 : vector<16xi32>
      %ge3A_786 = arith.constant 4.000000e-02 : f32
      %ge3A_787 = vector.broadcast %ge3A_786 : f32 to vector<16xf32>
      %ge3A_788 = arith.cmpf oge, %add3A_539, %ge3A_787 : vector<16xf32>
      %convert_element_type3A_789 = arith.extui %ge3A_788 : vector<16xi1> to vector<16xi32>
      %add3A_790 = arith.addi %add3A_785, %convert_element_type3A_789 : vector<16xi32>
      %ge3A_791 = arith.constant 9.000000e-02 : f32
      %ge3A_792 = vector.broadcast %ge3A_791 : f32 to vector<16xf32>
      %ge3A_793 = arith.cmpf oge, %add3A_539, %ge3A_792 : vector<16xf32>
      %convert_element_type3A_794 = arith.extui %ge3A_793 : vector<16xi1> to vector<16xi32>
      %add3A_795 = arith.addi %add3A_790, %convert_element_type3A_794 : vector<16xi32>
      %ge3A_796 = arith.constant 1.600000e-01 : f32
      %ge3A_797 = vector.broadcast %ge3A_796 : f32 to vector<16xf32>
      %ge3A_798 = arith.cmpf oge, %add3A_539, %ge3A_797 : vector<16xf32>
      %convert_element_type3A_799 = arith.extui %ge3A_798 : vector<16xi1> to vector<16xi32>
      %add3A_800 = arith.addi %add3A_795, %convert_element_type3A_799 : vector<16xi32>
      %ge3A_801 = arith.constant 2.500000e-01 : f32
      %ge3A_802 = vector.broadcast %ge3A_801 : f32 to vector<16xf32>
      %ge3A_803 = arith.cmpf oge, %add3A_539, %ge3A_802 : vector<16xf32>
      %convert_element_type3A_804 = arith.extui %ge3A_803 : vector<16xi1> to vector<16xi32>
      %add3A_805 = arith.addi %add3A_800, %convert_element_type3A_804 : vector<16xi32>
      %ge3A_806 = arith.constant 3.600000e-01 : f32
      %ge3A_807 = vector.broadcast %ge3A_806 : f32 to vector<16xf32>
      %ge3A_808 = arith.cmpf oge, %add3A_539, %ge3A_807 : vector<16xf32>
      %convert_element_type3A_809 = arith.extui %ge3A_808 : vector<16xi1> to vector<16xi32>
      %add3A_810 = arith.addi %add3A_805, %convert_element_type3A_809 : vector<16xi32>
      %ge3A_811 = arith.constant 0.48999995 : f32
      %ge3A_812 = vector.broadcast %ge3A_811 : f32 to vector<16xf32>
      %ge3A_813 = arith.cmpf oge, %add3A_539, %ge3A_812 : vector<16xf32>
      %convert_element_type3A_814 = arith.extui %ge3A_813 : vector<16xi1> to vector<16xi32>
      %add3A_815 = arith.addi %add3A_810, %convert_element_type3A_814 : vector<16xi32>
      %ge3A_816 = arith.constant 6.400000e-01 : f32
      %ge3A_817 = vector.broadcast %ge3A_816 : f32 to vector<16xf32>
      %ge3A_818 = arith.cmpf oge, %add3A_539, %ge3A_817 : vector<16xf32>
      %convert_element_type3A_819 = arith.extui %ge3A_818 : vector<16xi1> to vector<16xi32>
      %add3A_820 = arith.addi %add3A_815, %convert_element_type3A_819 : vector<16xi32>
      %ge3A_821 = arith.constant 0.809999942 : f32
      %ge3A_822 = vector.broadcast %ge3A_821 : f32 to vector<16xf32>
      %ge3A_823 = arith.cmpf oge, %add3A_539, %ge3A_822 : vector<16xf32>
      %convert_element_type3A_824 = arith.extui %ge3A_823 : vector<16xi1> to vector<16xi32>
      %add3A_825 = arith.addi %add3A_820, %convert_element_type3A_824 : vector<16xi32>
      %broadcast_in_dim3A_826 = arith.constant 0 : i32
      %broadcast_in_dim3A_827 = vector.broadcast %broadcast_in_dim3A_826 : i32 to vector<16xi32>
      %ge3A_828 = arith.constant 0.00999999977 : f32
      %ge3A_829 = vector.broadcast %ge3A_828 : f32 to vector<16xf32>
      %ge3A_830 = arith.cmpf oge, %add3A_542, %ge3A_829 : vector<16xf32>
      %convert_element_type3A_831 = arith.extui %ge3A_830 : vector<16xi1> to vector<16xi32>
      %add3A_832 = arith.addi %broadcast_in_dim3A_827, %convert_element_type3A_831 : vector<16xi32>
      %ge3A_833 = arith.constant 4.000000e-02 : f32
      %ge3A_834 = vector.broadcast %ge3A_833 : f32 to vector<16xf32>
      %ge3A_835 = arith.cmpf oge, %add3A_542, %ge3A_834 : vector<16xf32>
      %convert_element_type3A_836 = arith.extui %ge3A_835 : vector<16xi1> to vector<16xi32>
      %add3A_837 = arith.addi %add3A_832, %convert_element_type3A_836 : vector<16xi32>
      %ge3A_838 = arith.constant 9.000000e-02 : f32
      %ge3A_839 = vector.broadcast %ge3A_838 : f32 to vector<16xf32>
      %ge3A_840 = arith.cmpf oge, %add3A_542, %ge3A_839 : vector<16xf32>
      %convert_element_type3A_841 = arith.extui %ge3A_840 : vector<16xi1> to vector<16xi32>
      %add3A_842 = arith.addi %add3A_837, %convert_element_type3A_841 : vector<16xi32>
      %ge3A_843 = arith.constant 1.600000e-01 : f32
      %ge3A_844 = vector.broadcast %ge3A_843 : f32 to vector<16xf32>
      %ge3A_845 = arith.cmpf oge, %add3A_542, %ge3A_844 : vector<16xf32>
      %convert_element_type3A_846 = arith.extui %ge3A_845 : vector<16xi1> to vector<16xi32>
      %add3A_847 = arith.addi %add3A_842, %convert_element_type3A_846 : vector<16xi32>
      %ge3A_848 = arith.constant 2.500000e-01 : f32
      %ge3A_849 = vector.broadcast %ge3A_848 : f32 to vector<16xf32>
      %ge3A_850 = arith.cmpf oge, %add3A_542, %ge3A_849 : vector<16xf32>
      %convert_element_type3A_851 = arith.extui %ge3A_850 : vector<16xi1> to vector<16xi32>
      %add3A_852 = arith.addi %add3A_847, %convert_element_type3A_851 : vector<16xi32>
      %ge3A_853 = arith.constant 3.600000e-01 : f32
      %ge3A_854 = vector.broadcast %ge3A_853 : f32 to vector<16xf32>
      %ge3A_855 = arith.cmpf oge, %add3A_542, %ge3A_854 : vector<16xf32>
      %convert_element_type3A_856 = arith.extui %ge3A_855 : vector<16xi1> to vector<16xi32>
      %add3A_857 = arith.addi %add3A_852, %convert_element_type3A_856 : vector<16xi32>
      %ge3A_858 = arith.constant 0.48999995 : f32
      %ge3A_859 = vector.broadcast %ge3A_858 : f32 to vector<16xf32>
      %ge3A_860 = arith.cmpf oge, %add3A_542, %ge3A_859 : vector<16xf32>
      %convert_element_type3A_861 = arith.extui %ge3A_860 : vector<16xi1> to vector<16xi32>
      %add3A_862 = arith.addi %add3A_857, %convert_element_type3A_861 : vector<16xi32>
      %ge3A_863 = arith.constant 6.400000e-01 : f32
      %ge3A_864 = vector.broadcast %ge3A_863 : f32 to vector<16xf32>
      %ge3A_865 = arith.cmpf oge, %add3A_542, %ge3A_864 : vector<16xf32>
      %convert_element_type3A_866 = arith.extui %ge3A_865 : vector<16xi1> to vector<16xi32>
      %add3A_867 = arith.addi %add3A_862, %convert_element_type3A_866 : vector<16xi32>
      %ge3A_868 = arith.constant 0.809999942 : f32
      %ge3A_869 = vector.broadcast %ge3A_868 : f32 to vector<16xf32>
      %ge3A_870 = arith.cmpf oge, %add3A_542, %ge3A_869 : vector<16xf32>
      %convert_element_type3A_871 = arith.extui %ge3A_870 : vector<16xi1> to vector<16xi32>
      %add3A_872 = arith.addi %add3A_867, %convert_element_type3A_871 : vector<16xi32>
      %broadcast_in_dim3A_873 = arith.constant 0 : i32
      %broadcast_in_dim3A_874 = vector.broadcast %broadcast_in_dim3A_873 : i32 to vector<16xi32>
      %ge3A_875 = arith.constant 0.00999999977 : f32
      %ge3A_876 = vector.broadcast %ge3A_875 : f32 to vector<16xf32>
      %ge3A_877 = arith.cmpf oge, %add3A_545, %ge3A_876 : vector<16xf32>
      %convert_element_type3A_878 = arith.extui %ge3A_877 : vector<16xi1> to vector<16xi32>
      %add3A_879 = arith.addi %broadcast_in_dim3A_874, %convert_element_type3A_878 : vector<16xi32>
      %ge3A_880 = arith.constant 4.000000e-02 : f32
      %ge3A_881 = vector.broadcast %ge3A_880 : f32 to vector<16xf32>
      %ge3A_882 = arith.cmpf oge, %add3A_545, %ge3A_881 : vector<16xf32>
      %convert_element_type3A_883 = arith.extui %ge3A_882 : vector<16xi1> to vector<16xi32>
      %add3A_884 = arith.addi %add3A_879, %convert_element_type3A_883 : vector<16xi32>
      %ge3A_885 = arith.constant 9.000000e-02 : f32
      %ge3A_886 = vector.broadcast %ge3A_885 : f32 to vector<16xf32>
      %ge3A_887 = arith.cmpf oge, %add3A_545, %ge3A_886 : vector<16xf32>
      %convert_element_type3A_888 = arith.extui %ge3A_887 : vector<16xi1> to vector<16xi32>
      %add3A_889 = arith.addi %add3A_884, %convert_element_type3A_888 : vector<16xi32>
      %ge3A_890 = arith.constant 1.600000e-01 : f32
      %ge3A_891 = vector.broadcast %ge3A_890 : f32 to vector<16xf32>
      %ge3A_892 = arith.cmpf oge, %add3A_545, %ge3A_891 : vector<16xf32>
      %convert_element_type3A_893 = arith.extui %ge3A_892 : vector<16xi1> to vector<16xi32>
      %add3A_894 = arith.addi %add3A_889, %convert_element_type3A_893 : vector<16xi32>
      %ge3A_895 = arith.constant 2.500000e-01 : f32
      %ge3A_896 = vector.broadcast %ge3A_895 : f32 to vector<16xf32>
      %ge3A_897 = arith.cmpf oge, %add3A_545, %ge3A_896 : vector<16xf32>
      %convert_element_type3A_898 = arith.extui %ge3A_897 : vector<16xi1> to vector<16xi32>
      %add3A_899 = arith.addi %add3A_894, %convert_element_type3A_898 : vector<16xi32>
      %ge3A_900 = arith.constant 3.600000e-01 : f32
      %ge3A_901 = vector.broadcast %ge3A_900 : f32 to vector<16xf32>
      %ge3A_902 = arith.cmpf oge, %add3A_545, %ge3A_901 : vector<16xf32>
      %convert_element_type3A_903 = arith.extui %ge3A_902 : vector<16xi1> to vector<16xi32>
      %add3A_904 = arith.addi %add3A_899, %convert_element_type3A_903 : vector<16xi32>
      %ge3A_905 = arith.constant 0.48999995 : f32
      %ge3A_906 = vector.broadcast %ge3A_905 : f32 to vector<16xf32>
      %ge3A_907 = arith.cmpf oge, %add3A_545, %ge3A_906 : vector<16xf32>
      %convert_element_type3A_908 = arith.extui %ge3A_907 : vector<16xi1> to vector<16xi32>
      %add3A_909 = arith.addi %add3A_904, %convert_element_type3A_908 : vector<16xi32>
      %ge3A_910 = arith.constant 6.400000e-01 : f32
      %ge3A_911 = vector.broadcast %ge3A_910 : f32 to vector<16xf32>
      %ge3A_912 = arith.cmpf oge, %add3A_545, %ge3A_911 : vector<16xf32>
      %convert_element_type3A_913 = arith.extui %ge3A_912 : vector<16xi1> to vector<16xi32>
      %add3A_914 = arith.addi %add3A_909, %convert_element_type3A_913 : vector<16xi32>
      %ge3A_915 = arith.constant 0.809999942 : f32
      %ge3A_916 = vector.broadcast %ge3A_915 : f32 to vector<16xf32>
      %ge3A_917 = arith.cmpf oge, %add3A_545, %ge3A_916 : vector<16xf32>
      %convert_element_type3A_918 = arith.extui %ge3A_917 : vector<16xi1> to vector<16xi32>
      %add3A_919 = arith.addi %add3A_914, %convert_element_type3A_918 : vector<16xi32>
      %add3A_920 = arith.constant 0 : i32
      %add3A_921 = vector.broadcast %add3A_920 : i32 to vector<16xi32>
      %add3A_922 = arith.addi %iota3A, %add3A_921 : vector<16xi32>
      %gather3A = tpu.vector_load_idx %arg10[%add3A_590, %add3A_922] : memref<10x512xf32, #tpu.memory_space<vmem>>[vector<16xi32>, vector<16xi32>], vector<16xf32>,
      %swap3A = arith.constant 0 : index
      %swap3A_923 = tpu.vector_load %arg12[%swap3A] {strides = array<i32>} : memref<512xf32, #tpu.memory_space<vmem>>, vector<16xf32>,
      tpu.vector_store %arg12[%swap3A], %gather3A {strides = array<i32>} : memref<512xf32, #tpu.memory_space<vmem>>, vector<16xf32>,
      %add3A_924 = arith.constant 16 : i32
      %add3A_925 = vector.broadcast %add3A_924 : i32 to vector<16xi32>
      %add3A_926 = arith.addi %iota3A, %add3A_925 : vector<16xi32>
      %gather3A_927 = tpu.vector_load_idx %arg10[%add3A_637, %add3A_926] : memref<10x512xf32, #tpu.memory_space<vmem>>[vector<16xi32>, vector<16xi32>], vector<16xf32>,
      %swap3A_928 = arith.constant 16 : index
      %swap3A_929 = tpu.vector_load %arg12[%swap3A_928] {strides = array<i32>} : memref<512xf32, #tpu.memory_space<vmem>>, vector<16xf32>,
      tpu.vector_store %arg12[%swap3A_928], %gather3A_927 {strides = array<i32>} : memref<512xf32, #tpu.memory_space<vmem>>, vector<16xf32>,
      %add3A_930 = arith.constant 32 : i32
      %add3A_931 = vector.broadcast %add3A_930 : i32 to vector<16xi32>
      %add3A_932 = arith.addi %iota3A, %add3A_931 : vector<16xi32>
      %gather3A_933 = tpu.vector_load_idx %arg10[%add3A_684, %add3A_932] : memref<10x512xf32, #tpu.memory_space<vmem>>[vector<16xi32>, vector<16xi32>], vector<16xf32>,
      %swap3A_934 = arith.constant 32 : index
      %swap3A_935 = tpu.vector_load %arg12[%swap3A_934] {strides = array<i32>} : memref<512xf32, #tpu.memory_space<vmem>>, vector<16xf32>,
      tpu.vector_store %arg12[%swap3A_934], %gather3A_933 {strides = array<i32>} : memref<512xf32, #tpu.memory_space<vmem>>, vector<16xf32>,
      %add3A_936 = arith.constant 48 : i32
      %add3A_937 = vector.broadcast %add3A_936 : i32 to vector<16xi32>
      %add3A_938 = arith.addi %iota3A, %add3A_937 : vector<16xi32>
      %gather3A_939 = tpu.vector_load_idx %arg10[%add3A_731, %add3A_938] : memref<10x512xf32, #tpu.memory_space<vmem>>[vector<16xi32>, vector<16xi32>], vector<16xf32>,
      %swap3A_940 = arith.constant 48 : index
      %swap3A_941 = tpu.vector_load %arg12[%swap3A_940] {strides = array<i32>} : memref<512xf32, #tpu.memory_space<vmem>>, vector<16xf32>,
      tpu.vector_store %arg12[%swap3A_940], %gather3A_939 {strides = array<i32>} : memref<512xf32, #tpu.memory_space<vmem>>, vector<16xf32>,
      %add3A_942 = arith.constant 64 : i32
      %add3A_943 = vector.broadcast %add3A_942 : i32 to vector<16xi32>
      %add3A_944 = arith.addi %iota3A, %add3A_943 : vector<16xi32>
      %gather3A_945 = tpu.vector_load_idx %arg10[%add3A_778, %add3A_944] : memref<10x512xf32, #tpu.memory_space<vmem>>[vector<16xi32>, vector<16xi32>], vector<16xf32>,
      %swap3A_946 = arith.constant 64 : index
      %swap3A_947 = tpu.vector_load %arg12[%swap3A_946] {strides = array<i32>} : memref<512xf32, #tpu.memory_space<vmem>>, vector<16xf32>,
      tpu.vector_store %arg12[%swap3A_946], %gather3A_945 {strides = array<i32>} : memref<512xf32, #tpu.memory_space<vmem>>, vector<16xf32>,
      %add3A_948 = arith.constant 80 : i32
      %add3A_949 = vector.broadcast %add3A_948 : i32 to vector<16xi32>
      %add3A_950 = arith.addi %iota3A, %add3A_949 : vector<16xi32>
      %gather3A_951 = tpu.vector_load_idx %arg10[%add3A_825, %add3A_950] : memref<10x512xf32, #tpu.memory_space<vmem>>[vector<16xi32>, vector<16xi32>], vector<16xf32>,
      %swap3A_952 = arith.constant 80 : index
      %swap3A_953 = tpu.vector_load %arg12[%swap3A_952] {strides = array<i32>} : memref<512xf32, #tpu.memory_space<vmem>>, vector<16xf32>,
      tpu.vector_store %arg12[%swap3A_952], %gather3A_951 {strides = array<i32>} : memref<512xf32, #tpu.memory_space<vmem>>, vector<16xf32>,
      %add3A_954 = arith.constant 96 : i32
      %add3A_955 = vector.broadcast %add3A_954 : i32 to vector<16xi32>
      %add3A_956 = arith.addi %iota3A, %add3A_955 : vector<16xi32>
      %gather3A_957 = tpu.vector_load_idx %arg10[%add3A_872, %add3A_956] : memref<10x512xf32, #tpu.memory_space<vmem>>[vector<16xi32>, vector<16xi32>], vector<16xf32>,
      %swap3A_958 = arith.constant 96 : index
      %swap3A_959 = tpu.vector_load %arg12[%swap3A_958] {strides = array<i32>} : memref<512xf32, #tpu.memory_space<vmem>>, vector<16xf32>,
      tpu.vector_store %arg12[%swap3A_958], %gather3A_957 {strides = array<i32>} : memref<512xf32, #tpu.memory_space<vmem>>, vector<16xf32>,
      %add3A_960 = arith.constant 112 : i32
      %add3A_961 = vector.broadcast %add3A_960 : i32 to vector<16xi32>
      %add3A_962 = arith.addi %iota3A, %add3A_961 : vector<16xi32>
      %gather3A_963 = tpu.vector_load_idx %arg10[%add3A_919, %add3A_962] : memref<10x512xf32, #tpu.memory_space<vmem>>[vector<16xi32>, vector<16xi32>], vector<16xf32>,
      %swap3A_964 = arith.constant 112 : index
      %swap3A_965 = tpu.vector_load %arg12[%swap3A_964] {strides = array<i32>} : memref<512xf32, #tpu.memory_space<vmem>>, vector<16xf32>,
      tpu.vector_store %arg12[%swap3A_964], %gather3A_963 {strides = array<i32>} : memref<512xf32, #tpu.memory_space<vmem>>, vector<16xf32>,
      %dma_start3A_966 = arith.constant 0 : i32
      %dma_start3A_967 = tpu.memref_slice %arg12[%dma_start3A_966] : memref<512xf32, #tpu.memory_space<vmem>> -> memref<128xf32, #tpu.memory_space<vmem>>
      %dma_start3A_968 = arith.constant 99840 : i32
      %dma_start3A_969 = tpu.memref_slice %arg5[%dma_start3A_968] : memref<100000xf32, #tpu.memory_space<hbm>> -> memref<128xf32, #tpu.memory_space<hbm>>
      %dma_start3A_970 = arith.constant 99840 : i32
      %dma_start3A_971 = tpu.memref_slice %arg5[%dma_start3A_970] : memref<100000xf32, #tpu.memory_space<hbm>> -> memref<128xf32, #tpu.memory_space<hbm>>
      %dma_start3A_972 = arith.constant 0 : i32
      %dma_start3A_973 = tpu.memref_slice %arg12[%dma_start3A_972] : memref<512xf32, #tpu.memory_space<vmem>> -> memref<128xf32, #tpu.memory_space<vmem>>
      tpu.enqueue_dma source(%dma_start3A_973 : memref<128xf32, #tpu.memory_space<vmem>>) target(%dma_start3A_971 : memref<128xf32, #tpu.memory_space<hbm>>) target_semaphore(%arg20 : memref<!tpu.dma_semaphore, #tpu.memory_space<semaphore_mem>>)
    } else {
    }
    %eq3A_317 = arith.constant 4 : i32
    %eq3A_318 = arith.cmpi eq, %add3A, %eq3A_317 : i32
    %convert_element_type3A_319 = arith.extui %eq3A_318 : i1 to i32
    %cond3A_320 = arith.constant 0 : i32
    %cond3A_321 = arith.cmpi ne, %convert_element_type3A_319, %cond3A_320 : i32
    scf.if %cond3A_321 {
      %dma_wait3A_344 = arith.constant 0 : i32
      %dma_wait3A_345 = arith.constant 99968 : i32
      %dma_wait3A_346 = tpu.memref_slice %arg2[%dma_wait3A_344, %dma_wait3A_345] : memref<11x100000xf32, #tpu.memory_space<hbm>> -> memref<8x32xf32, #tpu.memory_space<hbm>>
      %dma_wait3A_347 = arith.constant 0 : i32
      %dma_wait3A_348 = arith.constant 99968 : i32
      %dma_wait3A_349 = tpu.memref_slice %arg2[%dma_wait3A_347, %dma_wait3A_348] : memref<11x100000xf32, #tpu.memory_space<hbm>> -> memref<8x32xf32, #tpu.memory_space<hbm>>
      tpu.wait_dma2 semaphore(%arg18 : memref<!tpu.dma_semaphore, #tpu.memory_space<semaphore_mem>>) src(%dma_wait3A_349 : memref<8x32xf32, #tpu.memory_space<hbm>>) dst(%arg14 : memref<8x32xf32, #tpu.memory_space<vmem>>)
      %dma_wait3A_350 = arith.constant 0 : i32
      %dma_wait3A_351 = arith.constant 99968 : i32
      %dma_wait3A_352 = tpu.memref_slice %arg3[%dma_wait3A_350, %dma_wait3A_351] : memref<11x100000xf32, #tpu.memory_space<hbm>> -> memref<8x32xf32, #tpu.memory_space<hbm>>
      %dma_wait3A_353 = arith.constant 0 : i32
      %dma_wait3A_354 = arith.constant 99968 : i32
      %dma_wait3A_355 = tpu.memref_slice %arg3[%dma_wait3A_353, %dma_wait3A_354] : memref<11x100000xf32, #tpu.memory_space<hbm>> -> memref<8x32xf32, #tpu.memory_space<hbm>>
      tpu.wait_dma2 semaphore(%arg18 : memref<!tpu.dma_semaphore, #tpu.memory_space<semaphore_mem>>) src(%dma_wait3A_355 : memref<8x32xf32, #tpu.memory_space<hbm>>) dst(%arg15 : memref<8x32xf32, #tpu.memory_space<vmem>>)
      %dma_wait3A_356 = arith.constant 0 : i32
      %dma_wait3A_357 = arith.constant 99968 : i32
      %dma_wait3A_358 = tpu.memref_slice %arg4[%dma_wait3A_356, %dma_wait3A_357] : memref<10x100000xf32, #tpu.memory_space<hbm>> -> memref<10x32xf32, #tpu.memory_space<hbm>>
      %dma_wait3A_359 = arith.constant 0 : i32
      %dma_wait3A_360 = arith.constant 99968 : i32
      %dma_wait3A_361 = tpu.memref_slice %arg4[%dma_wait3A_359, %dma_wait3A_360] : memref<10x100000xf32, #tpu.memory_space<hbm>> -> memref<10x32xf32, #tpu.memory_space<hbm>>
      tpu.wait_dma2 semaphore(%arg18 : memref<!tpu.dma_semaphore, #tpu.memory_space<semaphore_mem>>) src(%dma_wait3A_361 : memref<10x32xf32, #tpu.memory_space<hbm>>) dst(%arg16 : memref<10x32xf32, #tpu.memory_space<vmem>>)
      %get3A = arith.constant 0 : i32
      %get3A_362 = arith.index_cast %get3A : i32 to index
      %get3A_363 = arith.constant 0 : index
      %get3A_364 = tpu.vector_load %arg14[%get3A_362, %get3A_363] {strides = array<i32>} : memref<8x32xf32, #tpu.memory_space<vmem>>, vector<16xf32>,
      %get3A_365 = arith.constant 2 : i32
      %get3A_366 = arith.index_cast %get3A_365 : i32 to index
      %get3A_367 = arith.constant 0 : index
      %get3A_368 = tpu.vector_load %arg14[%get3A_366, %get3A_367] {strides = array<i32>} : memref<8x32xf32, #tpu.memory_space<vmem>>, vector<16xf32>,
      %get3A_369 = arith.constant 0 : i32
      %get3A_370 = arith.index_cast %get3A_369 : i32 to index
      %get3A_371 = arith.constant 0 : index
      %get3A_372 = tpu.vector_load %arg15[%get3A_370, %get3A_371] {strides = array<i32>} : memref<8x32xf32, #tpu.memory_space<vmem>>, vector<16xf32>,
      %get3A_373 = arith.constant 2 : i32
      %get3A_374 = arith.index_cast %get3A_373 : i32 to index
      %get3A_375 = arith.constant 0 : index
      %get3A_376 = tpu.vector_load %arg15[%get3A_374, %get3A_375] {strides = array<i32>} : memref<8x32xf32, #tpu.memory_space<vmem>>, vector<16xf32>,
      %sub3A = arith.subf %get3A_372, %get3A_364 : vector<16xf32>
      %sub3A_377 = arith.subf %get3A_376, %get3A_368 : vector<16xf32>
      %get3A_378 = arith.constant 0 : i32
      %get3A_379 = arith.index_cast %get3A_378 : i32 to index
      %get3A_380 = arith.constant 16 : index
      %get3A_381 = tpu.vector_load %arg14[%get3A_379, %get3A_380] {strides = array<i32>} : memref<8x32xf32, #tpu.memory_space<vmem>>, vector<16xf32>,
      %get3A_382 = arith.constant 2 : i32
      %get3A_383 = arith.index_cast %get3A_382 : i32 to index
      %get3A_384 = arith.constant 16 : index
      %get3A_385 = tpu.vector_load %arg14[%get3A_383, %get3A_384] {strides = array<i32>} : memref<8x32xf32, #tpu.memory_space<vmem>>, vector<16xf32>,
      %get3A_386 = arith.constant 0 : i32
      %get3A_387 = arith.index_cast %get3A_386 : i32 to index
      %get3A_388 = arith.constant 16 : index
      %get3A_389 = tpu.vector_load %arg15[%get3A_387, %get3A_388] {strides = array<i32>} : memref<8x32xf32, #tpu.memory_space<vmem>>, vector<16xf32>,
      %get3A_390 = arith.constant 2 : i32
      %get3A_391 = arith.index_cast %get3A_390 : i32 to index
      %get3A_392 = arith.constant 16 : index
      %get3A_393 = tpu.vector_load %arg15[%get3A_391, %get3A_392] {strides = array<i32>} : memref<8x32xf32, #tpu.memory_space<vmem>>, vector<16xf32>,
      %sub3A_394 = arith.subf %get3A_389, %get3A_381 : vector<16xf32>
      %sub3A_395 = arith.subf %get3A_393, %get3A_385 : vector<16xf32>
      %mul3A_396 = arith.mulf %sub3A, %sub3A : vector<16xf32>
      %mul3A_397 = arith.mulf %sub3A_377, %sub3A_377 : vector<16xf32>
      %add3A_398 = arith.addf %mul3A_396, %mul3A_397 : vector<16xf32>
      %mul3A_399 = arith.mulf %sub3A_394, %sub3A_394 : vector<16xf32>
      %mul3A_400 = arith.mulf %sub3A_395, %sub3A_395 : vector<16xf32>
      %add3A_401 = arith.addf %mul3A_399, %mul3A_400 : vector<16xf32>
      %broadcast_in_dim3A = arith.constant 0 : i32
      %broadcast_in_dim3A_402 = vector.broadcast %broadcast_in_dim3A : i32 to vector<16xi32>
      %ge3A = arith.constant 0.00999999977 : f32
      %ge3A_403 = vector.broadcast %ge3A : f32 to vector<16xf32>
      %ge3A_404 = arith.cmpf oge, %add3A_398, %ge3A_403 : vector<16xf32>
      %convert_element_type3A_405 = arith.extui %ge3A_404 : vector<16xi1> to vector<16xi32>
      %add3A_406 = arith.addi %broadcast_in_dim3A_402, %convert_element_type3A_405 : vector<16xi32>
      %ge3A_407 = arith.constant 4.000000e-02 : f32
      %ge3A_408 = vector.broadcast %ge3A_407 : f32 to vector<16xf32>
      %ge3A_409 = arith.cmpf oge, %add3A_398, %ge3A_408 : vector<16xf32>
      %convert_element_type3A_410 = arith.extui %ge3A_409 : vector<16xi1> to vector<16xi32>
      %add3A_411 = arith.addi %add3A_406, %convert_element_type3A_410 : vector<16xi32>
      %ge3A_412 = arith.constant 9.000000e-02 : f32
      %ge3A_413 = vector.broadcast %ge3A_412 : f32 to vector<16xf32>
      %ge3A_414 = arith.cmpf oge, %add3A_398, %ge3A_413 : vector<16xf32>
      %convert_element_type3A_415 = arith.extui %ge3A_414 : vector<16xi1> to vector<16xi32>
      %add3A_416 = arith.addi %add3A_411, %convert_element_type3A_415 : vector<16xi32>
      %ge3A_417 = arith.constant 1.600000e-01 : f32
      %ge3A_418 = vector.broadcast %ge3A_417 : f32 to vector<16xf32>
      %ge3A_419 = arith.cmpf oge, %add3A_398, %ge3A_418 : vector<16xf32>
      %convert_element_type3A_420 = arith.extui %ge3A_419 : vector<16xi1> to vector<16xi32>
      %add3A_421 = arith.addi %add3A_416, %convert_element_type3A_420 : vector<16xi32>
      %ge3A_422 = arith.constant 2.500000e-01 : f32
      %ge3A_423 = vector.broadcast %ge3A_422 : f32 to vector<16xf32>
      %ge3A_424 = arith.cmpf oge, %add3A_398, %ge3A_423 : vector<16xf32>
      %convert_element_type3A_425 = arith.extui %ge3A_424 : vector<16xi1> to vector<16xi32>
      %add3A_426 = arith.addi %add3A_421, %convert_element_type3A_425 : vector<16xi32>
      %ge3A_427 = arith.constant 3.600000e-01 : f32
      %ge3A_428 = vector.broadcast %ge3A_427 : f32 to vector<16xf32>
      %ge3A_429 = arith.cmpf oge, %add3A_398, %ge3A_428 : vector<16xf32>
      %convert_element_type3A_430 = arith.extui %ge3A_429 : vector<16xi1> to vector<16xi32>
      %add3A_431 = arith.addi %add3A_426, %convert_element_type3A_430 : vector<16xi32>
      %ge3A_432 = arith.constant 0.48999995 : f32
      %ge3A_433 = vector.broadcast %ge3A_432 : f32 to vector<16xf32>
      %ge3A_434 = arith.cmpf oge, %add3A_398, %ge3A_433 : vector<16xf32>
      %convert_element_type3A_435 = arith.extui %ge3A_434 : vector<16xi1> to vector<16xi32>
      %add3A_436 = arith.addi %add3A_431, %convert_element_type3A_435 : vector<16xi32>
      %ge3A_437 = arith.constant 6.400000e-01 : f32
      %ge3A_438 = vector.broadcast %ge3A_437 : f32 to vector<16xf32>
      %ge3A_439 = arith.cmpf oge, %add3A_398, %ge3A_438 : vector<16xf32>
      %convert_element_type3A_440 = arith.extui %ge3A_439 : vector<16xi1> to vector<16xi32>
      %add3A_441 = arith.addi %add3A_436, %convert_element_type3A_440 : vector<16xi32>
      %ge3A_442 = arith.constant 0.809999942 : f32
      %ge3A_443 = vector.broadcast %ge3A_442 : f32 to vector<16xf32>
      %ge3A_444 = arith.cmpf oge, %add3A_398, %ge3A_443 : vector<16xf32>
      %convert_element_type3A_445 = arith.extui %ge3A_444 : vector<16xi1> to vector<16xi32>
      %add3A_446 = arith.addi %add3A_441, %convert_element_type3A_445 : vector<16xi32>
      %broadcast_in_dim3A_447 = arith.constant 0 : i32
      %broadcast_in_dim3A_448 = vector.broadcast %broadcast_in_dim3A_447 : i32 to vector<16xi32>
      %ge3A_449 = arith.constant 0.00999999977 : f32
      %ge3A_450 = vector.broadcast %ge3A_449 : f32 to vector<16xf32>
      %ge3A_451 = arith.cmpf oge, %add3A_401, %ge3A_450 : vector<16xf32>
      %convert_element_type3A_452 = arith.extui %ge3A_451 : vector<16xi1> to vector<16xi32>
      %add3A_453 = arith.addi %broadcast_in_dim3A_448, %convert_element_type3A_452 : vector<16xi32>
      %ge3A_454 = arith.constant 4.000000e-02 : f32
      %ge3A_455 = vector.broadcast %ge3A_454 : f32 to vector<16xf32>
      %ge3A_456 = arith.cmpf oge, %add3A_401, %ge3A_455 : vector<16xf32>
      %convert_element_type3A_457 = arith.extui %ge3A_456 : vector<16xi1> to vector<16xi32>
      %add3A_458 = arith.addi %add3A_453, %convert_element_type3A_457 : vector<16xi32>
      %ge3A_459 = arith.constant 9.000000e-02 : f32
      %ge3A_460 = vector.broadcast %ge3A_459 : f32 to vector<16xf32>
      %ge3A_461 = arith.cmpf oge, %add3A_401, %ge3A_460 : vector<16xf32>
      %convert_element_type3A_462 = arith.extui %ge3A_461 : vector<16xi1> to vector<16xi32>
      %add3A_463 = arith.addi %add3A_458, %convert_element_type3A_462 : vector<16xi32>
      %ge3A_464 = arith.constant 1.600000e-01 : f32
      %ge3A_465 = vector.broadcast %ge3A_464 : f32 to vector<16xf32>
      %ge3A_466 = arith.cmpf oge, %add3A_401, %ge3A_465 : vector<16xf32>
      %convert_element_type3A_467 = arith.extui %ge3A_466 : vector<16xi1> to vector<16xi32>
      %add3A_468 = arith.addi %add3A_463, %convert_element_type3A_467 : vector<16xi32>
      %ge3A_469 = arith.constant 2.500000e-01 : f32
      %ge3A_470 = vector.broadcast %ge3A_469 : f32 to vector<16xf32>
      %ge3A_471 = arith.cmpf oge, %add3A_401, %ge3A_470 : vector<16xf32>
      %convert_element_type3A_472 = arith.extui %ge3A_471 : vector<16xi1> to vector<16xi32>
      %add3A_473 = arith.addi %add3A_468, %convert_element_type3A_472 : vector<16xi32>
      %ge3A_474 = arith.constant 3.600000e-01 : f32
      %ge3A_475 = vector.broadcast %ge3A_474 : f32 to vector<16xf32>
      %ge3A_476 = arith.cmpf oge, %add3A_401, %ge3A_475 : vector<16xf32>
      %convert_element_type3A_477 = arith.extui %ge3A_476 : vector<16xi1> to vector<16xi32>
      %add3A_478 = arith.addi %add3A_473, %convert_element_type3A_477 : vector<16xi32>
      %ge3A_479 = arith.constant 0.48999995 : f32
      %ge3A_480 = vector.broadcast %ge3A_479 : f32 to vector<16xf32>
      %ge3A_481 = arith.cmpf oge, %add3A_401, %ge3A_480 : vector<16xf32>
      %convert_element_type3A_482 = arith.extui %ge3A_481 : vector<16xi1> to vector<16xi32>
      %add3A_483 = arith.addi %add3A_478, %convert_element_type3A_482 : vector<16xi32>
      %ge3A_484 = arith.constant 6.400000e-01 : f32
      %ge3A_485 = vector.broadcast %ge3A_484 : f32 to vector<16xf32>
      %ge3A_486 = arith.cmpf oge, %add3A_401, %ge3A_485 : vector<16xf32>
      %convert_element_type3A_487 = arith.extui %ge3A_486 : vector<16xi1> to vector<16xi32>
      %add3A_488 = arith.addi %add3A_483, %convert_element_type3A_487 : vector<16xi32>
      %ge3A_489 = arith.constant 0.809999942 : f32
      %ge3A_490 = vector.broadcast %ge3A_489 : f32 to vector<16xf32>
      %ge3A_491 = arith.cmpf oge, %add3A_401, %ge3A_490 : vector<16xf32>
      %convert_element_type3A_492 = arith.extui %ge3A_491 : vector<16xi1> to vector<16xi32>
      %add3A_493 = arith.addi %add3A_488, %convert_element_type3A_492 : vector<16xi32>
      %add3A_494 = arith.constant 0 : i32
      %add3A_495 = vector.broadcast %add3A_494 : i32 to vector<16xi32>
      %add3A_496 = arith.addi %iota3A, %add3A_495 : vector<16xi32>
      %gather3A = tpu.vector_load_idx %arg16[%add3A_446, %add3A_496] : memref<10x32xf32, #tpu.memory_space<vmem>>[vector<16xi32>, vector<16xi32>], vector<16xf32>,
      %swap3A = arith.constant 0 : index
      %swap3A_497 = tpu.vector_load %arg17[%swap3A] {strides = array<i32>} : memref<32xf32, #tpu.memory_space<vmem>>, vector<16xf32>,
      tpu.vector_store %arg17[%swap3A], %gather3A {strides = array<i32>} : memref<32xf32, #tpu.memory_space<vmem>>, vector<16xf32>,
      %add3A_498 = arith.constant 16 : i32
      %add3A_499 = vector.broadcast %add3A_498 : i32 to vector<16xi32>
      %add3A_500 = arith.addi %iota3A, %add3A_499 : vector<16xi32>
      %gather3A_501 = tpu.vector_load_idx %arg16[%add3A_493, %add3A_500] : memref<10x32xf32, #tpu.memory_space<vmem>>[vector<16xi32>, vector<16xi32>], vector<16xf32>,
      %swap3A_502 = arith.constant 16 : index
      %swap3A_503 = tpu.vector_load %arg17[%swap3A_502] {strides = array<i32>} : memref<32xf32, #tpu.memory_space<vmem>>, vector<16xf32>,
      tpu.vector_store %arg17[%swap3A_502], %gather3A_501 {strides = array<i32>} : memref<32xf32, #tpu.memory_space<vmem>>, vector<16xf32>,
      %dma_start3A_504 = arith.constant 99968 : i32
      %dma_start3A_505 = tpu.memref_slice %arg5[%dma_start3A_504] : memref<100000xf32, #tpu.memory_space<hbm>> -> memref<32xf32, #tpu.memory_space<hbm>>
      %dma_start3A_506 = arith.constant 99968 : i32
      %dma_start3A_507 = tpu.memref_slice %arg5[%dma_start3A_506] : memref<100000xf32, #tpu.memory_space<hbm>> -> memref<32xf32, #tpu.memory_space<hbm>>
      tpu.enqueue_dma source(%arg17 : memref<32xf32, #tpu.memory_space<vmem>>) target(%dma_start3A_507 : memref<32xf32, #tpu.memory_space<hbm>>) target_semaphore(%arg20 : memref<!tpu.dma_semaphore, #tpu.memory_space<semaphore_mem>>)
    } else {
    }
    %add3A_322 = arith.constant 160 : i32
    %add3A_323 = arith.addi %add3A, %add3A_322 : i32
    %mul3A_324 = arith.constant 512 : i32
    %mul3A_325 = arith.muli %add3A_323, %mul3A_324 : i32
    %multiple_of3A_326 = tpu.assume_multiple %mul3A_325, 128 : i32
    %dma_wait3A_327 = tpu.memref_slice %arg5[%multiple_of3A_326] : memref<100000xf32, #tpu.memory_space<hbm>> -> memref<512xf32, #tpu.memory_space<hbm>>
    %dma_wait3A_328 = tpu.memref_slice %arg5[%multiple_of3A_326] : memref<100000xf32, #tpu.memory_space<hbm>> -> memref<512xf32, #tpu.memory_space<hbm>>
    tpu.wait_dma2 semaphore(%arg21 : memref<!tpu.dma_semaphore, #tpu.memory_space<semaphore_mem>>) src(%arg13 : memref<512xf32, #tpu.memory_space<vmem>>) dst(%dma_wait3A_328 : memref<512xf32, #tpu.memory_space<hbm>>)
    %lt3A_329 = arith.constant 3 : i32
    %lt3A_330 = arith.cmpi slt, %add3A, %lt3A_329 : i32
    %convert_element_type3A_331 = arith.extui %lt3A_330 : i1 to i32
    %cond3A_332 = arith.constant 0 : i32
    %cond3A_333 = arith.cmpi ne, %convert_element_type3A_331, %cond3A_332 : i32
    scf.if %cond3A_333 {
      %add3A_344 = arith.constant 192 : i32
      %add3A_345 = arith.addi %add3A, %add3A_344 : i32
      %mul3A_346 = arith.constant 512 : i32
      %mul3A_347 = arith.muli %add3A_345, %mul3A_346 : i32
      %multiple_of3A_348 = tpu.assume_multiple %mul3A_347, 128 : i32
      %dma_wait3A_349 = tpu.memref_slice %arg5[%multiple_of3A_348] : memref<100000xf32, #tpu.memory_space<hbm>> -> memref<512xf32, #tpu.memory_space<hbm>>
      %dma_wait3A_350 = tpu.memref_slice %arg5[%multiple_of3A_348] : memref<100000xf32, #tpu.memory_space<hbm>> -> memref<512xf32, #tpu.memory_space<hbm>>
      tpu.wait_dma2 semaphore(%arg20 : memref<!tpu.dma_semaphore, #tpu.memory_space<semaphore_mem>>) src(%arg12 : memref<512xf32, #tpu.memory_space<vmem>>) dst(%dma_wait3A_350 : memref<512xf32, #tpu.memory_space<hbm>>)
    } else {
    }
    %eq3A_334 = arith.constant 3 : i32
    %eq3A_335 = arith.cmpi eq, %add3A, %eq3A_334 : i32
    %convert_element_type3A_336 = arith.extui %eq3A_335 : i1 to i32
    %cond3A_337 = arith.constant 0 : i32
    %cond3A_338 = arith.cmpi ne, %convert_element_type3A_336, %cond3A_337 : i32
    scf.if %cond3A_338 {
      %dma_wait3A_344 = arith.constant 0 : i32
      %dma_wait3A_345 = tpu.memref_slice %arg12[%dma_wait3A_344] : memref<512xf32, #tpu.memory_space<vmem>> -> memref<128xf32, #tpu.memory_space<vmem>>
      %dma_wait3A_346 = arith.constant 99840 : i32
      %dma_wait3A_347 = tpu.memref_slice %arg5[%dma_wait3A_346] : memref<100000xf32, #tpu.memory_space<hbm>> -> memref<128xf32, #tpu.memory_space<hbm>>
      %dma_wait3A_348 = arith.constant 99840 : i32
      %dma_wait3A_349 = tpu.memref_slice %arg5[%dma_wait3A_348] : memref<100000xf32, #tpu.memory_space<hbm>> -> memref<128xf32, #tpu.memory_space<hbm>>
      %dma_wait3A_350 = arith.constant 0 : i32
      %dma_wait3A_351 = tpu.memref_slice %arg12[%dma_wait3A_350] : memref<512xf32, #tpu.memory_space<vmem>> -> memref<128xf32, #tpu.memory_space<vmem>>
      tpu.wait_dma2 semaphore(%arg20 : memref<!tpu.dma_semaphore, #tpu.memory_space<semaphore_mem>>) src(%dma_wait3A_351 : memref<128xf32, #tpu.memory_space<vmem>>) dst(%dma_wait3A_349 : memref<128xf32, #tpu.memory_space<hbm>>)
    } else {
    }
    %eq3A_339 = arith.constant 4 : i32
    %eq3A_340 = arith.cmpi eq, %add3A, %eq3A_339 : i32
    %convert_element_type3A_341 = arith.extui %eq3A_340 : i1 to i32
    %cond3A_342 = arith.constant 0 : i32
    %cond3A_343 = arith.cmpi ne, %convert_element_type3A_341, %cond3A_342 : i32
    scf.if %cond3A_343 {
      %dma_wait3A_344 = arith.constant 99968 : i32
      %dma_wait3A_345 = tpu.memref_slice %arg5[%dma_wait3A_344] : memref<100000xf32, #tpu.memory_space<hbm>> -> memref<32xf32, #tpu.memory_space<hbm>>
      %dma_wait3A_346 = arith.constant 99968 : i32
      %dma_wait3A_347 = tpu.memref_slice %arg5[%dma_wait3A_346] : memref<100000xf32, #tpu.memory_space<hbm>> -> memref<32xf32, #tpu.memory_space<hbm>>
      tpu.wait_dma2 semaphore(%arg20 : memref<!tpu.dma_semaphore, #tpu.memory_space<semaphore_mem>>) src(%arg17 : memref<32xf32, #tpu.memory_space<vmem>>) dst(%dma_wait3A_347 : memref<32xf32, #tpu.memory_space<hbm>>)
    } else {
    }
    return
  }
}

</mosaic_0001>

<sc_bundles>
// kernel: kernel.3.cloned.1.call-start
scs
__scs_entry_jumppad:
0x0: {  	(pc) =	sbr.rel $0x88, $3  }
0x1: {  	(tag) =	ssettag $0x0;
	lr =	simm.s32 $0x1  }
0x2: {  	[smem:$0x3F9E] =	sst lr;
	_ =	strace $0xD0000000  }
0x3: {  	_ = 	snop  }
0x4: {  	_ = 	snop  }
0x5: {  	_ = 	snop  }
0x6: {  	_ = 	snop  }
0x7: {  	_ = 	snop  }
__scs_overlays_trampoline_lowered:
0x8: {  	[smem:$0x3FAD] =	sst s0  }
0x9: {  	[smem:$0x3FAE] =	sst s1  }
0xa: {  	[smem:$0x3FAF] =	sst s2  }
0xb: {  	[smem:$0x3FB0] =	sst s3  }
0xc: {  	[smem:$0x3FB1] =	sst s4  }
0xd: {  	[smem:$0x3FB2] =	sst s5  }
0xe: {  	[smem:$0x3FB3] =	sst s6  }
0xf: {  	[smem:$0x3FB4] =	sst s7  }
0x10: {  	[smem:$0x3FB5] =	sst s8  }
0x11: {  	[smem:$0x3FB6] =	sst s9;
	s0 =	simm.s32 @!p0 $0x0  }
0x12: {  	s1 =	sld [smem:$0x3F9C];
	s0 =	simm.s32 @p0 $0x1  }
0x13: {  	[smem:$0x3FB7] =	sst s0;
	s0 =	simm.s32 @!p1 $0x0  }
0x14: {  	s2 =	sld [smem:$0x3F9B];
	s0 =	simm.s32 @p1 $0x1  }
0x15: {  	[smem:$0x3FB8] =	sst s0;
	s0 =	simm.s32 @!p2 $0x0  }
0x16: {  	s3 =	sld [smem:$0x3FDB];
	s0 =	simm.s32 @p2 $0x1  }
0x17: {  	s4 =	simm.s32 $0x1BF5;
	[smem:$0x3FBA] =	sst s0  }
0x18: {  	s0 =	sld [smem:$0x3F9D];
	_ =	swait.ge [sflag:s4], $0x0  }
0x19: {  	s7 =	sld [smem:$0x3F9E]  }
0x1a: {  	s8 =	sadd.s32 $0xFFFFE003, lr  }
0x1b: {  	s9 =	sadd.s32 $0xFFFFFEF7, lr;
	s5 =	simm.s32 $0xFFFFFFFF;
	p2 =	slt.u32 s8, $0xFFFFF086  }
0x1c: {  	p1 =	slt.u32 s9, $0xF7A;
	s5 =	simm.s32 @!p2 $0x0  }
0x1d: {  	s5 =	simm.s32 @p1 $0x1;
	p0 =	seq.s32 s7, s2  }
0x1e: {  	s7 =	smul.u32 @!p0 $0xF7A, s2;
	p2 =	seq.s32 @!p0 s5, $0x0  }
0x1f: {  	s9 =	smul.u32 $0xF7A, s1;
	s8 =	simm.s32 @!p0 $0x1BF5;
	p2 =	por !p2, p0  }
0x20: {  	[sflag:s8] =	ssyncset.s32 @!p0 $0xFFFFF086;
	s6 =	sadd.s32 @!p0 s3, s7;
	s7 =	simm.s32 @!p0 $0x108  }
0x21: {  	s3 =	sadd.s32 s3, s9;
	s6 =	sadd.s32 @!p0 $0x88, s6;
	s7 =	simm.s32 @p2 $0x1082  }
0x22: {  	[simem:s7], [sflag:s8] =	dma.local @!p0 [hbm:s6], $0xF7A  }
0x23: {  	s9 =	sor.u32 $0xD0000000, s2;
	s6 =	simm.s32 $0x108;
	_ =	swait.ge @!p0 [sflag:s8], $0x0  }
0x24: {  	s3 =	sadd.s32 $0x88, s3;
	s6 =	simm.s32 @!p1 $0x1082;
	[sflag:s4] =	ssyncset.s32 $0xFFFFF086  }
0x25: {  	[simem:s6], [sflag:s4] =	dma.local [hbm:s3], $0xF7A  }
0x26: {  	[smem:$0x3F9E] =	sst s1;
	(tag) =	ssettag s2;
	_ =	strace s9  }
0x27: {  	s1 =	sld [smem:$0x3FAE]  }
0x28: {  	s2 =	sld [smem:$0x3FAF]  }
0x29: {  	s4 =	sld [smem:$0x3FB1]  }
0x2a: {  	p0 =	seq.s32 s5, $0x0;
	s5 =	sld [smem:$0x3FB2]  }
0x2b: {  	s6 =	sld [smem:$0x3FB3]  }
0x2c: {  	s7 =	sld [smem:$0x3FB4]  }
0x2d: {  	s3 =	simm.s32 $0x108;
	s8 =	sld [smem:$0x3FB5]  }
0x2e: {  	s3 =	simm.s32 @!p0 $0x1082;
	s9 =	sld [smem:$0x3FB6]  }
0x2f: {  	lr =	sadd.s32 s0, s3;
	s0 =	sld [smem:$0x3FAD]  }
0x30: {  	s3 =	sld [smem:$0x3FB0]  }
0x31: {  	[smem:$0x3FB9] =	sst s10  }
0x32: {  	s10 =	sld [smem:$0x3FB7];
	_ =	sdelay $0x3  }
0x33: {  	p0 =	seq.s32 s10, $0x1;
	s10 =	sld [smem:$0x3FB9];
	_ =	sdelay $0x3  }
0x34: {  	[smem:$0x3FB9] =	sst s10  }
0x35: {  	s10 =	sld [smem:$0x3FB8];
	_ =	sdelay $0x3  }
0x36: {  	p1 =	seq.s32 s10, $0x1;
	s10 =	sld [smem:$0x3FB9];
	_ =	sdelay $0x3  }
0x37: {  	[smem:$0x3FB9] =	sst s10  }
0x38: {  	s10 =	sld [smem:$0x3FBA]  }
0x39: {  	_ = 	snop;
	(pc) =	sbr.ind lr, $3  }
0x3a: {  	_ = 	snop  }
0x3b: {  	_ = 	snop  }
0x3c: {  	p2 =	seq.s32 s10, $0x1;
	s10 =	sld [smem:$0x3FB9]  }
0x3d: {  	_ =	shalt  }
0x3e: {  	_ =	shalt  }
0x3f: {  	_ =	shalt  }
0x40: {  	_ =	shalt  }
0x41: {  	_ =	shalt  }
0x42: {  	_ =	shalt  }
0x43: {  	_ =	shalt  }
0x44: {  	_ =	shalt  }
0x45: {  	_ =	shalt  }
0x46: {  	_ =	shalt  }
0x47: {  	_ =	shalt  }
0x48: {  	_ =	shalt  }
0x49: {  	_ =	shalt  }
0x4a: {  	_ =	shalt  }
0x4b: {  	_ =	shalt  }
0x4c: {  	_ =	shalt  }
0x4d: {  	_ =	shalt  }
0x4e: {  	_ =	shalt  }
0x4f: {  	_ =	shalt  }
0x50: {  	_ =	shalt  }
0x51: {  	_ =	shalt  }
0x52: {  	_ =	shalt  }
0x53: {  	_ =	shalt  }
0x54: {  	_ =	shalt  }
0x55: {  	_ =	shalt  }
0x56: {  	_ =	shalt  }
0x57: {  	_ =	shalt  }
0x58: {  	_ =	shalt  }
0x59: {  	_ =	shalt  }
0x5a: {  	_ =	shalt  }
0x5b: {  	_ =	shalt  }
0x5c: {  	_ =	shalt  }
0x5d: {  	_ =	shalt  }
0x5e: {  	_ =	shalt  }
0x5f: {  	_ =	shalt  }
0x60: {  	_ =	shalt  }
0x61: {  	_ =	shalt  }
0x62: {  	_ =	shalt  }
0x63: {  	_ =	shalt  }
0x64: {  	_ =	shalt  }
0x65: {  	_ =	shalt  }
0x66: {  	_ =	shalt  }
0x67: {  	_ =	shalt  }
0x68: {  	_ =	shalt  }
0x69: {  	_ =	shalt  }
0x6a: {  	_ =	shalt  }
0x6b: {  	_ =	shalt  }
0x6c: {  	_ =	shalt  }
0x6d: {  	_ =	shalt  }
0x6e: {  	_ =	shalt  }
0x6f: {  	_ =	shalt  }
0x70: {  	_ =	shalt  }
0x71: {  	_ =	shalt  }
0x72: {  	_ =	shalt  }
0x73: {  	_ =	shalt  }
0x74: {  	_ =	shalt  }
0x75: {  	_ =	shalt  }
0x76: {  	_ =	shalt  }
0x77: {  	_ =	shalt  }
0x78: {  	_ =	shalt  }
0x79: {  	_ =	shalt  }
0x7a: {  	_ =	shalt  }
0x7b: {  	_ =	shalt  }
0x7c: {  	_ =	shalt  }
0x7d: {  	_ =	shalt  }
0x7e: {  	_ =	shalt  }
0x7f: {  	_ =	shalt  }
0x80: {  	_ =	shalt  }
0x81: {  	_ =	shalt  }
0x82: {  	_ =	shalt  }
0x83: {  	_ =	shalt  }
0x84: {  	_ =	shalt  }
0x85: {  	_ =	shalt  }
0x86: {  	_ =	shalt  }
0x87: {  	_ =	shalt  }
.Lfunc_end0:
.L_simem_size_0:
called_computation_lowered:
.L_overlay_start_0:
0x88: {  	s2 =	sld [smem:$0x3FD9]  }
0x89: {  	s3 =	sld [smem:$0x3FFE];
	_ =	sdelay $0x1  }
0x8a: {  	s1 =	srdreg.scid  }
0x8b: {  	s0 =	sand.u32 $0x1, s1  }
0x8c: {  	s18 =	sshll.u32 s0, $0xA;
	s2 =	sadd.s32 s3, s2  }
0x8d: {  	s2 =	sadd.s32 s2, s18  }
0x8e: {  	[smem:$0x3FC5] =	sst s2  }
0x8f: {  	_ = 	snop  }
0x90: {  	s2 =	sld [smem:$0x3FC9]  }
0x91: {  	s19 =	sld [smem:$0x3FC8]  }
0x92: {  	s4 =	sld [smem:$0x3FC7]  }
0x93: {  	s5 =	sld [smem:$0x3FD0];
	(tm) =	ssettm $0x1  }
0x94: {  	s6 =	sld [smem:$0x3FFB];
	_ =	sdelay $0x3  }
0x95: {  	_ =	strace s6  }
0x96: {  	s6 =	sld [smem:$0x3FFC];
	_ =	sdelay $0x3  }
0x97: {  	_ =	strace s6  }
0x98: {  	s6 =	sld [smem:$0x3FFD];
	_ =	sdelay $0x3  }
0x99: {  	_ =	strace s6  }
0x9a: {  	_ =	strace $0x8FFFFFFF  }
0x9b: {  	s20 =	sld [smem:$0x3FDB];
	_ =	sdelay $0x1  }
0x9c: {  	s7 =	simm.s32 $_scs_section_size  }
0x9d: {  	s8 =	simm.s32 $_size__tile_overlayer_lowered;
	s9 =	simm.s32 $_tile_overlayer_lowered  }
0x9e: {  	s23 =	simm.s32 $0x1BFF;
	s22 =	sshll.u32 s9, $0x1;
	s6 =	sadd.s32 s7, s20  }
0x9f: {  	s10 =	simm.s32 $0x0;
	s21 =	sshll.u32 s8, $0x1;
	s8 =	sadd.s32 s22, s6  }
0xa0: {  	[timem:s10], [sflag:s23] =	dma.local [hbm:s8], s21  }
0xa1: {  	_ =	swait.ge [sflag:s23], s21  }
0xa2: {  	s7 =	ssub.s32 $0x0, s21;
	[sflag:s23] =	ssyncset.done $0x0  }
0xa3: {  	[sflag:s23] =	ssyncadd.s32 s7;
	_ =	sdelay $0x1  }
0xa4: {  	s24 =	simm.s32 $0x1B8B  }
0xa5: {  	_ =	swait.ge [sflag:s24], $0x1  }
0xa6: {  	[sflag:s24] =	ssyncset.done $0x0  }
0xa7: {  	s25 =	simm.s32 $0x1B8E;
	[sflag:s24] =	ssyncadd.s32 $0xFFFFFFFF  }
0xa8: {  	s26 =	simm.s32 $execute0_lowered;
	[smem:$0x3FD2] =	sst s25  }
0xa9: {  	s7 =	sshll.u32 s26, $0x1;
	_ =	strace $0x80000046;
	[dreg:$0x1] =	wrdreg $0xFFFFFFFF  }
0xaa: {  	s28 =	simm.s32 $_size_execute0_lowered;
	s6 =	sadd.s32 s6, s7;
	[dreg:$0x0] =	wrdreg $0x0  }
0xab: {  	s7 =	sshll.u32 s28, $0x1;
	[dreg:$0x2] =	wrdreg s6  }
0xac: {  	[dreg:$0x3] =	wrdreg s7  }
0xad: {  	[dreg:$0x4] =	wrdreg $0xC0  }
0xae: {  	_ =	task [dreg:s10], $0x5FFFF  }
0xaf: {  	[dreg:$0x1] =	wrdreg $0xFFFFFFFF  }
0xb0: {  	[dreg:$0x0] =	wrdreg $0x60  }
0xb1: {  	[dreg:$0x2] =	wrdreg s2  }
0xb2: {  	[dreg:$0x3] =	wrdreg s19  }
0xb3: {  	[dreg:$0x4] =	wrdreg s4  }
0xb4: {  	[dreg:$0x5] =	wrdreg s5  }
0xb5: {  	[dreg:$0x6] =	wrdreg $0x9  }
0xb6: {  	_ =	task.clear_ibuf [dreg:s10], $0x7FFFF;
	_ =	strace $0x90000046  }
0xb7: {  	s29 =	simm.s32 $0x9;
	_ =	strace $0x80000048  }
0xb8: {  	_ =	swait.ge [sflag:s29], $0x1  }
0xb9: {  	[sflag:s29] =	ssyncadd.s32 $0xFFFFFFFF  }
0xba: {  	_ =	strace $0x90000048  }
0xbb: {  	_ =	sfence  }
0xbc: {  	s30 =	sld [smem:$0x0];
	_ =	sdelay $0x2  }
0xbd: {  	s31 =	sshll.u32 s1, $0xD;
	s1 =	sshrl.u32 s1, $0x2  }
0xbe: {  	s3 =	sand.u32 $0x4000, s31;
	s1 =	sadd.s32 s1, s30  }
0xbf: {  	s0 =	sor.u32 s3, s0;
	s1 =	sshll.u32 s1, $0x11  }
0xc0: {  	s0 =	sor.u32 s1, s0  }
0xc1: {  	s0 =	sadd.s32 $0x8F2B, s0  }
0xc2: {  	[sflag:s0] =	ssyncadd.remote.s32 $0x1  }
0xc3: {  	_ =	sfence.sel $0xFFFF  }
0xc4: {  	[dreg:$0x0] =	wrdreg $0xFFFFFFFF;
	(pc) =	sbr.abs _section_cstart, $3  }
0xc5: {  	[dreg:$0x1] =	wrdreg $0xFFFFFFFF  }
0xc6: {  	_ =	task.clear_ibuf [dreg:s10], $0x2FFFF;
	_ =	strace $0x9FFFFFFF  }
0xc7: {  	(tm) =	ssettm $0x7FFFFFFF  }
tec
execute0_lowered:
.L_overlay_start_1:
0x0: {  	(tag) =	ssettag $0x1  }
0x1: {  	s0 =	rddreg [dreg:$0x0]  }
0x2: {  	s1 =	rddreg [dreg:$0x1]  }
0x3: {  	s4 =	rddreg [dreg:$0x2]  }
0x4: {  	s7 =	rddreg [dreg:$0x3]  }
0x5: {  	s2 =	srdreg.scid;
	s5 =	stileid.u32  }
0x6: {  	s3 =	sand.u32 $0x1, s2;
	s5 =	sshll.u32 s5, $0x1;
	s2 =	simm.s32 $0x0  }
0x7: {  	s6 =	ssub.s32 $0x2, s3;
	s3 =	sor.u32 s3, s5;
	[smem:$0x7FF] =	sst s2  }
0x8: {  	s15 =	sshrl.u32 s6, $0x1;
	s8 =	sshll.u32 s3, $0x9;
	_ =	strace $0x80000047  }
0x9: {  	s19 =	sshll.u32 s3, $0x6;
	p0 =	sgt.u32 s3, $0x2;
	s13 =	sadd.s32 s0, s8  }
0xa: {  	s9 =	ssub.s32 s6, s15;
	s14 =	sadd.s32 s1, s8;
	[dreg:$0x15] =	wrdreg s13  }
0xb: {  	s16 =	sor.u32 $0x4000, s8;
	s15 =	sadd.s32 s4, s8;
	[dreg:$0x16] =	wrdreg s14  }
0xc: {  	s6 =	sadd.s32 s7, s19;
	s19 =	sadd.s32 $0x18600, s0;
	[dreg:$0x17] =	wrdreg s15  }
0xd: {  	s20 =	sor.u32 $0x8000, s8;
	s17 =	sadd.s32 s0, s16;
	[dreg:$0x19] =	wrdreg s19  }
0xe: {  	s23 =	sor.u32 $0xC000, s8;
	s18 =	sadd.s32 s1, s16;
	[dreg:$0x5] =	wrdreg s17  }
0xf: {  	p2 =	seq.s32 @p0 s3, $0x4;
	s10 =	sadd.s32 s4, s16;
	[dreg:$0x6] =	wrdreg s18  }
0x10: {  	s28 =	sor.u32 $0x10000, s8;
	s11 =	sadd.s32 s0, s20;
	[dreg:$0x7] =	wrdreg s10  }
0x11: {  	s21 =	sadd.s32 s1, s20;
	s5 =	sshrl.u32 s16, $0x3;
	[dreg:$0x8] =	wrdreg s11  }
0x12: {  	s22 =	sadd.s32 s4, s20;
	s24 =	sadd.s32 s0, s23;
	[dreg:$0x9] =	wrdreg s21  }
0x13: {  	s25 =	sadd.s32 s1, s23;
	s26 =	sadd.s32 s4, s23;
	[dreg:$0xa] =	wrdreg s22  }
0x14: {  	p1 =	por p2, !p0;
	s29 =	sadd.s32 s0, s28;
	[dreg:$0xc] =	wrdreg s24  }
0x15: {  	s30 =	sadd.s32 s1, s28;
	s31 =	sadd.s32 s4, s28;
	[dreg:$0xd] =	wrdreg s25  }
0x16: {  	s16 =	sor.u32 $0x14000, s8;
	s13 =	simm.s32 $0x6000;
	[dreg:$0xe] =	wrdreg s26  }
0x17: {  	s14 =	simm.s32 $0x1;
	s15 =	simm.s32 $0x8000;
	[dreg:$0x10] =	wrdreg s29  }
0x18: {  	s19 =	simm.s32 $0x4;
	s5 =	sadd.s32 s7, s5;
	[dreg:$0x11] =	wrdreg s30  }
0x19: {  	s10 =	sshrl.u32 s20, $0x3;
	p3 =	sne.s32 @!p1 s3, $0x3;
	[dreg:$0x12] =	wrdreg s31  }
0x1a: {  	s11 =	sshrl.u32 s28, $0x3;
	s18 =	sadd.s32 s0, s16;
	[dreg:$0xb] =	wrdreg s5  }
0x1b: {  	s17 =	sor.u32 $0x18000, s8;
	s20 =	sadd.s32 $0x18680, s0;
	[dreg:$0x18] =	wrdreg s18  }
0x1c: {  	s21 =	sadd.s32 s1, s16;
	s22 =	sadd.s32 $0x18600, s1;
	[dreg:$0x1a] =	wrdreg s20  }
0x1d: {  	s26 =	sadd.s32 s4, s16;
	s28 =	sshrl.u32 s16, $0x3;
	[dreg:$0x1c] =	wrdreg s21  }
0x1e: {  	s29 =	sadd.s32 $0x30C0, s7;
	s30 =	sadd.s32 $0x30D0, s7;
	[dreg:$0x1d] =	wrdreg s22  }
0x1f: {  	p1 =	por !p2, !p0;
	s31 =	sadd.s32 $0x3000, s6;
	[smem:$0x7F8] =	sst s26  }
0x20: {  	s8 =	simm.s32 $0x2000;
	s16 =	simm.s32 $0x2;
	[smem:$0x7F9] =	sst s29  }
0x21: {  	s10 =	sadd.s32 s7, s10;
	s5 =	sshrl.u32 s23, $0x3;
	[smem:$0x7FA] =	sst s30  }
0x22: {  	s12 =	sadd.s32 s7, s11;
	s0 =	sadd.s32 s0, s17;
	[smem:$0x7FD] =	sst s31  }
0x23: {  	s23 =	sadd.s32 $0x18680, s1;
	s24 =	sadd.s32 s1, s17;
	[dreg:$0xf] =	wrdreg s10  }
0x24: {  	s25 =	sadd.s32 s4, s17;
	p4 =	por @p0 p3, p2;
	[dreg:$0x14] =	wrdreg s12  }
0x25: {  	p3 =	por @p0 !p3, p2;
	s11 =	simm.s32 $0x4000;
	[dreg:$0x1b] =	wrdreg s0  }
0x26: {  	s17 =	simm.s32 $0x8200;
	s18 =	simm.s32 $0x3;
	[dreg:$0x1e] =	wrdreg s23  }
0x27: {  	s20 =	simm.s32 $0x0;
	s3 =	sadd.s32 s7, s5;
	[dreg:$0x1f] =	wrdreg s24  }
0x28: {  	[smem:$0x7F7] =	sst s25;
	s5 =	sadd.s32 s7, s28;
	p2 =	por p4, !p0  }
.Ltmp0:
0x29: {  	s7 =	smax.u32 s9, $0x1;
	s0 =	simm.s32 @!p2 $0x0;
	(pc) =	sbr.rel .LBB2_1-.Ltmp0, $4  }
0x2a: {  	p3 =	por !p3, !p0;
	s9 =	simm.s32 $0x1000;
	s0 =	simm.s32 @p2 $0x1  }
0x2b: {  	s10 =	simm.s32 $0xC3800;
	[smem:$0x7FB] =	sst s0;
	s0 =	simm.s32 @!p3 $0x0  }
0x2c: {  	s12 =	simm.s32 $0x3000;
	[dreg:$0x13] =	wrdreg s3;
	s0 =	simm.s32 @p3 $0x1  }
0x2d: {  	v0 =	vimm.s32 $0x0;
	v1 =	vlaneseq.u32;
	s3 =	sadd.s32 $0x18600, s4;
	s4 =	sadd.s32 $0x18680, s4;
	[smem:$0x7FC] =	sst s0  }
.LBB2_21:
0x2e: {  	_ =	swait.ge [sflag:s19], $0x200  }
0x2f: {  	[sflag:s19] =	ssyncset.done $0x0  }
0x30: {  	s0 =	simm.s32 @!p0 $0x3;
	[sflag:s19] =	ssyncadd.s32 $0xFFFFFE00  }
0x31: {  	_ =	swait.ge @!p0 [sflag:s0], $0x200  }
0x32: {  	[sflag:s0] =	ssyncset.done @!p0 $0x0  }
0x33: {  	s20 =	sadd.s32 $0x1, s20;
	[sflag:s0] =	ssyncadd.s32 @!p0 $0xFFFFFE00;
	s0 =	simm.s32 @p4 $0x3  }
0x34: {  	p3 =	sne.s32 s20, s7;
	_ =	swait.ge @p4 [sflag:s0], $0x80  }
.Ltmp1:
0x35: {  	[sflag:s0] =	ssyncset.done @p4 $0x0;
	(pc) =	sbr.rel @!p3 .LBB2_22-.Ltmp1, $4  }
0x36: {  	[sflag:s0] =	ssyncadd.s32 @p4 $0xFFFFFF80;
	s0 =	simm.s32 @p5 $0x3  }
0x37: {  	_ =	swait.ge @p5 [sflag:s0], $0x20  }
0x38: {  	[sflag:s0] =	ssyncset.done @p5 $0x0  }
0x39: {  	[sflag:s0] =	ssyncadd.s32 @p5 $0xFFFFFFE0  }
.LBB2_1:
0x3a: {  	s0 =	rddreg [dreg:$0x15]  }
0x3b: {  	[tilespmem:s2], [sflag:$0x1] =	stream.linear.gather [hbm4b:s0+s2], $0x1000, $0x38;
	[tilespmem:$0x9480] =	vst v63  }
0x3c: {  	s22 =	rddreg [dreg:$0x16]  }
0x3d: {  	[tilespmem:s8], [sflag:$0x1] =	stream.linear.gather [hbm4b:s22+s2], $0x1000, $0x38;
	[tilespmem:$0x9480] =	vst v63  }
0x3e: {  	s23 =	rddreg [dreg:$0x17]  }
0x3f: {  	[tilespmem:s11], [sflag:$0x1] =	stream.strided.gather [hbm4b:s23+s9], $0x2000, s10, s9, $0x38;
	[tilespmem:$0x9480] =	vst v63  }
0x40: {  	s24 =	rddreg [dreg:$0x5]  }
0x41: {  	[tilespmem:s9], [sflag:$0x2] =	stream.linear.gather [hbm4b:s24+s2], $0x1000, $0x38;
	[tilespmem:$0x9480] =	vst v63  }
0x42: {  	s25 =	rddreg [dreg:$0x6]  }
0x43: {  	[tilespmem:s12], [sflag:$0x2] =	stream.linear.gather [hbm4b:s25+s2], $0x1000, $0x38;
	[tilespmem:$0x9480] =	vst v63  }
0x44: {  	s26 =	rddreg [dreg:$0x7]  }
0x45: {  	[tilespmem:s13], [sflag:$0x2] =	stream.strided.gather [hbm4b:s26+s9], $0x2000, s10, s9, $0x38;
	[tilespmem:$0x9480] =	vst v63  }
0x46: {  	_ =	swait.ge [sflag:s14], $0x1000  }
0x47: {  	[sflag:s14] =	ssyncset.done $0x0  }
0x48: {  	[sflag:s14] =	ssyncadd.s32 $0xFFFFF000  }
0x49: {  	_ =	swait.ge [sflag:s14], $0x1000  }
0x4a: {  	[sflag:s14] =	ssyncset.done $0x0  }
0x4b: {  	[sflag:s14] =	ssyncadd.s32 $0xFFFFF000  }
0x4c: {  	s21 =	simm.s32 $0x30;
	_ =	swait.ge [sflag:s14], $0x2000  }
0x4d: {  	s22 =	sand.u32 $0xC00, s2;
	s23 =	sand.u32 $0x70, s21;
	[sflag:s14] =	ssyncset.done $0x0  }
0x4e: {  	s23 =	sor.u32 s22, s23;
	[sflag:s14] =	ssyncadd.s32 $0xFFFFE000  }
0x4f: {  	v2 =	vld [tilespmem:s23+$0x0]  }
0x50: {  	s24 =	simm.s32 $0x10;
	v3 =	vld [tilespmem:s23+$0x100]  }
0x51: {  	s25 =	sand.u32 $0x50, s24;
	v4 =	vld [tilespmem:s23+$0x2000]  }
0x52: {  	s28 =	sor.u32 s22, s25;
	v5 =	vld [tilespmem:s23+$0x2100]  }
0x53: {  	s29 =	simm.s32 $0x20;
	v7 =	vld [tilespmem:s28+$0x0]  }
0x54: {  	s30 =	sand.u32 $0x60, s29;
	v10 =	vld [tilespmem:s28+$0x100]  }
0x55: {  	v6 =	vmov s2;
	s31 =	sand.u32 $0x40, s2;
	v12 =	vld [tilespmem:s28+$0x2000];
	s23 =	sor.u32 s22, s30  }
0x56: {  	v11 =	vor.u32 s2, v1;
	v9 =	vmov s29;
	v17 =	vmov s21;
	s22 =	sor.u32 s31, s22;
	v25 =	vld [tilespmem:s23+$0x100]  }
0x57: {  	v6 =	vshll.u32 v6, $0x3;
	v35 =	vor.u32 s21, v1;
	v17 =	vshll.u32 v17, $0x3;
	v15 =	vld [tilespmem:s22+$0x100]  }
0x58: {  	v9 =	vshll.u32 v9, $0x3;
	v17 =	vand.u32 $0xC00, v17;
	v8 =	vmov s24;
	v16 =	vld [tilespmem:s22+$0x2100]  }
0x59: {  	v13 =	vor.u32 s24, v1;
	v8 =	vshll.u32 v8, $0x3;
	v29 =	vld [tilespmem:s23+$0x2100];
	v2 =	vsub.f32 v4, v2  }
0x5a: {  	v14 =	vld [tilespmem:s28+$0x2100];
	v3 =	vsub.f32 v5, v3;
	v4 =	vor.u32 s29, v1;
	v5 =	vand.u32 $0xC00, v6  }
0x5b: {  	v23 =	vld [tilespmem:s23+$0x0];
	v6 =	vand.u32 $0xC00, v8;
	v8 =	vand.u32 $0xC00, v9;
	v9 =	vand.u32 $0x7F, v35  }
0x5c: {  	v21 =	vand.u32 $0x5F, v13;
	v27 =	vld [tilespmem:s23+$0x2000];
	v4 =	vand.u32 $0x6F, v4;
	v9 =	vor.u32 v17, v9  }
0x5d: {  	v36 =	vsub.f32 v16, v15;
	v20 =	vmul.f32 v2, v2;
	v3 =	vmul.f32 v3, v3  }
0x5e: {  	v2 =	vand.u32 $0x4F, v11;
	v4 =	vor.u32 v8, v4;
	v11 =	vsub.f32 v29, v25  }
0x5f: {  	v2 =	vor.u32 v5, v2;
	v5 =	vsub.f32 v12, v7;
	v38 =	vmul.f32 v36, v36  }
0x60: {  	v7 =	vadd.f32 v3, v20;
	v3 =	vor.u32 v6, v21;
	v6 =	vsub.f32 v14, v10  }
0x61: {  	v10 =	vsub.f32 v27, v23;
	v37 =	vmul.f32 v11, v11;
	v5 =	vmul.f32 v5, v5  }
0x62: {  	vm0 =	vge.f32 v7, $9.999999770e-03;
	vm1 =	vge.f32 v7, $3.999999910e-02;
	v6 =	vmul.f32 v6, v6  }
0x63: {  	v8 =	vsel vm0, $0x1, v0;
	v22 =	vsel vm1, $0x1, v0;
	vm0 =	vge.f32 v7, $9.000000350e-02  }
0x64: {  	v8 =	vadd.s32 v22, v8;
	v24 =	vsel vm0, $0x1, v0;
	vm0 =	vge.f32 v7, $1.599999960e-01  }
0x65: {  	v5 =	vadd.f32 v6, v5;
	v8 =	vadd.s32 v24, v8;
	v26 =	vsel vm0, $0x1, v0  }
0x66: {  	v6 =	vmul.f32 v10, v10;
	vm0 =	vge.f32 v7, $2.500000000e-01;
	v8 =	vadd.s32 v26, v8  }
0x67: {  	v28 =	vsel vm0, $0x1, v0;
	vm0 =	vge.f32 v7, $3.600000140e-01;
	vm1 =	vge.f32 v5, $3.999999910e-02  }
0x68: {  	v6 =	vadd.f32 v37, v6;
	v8 =	vadd.s32 v28, v8;
	v30 =	vsel vm0, $0x1, v0  }
0x69: {  	vm0 =	vge.f32 v7, $4.899999500e-01;
	v40 =	vsel vm1, $0x1, v0;
	v8 =	vadd.s32 v30, v8  }
0x6a: {  	v32 =	vsel vm0, $0x1, v0;
	vm0 =	vge.f32 v7, $6.399999860e-01;
	vm1 =	vge.f32 v6, $9.999999770e-03  }
0x6b: {  	vm2 =	vge.f32 v6, $3.999999910e-02;
	vm3 =	vge.f32 v6, $9.000000350e-02;
	v8 =	vadd.s32 v32, v8  }
0x6c: {  	v33 =	vsel vm0, $0x1, v0;
	vm0 =	vge.f32 v7, $8.099999420e-01;
	v42 =	vsel vm1, $0x1, v0  }
0x6d: {  	v31 =	vld [tilespmem:s22+$0x0];
	v45 =	vsel vm2, $0x1, v0;
	v48 =	vsel vm3, $0x1, v0;
	vm2 =	vge.f32 v6, $1.599999960e-01  }
0x6e: {  	v7 =	vld [tilespmem:s22+$0x2000];
	v8 =	vadd.s32 v33, v8;
	v34 =	vsel vm0, $0x1, v0;
	vm0 =	vge.f32 v5, $9.999999770e-03  }
0x6f: {  	v10 =	vadd.s32 v45, v42;
	v51 =	vsel vm2, $0x1, v0;
	vm2 =	vge.f32 v6, $2.500000000e-01  }
0x70: {  	v8 =	vadd.s32 v34, v8;
	v39 =	vsel vm0, $0x1, v0;
	vm0 =	vge.f32 v5, $9.000000350e-02  }
0x71: {  	v10 =	vadd.s32 v48, v10;
	v54 =	vsel vm2, $0x1, v0;
	vm2 =	vge.f32 v6, $3.600000140e-01  }
0x72: {  	v18 =	vshll.u32 v8, $0x9;
	v8 =	vshll.u32 v8, $0x7;
	v41 =	vadd.s32 v40, v39  }
0x73: {  	v47 =	vsel vm0, $0x1, v0;
	v10 =	vadd.s32 v51, v10;
	v7 =	vsub.f32 v7, v31  }
0x74: {  	v57 =	vsel vm2, $0x1, v0;
	vm2 =	vge.f32 v6, $4.899999500e-01;
	v18 =	vand.u32 $0x7FFFF000, v18  }
0x75: {  	v8 =	vand.u32 $0x380, v8;
	v10 =	vadd.s32 v54, v10;
	v7 =	vmul.f32 v7, v7  }
0x76: {  	v60 =	vsel vm2, $0x1, v0;
	vm2 =	vge.f32 v6, $6.399999860e-01;
	v9 =	vor.u32 v18, v9  }
0x77: {  	v10 =	vadd.s32 v57, v10;
	v63 =	vsel vm2, $0x1, v0;
	v7 =	vadd.f32 v38, v7  }
0x78: {  	vm2 =	vge.f32 v6, $8.099999420e-01;
	v8 =	vor.u32 v8, v9;
	v10 =	vadd.s32 v60, v10  }
0x79: {  	v9 =	vadd.s32 v47, v41;
	v6 =	vadd.s32 v63, v10;
	vm4 =	vge.f32 v7, $9.999999770e-03  }
0x7a: {  	vm5 =	vge.f32 v7, $3.999999910e-02;
	vm1 =	vge.f32 v7, $9.000000350e-02;
	vm0 =	vge.f32 v7, $1.599999960e-01  }
0x7b: {  	v43 =	vsel vm4, $0x1, v0;
	v44 =	vsel vm5, $0x1, v0;
	v46 =	vsel vm1, $0x1, v0  }
0x7c: {  	vm1 =	vge.f32 v5, $1.599999960e-01;
	v49 =	vsel vm0, $0x1, v0;
	vm0 =	vge.f32 v7, $2.500000000e-01  }
0x7d: {  	v11 =	vadd.s32 v44, v43;
	v50 =	vsel vm1, $0x1, v0;
	vm1 =	vge.f32 v5, $2.500000000e-01  }
0x7e: {  	v52 =	vsel vm0, $0x1, v0;
	vm0 =	vge.f32 v7, $3.600000140e-01;
	v11 =	vadd.s32 v46, v11  }
0x7f: {  	v9 =	vadd.s32 v50, v9;
	v53 =	vsel vm1, $0x1, v0;
	vm1 =	vge.f32 v5, $3.600000140e-01  }
0x80: {  	v55 =	vsel vm0, $0x1, v0;
	vm0 =	vge.f32 v7, $4.899999500e-01;
	v11 =	vadd.s32 v49, v11  }
0x81: {  	v8 =	vld.idx.msk [tilespmem:v8+s11+$0x0], $0xffff;
	v9 =	vadd.s32 v53, v9;
	v56 =	vsel vm1, $0x1, v0;
	vm1 =	vge.f32 v5, $4.899999500e-01  }
0x82: {  	v58 =	vsel vm0, $0x1, v0;
	vm0 =	vge.f32 v7, $6.399999860e-01;
	v11 =	vadd.s32 v52, v11  }
0x83: {  	v9 =	vadd.s32 v56, v9;
	v59 =	vsel vm1, $0x1, v0;
	vm1 =	vge.f32 v5, $6.399999860e-01  }
0x84: {  	v61 =	vsel vm0, $0x1, v0;
	vm0 =	vge.f32 v7, $8.099999420e-01;
	v11 =	vadd.s32 v55, v11  }
0x85: {  	s21 =	simm.s32 $0x8020;
	v9 =	vadd.s32 v59, v9;
	v62 =	vsel vm1, $0x1, v0;
	v11 =	vadd.s32 v58, v11  }
0x86: {  	s24 =	simm.s32 $0x0;
	s23 =	simm.s32 $0x40;
	s22 =	simm.s32 $0x0;
	[tilespmem:s21+$0x10] =	vst v8;
	vm1 =	vge.f32 v5, $8.099999420e-01;
	v7 =	vadd.s32 v62, v9;
	v5 =	vadd.s32 v61, v11  }
.LBB2_2:
0x87: {  	s28 =	sadd.s32 $0x10, s23;
	s25 =	sadd.s32 $0x30, s23;
	v8 =	vsel vm0, $0x1, v0;
	v9 =	vsel vm1, $0x1, v0;
	v10 =	vsel vm2, $0x1, v0;
	s24 =	sadd.s32 $0x200, s24  }
0x88: {  	v11 =	vmov s23;
	s30 =	sadd.s32 $0x20, s23;
	s29 =	sand.u32 $0xC00, s24;
	v12 =	vmov s28;
	s26 =	sand.u32 $0x70, s25;
	v7 =	vadd.s32 v9, v7  }
0x89: {  	s31 =	sand.u32 $0x50, s28;
	s0 =	sand.u32 $0x60, s30;
	v9 =	vmov s30;
	v5 =	vadd.s32 v8, v5;
	v6 =	vadd.s32 v10, v6;
	s1 =	sor.u32 s29, s26  }
0x8a: {  	s22 =	sadd.s32 $0x4, s22;
	v8 =	vshll.u32 v11, $0x3;
	s26 =	sand.u32 $0x40, s23;
	s31 =	sor.u32 s29, s31;
	v10 =	vshll.u32 v12, $0x3;
	v9 =	vshll.u32 v9, $0x3;
	v11 =	vld [tilespmem:s1+$0x0]  }
0x8b: {  	v13 =	vor.u32 s28, v1;
	v14 =	vor.u32 s30, v1;
	p4 =	slt.u32 s22, $0x1C;
	v12 =	vor.u32 s23, v1;
	s0 =	sor.u32 s29, s0;
	s26 =	sor.u32 s26, s29;
	v15 =	vld [tilespmem:s1+$0x100]  }
0x8c: {  	v17 =	vshll.u32 v5, $0x9;
	v18 =	vshll.u32 v7, $0x9;
	v19 =	vshll.u32 v6, $0x9;
	v16 =	vld [tilespmem:s1+$0x2000]  }
0x8d: {  	v8 =	vand.u32 $0xC00, v8;
	v10 =	vand.u32 $0xC00, v10;
	v9 =	vand.u32 $0xC00, v9;
	v20 =	vld [tilespmem:s1+$0x2100]  }
0x8e: {  	v13 =	vand.u32 $0x5F, v13;
	v14 =	vand.u32 $0x6F, v14;
	v12 =	vand.u32 $0x4F, v12;
	v21 =	vld [tilespmem:s31+$0x0]  }
0x8f: {  	v17 =	vand.u32 $0x7FFFF000, v17;
	v18 =	vand.u32 $0x7FFFF000, v18;
	v19 =	vand.u32 $0x7FFFF000, v19;
	v22 =	vld [tilespmem:s31+$0x100]  }
0x90: {  	v5 =	vshll.u32 v5, $0x7;
	v7 =	vshll.u32 v7, $0x7;
	v6 =	vshll.u32 v6, $0x7;
	v23 =	vld [tilespmem:s31+$0x2000]  }
0x91: {  	v8 =	vor.u32 v8, v12;
	v10 =	vor.u32 v10, v13;
	v9 =	vor.u32 v9, v14;
	v12 =	vld [tilespmem:s31+$0x2100]  }
0x92: {  	v11 =	vsub.f32 v16, v11;
	v13 =	vld [tilespmem:s0+$0x0];
	v14 =	vsub.f32 v20, v15;
	v15 =	vor.u32 v18, v3;
	v3 =	vmovc v10  }
0x93: {  	v7 =	vand.u32 $0x380, v7;
	v16 =	vor.u32 v17, v2;
	v17 =	vor.u32 v19, v4;
	v2 =	vmovc v8;
	v4 =	vmovc v9;
	v10 =	vld [tilespmem:s0+$0x100]  }
0x94: {  	v6 =	vand.u32 $0x380, v6;
	v9 =	vmul.f32 v11, v11;
	v8 =	vld [tilespmem:s0+$0x2000];
	v11 =	vmul.f32 v14, v14  }
0x95: {  	v5 =	vand.u32 $0x380, v5;
	v7 =	vor.u32 v7, v15;
	v14 =	vsub.f32 v23, v21;
	v18 =	vld [tilespmem:s0+$0x2100]  }
0x96: {  	v6 =	vor.u32 v6, v17;
	v15 =	vld [tilespmem:s26+$0x0];
	v12 =	vsub.f32 v12, v22;
	v9 =	vadd.f32 v11, v9  }
0x97: {  	v5 =	vor.u32 v5, v16;
	v11 =	vld [tilespmem:s26+$0x100];
	v14 =	vmul.f32 v14, v14  }
0x98: {  	v16 =	vld [tilespmem:s26+$0x2000];
	v12 =	vmul.f32 v12, v12;
	vm0 =	vge.f32 v9, $9.999999770e-03;
	vm1 =	vge.f32 v9, $3.999999910e-02  }
0x99: {  	v17 =	vld [tilespmem:s26+$0x2100];
	v19 =	vsel vm0, $0x1, v0;
	v20 =	vsel vm1, $0x1, v0;
	vm0 =	vge.f32 v9, $9.000000350e-02  }
0x9a: {  	v19 =	vadd.s32 v20, v19;
	v20 =	vsel vm0, $0x1, v0;
	vm0 =	vge.f32 v9, $1.599999960e-01;
	v7 =	vld.idx.msk [tilespmem:v7+s11+$0x0], $0xffff  }
0x9b: {  	v19 =	vadd.s32 v20, v19;
	v20 =	vsel vm0, $0x1, v0;
	vm0 =	vge.f32 v9, $2.500000000e-01;
	v6 =	vld.idx.msk [tilespmem:v6+s11+$0x0], $0xffff  }
0x9c: {  	v19 =	vadd.s32 v20, v19;
	v20 =	vsel vm0, $0x1, v0;
	vm0 =	vge.f32 v9, $3.600000140e-01;
	v5 =	vld.idx.msk [tilespmem:v5+s11+$0x0], $0xffff  }
0x9d: {  	v19 =	vadd.s32 v20, v19;
	v20 =	vsel vm0, $0x1, v0;
	vm0 =	vge.f32 v9, $4.899999500e-01  }
0x9e: {  	v19 =	vadd.s32 v20, v19;
	v20 =	vsel vm0, $0x1, v0;
	vm0 =	vge.f32 v9, $6.399999860e-01  }
0x9f: {  	v19 =	vadd.s32 v20, v19;
	v20 =	vsel vm0, $0x1, v0;
	vm0 =	vge.f32 v9, $8.099999420e-01  }
0xa0: {  	v9 =	vadd.s32 v20, v19;
	v19 =	vsel vm0, $0x1, v0;
	v20 =	vmov s25;
	[tilespmem:s21+$0xFFFFFFF0] =	vst v7  }
0xa1: {  	v7 =	vadd.s32 v19, v9;
	v9 =	vor.u32 s25, v1;
	v19 =	vshll.u32 v20, $0x3;
	[tilespmem:s21+$0x0] =	vst v6  }
0xa2: {  	v6 =	vand.u32 $0x7F, v9;
	v9 =	vshll.u32 v7, $0x9;
	v19 =	vand.u32 $0xC00, v19;
	[tilespmem:s21+$0xFFFFFFE0] =	vst v5  }
0xa3: {  	v7 =	vshll.u32 v7, $0x7;
	v5 =	vand.u32 $0x7FFFF000, v9;
	v6 =	vor.u32 v19, v6  }
0xa4: {  	v8 =	vsub.f32 v8, v13;
	v7 =	vand.u32 $0x380, v7;
	v5 =	vor.u32 v5, v6  }
0xa5: {  	v9 =	vsub.f32 v18, v10;
	v6 =	vsub.f32 v16, v15;
	v5 =	vor.u32 v7, v5  }
0xa6: {  	v8 =	vmul.f32 v8, v8;
	v10 =	vadd.f32 v12, v14;
	v7 =	vsub.f32 v17, v11  }
0xa7: {  	v9 =	vmul.f32 v9, v9;
	v6 =	vmul.f32 v6, v6  }
0xa8: {  	vm0 =	vge.f32 v10, $9.999999770e-03;
	vm1 =	vge.f32 v10, $3.999999910e-02;
	v7 =	vmul.f32 v7, v7  }
0xa9: {  	v11 =	vsel vm0, $0x1, v0;
	v12 =	vsel vm1, $0x1, v0;
	v8 =	vadd.f32 v9, v8  }
0xaa: {  	vm0 =	vge.f32 v10, $9.000000350e-02;
	v6 =	vadd.f32 v7, v6;
	v7 =	vadd.s32 v12, v11;
	v5 =	vld.idx.msk [tilespmem:v5+s11+$0x0], $0xffff  }
0xab: {  	vm1 =	vge.f32 v8, $9.999999770e-03;
	vm2 =	vge.f32 v8, $3.999999910e-02;
	vm3 =	vge.f32 v8, $9.000000350e-02  }
0xac: {  	v9 =	vsel vm1, $0x1, v0;
	vm4 =	vge.f32 v6, $9.999999770e-03;
	vm5 =	vge.f32 v6, $3.999999910e-02  }
0xad: {  	v13 =	vsel vm2, $0x1, v0;
	v11 =	vsel vm4, $0x1, v0;
	v12 =	vsel vm5, $0x1, v0  }
0xae: {  	vm1 =	vge.f32 v6, $9.000000350e-02;
	v9 =	vadd.s32 v13, v9;
	v11 =	vadd.s32 v12, v11  }
0xaf: {  	s21 =	sadd.s32 $0x40, s21;
	v14 =	vsel vm3, $0x1, v0;
	v13 =	vsel vm0, $0x1, v0;
	v12 =	vsel vm1, $0x1, v0  }
0xb0: {  	vm2 =	vge.f32 v8, $1.599999960e-01;
	vm0 =	vge.f32 v6, $1.599999960e-01;
	vm1 =	vge.f32 v10, $1.599999960e-01;
	[tilespmem:s21+$0x10] =	vst v5  }
0xb1: {  	v7 =	vadd.s32 v13, v7;
	v9 =	vadd.s32 v14, v9;
	v5 =	vadd.s32 v12, v11  }
0xb2: {  	v13 =	vsel vm2, $0x1, v0;
	v11 =	vsel vm0, $0x1, v0;
	v12 =	vsel vm1, $0x1, v0  }
0xb3: {  	vm2 =	vge.f32 v8, $2.500000000e-01;
	vm0 =	vge.f32 v6, $2.500000000e-01;
	vm1 =	vge.f32 v10, $2.500000000e-01  }
0xb4: {  	v9 =	vadd.s32 v13, v9;
	v5 =	vadd.s32 v11, v5;
	v7 =	vadd.s32 v12, v7  }
0xb5: {  	v13 =	vsel vm2, $0x1, v0;
	v11 =	vsel vm0, $0x1, v0;
	v12 =	vsel vm1, $0x1, v0  }
0xb6: {  	vm2 =	vge.f32 v8, $3.600000140e-01;
	vm0 =	vge.f32 v6, $3.600000140e-01;
	vm1 =	vge.f32 v10, $3.600000140e-01  }
0xb7: {  	v9 =	vadd.s32 v13, v9;
	v5 =	vadd.s32 v11, v5;
	v7 =	vadd.s32 v12, v7  }
0xb8: {  	v13 =	vsel vm2, $0x1, v0;
	v11 =	vsel vm0, $0x1, v0;
	v12 =	vsel vm1, $0x1, v0  }
0xb9: {  	vm2 =	vge.f32 v8, $4.899999500e-01;
	vm0 =	vge.f32 v6, $4.899999500e-01;
	vm1 =	vge.f32 v10, $4.899999500e-01  }
0xba: {  	v9 =	vadd.s32 v13, v9;
	v5 =	vadd.s32 v11, v5;
	v7 =	vadd.s32 v12, v7  }
0xbb: {  	v13 =	vsel vm2, $0x1, v0;
	v11 =	vsel vm0, $0x1, v0;
	v12 =	vsel vm1, $0x1, v0  }
.Ltmp2:
0xbc: {  	vm2 =	vge.f32 v8, $6.399999860e-01;
	vm0 =	vge.f32 v6, $6.399999860e-01;
	vm1 =	vge.f32 v10, $6.399999860e-01;
	(pc) =	sbr.rel @p4 .LBB2_2-.Ltmp2, $4  }
0xbd: {  	v9 =	vadd.s32 v13, v9;
	v5 =	vadd.s32 v11, v5;
	v7 =	vadd.s32 v12, v7  }
0xbe: {  	v13 =	vsel vm2, $0x1, v0;
	v11 =	vsel vm0, $0x1, v0;
	v12 =	vsel vm1, $0x1, v0  }
0xbf: {  	vm2 =	vge.f32 v8, $8.099999420e-01;
	vm0 =	vge.f32 v6, $8.099999420e-01;
	vm1 =	vge.f32 v10, $8.099999420e-01  }
0xc0: {  	s23 =	sadd.s32 $0x40, s23;
	v6 =	vadd.s32 v13, v9;
	v5 =	vadd.s32 v11, v5;
	v7 =	vadd.s32 v12, v7  }
0xc1: {  	v8 =	vsel vm0, $0x1, v0;
	v9 =	vsel vm1, $0x1, v0  }
0xc2: {  	v10 =	vsel vm2, $0x1, v0;
	v7 =	vadd.s32 v9, v7;
	v5 =	vadd.s32 v8, v5  }
0xc3: {  	v6 =	vadd.s32 v10, v6;
	v8 =	vshll.u32 v5, $0x9;
	v9 =	vshll.u32 v7, $0x9  }
0xc4: {  	v10 =	vshll.u32 v6, $0x9;
	v5 =	vshll.u32 v5, $0x7;
	v7 =	vshll.u32 v7, $0x7  }
0xc5: {  	v6 =	vshll.u32 v6, $0x7;
	v8 =	vand.u32 $0x7FFFF000, v8;
	v9 =	vand.u32 $0x7FFFF000, v9  }
0xc6: {  	v10 =	vand.u32 $0x7FFFF000, v10;
	v7 =	vand.u32 $0x380, v7;
	v3 =	vor.u32 v9, v3  }
0xc7: {  	v6 =	vand.u32 $0x380, v6;
	v4 =	vor.u32 v10, v4;
	v3 =	vor.u32 v7, v3  }
0xc8: {  	v5 =	vand.u32 $0x380, v5;
	v2 =	vor.u32 v8, v2;
	v4 =	vor.u32 v6, v4  }
0xc9: {  	v2 =	vor.u32 v5, v2;
	_ =	sdelay $0x2  }
0xca: {  	v3 =	vld.idx.msk [tilespmem:v3+s11+$0x0], $0xffff  }
0xcb: {  	v4 =	vld.idx.msk [tilespmem:v4+s11+$0x0], $0xffff  }
0xcc: {  	v2 =	vld.idx.msk [tilespmem:v2+s11+$0x0], $0xffff;
	_ =	sdelay $0x2  }
0xcd: {  	[tilespmem:s21+$0xFFFFFFF0] =	vst v3  }
0xce: {  	[tilespmem:s21+$0x0] =	vst v4  }
0xcf: {  	[tilespmem:s21+$0xFFFFFFE0] =	vst v2;
	s21 =	simm.s32 $0x0  }
0xd0: {  	[hbm4b:s6+s21] =	stream.linear.scatter [tilespmem:s15], [sflag:$0x3], $0x200, $0x38;
	[tilespmem:$0x9480] =	vst v63  }
0xd1: {  	s0 =	rddreg [dreg:$0x8]  }
0xd2: {  	[tilespmem:s21], [sflag:$0x1] =	stream.linear.gather [hbm4b:s0+s21], $0x1000, $0x38;
	[tilespmem:$0x9480] =	vst v63  }
0xd3: {  	s24 =	rddreg [dreg:$0x9]  }
0xd4: {  	[tilespmem:s8], [sflag:$0x1] =	stream.linear.gather [hbm4b:s24+s21], $0x1000, $0x38;
	[tilespmem:$0x9480] =	vst v63  }
0xd5: {  	s25 =	rddreg [dreg:$0xa]  }
0xd6: {  	[tilespmem:s11], [sflag:$0x1] =	stream.strided.gather [hbm4b:s25+s9], $0x2000, s10, s9, $0x38;
	[tilespmem:$0x9480] =	vst v63  }
0xd7: {  	_ =	swait.ge [sflag:s16], $0x1000  }
0xd8: {  	[sflag:s16] =	ssyncset.done $0x0  }
0xd9: {  	[sflag:s16] =	ssyncadd.s32 $0xFFFFF000  }
0xda: {  	_ =	swait.ge [sflag:s16], $0x1000  }
0xdb: {  	[sflag:s16] =	ssyncset.done $0x0  }
0xdc: {  	[sflag:s16] =	ssyncadd.s32 $0xFFFFF000  }
0xdd: {  	s22 =	simm.s32 $0x30;
	_ =	swait.ge [sflag:s16], $0x2000  }
0xde: {  	s1 =	sand.u32 $0x70, s22;
	s26 =	sand.u32 $0xC00, s21;
	[sflag:s16] =	ssyncset.done $0x0  }
0xdf: {  	s1 =	sor.u32 s26, s1;
	[sflag:s16] =	ssyncadd.s32 $0xFFFFE000  }
0xe0: {  	v2 =	vld [tilespmem:s1+$0x1000]  }
0xe1: {  	s23 =	simm.s32 $0x10;
	v3 =	vld [tilespmem:s1+$0x1100]  }
0xe2: {  	s24 =	sand.u32 $0x50, s23;
	v4 =	vld [tilespmem:s1+$0x3000]  }
0xe3: {  	s28 =	sor.u32 s26, s24;
	v5 =	vld [tilespmem:s1+$0x3100]  }
0xe4: {  	s31 =	sand.u32 $0x40, s21;
	v7 =	vld [tilespmem:s28+$0x1000]  }
0xe5: {  	s29 =	simm.s32 $0x20;
	s0 =	sor.u32 s31, s26;
	v19 =	vld [tilespmem:s28+$0x1100]  }
0xe6: {  	s30 =	sand.u32 $0x60, s29;
	v15 =	vld [tilespmem:s0+$0x1100]  }
0xe7: {  	v17 =	vmov s22;
	s1 =	sor.u32 s26, s30;
	v16 =	vld [tilespmem:s0+$0x3100]  }
0xe8: {  	v18 =	vmov s29;
	v13 =	vor.u32 s23, v1;
	v17 =	vshll.u32 v17, $0x3;
	v23 =	vld [tilespmem:s1+$0x1000]  }
0xe9: {  	v35 =	vor.u32 s22, v1;
	v21 =	vand.u32 $0x5F, v13;
	v17 =	vand.u32 $0xC00, v17;
	v25 =	vld [tilespmem:s1+$0x1100]  }
0xea: {  	v8 =	vmov s23;
	v9 =	vshll.u32 v18, $0x3;
	v6 =	vmov s21;
	v27 =	vld [tilespmem:s1+$0x3000]  }
0xeb: {  	v8 =	vshll.u32 v8, $0x3;
	v11 =	vor.u32 s21, v1;
	v6 =	vshll.u32 v6, $0x3;
	v29 =	vld [tilespmem:s1+$0x3100]  }
0xec: {  	v12 =	vld [tilespmem:s28+$0x3000];
	v2 =	vsub.f32 v4, v2;
	v3 =	vsub.f32 v5, v3;
	v4 =	vor.u32 s29, v1  }
0xed: {  	v14 =	vld [tilespmem:s28+$0x3100];
	v5 =	vand.u32 $0xC00, v6;
	v6 =	vand.u32 $0xC00, v8;
	v8 =	vand.u32 $0xC00, v9  }
0xee: {  	v9 =	vand.u32 $0x7F, v35;
	v36 =	vsub.f32 v16, v15;
	v4 =	vand.u32 $0x6F, v4  }
0xef: {  	v9 =	vor.u32 v17, v9;
	v10 =	vsub.f32 v27, v23;
	v20 =	vmul.f32 v2, v2  }
0xf0: {  	v3 =	vmul.f32 v3, v3;
	v2 =	vand.u32 $0x4F, v11;
	v11 =	vsub.f32 v29, v25  }
0xf1: {  	v38 =	vmul.f32 v36, v36;
	v2 =	vor.u32 v5, v2;
	v5 =	vsub.f32 v12, v7  }
0xf2: {  	v7 =	vadd.f32 v3, v20;
	v3 =	vor.u32 v6, v21;
	v6 =	vsub.f32 v14, v19  }
0xf3: {  	v4 =	vor.u32 v8, v4;
	v37 =	vmul.f32 v11, v11;
	v5 =	vmul.f32 v5, v5  }
0xf4: {  	vm0 =	vge.f32 v7, $9.999999770e-03;
	vm1 =	vge.f32 v7, $3.999999910e-02;
	v6 =	vmul.f32 v6, v6  }
0xf5: {  	v8 =	vsel vm0, $0x1, v0;
	v22 =	vsel vm1, $0x1, v0;
	vm0 =	vge.f32 v7, $9.000000350e-02  }
0xf6: {  	v8 =	vadd.s32 v22, v8;
	v24 =	vsel vm0, $0x1, v0;
	vm0 =	vge.f32 v7, $1.599999960e-01  }
0xf7: {  	v5 =	vadd.f32 v6, v5;
	v8 =	vadd.s32 v24, v8;
	v26 =	vsel vm0, $0x1, v0  }
0xf8: {  	v6 =	vmul.f32 v10, v10;
	vm0 =	vge.f32 v7, $2.500000000e-01;
	v8 =	vadd.s32 v26, v8  }
0xf9: {  	v28 =	vsel vm0, $0x1, v0;
	vm0 =	vge.f32 v7, $3.600000140e-01;
	vm1 =	vge.f32 v5, $3.999999910e-02  }
0xfa: {  	v6 =	vadd.f32 v37, v6;
	v8 =	vadd.s32 v28, v8;
	v30 =	vsel vm0, $0x1, v0  }
0xfb: {  	vm0 =	vge.f32 v7, $4.899999500e-01;
	v40 =	vsel vm1, $0x1, v0;
	v8 =	vadd.s32 v30, v8  }
0xfc: {  	v32 =	vsel vm0, $0x1, v0;
	vm0 =	vge.f32 v7, $6.399999860e-01;
	vm1 =	vge.f32 v6, $9.999999770e-03  }
0xfd: {  	vm2 =	vge.f32 v6, $3.999999910e-02;
	vm3 =	vge.f32 v6, $9.000000350e-02;
	v8 =	vadd.s32 v32, v8  }
0xfe: {  	v33 =	vsel vm0, $0x1, v0;
	vm0 =	vge.f32 v7, $8.099999420e-01;
	v42 =	vsel vm1, $0x1, v0  }
0xff: {  	v31 =	vld [tilespmem:s0+$0x1000];
	v45 =	vsel vm2, $0x1, v0;
	v48 =	vsel vm3, $0x1, v0;
	vm2 =	vge.f32 v6, $1.599999960e-01  }
0x100: {  	v7 =	vld [tilespmem:s0+$0x3000];
	v8 =	vadd.s32 v33, v8;
	v34 =	vsel vm0, $0x1, v0;
	vm0 =	vge.f32 v5, $9.999999770e-03  }
0x101: {  	v10 =	vadd.s32 v45, v42;
	v51 =	vsel vm2, $0x1, v0;
	vm2 =	vge.f32 v6, $2.500000000e-01  }
0x102: {  	v8 =	vadd.s32 v34, v8;
	v39 =	vsel vm0, $0x1, v0;
	vm0 =	vge.f32 v5, $9.000000350e-02  }
0x103: {  	v10 =	vadd.s32 v48, v10;
	v54 =	vsel vm2, $0x1, v0;
	vm2 =	vge.f32 v6, $3.600000140e-01  }
0x104: {  	v18 =	vshll.u32 v8, $0x9;
	v8 =	vshll.u32 v8, $0x7;
	v41 =	vadd.s32 v40, v39  }
0x105: {  	v47 =	vsel vm0, $0x1, v0;
	v10 =	vadd.s32 v51, v10;
	v7 =	vsub.f32 v7, v31  }
0x106: {  	v57 =	vsel vm2, $0x1, v0;
	vm2 =	vge.f32 v6, $4.899999500e-01;
	v18 =	vand.u32 $0x7FFFF000, v18  }
0x107: {  	v8 =	vand.u32 $0x380, v8;
	v10 =	vadd.s32 v54, v10;
	v7 =	vmul.f32 v7, v7  }
0x108: {  	v60 =	vsel vm2, $0x1, v0;
	vm2 =	vge.f32 v6, $6.399999860e-01;
	v9 =	vor.u32 v18, v9  }
0x109: {  	v10 =	vadd.s32 v57, v10;
	v63 =	vsel vm2, $0x1, v0;
	v7 =	vadd.f32 v38, v7  }
0x10a: {  	vm2 =	vge.f32 v6, $8.099999420e-01;
	v8 =	vor.u32 v8, v9;
	v10 =	vadd.s32 v60, v10  }
0x10b: {  	v9 =	vadd.s32 v47, v41;
	v6 =	vadd.s32 v63, v10;
	vm4 =	vge.f32 v7, $9.999999770e-03  }
0x10c: {  	vm5 =	vge.f32 v7, $3.999999910e-02;
	vm1 =	vge.f32 v7, $9.000000350e-02;
	vm0 =	vge.f32 v7, $1.599999960e-01  }
0x10d: {  	v43 =	vsel vm4, $0x1, v0;
	v44 =	vsel vm5, $0x1, v0;
	v46 =	vsel vm1, $0x1, v0  }
0x10e: {  	vm1 =	vge.f32 v5, $1.599999960e-01;
	v49 =	vsel vm0, $0x1, v0;
	vm0 =	vge.f32 v7, $2.500000000e-01  }
0x10f: {  	v11 =	vadd.s32 v44, v43;
	v50 =	vsel vm1, $0x1, v0;
	vm1 =	vge.f32 v5, $2.500000000e-01  }
0x110: {  	v52 =	vsel vm0, $0x1, v0;
	vm0 =	vge.f32 v7, $3.600000140e-01;
	v11 =	vadd.s32 v46, v11  }
0x111: {  	v9 =	vadd.s32 v50, v9;
	v53 =	vsel vm1, $0x1, v0;
	vm1 =	vge.f32 v5, $3.600000140e-01  }
0x112: {  	v55 =	vsel vm0, $0x1, v0;
	vm0 =	vge.f32 v7, $4.899999500e-01;
	v11 =	vadd.s32 v49, v11  }
0x113: {  	v8 =	vld.idx.msk [tilespmem:v8+s13+$0x0], $0xffff;
	v9 =	vadd.s32 v53, v9;
	v56 =	vsel vm1, $0x1, v0;
	vm1 =	vge.f32 v5, $4.899999500e-01  }
0x114: {  	v58 =	vsel vm0, $0x1, v0;
	vm0 =	vge.f32 v7, $6.399999860e-01;
	v11 =	vadd.s32 v52, v11  }
0x115: {  	v9 =	vadd.s32 v56, v9;
	v59 =	vsel vm1, $0x1, v0;
	vm1 =	vge.f32 v5, $6.399999860e-01  }
0x116: {  	v61 =	vsel vm0, $0x1, v0;
	vm0 =	vge.f32 v7, $8.099999420e-01;
	v11 =	vadd.s32 v55, v11  }
0x117: {  	s22 =	simm.s32 $0x8220;
	v9 =	vadd.s32 v59, v9;
	v62 =	vsel vm1, $0x1, v0;
	v11 =	vadd.s32 v58, v11  }
0x118: {  	s23 =	simm.s32 $0x0;
	s24 =	simm.s32 $0x40;
	[tilespmem:s22+$0x10] =	vst v8;
	vm1 =	vge.f32 v5, $8.099999420e-01;
	v7 =	vadd.s32 v62, v9;
	v5 =	vadd.s32 v61, v11  }
.LBB2_4:
0x119: {  	s0 =	sadd.s32 $0x10, s24;
	s25 =	sadd.s32 $0x30, s24;
	v8 =	vsel vm0, $0x1, v0;
	v9 =	vsel vm1, $0x1, v0;
	v10 =	vsel vm2, $0x1, v0;
	s21 =	sadd.s32 $0x200, s21  }
0x11a: {  	v11 =	vmov s24;
	s28 =	sadd.s32 $0x20, s24;
	s1 =	sand.u32 $0xC00, s21;
	v12 =	vmov s0;
	s26 =	sand.u32 $0x70, s25;
	v7 =	vadd.s32 v9, v7  }
0x11b: {  	s29 =	sand.u32 $0x50, s0;
	s30 =	sand.u32 $0x60, s28;
	v9 =	vmov s28;
	v5 =	vadd.s32 v8, v5;
	v6 =	vadd.s32 v10, v6;
	s31 =	sor.u32 s1, s26  }
0x11c: {  	s23 =	sadd.s32 $0x4, s23;
	v8 =	vshll.u32 v11, $0x3;
	s26 =	sand.u32 $0x40, s24;
	s29 =	sor.u32 s1, s29;
	v10 =	vshll.u32 v12, $0x3;
	v9 =	vshll.u32 v9, $0x3;
	v11 =	vld [tilespmem:s31+$0x1000]  }
0x11d: {  	v13 =	vor.u32 s0, v1;
	v14 =	vor.u32 s28, v1;
	p4 =	slt.u32 s23, $0x1C;
	v12 =	vor.u32 s24, v1;
	s0 =	sor.u32 s1, s30;
	s26 =	sor.u32 s26, s1;
	v15 =	vld [tilespmem:s31+$0x1100]  }
0x11e: {  	v17 =	vshll.u32 v5, $0x9;
	v18 =	vshll.u32 v7, $0x9;
	v19 =	vshll.u32 v6, $0x9;
	v16 =	vld [tilespmem:s31+$0x3000]  }
0x11f: {  	v8 =	vand.u32 $0xC00, v8;
	v10 =	vand.u32 $0xC00, v10;
	v9 =	vand.u32 $0xC00, v9;
	v20 =	vld [tilespmem:s31+$0x3100]  }
0x120: {  	v13 =	vand.u32 $0x5F, v13;
	v14 =	vand.u32 $0x6F, v14;
	v12 =	vand.u32 $0x4F, v12;
	v21 =	vld [tilespmem:s29+$0x1000]  }
0x121: {  	v17 =	vand.u32 $0x7FFFF000, v17;
	v18 =	vand.u32 $0x7FFFF000, v18;
	v19 =	vand.u32 $0x7FFFF000, v19;
	v22 =	vld [tilespmem:s29+$0x1100]  }
0x122: {  	v5 =	vshll.u32 v5, $0x7;
	v7 =	vshll.u32 v7, $0x7;
	v6 =	vshll.u32 v6, $0x7;
	v23 =	vld [tilespmem:s29+$0x3000]  }
0x123: {  	v8 =	vor.u32 v8, v12;
	v10 =	vor.u32 v10, v13;
	v9 =	vor.u32 v9, v14;
	v12 =	vld [tilespmem:s29+$0x3100]  }
0x124: {  	v11 =	vsub.f32 v16, v11;
	v13 =	vld [tilespmem:s0+$0x1000];
	v14 =	vsub.f32 v20, v15;
	v15 =	vor.u32 v18, v3;
	v3 =	vmovc v10  }
0x125: {  	v7 =	vand.u32 $0x380, v7;
	v16 =	vor.u32 v17, v2;
	v17 =	vor.u32 v19, v4;
	v2 =	vmovc v8;
	v4 =	vmovc v9;
	v10 =	vld [tilespmem:s0+$0x1100]  }
0x126: {  	v6 =	vand.u32 $0x380, v6;
	v9 =	vmul.f32 v11, v11;
	v8 =	vld [tilespmem:s0+$0x3000];
	v11 =	vmul.f32 v14, v14  }
0x127: {  	v5 =	vand.u32 $0x380, v5;
	v7 =	vor.u32 v7, v15;
	v14 =	vsub.f32 v23, v21;
	v18 =	vld [tilespmem:s0+$0x3100]  }
0x128: {  	v6 =	vor.u32 v6, v17;
	v15 =	vld [tilespmem:s26+$0x1000];
	v12 =	vsub.f32 v12, v22;
	v9 =	vadd.f32 v11, v9  }
0x129: {  	v5 =	vor.u32 v5, v16;
	v11 =	vld [tilespmem:s26+$0x1100];
	v14 =	vmul.f32 v14, v14  }
0x12a: {  	v16 =	vld [tilespmem:s26+$0x3000];
	v12 =	vmul.f32 v12, v12;
	vm0 =	vge.f32 v9, $9.999999770e-03;
	vm1 =	vge.f32 v9, $3.999999910e-02  }
0x12b: {  	v17 =	vld [tilespmem:s26+$0x3100];
	v19 =	vsel vm0, $0x1, v0;
	v20 =	vsel vm1, $0x1, v0;
	vm0 =	vge.f32 v9, $9.000000350e-02  }
0x12c: {  	v19 =	vadd.s32 v20, v19;
	v20 =	vsel vm0, $0x1, v0;
	vm0 =	vge.f32 v9, $1.599999960e-01;
	v7 =	vld.idx.msk [tilespmem:v7+s13+$0x0], $0xffff  }
0x12d: {  	v19 =	vadd.s32 v20, v19;
	v20 =	vsel vm0, $0x1, v0;
	vm0 =	vge.f32 v9, $2.500000000e-01;
	v6 =	vld.idx.msk [tilespmem:v6+s13+$0x0], $0xffff  }
0x12e: {  	v19 =	vadd.s32 v20, v19;
	v20 =	vsel vm0, $0x1, v0;
	vm0 =	vge.f32 v9, $3.600000140e-01;
	v5 =	vld.idx.msk [tilespmem:v5+s13+$0x0], $0xffff  }
0x12f: {  	v19 =	vadd.s32 v20, v19;
	v20 =	vsel vm0, $0x1, v0;
	vm0 =	vge.f32 v9, $4.899999500e-01  }
0x130: {  	v19 =	vadd.s32 v20, v19;
	v20 =	vsel vm0, $0x1, v0;
	vm0 =	vge.f32 v9, $6.399999860e-01  }
0x131: {  	v19 =	vadd.s32 v20, v19;
	v20 =	vsel vm0, $0x1, v0;
	vm0 =	vge.f32 v9, $8.099999420e-01  }
0x132: {  	v9 =	vadd.s32 v20, v19;
	v19 =	vsel vm0, $0x1, v0;
	v20 =	vmov s25;
	[tilespmem:s22+$0xFFFFFFF0] =	vst v7  }
0x133: {  	v7 =	vadd.s32 v19, v9;
	v9 =	vor.u32 s25, v1;
	v19 =	vshll.u32 v20, $0x3;
	[tilespmem:s22+$0x0] =	vst v6  }
0x134: {  	v6 =	vand.u32 $0x7F, v9;
	v9 =	vshll.u32 v7, $0x9;
	v19 =	vand.u32 $0xC00, v19;
	[tilespmem:s22+$0xFFFFFFE0] =	vst v5  }
0x135: {  	v7 =	vshll.u32 v7, $0x7;
	v5 =	vand.u32 $0x7FFFF000, v9;
	v6 =	vor.u32 v19, v6  }
0x136: {  	v8 =	vsub.f32 v8, v13;
	v7 =	vand.u32 $0x380, v7;
	v5 =	vor.u32 v5, v6  }
0x137: {  	v9 =	vsub.f32 v18, v10;
	v6 =	vsub.f32 v16, v15;
	v5 =	vor.u32 v7, v5  }
0x138: {  	v8 =	vmul.f32 v8, v8;
	v10 =	vadd.f32 v12, v14;
	v7 =	vsub.f32 v17, v11  }
0x139: {  	v9 =	vmul.f32 v9, v9;
	v6 =	vmul.f32 v6, v6  }
0x13a: {  	vm0 =	vge.f32 v10, $9.999999770e-03;
	vm1 =	vge.f32 v10, $3.999999910e-02;
	v7 =	vmul.f32 v7, v7  }
0x13b: {  	v11 =	vsel vm0, $0x1, v0;
	v12 =	vsel vm1, $0x1, v0;
	v8 =	vadd.f32 v9, v8  }
0x13c: {  	vm0 =	vge.f32 v10, $9.000000350e-02;
	v6 =	vadd.f32 v7, v6;
	v7 =	vadd.s32 v12, v11;
	v5 =	vld.idx.msk [tilespmem:v5+s13+$0x0], $0xffff  }
0x13d: {  	vm1 =	vge.f32 v8, $9.999999770e-03;
	vm2 =	vge.f32 v8, $3.999999910e-02;
	vm3 =	vge.f32 v8, $9.000000350e-02  }
0x13e: {  	v9 =	vsel vm1, $0x1, v0;
	vm4 =	vge.f32 v6, $9.999999770e-03;
	vm5 =	vge.f32 v6, $3.999999910e-02  }
0x13f: {  	v13 =	vsel vm2, $0x1, v0;
	v11 =	vsel vm4, $0x1, v0;
	v12 =	vsel vm5, $0x1, v0  }
0x140: {  	vm1 =	vge.f32 v6, $9.000000350e-02;
	v9 =	vadd.s32 v13, v9;
	v11 =	vadd.s32 v12, v11  }
0x141: {  	s22 =	sadd.s32 $0x40, s22;
	v14 =	vsel vm3, $0x1, v0;
	v13 =	vsel vm0, $0x1, v0;
	v12 =	vsel vm1, $0x1, v0  }
0x142: {  	vm2 =	vge.f32 v8, $1.599999960e-01;
	vm0 =	vge.f32 v6, $1.599999960e-01;
	vm1 =	vge.f32 v10, $1.599999960e-01;
	[tilespmem:s22+$0x10] =	vst v5  }
0x143: {  	v7 =	vadd.s32 v13, v7;
	v9 =	vadd.s32 v14, v9;
	v5 =	vadd.s32 v12, v11  }
0x144: {  	v13 =	vsel vm2, $0x1, v0;
	v11 =	vsel vm0, $0x1, v0;
	v12 =	vsel vm1, $0x1, v0  }
0x145: {  	vm2 =	vge.f32 v8, $2.500000000e-01;
	vm0 =	vge.f32 v6, $2.500000000e-01;
	vm1 =	vge.f32 v10, $2.500000000e-01  }
0x146: {  	v9 =	vadd.s32 v13, v9;
	v5 =	vadd.s32 v11, v5;
	v7 =	vadd.s32 v12, v7  }
0x147: {  	v13 =	vsel vm2, $0x1, v0;
	v11 =	vsel vm0, $0x1, v0;
	v12 =	vsel vm1, $0x1, v0  }
0x148: {  	vm2 =	vge.f32 v8, $3.600000140e-01;
	vm0 =	vge.f32 v6, $3.600000140e-01;
	vm1 =	vge.f32 v10, $3.600000140e-01  }
0x149: {  	v9 =	vadd.s32 v13, v9;
	v5 =	vadd.s32 v11, v5;
	v7 =	vadd.s32 v12, v7  }
0x14a: {  	v13 =	vsel vm2, $0x1, v0;
	v11 =	vsel vm0, $0x1, v0;
	v12 =	vsel vm1, $0x1, v0  }
0x14b: {  	vm2 =	vge.f32 v8, $4.899999500e-01;
	vm0 =	vge.f32 v6, $4.899999500e-01;
	vm1 =	vge.f32 v10, $4.899999500e-01  }
0x14c: {  	v9 =	vadd.s32 v13, v9;
	v5 =	vadd.s32 v11, v5;
	v7 =	vadd.s32 v12, v7  }
0x14d: {  	v13 =	vsel vm2, $0x1, v0;
	v11 =	vsel vm0, $0x1, v0;
	v12 =	vsel vm1, $0x1, v0  }
.Ltmp3:
0x14e: {  	vm2 =	vge.f32 v8, $6.399999860e-01;
	vm0 =	vge.f32 v6, $6.399999860e-01;
	vm1 =	vge.f32 v10, $6.399999860e-01;
	(pc) =	sbr.rel @p4 .LBB2_4-.Ltmp3, $4  }
0x14f: {  	v9 =	vadd.s32 v13, v9;
	v5 =	vadd.s32 v11, v5;
	v7 =	vadd.s32 v12, v7  }
0x150: {  	v13 =	vsel vm2, $0x1, v0;
	v11 =	vsel vm0, $0x1, v0;
	v12 =	vsel vm1, $0x1, v0  }
0x151: {  	vm2 =	vge.f32 v8, $8.099999420e-01;
	vm0 =	vge.f32 v6, $8.099999420e-01;
	vm1 =	vge.f32 v10, $8.099999420e-01  }
0x152: {  	s24 =	sadd.s32 $0x40, s24;
	v6 =	vadd.s32 v13, v9;
	v5 =	vadd.s32 v11, v5;
	v7 =	vadd.s32 v12, v7  }
0x153: {  	v8 =	vsel vm0, $0x1, v0;
	v9 =	vsel vm1, $0x1, v0  }
0x154: {  	v10 =	vsel vm2, $0x1, v0;
	v7 =	vadd.s32 v9, v7;
	v5 =	vadd.s32 v8, v5  }
0x155: {  	v6 =	vadd.s32 v10, v6;
	v8 =	vshll.u32 v5, $0x9;
	v9 =	vshll.u32 v7, $0x9  }
0x156: {  	v10 =	vshll.u32 v6, $0x9;
	v5 =	vshll.u32 v5, $0x7;
	v7 =	vshll.u32 v7, $0x7  }
0x157: {  	v6 =	vshll.u32 v6, $0x7;
	v8 =	vand.u32 $0x7FFFF000, v8;
	v9 =	vand.u32 $0x7FFFF000, v9  }
0x158: {  	v10 =	vand.u32 $0x7FFFF000, v10;
	v7 =	vand.u32 $0x380, v7;
	v3 =	vor.u32 v9, v3  }
0x159: {  	v6 =	vand.u32 $0x380, v6;
	v4 =	vor.u32 v10, v4;
	v3 =	vor.u32 v7, v3  }
0x15a: {  	v5 =	vand.u32 $0x380, v5;
	v2 =	vor.u32 v8, v2;
	v4 =	vor.u32 v6, v4  }
0x15b: {  	v2 =	vor.u32 v5, v2;
	_ =	sdelay $0x2  }
0x15c: {  	v3 =	vld.idx.msk [tilespmem:v3+s13+$0x0], $0xffff  }
0x15d: {  	v4 =	vld.idx.msk [tilespmem:v4+s13+$0x0], $0xffff  }
0x15e: {  	v2 =	vld.idx.msk [tilespmem:v2+s13+$0x0], $0xffff;
	_ =	sdelay $0x2  }
0x15f: {  	[tilespmem:s22+$0xFFFFFFF0] =	vst v3  }
0x160: {  	[tilespmem:s22+$0x0] =	vst v4  }
0x161: {  	[tilespmem:s22+$0xFFFFFFE0] =	vst v2  }
0x162: {  	s21 =	simm.s32 $0x0;
	s0 =	rddreg [dreg:$0xb]  }
0x163: {  	[hbm4b:s0+s21] =	stream.linear.scatter [tilespmem:s17], [sflag:$0x4], $0x200, $0x38;
	[tilespmem:$0x9480] =	vst v63  }
0x164: {  	s22 =	rddreg [dreg:$0xc]  }
0x165: {  	[tilespmem:s9], [sflag:$0x2] =	stream.linear.gather [hbm4b:s22+s21], $0x1000, $0x38;
	[tilespmem:$0x9480] =	vst v63  }
0x166: {  	s23 =	rddreg [dreg:$0xd]  }
0x167: {  	[tilespmem:s12], [sflag:$0x2] =	stream.linear.gather [hbm4b:s23+s21], $0x1000, $0x38;
	[tilespmem:$0x9480] =	vst v63  }
0x168: {  	s24 =	rddreg [dreg:$0xe]  }
0x169: {  	[tilespmem:s13], [sflag:$0x2] =	stream.strided.gather [hbm4b:s24+s9], $0x2000, s10, s9, $0x38;
	[tilespmem:$0x9480] =	vst v63  }
0x16a: {  	_ =	swait.ge [sflag:s18], $0x200  }
0x16b: {  	[sflag:s18] =	ssyncset.done $0x0  }
0x16c: {  	[sflag:s18] =	ssyncadd.s32 $0xFFFFFE00  }
0x16d: {  	_ =	swait.ge [sflag:s14], $0x1000  }
0x16e: {  	[sflag:s14] =	ssyncset.done $0x0  }
0x16f: {  	[sflag:s14] =	ssyncadd.s32 $0xFFFFF000  }
0x170: {  	_ =	swait.ge [sflag:s14], $0x1000  }
0x171: {  	[sflag:s14] =	ssyncset.done $0x0  }
0x172: {  	[sflag:s14] =	ssyncadd.s32 $0xFFFFF000  }
0x173: {  	s25 =	simm.s32 $0x30;
	_ =	swait.ge [sflag:s14], $0x2000  }
0x174: {  	s26 =	sand.u32 $0xC00, s21;
	s1 =	sand.u32 $0x70, s25;
	[sflag:s14] =	ssyncset.done $0x0  }
0x175: {  	s1 =	sor.u32 s26, s1;
	[sflag:s14] =	ssyncadd.s32 $0xFFFFE000  }
0x176: {  	v2 =	vld [tilespmem:s1+$0x0]  }
0x177: {  	s23 =	simm.s32 $0x10;
	v3 =	vld [tilespmem:s1+$0x100]  }
0x178: {  	s24 =	sand.u32 $0x50, s23;
	v4 =	vld [tilespmem:s1+$0x2000]  }
0x179: {  	s28 =	sor.u32 s26, s24;
	v5 =	vld [tilespmem:s1+$0x2100]  }
0x17a: {  	s31 =	sand.u32 $0x40, s21;
	v7 =	vld [tilespmem:s28+$0x0]  }
0x17b: {  	s29 =	simm.s32 $0x20;
	s0 =	sor.u32 s31, s26;
	v19 =	vld [tilespmem:s28+$0x100]  }
0x17c: {  	s30 =	sand.u32 $0x60, s29;
	v15 =	vld [tilespmem:s0+$0x100]  }
0x17d: {  	v17 =	vmov s25;
	s1 =	sor.u32 s26, s30;
	v16 =	vld [tilespmem:s0+$0x2100]  }
0x17e: {  	v18 =	vmov s29;
	v11 =	vor.u32 s21, v1;
	v17 =	vshll.u32 v17, $0x3;
	v23 =	vld [tilespmem:s1+$0x0]  }
0x17f: {  	v35 =	vor.u32 s25, v1;
	v17 =	vand.u32 $0xC00, v17;
	v9 =	vshll.u32 v18, $0x3;
	v25 =	vld [tilespmem:s1+$0x100]  }
0x180: {  	v6 =	vmov s21;
	v8 =	vmov s23;
	v13 =	vor.u32 s23, v1;
	v27 =	vld [tilespmem:s1+$0x2000]  }
0x181: {  	v6 =	vshll.u32 v6, $0x3;
	v8 =	vshll.u32 v8, $0x3;
	v21 =	vand.u32 $0x5F, v13;
	v29 =	vld [tilespmem:s1+$0x2100]  }
0x182: {  	v12 =	vld [tilespmem:s28+$0x2000];
	v2 =	vsub.f32 v4, v2;
	v3 =	vsub.f32 v5, v3;
	v4 =	vor.u32 s29, v1  }
0x183: {  	v14 =	vld [tilespmem:s28+$0x2100];
	v5 =	vand.u32 $0xC00, v6;
	v6 =	vand.u32 $0xC00, v8;
	v8 =	vand.u32 $0xC00, v9  }
0x184: {  	v9 =	vand.u32 $0x7F, v35;
	v36 =	vsub.f32 v16, v15;
	v4 =	vand.u32 $0x6F, v4  }
0x185: {  	v9 =	vor.u32 v17, v9;
	v10 =	vsub.f32 v27, v23;
	v20 =	vmul.f32 v2, v2  }
0x186: {  	v3 =	vmul.f32 v3, v3;
	v2 =	vand.u32 $0x4F, v11;
	v11 =	vsub.f32 v29, v25  }
0x187: {  	v38 =	vmul.f32 v36, v36;
	v2 =	vor.u32 v5, v2;
	v5 =	vsub.f32 v12, v7  }
0x188: {  	v7 =	vadd.f32 v3, v20;
	v3 =	vor.u32 v6, v21;
	v6 =	vsub.f32 v14, v19  }
0x189: {  	v4 =	vor.u32 v8, v4;
	v37 =	vmul.f32 v11, v11;
	v5 =	vmul.f32 v5, v5  }
0x18a: {  	vm0 =	vge.f32 v7, $9.999999770e-03;
	vm1 =	vge.f32 v7, $3.999999910e-02;
	v6 =	vmul.f32 v6, v6  }
0x18b: {  	v8 =	vsel vm0, $0x1, v0;
	v22 =	vsel vm1, $0x1, v0;
	vm0 =	vge.f32 v7, $9.000000350e-02  }
0x18c: {  	v8 =	vadd.s32 v22, v8;
	v24 =	vsel vm0, $0x1, v0;
	vm0 =	vge.f32 v7, $1.599999960e-01  }
0x18d: {  	v5 =	vadd.f32 v6, v5;
	v8 =	vadd.s32 v24, v8;
	v26 =	vsel vm0, $0x1, v0  }
0x18e: {  	v6 =	vmul.f32 v10, v10;
	vm0 =	vge.f32 v7, $2.500000000e-01;
	v8 =	vadd.s32 v26, v8  }
0x18f: {  	v28 =	vsel vm0, $0x1, v0;
	vm0 =	vge.f32 v7, $3.600000140e-01;
	vm1 =	vge.f32 v5, $3.999999910e-02  }
0x190: {  	v6 =	vadd.f32 v37, v6;
	v8 =	vadd.s32 v28, v8;
	v30 =	vsel vm0, $0x1, v0  }
0x191: {  	vm0 =	vge.f32 v7, $4.899999500e-01;
	v40 =	vsel vm1, $0x1, v0;
	v8 =	vadd.s32 v30, v8  }
0x192: {  	v32 =	vsel vm0, $0x1, v0;
	vm0 =	vge.f32 v7, $6.399999860e-01;
	vm1 =	vge.f32 v6, $9.999999770e-03  }
0x193: {  	vm2 =	vge.f32 v6, $3.999999910e-02;
	vm3 =	vge.f32 v6, $9.000000350e-02;
	v8 =	vadd.s32 v32, v8  }
0x194: {  	v33 =	vsel vm0, $0x1, v0;
	vm0 =	vge.f32 v7, $8.099999420e-01;
	v42 =	vsel vm1, $0x1, v0  }
0x195: {  	v31 =	vld [tilespmem:s0+$0x0];
	v45 =	vsel vm2, $0x1, v0;
	v48 =	vsel vm3, $0x1, v0;
	vm2 =	vge.f32 v6, $1.599999960e-01  }
0x196: {  	v7 =	vld [tilespmem:s0+$0x2000];
	v8 =	vadd.s32 v33, v8;
	v34 =	vsel vm0, $0x1, v0;
	vm0 =	vge.f32 v5, $9.999999770e-03  }
0x197: {  	v10 =	vadd.s32 v45, v42;
	v51 =	vsel vm2, $0x1, v0;
	vm2 =	vge.f32 v6, $2.500000000e-01  }
0x198: {  	v8 =	vadd.s32 v34, v8;
	v39 =	vsel vm0, $0x1, v0;
	vm0 =	vge.f32 v5, $9.000000350e-02  }
0x199: {  	v10 =	vadd.s32 v48, v10;
	v54 =	vsel vm2, $0x1, v0;
	vm2 =	vge.f32 v6, $3.600000140e-01  }
0x19a: {  	v18 =	vshll.u32 v8, $0x9;
	v8 =	vshll.u32 v8, $0x7;
	v41 =	vadd.s32 v40, v39  }
0x19b: {  	v47 =	vsel vm0, $0x1, v0;
	v10 =	vadd.s32 v51, v10;
	v7 =	vsub.f32 v7, v31  }
0x19c: {  	v57 =	vsel vm2, $0x1, v0;
	vm2 =	vge.f32 v6, $4.899999500e-01;
	v18 =	vand.u32 $0x7FFFF000, v18  }
0x19d: {  	v8 =	vand.u32 $0x380, v8;
	v10 =	vadd.s32 v54, v10;
	v7 =	vmul.f32 v7, v7  }
0x19e: {  	v60 =	vsel vm2, $0x1, v0;
	vm2 =	vge.f32 v6, $6.399999860e-01;
	v9 =	vor.u32 v18, v9  }
0x19f: {  	v10 =	vadd.s32 v57, v10;
	v63 =	vsel vm2, $0x1, v0;
	v7 =	vadd.f32 v38, v7  }
0x1a0: {  	vm2 =	vge.f32 v6, $8.099999420e-01;
	v8 =	vor.u32 v8, v9;
	v10 =	vadd.s32 v60, v10  }
0x1a1: {  	v9 =	vadd.s32 v47, v41;
	v6 =	vadd.s32 v63, v10;
	vm4 =	vge.f32 v7, $9.999999770e-03  }
0x1a2: {  	vm5 =	vge.f32 v7, $3.999999910e-02;
	vm1 =	vge.f32 v7, $9.000000350e-02;
	vm0 =	vge.f32 v7, $1.599999960e-01  }
0x1a3: {  	v43 =	vsel vm4, $0x1, v0;
	v44 =	vsel vm5, $0x1, v0;
	v46 =	vsel vm1, $0x1, v0  }
0x1a4: {  	vm1 =	vge.f32 v5, $1.599999960e-01;
	v49 =	vsel vm0, $0x1, v0;
	vm0 =	vge.f32 v7, $2.500000000e-01  }
0x1a5: {  	v11 =	vadd.s32 v44, v43;
	v50 =	vsel vm1, $0x1, v0;
	vm1 =	vge.f32 v5, $2.500000000e-01  }
0x1a6: {  	v52 =	vsel vm0, $0x1, v0;
	vm0 =	vge.f32 v7, $3.600000140e-01;
	v11 =	vadd.s32 v46, v11  }
0x1a7: {  	v9 =	vadd.s32 v50, v9;
	v53 =	vsel vm1, $0x1, v0;
	vm1 =	vge.f32 v5, $3.600000140e-01  }
0x1a8: {  	v55 =	vsel vm0, $0x1, v0;
	vm0 =	vge.f32 v7, $4.899999500e-01;
	v11 =	vadd.s32 v49, v11  }
0x1a9: {  	v8 =	vld.idx.msk [tilespmem:v8+s11+$0x0], $0xffff;
	v9 =	vadd.s32 v53, v9;
	v56 =	vsel vm1, $0x1, v0;
	vm1 =	vge.f32 v5, $4.899999500e-01  }
0x1aa: {  	v58 =	vsel vm0, $0x1, v0;
	vm0 =	vge.f32 v7, $6.399999860e-01;
	v11 =	vadd.s32 v52, v11  }
0x1ab: {  	v9 =	vadd.s32 v56, v9;
	v59 =	vsel vm1, $0x1, v0;
	vm1 =	vge.f32 v5, $6.399999860e-01  }
0x1ac: {  	v61 =	vsel vm0, $0x1, v0;
	vm0 =	vge.f32 v7, $8.099999420e-01;
	v11 =	vadd.s32 v55, v11  }
0x1ad: {  	s22 =	simm.s32 $0x8020;
	v9 =	vadd.s32 v59, v9;
	v62 =	vsel vm1, $0x1, v0;
	v11 =	vadd.s32 v58, v11  }
0x1ae: {  	s23 =	simm.s32 $0x0;
	s24 =	simm.s32 $0x40;
	[tilespmem:s22+$0x10] =	vst v8;
	vm1 =	vge.f32 v5, $8.099999420e-01;
	v7 =	vadd.s32 v62, v9;
	v5 =	vadd.s32 v61, v11  }
.LBB2_6:
0x1af: {  	s0 =	sadd.s32 $0x10, s24;
	s25 =	sadd.s32 $0x30, s24;
	v8 =	vsel vm0, $0x1, v0;
	v9 =	vsel vm1, $0x1, v0;
	v10 =	vsel vm2, $0x1, v0;
	s21 =	sadd.s32 $0x200, s21  }
0x1b0: {  	v11 =	vmov s24;
	s28 =	sadd.s32 $0x20, s24;
	s1 =	sand.u32 $0xC00, s21;
	v12 =	vmov s0;
	s26 =	sand.u32 $0x70, s25;
	v7 =	vadd.s32 v9, v7  }
0x1b1: {  	s29 =	sand.u32 $0x50, s0;
	s30 =	sand.u32 $0x60, s28;
	v9 =	vmov s28;
	v5 =	vadd.s32 v8, v5;
	v6 =	vadd.s32 v10, v6;
	s31 =	sor.u32 s1, s26  }
0x1b2: {  	s23 =	sadd.s32 $0x4, s23;
	v8 =	vshll.u32 v11, $0x3;
	s26 =	sand.u32 $0x40, s24;
	s29 =	sor.u32 s1, s29;
	v10 =	vshll.u32 v12, $0x3;
	v9 =	vshll.u32 v9, $0x3;
	v11 =	vld [tilespmem:s31+$0x0]  }
0x1b3: {  	v13 =	vor.u32 s0, v1;
	v14 =	vor.u32 s28, v1;
	p4 =	slt.u32 s23, $0x1C;
	v12 =	vor.u32 s24, v1;
	s0 =	sor.u32 s1, s30;
	s26 =	sor.u32 s26, s1;
	v15 =	vld [tilespmem:s31+$0x100]  }
0x1b4: {  	v17 =	vshll.u32 v5, $0x9;
	v18 =	vshll.u32 v7, $0x9;
	v19 =	vshll.u32 v6, $0x9;
	v16 =	vld [tilespmem:s31+$0x2000]  }
0x1b5: {  	v8 =	vand.u32 $0xC00, v8;
	v10 =	vand.u32 $0xC00, v10;
	v9 =	vand.u32 $0xC00, v9;
	v20 =	vld [tilespmem:s31+$0x2100]  }
0x1b6: {  	v13 =	vand.u32 $0x5F, v13;
	v14 =	vand.u32 $0x6F, v14;
	v12 =	vand.u32 $0x4F, v12;
	v21 =	vld [tilespmem:s29+$0x0]  }
0x1b7: {  	v17 =	vand.u32 $0x7FFFF000, v17;
	v18 =	vand.u32 $0x7FFFF000, v18;
	v19 =	vand.u32 $0x7FFFF000, v19;
	v22 =	vld [tilespmem:s29+$0x100]  }
0x1b8: {  	v5 =	vshll.u32 v5, $0x7;
	v7 =	vshll.u32 v7, $0x7;
	v6 =	vshll.u32 v6, $0x7;
	v23 =	vld [tilespmem:s29+$0x2000]  }
0x1b9: {  	v8 =	vor.u32 v8, v12;
	v10 =	vor.u32 v10, v13;
	v9 =	vor.u32 v9, v14;
	v12 =	vld [tilespmem:s29+$0x2100]  }
0x1ba: {  	v11 =	vsub.f32 v16, v11;
	v13 =	vld [tilespmem:s0+$0x0];
	v14 =	vsub.f32 v20, v15;
	v15 =	vor.u32 v18, v3;
	v3 =	vmovc v10  }
0x1bb: {  	v7 =	vand.u32 $0x380, v7;
	v16 =	vor.u32 v17, v2;
	v17 =	vor.u32 v19, v4;
	v2 =	vmovc v8;
	v4 =	vmovc v9;
	v10 =	vld [tilespmem:s0+$0x100]  }
0x1bc: {  	v6 =	vand.u32 $0x380, v6;
	v9 =	vmul.f32 v11, v11;
	v8 =	vld [tilespmem:s0+$0x2000];
	v11 =	vmul.f32 v14, v14  }
0x1bd: {  	v5 =	vand.u32 $0x380, v5;
	v7 =	vor.u32 v7, v15;
	v14 =	vsub.f32 v23, v21;
	v18 =	vld [tilespmem:s0+$0x2100]  }
0x1be: {  	v6 =	vor.u32 v6, v17;
	v15 =	vld [tilespmem:s26+$0x0];
	v12 =	vsub.f32 v12, v22;
	v9 =	vadd.f32 v11, v9  }
0x1bf: {  	v5 =	vor.u32 v5, v16;
	v11 =	vld [tilespmem:s26+$0x100];
	v14 =	vmul.f32 v14, v14  }
0x1c0: {  	v16 =	vld [tilespmem:s26+$0x2000];
	v12 =	vmul.f32 v12, v12;
	vm0 =	vge.f32 v9, $9.999999770e-03;
	vm1 =	vge.f32 v9, $3.999999910e-02  }
0x1c1: {  	v17 =	vld [tilespmem:s26+$0x2100];
	v19 =	vsel vm0, $0x1, v0;
	v20 =	vsel vm1, $0x1, v0;
	vm0 =	vge.f32 v9, $9.000000350e-02  }
0x1c2: {  	v19 =	vadd.s32 v20, v19;
	v20 =	vsel vm0, $0x1, v0;
	vm0 =	vge.f32 v9, $1.599999960e-01;
	v7 =	vld.idx.msk [tilespmem:v7+s11+$0x0], $0xffff  }
0x1c3: {  	v19 =	vadd.s32 v20, v19;
	v20 =	vsel vm0, $0x1, v0;
	vm0 =	vge.f32 v9, $2.500000000e-01;
	v6 =	vld.idx.msk [tilespmem:v6+s11+$0x0], $0xffff  }
0x1c4: {  	v19 =	vadd.s32 v20, v19;
	v20 =	vsel vm0, $0x1, v0;
	vm0 =	vge.f32 v9, $3.600000140e-01;
	v5 =	vld.idx.msk [tilespmem:v5+s11+$0x0], $0xffff  }
0x1c5: {  	v19 =	vadd.s32 v20, v19;
	v20 =	vsel vm0, $0x1, v0;
	vm0 =	vge.f32 v9, $4.899999500e-01  }
0x1c6: {  	v19 =	vadd.s32 v20, v19;
	v20 =	vsel vm0, $0x1, v0;
	vm0 =	vge.f32 v9, $6.399999860e-01  }
0x1c7: {  	v19 =	vadd.s32 v20, v19;
	v20 =	vsel vm0, $0x1, v0;
	vm0 =	vge.f32 v9, $8.099999420e-01  }
0x1c8: {  	v9 =	vadd.s32 v20, v19;
	v19 =	vsel vm0, $0x1, v0;
	v20 =	vmov s25;
	[tilespmem:s22+$0xFFFFFFF0] =	vst v7  }
0x1c9: {  	v7 =	vadd.s32 v19, v9;
	v9 =	vor.u32 s25, v1;
	v19 =	vshll.u32 v20, $0x3;
	[tilespmem:s22+$0x0] =	vst v6  }
0x1ca: {  	v6 =	vand.u32 $0x7F, v9;
	v9 =	vshll.u32 v7, $0x9;
	v19 =	vand.u32 $0xC00, v19;
	[tilespmem:s22+$0xFFFFFFE0] =	vst v5  }
0x1cb: {  	v7 =	vshll.u32 v7, $0x7;
	v5 =	vand.u32 $0x7FFFF000, v9;
	v6 =	vor.u32 v19, v6  }
0x1cc: {  	v8 =	vsub.f32 v8, v13;
	v7 =	vand.u32 $0x380, v7;
	v5 =	vor.u32 v5, v6  }
0x1cd: {  	v9 =	vsub.f32 v18, v10;
	v6 =	vsub.f32 v16, v15;
	v5 =	vor.u32 v7, v5  }
0x1ce: {  	v8 =	vmul.f32 v8, v8;
	v10 =	vadd.f32 v12, v14;
	v7 =	vsub.f32 v17, v11  }
0x1cf: {  	v9 =	vmul.f32 v9, v9;
	v6 =	vmul.f32 v6, v6  }
0x1d0: {  	vm0 =	vge.f32 v10, $9.999999770e-03;
	vm1 =	vge.f32 v10, $3.999999910e-02;
	v7 =	vmul.f32 v7, v7  }
0x1d1: {  	v11 =	vsel vm0, $0x1, v0;
	v12 =	vsel vm1, $0x1, v0;
	v8 =	vadd.f32 v9, v8  }
0x1d2: {  	vm0 =	vge.f32 v10, $9.000000350e-02;
	v6 =	vadd.f32 v7, v6;
	v7 =	vadd.s32 v12, v11;
	v5 =	vld.idx.msk [tilespmem:v5+s11+$0x0], $0xffff  }
0x1d3: {  	vm1 =	vge.f32 v8, $9.999999770e-03;
	vm2 =	vge.f32 v8, $3.999999910e-02;
	vm3 =	vge.f32 v8, $9.000000350e-02  }
0x1d4: {  	v9 =	vsel vm1, $0x1, v0;
	vm4 =	vge.f32 v6, $9.999999770e-03;
	vm5 =	vge.f32 v6, $3.999999910e-02  }
0x1d5: {  	v13 =	vsel vm2, $0x1, v0;
	v11 =	vsel vm4, $0x1, v0;
	v12 =	vsel vm5, $0x1, v0  }
0x1d6: {  	vm1 =	vge.f32 v6, $9.000000350e-02;
	v9 =	vadd.s32 v13, v9;
	v11 =	vadd.s32 v12, v11  }
0x1d7: {  	s22 =	sadd.s32 $0x40, s22;
	v14 =	vsel vm3, $0x1, v0;
	v13 =	vsel vm0, $0x1, v0;
	v12 =	vsel vm1, $0x1, v0  }
0x1d8: {  	vm2 =	vge.f32 v8, $1.599999960e-01;
	vm0 =	vge.f32 v6, $1.599999960e-01;
	vm1 =	vge.f32 v10, $1.599999960e-01;
	[tilespmem:s22+$0x10] =	vst v5  }
0x1d9: {  	v7 =	vadd.s32 v13, v7;
	v9 =	vadd.s32 v14, v9;
	v5 =	vadd.s32 v12, v11  }
0x1da: {  	v13 =	vsel vm2, $0x1, v0;
	v11 =	vsel vm0, $0x1, v0;
	v12 =	vsel vm1, $0x1, v0  }
0x1db: {  	vm2 =	vge.f32 v8, $2.500000000e-01;
	vm0 =	vge.f32 v6, $2.500000000e-01;
	vm1 =	vge.f32 v10, $2.500000000e-01  }
0x1dc: {  	v9 =	vadd.s32 v13, v9;
	v5 =	vadd.s32 v11, v5;
	v7 =	vadd.s32 v12, v7  }
0x1dd: {  	v13 =	vsel vm2, $0x1, v0;
	v11 =	vsel vm0, $0x1, v0;
	v12 =	vsel vm1, $0x1, v0  }
0x1de: {  	vm2 =	vge.f32 v8, $3.600000140e-01;
	vm0 =	vge.f32 v6, $3.600000140e-01;
	vm1 =	vge.f32 v10, $3.600000140e-01  }
0x1df: {  	v9 =	vadd.s32 v13, v9;
	v5 =	vadd.s32 v11, v5;
	v7 =	vadd.s32 v12, v7  }
0x1e0: {  	v13 =	vsel vm2, $0x1, v0;
	v11 =	vsel vm0, $0x1, v0;
	v12 =	vsel vm1, $0x1, v0  }
0x1e1: {  	vm2 =	vge.f32 v8, $4.899999500e-01;
	vm0 =	vge.f32 v6, $4.899999500e-01;
	vm1 =	vge.f32 v10, $4.899999500e-01  }
0x1e2: {  	v9 =	vadd.s32 v13, v9;
	v5 =	vadd.s32 v11, v5;
	v7 =	vadd.s32 v12, v7  }
0x1e3: {  	v13 =	vsel vm2, $0x1, v0;
	v11 =	vsel vm0, $0x1, v0;
	v12 =	vsel vm1, $0x1, v0  }
.Ltmp4:
0x1e4: {  	vm2 =	vge.f32 v8, $6.399999860e-01;
	vm0 =	vge.f32 v6, $6.399999860e-01;
	vm1 =	vge.f32 v10, $6.399999860e-01;
	(pc) =	sbr.rel @p4 .LBB2_6-.Ltmp4, $4  }
0x1e5: {  	v9 =	vadd.s32 v13, v9;
	v5 =	vadd.s32 v11, v5;
	v7 =	vadd.s32 v12, v7  }
0x1e6: {  	v13 =	vsel vm2, $0x1, v0;
	v11 =	vsel vm0, $0x1, v0;
	v12 =	vsel vm1, $0x1, v0  }
0x1e7: {  	vm2 =	vge.f32 v8, $8.099999420e-01;
	vm0 =	vge.f32 v6, $8.099999420e-01;
	vm1 =	vge.f32 v10, $8.099999420e-01  }
0x1e8: {  	s24 =	sadd.s32 $0x40, s24;
	v6 =	vadd.s32 v13, v9;
	v5 =	vadd.s32 v11, v5;
	v7 =	vadd.s32 v12, v7  }
0x1e9: {  	v8 =	vsel vm0, $0x1, v0;
	v9 =	vsel vm1, $0x1, v0  }
0x1ea: {  	v10 =	vsel vm2, $0x1, v0;
	v7 =	vadd.s32 v9, v7;
	v5 =	vadd.s32 v8, v5  }
0x1eb: {  	v6 =	vadd.s32 v10, v6;
	v8 =	vshll.u32 v5, $0x9;
	v9 =	vshll.u32 v7, $0x9  }
0x1ec: {  	v10 =	vshll.u32 v6, $0x9;
	v5 =	vshll.u32 v5, $0x7;
	v7 =	vshll.u32 v7, $0x7  }
0x1ed: {  	v6 =	vshll.u32 v6, $0x7;
	v8 =	vand.u32 $0x7FFFF000, v8;
	v9 =	vand.u32 $0x7FFFF000, v9  }
0x1ee: {  	v10 =	vand.u32 $0x7FFFF000, v10;
	v7 =	vand.u32 $0x380, v7;
	v3 =	vor.u32 v9, v3  }
0x1ef: {  	v6 =	vand.u32 $0x380, v6;
	v4 =	vor.u32 v10, v4;
	v3 =	vor.u32 v7, v3  }
0x1f0: {  	v5 =	vand.u32 $0x380, v5;
	v2 =	vor.u32 v8, v2;
	v4 =	vor.u32 v6, v4  }
0x1f1: {  	v2 =	vor.u32 v5, v2;
	_ =	sdelay $0x2  }
0x1f2: {  	v3 =	vld.idx.msk [tilespmem:v3+s11+$0x0], $0xffff  }
0x1f3: {  	v4 =	vld.idx.msk [tilespmem:v4+s11+$0x0], $0xffff  }
0x1f4: {  	v2 =	vld.idx.msk [tilespmem:v2+s11+$0x0], $0xffff;
	_ =	sdelay $0x2  }
0x1f5: {  	[tilespmem:s22+$0xFFFFFFF0] =	vst v3  }
0x1f6: {  	[tilespmem:s22+$0x0] =	vst v4  }
0x1f7: {  	[tilespmem:s22+$0xFFFFFFE0] =	vst v2  }
0x1f8: {  	s21 =	simm.s32 $0x0;
	s0 =	rddreg [dreg:$0xf]  }
0x1f9: {  	[hbm4b:s0+s21] =	stream.linear.scatter [tilespmem:s15], [sflag:$0x3], $0x200, $0x38;
	[tilespmem:$0x9480] =	vst v63  }
0x1fa: {  	s22 =	rddreg [dreg:$0x10]  }
0x1fb: {  	[tilespmem:s21], [sflag:$0x1] =	stream.linear.gather [hbm4b:s22+s21], $0x1000, $0x38;
	[tilespmem:$0x9480] =	vst v63  }
0x1fc: {  	s23 =	rddreg [dreg:$0x11]  }
0x1fd: {  	[tilespmem:s8], [sflag:$0x1] =	stream.linear.gather [hbm4b:s23+s21], $0x1000, $0x38;
	[tilespmem:$0x9480] =	vst v63  }
0x1fe: {  	s24 =	rddreg [dreg:$0x12]  }
0x1ff: {  	[tilespmem:s11], [sflag:$0x1] =	stream.strided.gather [hbm4b:s24+s9], $0x2000, s10, s9, $0x38;
	[tilespmem:$0x9480] =	vst v63  }
0x200: {  	_ =	swait.ge [sflag:s19], $0x200  }
0x201: {  	[sflag:s19] =	ssyncset.done $0x0  }
0x202: {  	[sflag:s19] =	ssyncadd.s32 $0xFFFFFE00  }
0x203: {  	_ =	swait.ge [sflag:s16], $0x1000  }
0x204: {  	[sflag:s16] =	ssyncset.done $0x0  }
0x205: {  	[sflag:s16] =	ssyncadd.s32 $0xFFFFF000  }
0x206: {  	_ =	swait.ge [sflag:s16], $0x1000  }
0x207: {  	[sflag:s16] =	ssyncset.done $0x0  }
0x208: {  	[sflag:s16] =	ssyncadd.s32 $0xFFFFF000  }
0x209: {  	s25 =	simm.s32 $0x30;
	_ =	swait.ge [sflag:s16], $0x2000  }
0x20a: {  	s26 =	sand.u32 $0xC00, s21;
	s1 =	sand.u32 $0x70, s25;
	[sflag:s16] =	ssyncset.done $0x0  }
0x20b: {  	s1 =	sor.u32 s26, s1;
	[sflag:s16] =	ssyncadd.s32 $0xFFFFE000  }
0x20c: {  	v2 =	vld [tilespmem:s1+$0x1000]  }
0x20d: {  	s23 =	simm.s32 $0x10;
	v3 =	vld [tilespmem:s1+$0x1100]  }
0x20e: {  	s24 =	sand.u32 $0x50, s23;
	v4 =	vld [tilespmem:s1+$0x3000]  }
0x20f: {  	s28 =	sor.u32 s26, s24;
	v5 =	vld [tilespmem:s1+$0x3100]  }
0x210: {  	s31 =	sand.u32 $0x40, s21;
	v7 =	vld [tilespmem:s28+$0x1000]  }
0x211: {  	s29 =	simm.s32 $0x20;
	s0 =	sor.u32 s31, s26;
	v19 =	vld [tilespmem:s28+$0x1100]  }
0x212: {  	s30 =	sand.u32 $0x60, s29;
	v15 =	vld [tilespmem:s0+$0x1100]  }
0x213: {  	v17 =	vmov s25;
	s1 =	sor.u32 s26, s30;
	v16 =	vld [tilespmem:s0+$0x3100]  }
0x214: {  	v18 =	vmov s29;
	v11 =	vor.u32 s21, v1;
	v17 =	vshll.u32 v17, $0x3;
	v23 =	vld [tilespmem:s1+$0x1000]  }
0x215: {  	v35 =	vor.u32 s25, v1;
	v17 =	vand.u32 $0xC00, v17;
	v9 =	vshll.u32 v18, $0x3;
	v25 =	vld [tilespmem:s1+$0x1100]  }
0x216: {  	v6 =	vmov s21;
	v8 =	vmov s23;
	v13 =	vor.u32 s23, v1;
	v27 =	vld [tilespmem:s1+$0x3000]  }
0x217: {  	v6 =	vshll.u32 v6, $0x3;
	v8 =	vshll.u32 v8, $0x3;
	v21 =	vand.u32 $0x5F, v13;
	v29 =	vld [tilespmem:s1+$0x3100]  }
0x218: {  	v12 =	vld [tilespmem:s28+$0x3000];
	v2 =	vsub.f32 v4, v2;
	v3 =	vsub.f32 v5, v3;
	v4 =	vor.u32 s29, v1  }
0x219: {  	v14 =	vld [tilespmem:s28+$0x3100];
	v5 =	vand.u32 $0xC00, v6;
	v6 =	vand.u32 $0xC00, v8;
	v8 =	vand.u32 $0xC00, v9  }
0x21a: {  	v9 =	vand.u32 $0x7F, v35;
	v36 =	vsub.f32 v16, v15;
	v4 =	vand.u32 $0x6F, v4  }
0x21b: {  	v9 =	vor.u32 v17, v9;
	v10 =	vsub.f32 v27, v23;
	v20 =	vmul.f32 v2, v2  }
0x21c: {  	v3 =	vmul.f32 v3, v3;
	v2 =	vand.u32 $0x4F, v11;
	v11 =	vsub.f32 v29, v25  }
0x21d: {  	v38 =	vmul.f32 v36, v36;
	v2 =	vor.u32 v5, v2;
	v5 =	vsub.f32 v12, v7  }
0x21e: {  	v7 =	vadd.f32 v3, v20;
	v3 =	vor.u32 v6, v21;
	v6 =	vsub.f32 v14, v19  }
0x21f: {  	v4 =	vor.u32 v8, v4;
	v37 =	vmul.f32 v11, v11;
	v5 =	vmul.f32 v5, v5  }
0x220: {  	vm0 =	vge.f32 v7, $9.999999770e-03;
	vm1 =	vge.f32 v7, $3.999999910e-02;
	v6 =	vmul.f32 v6, v6  }
0x221: {  	v8 =	vsel vm0, $0x1, v0;
	v22 =	vsel vm1, $0x1, v0;
	vm0 =	vge.f32 v7, $9.000000350e-02  }
0x222: {  	v8 =	vadd.s32 v22, v8;
	v24 =	vsel vm0, $0x1, v0;
	vm0 =	vge.f32 v7, $1.599999960e-01  }
0x223: {  	v5 =	vadd.f32 v6, v5;
	v8 =	vadd.s32 v24, v8;
	v26 =	vsel vm0, $0x1, v0  }
0x224: {  	v6 =	vmul.f32 v10, v10;
	vm0 =	vge.f32 v7, $2.500000000e-01;
	v8 =	vadd.s32 v26, v8  }
0x225: {  	v28 =	vsel vm0, $0x1, v0;
	vm0 =	vge.f32 v7, $3.600000140e-01;
	vm1 =	vge.f32 v5, $3.999999910e-02  }
0x226: {  	v6 =	vadd.f32 v37, v6;
	v8 =	vadd.s32 v28, v8;
	v30 =	vsel vm0, $0x1, v0  }
0x227: {  	vm0 =	vge.f32 v7, $4.899999500e-01;
	v40 =	vsel vm1, $0x1, v0;
	v8 =	vadd.s32 v30, v8  }
0x228: {  	v32 =	vsel vm0, $0x1, v0;
	vm0 =	vge.f32 v7, $6.399999860e-01;
	vm1 =	vge.f32 v6, $9.999999770e-03  }
0x229: {  	vm2 =	vge.f32 v6, $3.999999910e-02;
	vm3 =	vge.f32 v6, $9.000000350e-02;
	v8 =	vadd.s32 v32, v8  }
0x22a: {  	v33 =	vsel vm0, $0x1, v0;
	vm0 =	vge.f32 v7, $8.099999420e-01;
	v42 =	vsel vm1, $0x1, v0  }
0x22b: {  	v31 =	vld [tilespmem:s0+$0x1000];
	v45 =	vsel vm2, $0x1, v0;
	v48 =	vsel vm3, $0x1, v0;
	vm2 =	vge.f32 v6, $1.599999960e-01  }
0x22c: {  	v7 =	vld [tilespmem:s0+$0x3000];
	v8 =	vadd.s32 v33, v8;
	v34 =	vsel vm0, $0x1, v0;
	vm0 =	vge.f32 v5, $9.999999770e-03  }
0x22d: {  	v10 =	vadd.s32 v45, v42;
	v51 =	vsel vm2, $0x1, v0;
	vm2 =	vge.f32 v6, $2.500000000e-01  }
0x22e: {  	v8 =	vadd.s32 v34, v8;
	v39 =	vsel vm0, $0x1, v0;
	vm0 =	vge.f32 v5, $9.000000350e-02  }
0x22f: {  	v10 =	vadd.s32 v48, v10;
	v54 =	vsel vm2, $0x1, v0;
	vm2 =	vge.f32 v6, $3.600000140e-01  }
0x230: {  	v18 =	vshll.u32 v8, $0x9;
	v8 =	vshll.u32 v8, $0x7;
	v41 =	vadd.s32 v40, v39  }
0x231: {  	v47 =	vsel vm0, $0x1, v0;
	v10 =	vadd.s32 v51, v10;
	v7 =	vsub.f32 v7, v31  }
0x232: {  	v57 =	vsel vm2, $0x1, v0;
	vm2 =	vge.f32 v6, $4.899999500e-01;
	v18 =	vand.u32 $0x7FFFF000, v18  }
0x233: {  	v8 =	vand.u32 $0x380, v8;
	v10 =	vadd.s32 v54, v10;
	v7 =	vmul.f32 v7, v7  }
0x234: {  	v60 =	vsel vm2, $0x1, v0;
	vm2 =	vge.f32 v6, $6.399999860e-01;
	v9 =	vor.u32 v18, v9  }
0x235: {  	v10 =	vadd.s32 v57, v10;
	v63 =	vsel vm2, $0x1, v0;
	v7 =	vadd.f32 v38, v7  }
0x236: {  	vm2 =	vge.f32 v6, $8.099999420e-01;
	v8 =	vor.u32 v8, v9;
	v10 =	vadd.s32 v60, v10  }
0x237: {  	v9 =	vadd.s32 v47, v41;
	v6 =	vadd.s32 v63, v10;
	vm4 =	vge.f32 v7, $9.999999770e-03  }
0x238: {  	vm5 =	vge.f32 v7, $3.999999910e-02;
	vm1 =	vge.f32 v7, $9.000000350e-02;
	vm0 =	vge.f32 v7, $1.599999960e-01  }
0x239: {  	v43 =	vsel vm4, $0x1, v0;
	v44 =	vsel vm5, $0x1, v0;
	v46 =	vsel vm1, $0x1, v0  }
0x23a: {  	vm1 =	vge.f32 v5, $1.599999960e-01;
	v49 =	vsel vm0, $0x1, v0;
	vm0 =	vge.f32 v7, $2.500000000e-01  }
0x23b: {  	v11 =	vadd.s32 v44, v43;
	v50 =	vsel vm1, $0x1, v0;
	vm1 =	vge.f32 v5, $2.500000000e-01  }
0x23c: {  	v52 =	vsel vm0, $0x1, v0;
	vm0 =	vge.f32 v7, $3.600000140e-01;
	v11 =	vadd.s32 v46, v11  }
0x23d: {  	v9 =	vadd.s32 v50, v9;
	v53 =	vsel vm1, $0x1, v0;
	vm1 =	vge.f32 v5, $3.600000140e-01  }
0x23e: {  	v55 =	vsel vm0, $0x1, v0;
	vm0 =	vge.f32 v7, $4.899999500e-01;
	v11 =	vadd.s32 v49, v11  }
0x23f: {  	v8 =	vld.idx.msk [tilespmem:v8+s13+$0x0], $0xffff;
	v9 =	vadd.s32 v53, v9;
	v56 =	vsel vm1, $0x1, v0;
	vm1 =	vge.f32 v5, $4.899999500e-01  }
0x240: {  	v58 =	vsel vm0, $0x1, v0;
	vm0 =	vge.f32 v7, $6.399999860e-01;
	v11 =	vadd.s32 v52, v11  }
0x241: {  	v9 =	vadd.s32 v56, v9;
	v59 =	vsel vm1, $0x1, v0;
	vm1 =	vge.f32 v5, $6.399999860e-01  }
0x242: {  	v61 =	vsel vm0, $0x1, v0;
	vm0 =	vge.f32 v7, $8.099999420e-01;
	v11 =	vadd.s32 v55, v11  }
0x243: {  	s22 =	simm.s32 $0x8220;
	v9 =	vadd.s32 v59, v9;
	v62 =	vsel vm1, $0x1, v0;
	v11 =	vadd.s32 v58, v11  }
0x244: {  	s23 =	simm.s32 $0x0;
	s24 =	simm.s32 $0x40;
	[tilespmem:s22+$0x10] =	vst v8;
	vm1 =	vge.f32 v5, $8.099999420e-01;
	v7 =	vadd.s32 v62, v9;
	v5 =	vadd.s32 v61, v11  }
.LBB2_8:
0x245: {  	s0 =	sadd.s32 $0x10, s24;
	s25 =	sadd.s32 $0x30, s24;
	v8 =	vsel vm0, $0x1, v0;
	v9 =	vsel vm1, $0x1, v0;
	v10 =	vsel vm2, $0x1, v0;
	s21 =	sadd.s32 $0x200, s21  }
0x246: {  	v11 =	vmov s24;
	s28 =	sadd.s32 $0x20, s24;
	s1 =	sand.u32 $0xC00, s21;
	v12 =	vmov s0;
	s26 =	sand.u32 $0x70, s25;
	v7 =	vadd.s32 v9, v7  }
0x247: {  	s29 =	sand.u32 $0x50, s0;
	s30 =	sand.u32 $0x60, s28;
	v9 =	vmov s28;
	v5 =	vadd.s32 v8, v5;
	v6 =	vadd.s32 v10, v6;
	s31 =	sor.u32 s1, s26  }
0x248: {  	s23 =	sadd.s32 $0x4, s23;
	v8 =	vshll.u32 v11, $0x3;
	s26 =	sand.u32 $0x40, s24;
	s29 =	sor.u32 s1, s29;
	v10 =	vshll.u32 v12, $0x3;
	v9 =	vshll.u32 v9, $0x3;
	v11 =	vld [tilespmem:s31+$0x1000]  }
0x249: {  	v13 =	vor.u32 s0, v1;
	v14 =	vor.u32 s28, v1;
	p4 =	slt.u32 s23, $0x1C;
	v12 =	vor.u32 s24, v1;
	s0 =	sor.u32 s1, s30;
	s26 =	sor.u32 s26, s1;
	v15 =	vld [tilespmem:s31+$0x1100]  }
0x24a: {  	v17 =	vshll.u32 v5, $0x9;
	v18 =	vshll.u32 v7, $0x9;
	v19 =	vshll.u32 v6, $0x9;
	v16 =	vld [tilespmem:s31+$0x3000]  }
0x24b: {  	v8 =	vand.u32 $0xC00, v8;
	v10 =	vand.u32 $0xC00, v10;
	v9 =	vand.u32 $0xC00, v9;
	v20 =	vld [tilespmem:s31+$0x3100]  }
0x24c: {  	v13 =	vand.u32 $0x5F, v13;
	v14 =	vand.u32 $0x6F, v14;
	v12 =	vand.u32 $0x4F, v12;
	v21 =	vld [tilespmem:s29+$0x1000]  }
0x24d: {  	v17 =	vand.u32 $0x7FFFF000, v17;
	v18 =	vand.u32 $0x7FFFF000, v18;
	v19 =	vand.u32 $0x7FFFF000, v19;
	v22 =	vld [tilespmem:s29+$0x1100]  }
0x24e: {  	v5 =	vshll.u32 v5, $0x7;
	v7 =	vshll.u32 v7, $0x7;
	v6 =	vshll.u32 v6, $0x7;
	v23 =	vld [tilespmem:s29+$0x3000]  }
0x24f: {  	v8 =	vor.u32 v8, v12;
	v10 =	vor.u32 v10, v13;
	v9 =	vor.u32 v9, v14;
	v12 =	vld [tilespmem:s29+$0x3100]  }
0x250: {  	v11 =	vsub.f32 v16, v11;
	v13 =	vld [tilespmem:s0+$0x1000];
	v14 =	vsub.f32 v20, v15;
	v15 =	vor.u32 v18, v3;
	v3 =	vmovc v10  }
0x251: {  	v7 =	vand.u32 $0x380, v7;
	v16 =	vor.u32 v17, v2;
	v17 =	vor.u32 v19, v4;
	v2 =	vmovc v8;
	v4 =	vmovc v9;
	v10 =	vld [tilespmem:s0+$0x1100]  }
0x252: {  	v6 =	vand.u32 $0x380, v6;
	v9 =	vmul.f32 v11, v11;
	v8 =	vld [tilespmem:s0+$0x3000];
	v11 =	vmul.f32 v14, v14  }
0x253: {  	v5 =	vand.u32 $0x380, v5;
	v7 =	vor.u32 v7, v15;
	v14 =	vsub.f32 v23, v21;
	v18 =	vld [tilespmem:s0+$0x3100]  }
0x254: {  	v6 =	vor.u32 v6, v17;
	v15 =	vld [tilespmem:s26+$0x1000];
	v12 =	vsub.f32 v12, v22;
	v9 =	vadd.f32 v11, v9  }
0x255: {  	v5 =	vor.u32 v5, v16;
	v11 =	vld [tilespmem:s26+$0x1100];
	v14 =	vmul.f32 v14, v14  }
0x256: {  	v16 =	vld [tilespmem:s26+$0x3000];
	v12 =	vmul.f32 v12, v12;
	vm0 =	vge.f32 v9, $9.999999770e-03;
	vm1 =	vge.f32 v9, $3.999999910e-02  }
0x257: {  	v17 =	vld [tilespmem:s26+$0x3100];
	v19 =	vsel vm0, $0x1, v0;
	v20 =	vsel vm1, $0x1, v0;
	vm0 =	vge.f32 v9, $9.000000350e-02  }
0x258: {  	v19 =	vadd.s32 v20, v19;
	v20 =	vsel vm0, $0x1, v0;
	vm0 =	vge.f32 v9, $1.599999960e-01;
	v7 =	vld.idx.msk [tilespmem:v7+s13+$0x0], $0xffff  }
0x259: {  	v19 =	vadd.s32 v20, v19;
	v20 =	vsel vm0, $0x1, v0;
	vm0 =	vge.f32 v9, $2.500000000e-01;
	v6 =	vld.idx.msk [tilespmem:v6+s13+$0x0], $0xffff  }
0x25a: {  	v19 =	vadd.s32 v20, v19;
	v20 =	vsel vm0, $0x1, v0;
	vm0 =	vge.f32 v9, $3.600000140e-01;
	v5 =	vld.idx.msk [tilespmem:v5+s13+$0x0], $0xffff  }
0x25b: {  	v19 =	vadd.s32 v20, v19;
	v20 =	vsel vm0, $0x1, v0;
	vm0 =	vge.f32 v9, $4.899999500e-01  }
0x25c: {  	v19 =	vadd.s32 v20, v19;
	v20 =	vsel vm0, $0x1, v0;
	vm0 =	vge.f32 v9, $6.399999860e-01  }
0x25d: {  	v19 =	vadd.s32 v20, v19;
	v20 =	vsel vm0, $0x1, v0;
	vm0 =	vge.f32 v9, $8.099999420e-01  }
0x25e: {  	v9 =	vadd.s32 v20, v19;
	v19 =	vsel vm0, $0x1, v0;
	v20 =	vmov s25;
	[tilespmem:s22+$0xFFFFFFF0] =	vst v7  }
0x25f: {  	v7 =	vadd.s32 v19, v9;
	v9 =	vor.u32 s25, v1;
	v19 =	vshll.u32 v20, $0x3;
	[tilespmem:s22+$0x0] =	vst v6  }
0x260: {  	v6 =	vand.u32 $0x7F, v9;
	v9 =	vshll.u32 v7, $0x9;
	v19 =	vand.u32 $0xC00, v19;
	[tilespmem:s22+$0xFFFFFFE0] =	vst v5  }
0x261: {  	v7 =	vshll.u32 v7, $0x7;
	v5 =	vand.u32 $0x7FFFF000, v9;
	v6 =	vor.u32 v19, v6  }
0x262: {  	v8 =	vsub.f32 v8, v13;
	v7 =	vand.u32 $0x380, v7;
	v5 =	vor.u32 v5, v6  }
0x263: {  	v9 =	vsub.f32 v18, v10;
	v6 =	vsub.f32 v16, v15;
	v5 =	vor.u32 v7, v5  }
0x264: {  	v8 =	vmul.f32 v8, v8;
	v10 =	vadd.f32 v12, v14;
	v7 =	vsub.f32 v17, v11  }
0x265: {  	v9 =	vmul.f32 v9, v9;
	v6 =	vmul.f32 v6, v6  }
0x266: {  	vm0 =	vge.f32 v10, $9.999999770e-03;
	vm1 =	vge.f32 v10, $3.999999910e-02;
	v7 =	vmul.f32 v7, v7  }
0x267: {  	v11 =	vsel vm0, $0x1, v0;
	v12 =	vsel vm1, $0x1, v0;
	v8 =	vadd.f32 v9, v8  }
0x268: {  	vm0 =	vge.f32 v10, $9.000000350e-02;
	v6 =	vadd.f32 v7, v6;
	v7 =	vadd.s32 v12, v11;
	v5 =	vld.idx.msk [tilespmem:v5+s13+$0x0], $0xffff  }
0x269: {  	vm1 =	vge.f32 v8, $9.999999770e-03;
	vm2 =	vge.f32 v8, $3.999999910e-02;
	vm3 =	vge.f32 v8, $9.000000350e-02  }
0x26a: {  	v9 =	vsel vm1, $0x1, v0;
	vm4 =	vge.f32 v6, $9.999999770e-03;
	vm5 =	vge.f32 v6, $3.999999910e-02  }
0x26b: {  	v13 =	vsel vm2, $0x1, v0;
	v11 =	vsel vm4, $0x1, v0;
	v12 =	vsel vm5, $0x1, v0  }
0x26c: {  	vm1 =	vge.f32 v6, $9.000000350e-02;
	v9 =	vadd.s32 v13, v9;
	v11 =	vadd.s32 v12, v11  }
0x26d: {  	s22 =	sadd.s32 $0x40, s22;
	v14 =	vsel vm3, $0x1, v0;
	v13 =	vsel vm0, $0x1, v0;
	v12 =	vsel vm1, $0x1, v0  }
0x26e: {  	vm2 =	vge.f32 v8, $1.599999960e-01;
	vm0 =	vge.f32 v6, $1.599999960e-01;
	vm1 =	vge.f32 v10, $1.599999960e-01;
	[tilespmem:s22+$0x10] =	vst v5  }
0x26f: {  	v7 =	vadd.s32 v13, v7;
	v9 =	vadd.s32 v14, v9;
	v5 =	vadd.s32 v12, v11  }
0x270: {  	v13 =	vsel vm2, $0x1, v0;
	v11 =	vsel vm0, $0x1, v0;
	v12 =	vsel vm1, $0x1, v0  }
0x271: {  	vm2 =	vge.f32 v8, $2.500000000e-01;
	vm0 =	vge.f32 v6, $2.500000000e-01;
	vm1 =	vge.f32 v10, $2.500000000e-01  }
0x272: {  	v9 =	vadd.s32 v13, v9;
	v5 =	vadd.s32 v11, v5;
	v7 =	vadd.s32 v12, v7  }
0x273: {  	v13 =	vsel vm2, $0x1, v0;
	v11 =	vsel vm0, $0x1, v0;
	v12 =	vsel vm1, $0x1, v0  }
0x274: {  	vm2 =	vge.f32 v8, $3.600000140e-01;
	vm0 =	vge.f32 v6, $3.600000140e-01;
	vm1 =	vge.f32 v10, $3.600000140e-01  }
0x275: {  	v9 =	vadd.s32 v13, v9;
	v5 =	vadd.s32 v11, v5;
	v7 =	vadd.s32 v12, v7  }
0x276: {  	v13 =	vsel vm2, $0x1, v0;
	v11 =	vsel vm0, $0x1, v0;
	v12 =	vsel vm1, $0x1, v0  }
0x277: {  	vm2 =	vge.f32 v8, $4.899999500e-01;
	vm0 =	vge.f32 v6, $4.899999500e-01;
	vm1 =	vge.f32 v10, $4.899999500e-01  }
0x278: {  	v9 =	vadd.s32 v13, v9;
	v5 =	vadd.s32 v11, v5;
	v7 =	vadd.s32 v12, v7  }
0x279: {  	v13 =	vsel vm2, $0x1, v0;
	v11 =	vsel vm0, $0x1, v0;
	v12 =	vsel vm1, $0x1, v0  }
.Ltmp5:
0x27a: {  	vm2 =	vge.f32 v8, $6.399999860e-01;
	vm0 =	vge.f32 v6, $6.399999860e-01;
	vm1 =	vge.f32 v10, $6.399999860e-01;
	(pc) =	sbr.rel @p4 .LBB2_8-.Ltmp5, $4  }
0x27b: {  	v9 =	vadd.s32 v13, v9;
	v5 =	vadd.s32 v11, v5;
	v7 =	vadd.s32 v12, v7  }
0x27c: {  	v13 =	vsel vm2, $0x1, v0;
	v11 =	vsel vm0, $0x1, v0;
	v12 =	vsel vm1, $0x1, v0  }
0x27d: {  	vm2 =	vge.f32 v8, $8.099999420e-01;
	vm0 =	vge.f32 v6, $8.099999420e-01;
	vm1 =	vge.f32 v10, $8.099999420e-01  }
0x27e: {  	s24 =	sadd.s32 $0x40, s24;
	v6 =	vadd.s32 v13, v9;
	v5 =	vadd.s32 v11, v5;
	v7 =	vadd.s32 v12, v7  }
0x27f: {  	v8 =	vsel vm0, $0x1, v0;
	v9 =	vsel vm1, $0x1, v0  }
0x280: {  	v10 =	vsel vm2, $0x1, v0;
	v7 =	vadd.s32 v9, v7;
	v5 =	vadd.s32 v8, v5  }
0x281: {  	v6 =	vadd.s32 v10, v6;
	v8 =	vshll.u32 v5, $0x9;
	v9 =	vshll.u32 v7, $0x9  }
0x282: {  	v10 =	vshll.u32 v6, $0x9;
	v5 =	vshll.u32 v5, $0x7;
	v7 =	vshll.u32 v7, $0x7  }
0x283: {  	v6 =	vshll.u32 v6, $0x7;
	v8 =	vand.u32 $0x7FFFF000, v8;
	v9 =	vand.u32 $0x7FFFF000, v9  }
0x284: {  	v10 =	vand.u32 $0x7FFFF000, v10;
	v7 =	vand.u32 $0x380, v7;
	v3 =	vor.u32 v9, v3  }
0x285: {  	v6 =	vand.u32 $0x380, v6;
	v4 =	vor.u32 v10, v4;
	v3 =	vor.u32 v7, v3  }
0x286: {  	v5 =	vand.u32 $0x380, v5;
	v2 =	vor.u32 v8, v2;
	v4 =	vor.u32 v6, v4  }
0x287: {  	v2 =	vor.u32 v5, v2;
	_ =	sdelay $0x2  }
0x288: {  	v3 =	vld.idx.msk [tilespmem:v3+s13+$0x0], $0xffff  }
0x289: {  	v4 =	vld.idx.msk [tilespmem:v4+s13+$0x0], $0xffff  }
0x28a: {  	v2 =	vld.idx.msk [tilespmem:v2+s13+$0x0], $0xffff;
	_ =	sdelay $0x2  }
0x28b: {  	[tilespmem:s22+$0xFFFFFFF0] =	vst v3  }
0x28c: {  	[tilespmem:s22+$0x0] =	vst v4  }
0x28d: {  	[tilespmem:s22+$0xFFFFFFE0] =	vst v2  }
0x28e: {  	s0 =	rddreg [dreg:$0x13]  }
0x28f: {  	s21 =	simm.s32 $0x0;
	s22 =	rddreg [dreg:$0x18]  }
0x290: {  	[hbm4b:s0+s21] =	stream.linear.scatter [tilespmem:s17], [sflag:$0x4], $0x200, $0x38;
	[tilespmem:$0x9480] =	vst v63  }
0x291: {  	s23 =	rddreg [dreg:$0x1c]  }
0x292: {  	[tilespmem:s9], [sflag:$0x2] =	stream.linear.gather [hbm4b:s22+s21], $0x1000, $0x38;
	[tilespmem:$0x9480] =	vst v63  }
0x293: {  	s24 =	sld [smem:$0x7F8]  }
0x294: {  	[tilespmem:s12], [sflag:$0x2] =	stream.linear.gather [hbm4b:s23+s21], $0x1000, $0x38;
	[tilespmem:$0x9480] =	vst v63  }
0x295: {  	_ = 	snop  }
0x296: {  	[tilespmem:s13], [sflag:$0x2] =	stream.strided.gather [hbm4b:s24+s9], $0x2000, s10, s9, $0x38;
	[tilespmem:$0x9480] =	vst v63  }
0x297: {  	_ =	swait.ge [sflag:s18], $0x200  }
0x298: {  	[sflag:s18] =	ssyncset.done $0x0  }
0x299: {  	[sflag:s18] =	ssyncadd.s32 $0xFFFFFE00  }
0x29a: {  	_ =	swait.ge [sflag:s14], $0x1000  }
0x29b: {  	[sflag:s14] =	ssyncset.done $0x0  }
0x29c: {  	[sflag:s14] =	ssyncadd.s32 $0xFFFFF000  }
0x29d: {  	_ =	swait.ge [sflag:s14], $0x1000  }
0x29e: {  	[sflag:s14] =	ssyncset.done $0x0  }
0x29f: {  	[sflag:s14] =	ssyncadd.s32 $0xFFFFF000  }
0x2a0: {  	s25 =	simm.s32 $0x30;
	_ =	swait.ge [sflag:s14], $0x2000  }
0x2a1: {  	s26 =	sand.u32 $0xC00, s21;
	s1 =	sand.u32 $0x70, s25;
	[sflag:s14] =	ssyncset.done $0x0  }
0x2a2: {  	s1 =	sor.u32 s26, s1;
	[sflag:s14] =	ssyncadd.s32 $0xFFFFE000  }
0x2a3: {  	v2 =	vld [tilespmem:s1+$0x0]  }
0x2a4: {  	s23 =	simm.s32 $0x10;
	v3 =	vld [tilespmem:s1+$0x100]  }
0x2a5: {  	s24 =	sand.u32 $0x50, s23;
	v4 =	vld [tilespmem:s1+$0x2000]  }
0x2a6: {  	s28 =	sor.u32 s26, s24;
	v5 =	vld [tilespmem:s1+$0x2100]  }
0x2a7: {  	s31 =	sand.u32 $0x40, s21;
	v7 =	vld [tilespmem:s28+$0x0]  }
0x2a8: {  	s29 =	simm.s32 $0x20;
	s0 =	sor.u32 s31, s26;
	v19 =	vld [tilespmem:s28+$0x100]  }
0x2a9: {  	s30 =	sand.u32 $0x60, s29;
	v15 =	vld [tilespmem:s0+$0x100]  }
0x2aa: {  	v17 =	vmov s25;
	s1 =	sor.u32 s26, s30;
	v16 =	vld [tilespmem:s0+$0x2100]  }
0x2ab: {  	v18 =	vmov s29;
	v11 =	vor.u32 s21, v1;
	v17 =	vshll.u32 v17, $0x3;
	v23 =	vld [tilespmem:s1+$0x0]  }
0x2ac: {  	v35 =	vor.u32 s25, v1;
	v17 =	vand.u32 $0xC00, v17;
	v9 =	vshll.u32 v18, $0x3;
	v25 =	vld [tilespmem:s1+$0x100]  }
0x2ad: {  	v6 =	vmov s21;
	v8 =	vmov s23;
	v13 =	vor.u32 s23, v1;
	v27 =	vld [tilespmem:s1+$0x2000]  }
0x2ae: {  	v6 =	vshll.u32 v6, $0x3;
	v8 =	vshll.u32 v8, $0x3;
	v21 =	vand.u32 $0x5F, v13;
	v29 =	vld [tilespmem:s1+$0x2100]  }
0x2af: {  	v12 =	vld [tilespmem:s28+$0x2000];
	v2 =	vsub.f32 v4, v2;
	v3 =	vsub.f32 v5, v3;
	v4 =	vor.u32 s29, v1  }
0x2b0: {  	v14 =	vld [tilespmem:s28+$0x2100];
	v5 =	vand.u32 $0xC00, v6;
	v6 =	vand.u32 $0xC00, v8;
	v8 =	vand.u32 $0xC00, v9  }
0x2b1: {  	v9 =	vand.u32 $0x7F, v35;
	v36 =	vsub.f32 v16, v15;
	v4 =	vand.u32 $0x6F, v4  }
0x2b2: {  	v9 =	vor.u32 v17, v9;
	v10 =	vsub.f32 v27, v23;
	v20 =	vmul.f32 v2, v2  }
0x2b3: {  	v3 =	vmul.f32 v3, v3;
	v2 =	vand.u32 $0x4F, v11;
	v11 =	vsub.f32 v29, v25  }
0x2b4: {  	v38 =	vmul.f32 v36, v36;
	v2 =	vor.u32 v5, v2;
	v5 =	vsub.f32 v12, v7  }
0x2b5: {  	v7 =	vadd.f32 v3, v20;
	v3 =	vor.u32 v6, v21;
	v6 =	vsub.f32 v14, v19  }
0x2b6: {  	v4 =	vor.u32 v8, v4;
	v37 =	vmul.f32 v11, v11;
	v5 =	vmul.f32 v5, v5  }
0x2b7: {  	vm0 =	vge.f32 v7, $9.999999770e-03;
	vm1 =	vge.f32 v7, $3.999999910e-02;
	v6 =	vmul.f32 v6, v6  }
0x2b8: {  	v8 =	vsel vm0, $0x1, v0;
	v22 =	vsel vm1, $0x1, v0;
	vm0 =	vge.f32 v7, $9.000000350e-02  }
0x2b9: {  	v8 =	vadd.s32 v22, v8;
	v24 =	vsel vm0, $0x1, v0;
	vm0 =	vge.f32 v7, $1.599999960e-01  }
0x2ba: {  	v5 =	vadd.f32 v6, v5;
	v8 =	vadd.s32 v24, v8;
	v26 =	vsel vm0, $0x1, v0  }
0x2bb: {  	v6 =	vmul.f32 v10, v10;
	vm0 =	vge.f32 v7, $2.500000000e-01;
	v8 =	vadd.s32 v26, v8  }
0x2bc: {  	v28 =	vsel vm0, $0x1, v0;
	vm0 =	vge.f32 v7, $3.600000140e-01;
	vm1 =	vge.f32 v5, $3.999999910e-02  }
0x2bd: {  	v6 =	vadd.f32 v37, v6;
	v8 =	vadd.s32 v28, v8;
	v30 =	vsel vm0, $0x1, v0  }
0x2be: {  	vm0 =	vge.f32 v7, $4.899999500e-01;
	v40 =	vsel vm1, $0x1, v0;
	v8 =	vadd.s32 v30, v8  }
0x2bf: {  	v32 =	vsel vm0, $0x1, v0;
	vm0 =	vge.f32 v7, $6.399999860e-01;
	vm1 =	vge.f32 v6, $9.999999770e-03  }
0x2c0: {  	vm2 =	vge.f32 v6, $3.999999910e-02;
	vm3 =	vge.f32 v6, $9.000000350e-02;
	v8 =	vadd.s32 v32, v8  }
0x2c1: {  	v33 =	vsel vm0, $0x1, v0;
	vm0 =	vge.f32 v7, $8.099999420e-01;
	v42 =	vsel vm1, $0x1, v0  }
0x2c2: {  	v31 =	vld [tilespmem:s0+$0x0];
	v45 =	vsel vm2, $0x1, v0;
	v48 =	vsel vm3, $0x1, v0;
	vm2 =	vge.f32 v6, $1.599999960e-01  }
0x2c3: {  	v7 =	vld [tilespmem:s0+$0x2000];
	v8 =	vadd.s32 v33, v8;
	v34 =	vsel vm0, $0x1, v0;
	vm0 =	vge.f32 v5, $9.999999770e-03  }
0x2c4: {  	v10 =	vadd.s32 v45, v42;
	v51 =	vsel vm2, $0x1, v0;
	vm2 =	vge.f32 v6, $2.500000000e-01  }
0x2c5: {  	v8 =	vadd.s32 v34, v8;
	v39 =	vsel vm0, $0x1, v0;
	vm0 =	vge.f32 v5, $9.000000350e-02  }
0x2c6: {  	v10 =	vadd.s32 v48, v10;
	v54 =	vsel vm2, $0x1, v0;
	vm2 =	vge.f32 v6, $3.600000140e-01  }
0x2c7: {  	v18 =	vshll.u32 v8, $0x9;
	v8 =	vshll.u32 v8, $0x7;
	v41 =	vadd.s32 v40, v39  }
0x2c8: {  	v47 =	vsel vm0, $0x1, v0;
	v10 =	vadd.s32 v51, v10;
	v7 =	vsub.f32 v7, v31  }
0x2c9: {  	v57 =	vsel vm2, $0x1, v0;
	vm2 =	vge.f32 v6, $4.899999500e-01;
	v18 =	vand.u32 $0x7FFFF000, v18  }
0x2ca: {  	v8 =	vand.u32 $0x380, v8;
	v10 =	vadd.s32 v54, v10;
	v7 =	vmul.f32 v7, v7  }
0x2cb: {  	v60 =	vsel vm2, $0x1, v0;
	vm2 =	vge.f32 v6, $6.399999860e-01;
	v9 =	vor.u32 v18, v9  }
0x2cc: {  	v10 =	vadd.s32 v57, v10;
	v63 =	vsel vm2, $0x1, v0;
	v7 =	vadd.f32 v38, v7  }
0x2cd: {  	vm2 =	vge.f32 v6, $8.099999420e-01;
	v8 =	vor.u32 v8, v9;
	v10 =	vadd.s32 v60, v10  }
0x2ce: {  	v9 =	vadd.s32 v47, v41;
	v6 =	vadd.s32 v63, v10;
	vm4 =	vge.f32 v7, $9.999999770e-03  }
0x2cf: {  	vm5 =	vge.f32 v7, $3.999999910e-02;
	vm1 =	vge.f32 v7, $9.000000350e-02;
	vm0 =	vge.f32 v7, $1.599999960e-01  }
0x2d0: {  	v43 =	vsel vm4, $0x1, v0;
	v44 =	vsel vm5, $0x1, v0;
	v46 =	vsel vm1, $0x1, v0  }
0x2d1: {  	vm1 =	vge.f32 v5, $1.599999960e-01;
	v49 =	vsel vm0, $0x1, v0;
	vm0 =	vge.f32 v7, $2.500000000e-01  }
0x2d2: {  	v11 =	vadd.s32 v44, v43;
	v50 =	vsel vm1, $0x1, v0;
	vm1 =	vge.f32 v5, $2.500000000e-01  }
0x2d3: {  	v52 =	vsel vm0, $0x1, v0;
	vm0 =	vge.f32 v7, $3.600000140e-01;
	v11 =	vadd.s32 v46, v11  }
0x2d4: {  	v9 =	vadd.s32 v50, v9;
	v53 =	vsel vm1, $0x1, v0;
	vm1 =	vge.f32 v5, $3.600000140e-01  }
0x2d5: {  	v55 =	vsel vm0, $0x1, v0;
	vm0 =	vge.f32 v7, $4.899999500e-01;
	v11 =	vadd.s32 v49, v11  }
0x2d6: {  	v8 =	vld.idx.msk [tilespmem:v8+s11+$0x0], $0xffff;
	v9 =	vadd.s32 v53, v9;
	v56 =	vsel vm1, $0x1, v0;
	vm1 =	vge.f32 v5, $4.899999500e-01  }
0x2d7: {  	v58 =	vsel vm0, $0x1, v0;
	vm0 =	vge.f32 v7, $6.399999860e-01;
	v11 =	vadd.s32 v52, v11  }
0x2d8: {  	v9 =	vadd.s32 v56, v9;
	v59 =	vsel vm1, $0x1, v0;
	vm1 =	vge.f32 v5, $6.399999860e-01  }
0x2d9: {  	v61 =	vsel vm0, $0x1, v0;
	vm0 =	vge.f32 v7, $8.099999420e-01;
	v11 =	vadd.s32 v55, v11  }
0x2da: {  	s22 =	simm.s32 $0x8020;
	v9 =	vadd.s32 v59, v9;
	v62 =	vsel vm1, $0x1, v0;
	v11 =	vadd.s32 v58, v11  }
0x2db: {  	s23 =	simm.s32 $0x0;
	s24 =	simm.s32 $0x40;
	[tilespmem:s22+$0x10] =	vst v8;
	vm1 =	vge.f32 v5, $8.099999420e-01;
	v7 =	vadd.s32 v62, v9;
	v5 =	vadd.s32 v61, v11  }
.LBB2_10:
0x2dc: {  	s0 =	sadd.s32 $0x10, s24;
	s25 =	sadd.s32 $0x30, s24;
	v8 =	vsel vm0, $0x1, v0;
	v9 =	vsel vm1, $0x1, v0;
	v10 =	vsel vm2, $0x1, v0;
	s21 =	sadd.s32 $0x200, s21  }
0x2dd: {  	v11 =	vmov s24;
	s28 =	sadd.s32 $0x20, s24;
	s1 =	sand.u32 $0xC00, s21;
	v12 =	vmov s0;
	s26 =	sand.u32 $0x70, s25;
	v7 =	vadd.s32 v9, v7  }
0x2de: {  	s29 =	sand.u32 $0x50, s0;
	s30 =	sand.u32 $0x60, s28;
	v9 =	vmov s28;
	v5 =	vadd.s32 v8, v5;
	v6 =	vadd.s32 v10, v6;
	s31 =	sor.u32 s1, s26  }
0x2df: {  	s23 =	sadd.s32 $0x4, s23;
	v8 =	vshll.u32 v11, $0x3;
	s26 =	sand.u32 $0x40, s24;
	s29 =	sor.u32 s1, s29;
	v10 =	vshll.u32 v12, $0x3;
	v9 =	vshll.u32 v9, $0x3;
	v11 =	vld [tilespmem:s31+$0x0]  }
0x2e0: {  	v13 =	vor.u32 s0, v1;
	v14 =	vor.u32 s28, v1;
	p4 =	slt.u32 s23, $0x1C;
	v12 =	vor.u32 s24, v1;
	s0 =	sor.u32 s1, s30;
	s26 =	sor.u32 s26, s1;
	v15 =	vld [tilespmem:s31+$0x100]  }
0x2e1: {  	v17 =	vshll.u32 v5, $0x9;
	v18 =	vshll.u32 v7, $0x9;
	v19 =	vshll.u32 v6, $0x9;
	v16 =	vld [tilespmem:s31+$0x2000]  }
0x2e2: {  	v8 =	vand.u32 $0xC00, v8;
	v10 =	vand.u32 $0xC00, v10;
	v9 =	vand.u32 $0xC00, v9;
	v20 =	vld [tilespmem:s31+$0x2100]  }
0x2e3: {  	v13 =	vand.u32 $0x5F, v13;
	v14 =	vand.u32 $0x6F, v14;
	v12 =	vand.u32 $0x4F, v12;
	v21 =	vld [tilespmem:s29+$0x0]  }
0x2e4: {  	v17 =	vand.u32 $0x7FFFF000, v17;
	v18 =	vand.u32 $0x7FFFF000, v18;
	v19 =	vand.u32 $0x7FFFF000, v19;
	v22 =	vld [tilespmem:s29+$0x100]  }
0x2e5: {  	v5 =	vshll.u32 v5, $0x7;
	v7 =	vshll.u32 v7, $0x7;
	v6 =	vshll.u32 v6, $0x7;
	v23 =	vld [tilespmem:s29+$0x2000]  }
0x2e6: {  	v8 =	vor.u32 v8, v12;
	v10 =	vor.u32 v10, v13;
	v9 =	vor.u32 v9, v14;
	v12 =	vld [tilespmem:s29+$0x2100]  }
0x2e7: {  	v11 =	vsub.f32 v16, v11;
	v13 =	vld [tilespmem:s0+$0x0];
	v14 =	vsub.f32 v20, v15;
	v15 =	vor.u32 v18, v3;
	v3 =	vmovc v10  }
0x2e8: {  	v7 =	vand.u32 $0x380, v7;
	v16 =	vor.u32 v17, v2;
	v17 =	vor.u32 v19, v4;
	v2 =	vmovc v8;
	v4 =	vmovc v9;
	v10 =	vld [tilespmem:s0+$0x100]  }
0x2e9: {  	v6 =	vand.u32 $0x380, v6;
	v9 =	vmul.f32 v11, v11;
	v8 =	vld [tilespmem:s0+$0x2000];
	v11 =	vmul.f32 v14, v14  }
0x2ea: {  	v5 =	vand.u32 $0x380, v5;
	v7 =	vor.u32 v7, v15;
	v14 =	vsub.f32 v23, v21;
	v18 =	vld [tilespmem:s0+$0x2100]  }
0x2eb: {  	v6 =	vor.u32 v6, v17;
	v15 =	vld [tilespmem:s26+$0x0];
	v12 =	vsub.f32 v12, v22;
	v9 =	vadd.f32 v11, v9  }
0x2ec: {  	v5 =	vor.u32 v5, v16;
	v11 =	vld [tilespmem:s26+$0x100];
	v14 =	vmul.f32 v14, v14  }
0x2ed: {  	v16 =	vld [tilespmem:s26+$0x2000];
	v12 =	vmul.f32 v12, v12;
	vm0 =	vge.f32 v9, $9.999999770e-03;
	vm1 =	vge.f32 v9, $3.999999910e-02  }
0x2ee: {  	v17 =	vld [tilespmem:s26+$0x2100];
	v19 =	vsel vm0, $0x1, v0;
	v20 =	vsel vm1, $0x1, v0;
	vm0 =	vge.f32 v9, $9.000000350e-02  }
0x2ef: {  	v19 =	vadd.s32 v20, v19;
	v20 =	vsel vm0, $0x1, v0;
	vm0 =	vge.f32 v9, $1.599999960e-01;
	v7 =	vld.idx.msk [tilespmem:v7+s11+$0x0], $0xffff  }
0x2f0: {  	v19 =	vadd.s32 v20, v19;
	v20 =	vsel vm0, $0x1, v0;
	vm0 =	vge.f32 v9, $2.500000000e-01;
	v6 =	vld.idx.msk [tilespmem:v6+s11+$0x0], $0xffff  }
0x2f1: {  	v19 =	vadd.s32 v20, v19;
	v20 =	vsel vm0, $0x1, v0;
	vm0 =	vge.f32 v9, $3.600000140e-01;
	v5 =	vld.idx.msk [tilespmem:v5+s11+$0x0], $0xffff  }
0x2f2: {  	v19 =	vadd.s32 v20, v19;
	v20 =	vsel vm0, $0x1, v0;
	vm0 =	vge.f32 v9, $4.899999500e-01  }
0x2f3: {  	v19 =	vadd.s32 v20, v19;
	v20 =	vsel vm0, $0x1, v0;
	vm0 =	vge.f32 v9, $6.399999860e-01  }
0x2f4: {  	v19 =	vadd.s32 v20, v19;
	v20 =	vsel vm0, $0x1, v0;
	vm0 =	vge.f32 v9, $8.099999420e-01  }
0x2f5: {  	v9 =	vadd.s32 v20, v19;
	v19 =	vsel vm0, $0x1, v0;
	v20 =	vmov s25;
	[tilespmem:s22+$0xFFFFFFF0] =	vst v7  }
0x2f6: {  	v7 =	vadd.s32 v19, v9;
	v9 =	vor.u32 s25, v1;
	v19 =	vshll.u32 v20, $0x3;
	[tilespmem:s22+$0x0] =	vst v6  }
0x2f7: {  	v6 =	vand.u32 $0x7F, v9;
	v9 =	vshll.u32 v7, $0x9;
	v19 =	vand.u32 $0xC00, v19;
	[tilespmem:s22+$0xFFFFFFE0] =	vst v5  }
0x2f8: {  	v7 =	vshll.u32 v7, $0x7;
	v5 =	vand.u32 $0x7FFFF000, v9;
	v6 =	vor.u32 v19, v6  }
0x2f9: {  	v8 =	vsub.f32 v8, v13;
	v7 =	vand.u32 $0x380, v7;
	v5 =	vor.u32 v5, v6  }
0x2fa: {  	v9 =	vsub.f32 v18, v10;
	v6 =	vsub.f32 v16, v15;
	v5 =	vor.u32 v7, v5  }
0x2fb: {  	v8 =	vmul.f32 v8, v8;
	v10 =	vadd.f32 v12, v14;
	v7 =	vsub.f32 v17, v11  }
0x2fc: {  	v9 =	vmul.f32 v9, v9;
	v6 =	vmul.f32 v6, v6  }
0x2fd: {  	vm0 =	vge.f32 v10, $9.999999770e-03;
	vm1 =	vge.f32 v10, $3.999999910e-02;
	v7 =	vmul.f32 v7, v7  }
0x2fe: {  	v11 =	vsel vm0, $0x1, v0;
	v12 =	vsel vm1, $0x1, v0;
	v8 =	vadd.f32 v9, v8  }
0x2ff: {  	vm0 =	vge.f32 v10, $9.000000350e-02;
	v6 =	vadd.f32 v7, v6;
	v7 =	vadd.s32 v12, v11;
	v5 =	vld.idx.msk [tilespmem:v5+s11+$0x0], $0xffff  }
0x300: {  	vm1 =	vge.f32 v8, $9.999999770e-03;
	vm2 =	vge.f32 v8, $3.999999910e-02;
	vm3 =	vge.f32 v8, $9.000000350e-02  }
0x301: {  	v9 =	vsel vm1, $0x1, v0;
	vm4 =	vge.f32 v6, $9.999999770e-03;
	vm5 =	vge.f32 v6, $3.999999910e-02  }
0x302: {  	v13 =	vsel vm2, $0x1, v0;
	v11 =	vsel vm4, $0x1, v0;
	v12 =	vsel vm5, $0x1, v0  }
0x303: {  	vm1 =	vge.f32 v6, $9.000000350e-02;
	v9 =	vadd.s32 v13, v9;
	v11 =	vadd.s32 v12, v11  }
0x304: {  	s22 =	sadd.s32 $0x40, s22;
	v14 =	vsel vm3, $0x1, v0;
	v13 =	vsel vm0, $0x1, v0;
	v12 =	vsel vm1, $0x1, v0  }
0x305: {  	vm2 =	vge.f32 v8, $1.599999960e-01;
	vm0 =	vge.f32 v6, $1.599999960e-01;
	vm1 =	vge.f32 v10, $1.599999960e-01;
	[tilespmem:s22+$0x10] =	vst v5  }
0x306: {  	v7 =	vadd.s32 v13, v7;
	v9 =	vadd.s32 v14, v9;
	v5 =	vadd.s32 v12, v11  }
0x307: {  	v13 =	vsel vm2, $0x1, v0;
	v11 =	vsel vm0, $0x1, v0;
	v12 =	vsel vm1, $0x1, v0  }
0x308: {  	vm2 =	vge.f32 v8, $2.500000000e-01;
	vm0 =	vge.f32 v6, $2.500000000e-01;
	vm1 =	vge.f32 v10, $2.500000000e-01  }
0x309: {  	v9 =	vadd.s32 v13, v9;
	v5 =	vadd.s32 v11, v5;
	v7 =	vadd.s32 v12, v7  }
0x30a: {  	v13 =	vsel vm2, $0x1, v0;
	v11 =	vsel vm0, $0x1, v0;
	v12 =	vsel vm1, $0x1, v0  }
0x30b: {  	vm2 =	vge.f32 v8, $3.600000140e-01;
	vm0 =	vge.f32 v6, $3.600000140e-01;
	vm1 =	vge.f32 v10, $3.600000140e-01  }
0x30c: {  	v9 =	vadd.s32 v13, v9;
	v5 =	vadd.s32 v11, v5;
	v7 =	vadd.s32 v12, v7  }
0x30d: {  	v13 =	vsel vm2, $0x1, v0;
	v11 =	vsel vm0, $0x1, v0;
	v12 =	vsel vm1, $0x1, v0  }
0x30e: {  	vm2 =	vge.f32 v8, $4.899999500e-01;
	vm0 =	vge.f32 v6, $4.899999500e-01;
	vm1 =	vge.f32 v10, $4.899999500e-01  }
0x30f: {  	v9 =	vadd.s32 v13, v9;
	v5 =	vadd.s32 v11, v5;
	v7 =	vadd.s32 v12, v7  }
0x310: {  	v13 =	vsel vm2, $0x1, v0;
	v11 =	vsel vm0, $0x1, v0;
	v12 =	vsel vm1, $0x1, v0  }
.Ltmp6:
0x311: {  	vm2 =	vge.f32 v8, $6.399999860e-01;
	vm0 =	vge.f32 v6, $6.399999860e-01;
	vm1 =	vge.f32 v10, $6.399999860e-01;
	(pc) =	sbr.rel @p4 .LBB2_10-.Ltmp6, $4  }
0x312: {  	v9 =	vadd.s32 v13, v9;
	v5 =	vadd.s32 v11, v5;
	v7 =	vadd.s32 v12, v7  }
0x313: {  	v13 =	vsel vm2, $0x1, v0;
	v11 =	vsel vm0, $0x1, v0;
	v12 =	vsel vm1, $0x1, v0  }
0x314: {  	vm2 =	vge.f32 v8, $8.099999420e-01;
	vm0 =	vge.f32 v6, $8.099999420e-01;
	vm1 =	vge.f32 v10, $8.099999420e-01  }
0x315: {  	s24 =	sadd.s32 $0x40, s24;
	v6 =	vadd.s32 v13, v9;
	v5 =	vadd.s32 v11, v5;
	v7 =	vadd.s32 v12, v7  }
0x316: {  	v8 =	vsel vm0, $0x1, v0;
	v9 =	vsel vm1, $0x1, v0  }
0x317: {  	v10 =	vsel vm2, $0x1, v0;
	v7 =	vadd.s32 v9, v7;
	v5 =	vadd.s32 v8, v5  }
0x318: {  	v6 =	vadd.s32 v10, v6;
	v8 =	vshll.u32 v5, $0x9;
	v9 =	vshll.u32 v7, $0x9  }
0x319: {  	v10 =	vshll.u32 v6, $0x9;
	v5 =	vshll.u32 v5, $0x7;
	v7 =	vshll.u32 v7, $0x7  }
0x31a: {  	v6 =	vshll.u32 v6, $0x7;
	v8 =	vand.u32 $0x7FFFF000, v8;
	v9 =	vand.u32 $0x7FFFF000, v9  }
0x31b: {  	v10 =	vand.u32 $0x7FFFF000, v10;
	v7 =	vand.u32 $0x380, v7;
	v3 =	vor.u32 v9, v3  }
0x31c: {  	v6 =	vand.u32 $0x380, v6;
	v4 =	vor.u32 v10, v4;
	v3 =	vor.u32 v7, v3  }
0x31d: {  	v5 =	vand.u32 $0x380, v5;
	v2 =	vor.u32 v8, v2;
	v4 =	vor.u32 v6, v4  }
0x31e: {  	v2 =	vor.u32 v5, v2;
	_ =	sdelay $0x2  }
0x31f: {  	v3 =	vld.idx.msk [tilespmem:v3+s11+$0x0], $0xffff  }
0x320: {  	v4 =	vld.idx.msk [tilespmem:v4+s11+$0x0], $0xffff  }
0x321: {  	v2 =	vld.idx.msk [tilespmem:v2+s11+$0x0], $0xffff;
	_ =	sdelay $0x2  }
0x322: {  	[tilespmem:s22+$0xFFFFFFF0] =	vst v3  }
0x323: {  	[tilespmem:s22+$0x0] =	vst v4  }
0x324: {  	[tilespmem:s22+$0xFFFFFFE0] =	vst v2  }
0x325: {  	s0 =	rddreg [dreg:$0x14]  }
0x326: {  	s21 =	rddreg [dreg:$0x1a]  }
0x327: {  	[hbm4b:s0+s2] =	stream.linear.scatter [tilespmem:s15], [sflag:$0x3], $0x200, $0x38;
	[tilespmem:$0x9480] =	vst v63  }
0x328: {  	s1 =	simm.s32 @!p1 $0x8400;
	s30 =	sld [smem:$0x7FB];
	s0 =	simm.s32 @!p1 $0x0  }
0x329: {  	[tilespmem:s1], [sflag:$0x1] =	stream.linear.gather @!p1 [hbm4b:s21+s0], $0x400, $0x38;
	[tilespmem:$0x9480] =	vst v63  }
0x32a: {  	s1 =	simm.s32 @!p1 $0x8800;
	s21 =	rddreg [dreg:$0x1e]  }
0x32b: {  	[tilespmem:s1], [sflag:$0x1] =	stream.linear.gather @!p1 [hbm4b:s21+s0], $0x400, $0x38;
	[tilespmem:$0x9480] =	vst v63  }
0x32c: {  	s1 =	simm.s32 @!p1 $0x8C00  }
0x32d: {  	[tilespmem:s1], [sflag:$0x1] =	stream.linear.gather @!p1 [hbm4b:s4+s0], $0x400, $0x38;
	[tilespmem:$0x9480] =	vst v63  }
0x32e: {  	p2 =	seq.s32 s30, $0x1;
	s21 =	simm.s32 @!p1 $0x9000;
	s1 =	sadd.s32 @!p1 $0x18700, s4  }
0x32f: {  	[tilespmem:s21], [sflag:$0x1] =	stream.linear.gather @!p1 [hbm4b:s1+s0], $0x100, $0x38;
	[tilespmem:$0x9480] =	vst v63  }
0x330: {  	s0 =	simm.s32 @!p2 $0x0;
	s1 =	rddreg [dreg:$0x19]  }
0x331: {  	[tilespmem:s0], [sflag:$0x1] =	stream.linear.gather @!p2 [hbm4b:s1+s0], $0x400, $0x38;
	[tilespmem:$0x9480] =	vst v63  }
0x332: {  	s21 =	rddreg [dreg:$0x1d];
	s1 =	simm.s32 @!p2 $0x2000  }
0x333: {  	[tilespmem:s1], [sflag:$0x1] =	stream.linear.gather @!p2 [hbm4b:s21+s0], $0x400, $0x38;
	[tilespmem:$0x9480] =	vst v63  }
0x334: {  	s1 =	simm.s32 @!p2 $0x4000  }
0x335: {  	[tilespmem:s1], [sflag:$0x1] =	stream.linear.gather @!p2 [hbm4b:s3+s0], $0x400, $0x38;
	[tilespmem:$0x9480] =	vst v63  }
0x336: {  	s22 =	sld [smem:$0x7F7];
	s21 =	simm.s32 @!p2 $0x5000;
	s1 =	sadd.s32 @!p2 $0x18700, s3  }
0x337: {  	[tilespmem:s21], [sflag:$0x1] =	stream.linear.gather @!p2 [hbm4b:s1+s0], $0x400, $0x38;
	[tilespmem:$0x9480] =	vst v63  }
0x338: {  	s0 =	simm.s32 @!p0 $0x0;
	s1 =	rddreg [dreg:$0x1b]  }
0x339: {  	[tilespmem:s0], [sflag:$0x1] =	stream.linear.gather @!p0 [hbm4b:s1+s0], $0x1000, $0x38;
	[tilespmem:$0x9480] =	vst v63  }
0x33a: {  	s21 =	rddreg [dreg:$0x1f];
	s1 =	simm.s32 @!p0 $0x2000  }
0x33b: {  	[tilespmem:s1], [sflag:$0x1] =	stream.linear.gather @!p0 [hbm4b:s21+s0], $0x1000, $0x38;
	[tilespmem:$0x9480] =	vst v63  }
0x33c: {  	s0 =	simm.s32 @!p0 $0x1000;
	s1 =	simm.s32 @!p0 $0xC3800;
	s21 =	simm.s32 @!p0 $0x4000  }
0x33d: {  	[tilespmem:s21], [sflag:$0x1] =	stream.strided.gather @!p0 [hbm4b:s22+s0], $0x2000, s1, s0, $0x38;
	[tilespmem:$0x9480] =	vst v63  }
0x33e: {  	_ =	swait.ge [sflag:s19], $0x200  }
0x33f: {  	[sflag:s19] =	ssyncset.done $0x0  }
0x340: {  	[sflag:s19] =	ssyncadd.s32 $0xFFFFFE00  }
0x341: {  	_ =	swait.ge [sflag:s16], $0x1000  }
0x342: {  	[sflag:s16] =	ssyncset.done $0x0  }
0x343: {  	[sflag:s16] =	ssyncadd.s32 $0xFFFFF000  }
0x344: {  	_ =	swait.ge [sflag:s16], $0x1000  }
0x345: {  	[sflag:s16] =	ssyncset.done $0x0  }
0x346: {  	[sflag:s16] =	ssyncadd.s32 $0xFFFFF000  }
0x347: {  	s21 =	simm.s32 $0x0;
	s22 =	simm.s32 $0x30;
	_ =	swait.ge [sflag:s16], $0x2000  }
0x348: {  	s31 =	sand.u32 $0xC00, s21;
	s25 =	sand.u32 $0x70, s22;
	[sflag:s16] =	ssyncset.done $0x0  }
0x349: {  	s1 =	sor.u32 s31, s25;
	[sflag:s16] =	ssyncadd.s32 $0xFFFFE000  }
0x34a: {  	v2 =	vld [tilespmem:s1+$0x1000]  }
0x34b: {  	s23 =	simm.s32 $0x10;
	v3 =	vld [tilespmem:s1+$0x1100]  }
0x34c: {  	s24 =	sand.u32 $0x50, s23;
	v4 =	vld [tilespmem:s1+$0x3000]  }
0x34d: {  	s26 =	sor.u32 s31, s24;
	v5 =	vld [tilespmem:s1+$0x3100]  }
0x34e: {  	v7 =	vld [tilespmem:s26+$0x1000]  }
0x34f: {  	v11 =	vld [tilespmem:s26+$0x1100]  }
0x350: {  	s28 =	simm.s32 $0x20;
	s30 =	sand.u32 $0x40, s21;
	v12 =	vld [tilespmem:s26+$0x3000]  }
0x351: {  	v19 =	vmov s28;
	s0 =	sor.u32 s30, s31;
	v14 =	vld [tilespmem:s26+$0x3100]  }
0x352: {  	s29 =	sand.u32 $0x60, s28;
	v8 =	vor.u32 s23, v1;
	v10 =	vshll.u32 v19, $0x3;
	v6 =	vmov s23;
	v15 =	vld [tilespmem:s0+$0x1100]  }
0x353: {  	v20 =	vand.u32 $0xC00, v10;
	v8 =	vand.u32 $0x5F, v8;
	v6 =	vshll.u32 v6, $0x3;
	s1 =	sor.u32 s31, s29;
	v16 =	vld [tilespmem:s0+$0x3100]  }
0x354: {  	v6 =	vand.u32 $0xC00, v6;
	v18 =	vmov s21;
	v17 =	vmov s22;
	v23 =	vld [tilespmem:s1+$0x1000]  }
0x355: {  	v13 =	vor.u32 s21, v1;
	v35 =	vor.u32 s22, v1;
	v17 =	vshll.u32 v17, $0x3;
	v27 =	vld [tilespmem:s1+$0x3000]  }
0x356: {  	v9 =	vshll.u32 v18, $0x3;
	v17 =	vand.u32 $0xC00, v17;
	v25 =	vld [tilespmem:s1+$0x1100];
	v2 =	vsub.f32 v4, v2  }
0x357: {  	v29 =	vld [tilespmem:s1+$0x3100];
	v3 =	vsub.f32 v5, v3;
	v4 =	vor.u32 s28, v1;
	v5 =	vand.u32 $0xC00, v9  }
0x358: {  	v9 =	vand.u32 $0x7F, v35;
	v36 =	vsub.f32 v16, v15;
	v4 =	vand.u32 $0x6F, v4  }
0x359: {  	v9 =	vor.u32 v17, v9;
	v21 =	vmul.f32 v2, v2;
	v3 =	vmul.f32 v3, v3  }
0x35a: {  	v10 =	vsub.f32 v27, v23;
	v2 =	vand.u32 $0x4F, v13;
	v4 =	vor.u32 v20, v4  }
0x35b: {  	v2 =	vor.u32 v5, v2;
	v5 =	vsub.f32 v12, v7;
	v7 =	vadd.f32 v3, v21  }
0x35c: {  	v3 =	vor.u32 v6, v8;
	v6 =	vsub.f32 v14, v11;
	v11 =	vsub.f32 v29, v25  }
0x35d: {  	v38 =	vmul.f32 v36, v36;
	v5 =	vmul.f32 v5, v5;
	vm0 =	vge.f32 v7, $9.999999770e-03  }
0x35e: {  	vm1 =	vge.f32 v7, $3.999999910e-02;
	v6 =	vmul.f32 v6, v6;
	v37 =	vmul.f32 v11, v11  }
0x35f: {  	v8 =	vsel vm0, $0x1, v0;
	v22 =	vsel vm1, $0x1, v0;
	vm0 =	vge.f32 v7, $9.000000350e-02  }
0x360: {  	v8 =	vadd.s32 v22, v8;
	v24 =	vsel vm0, $0x1, v0;
	vm0 =	vge.f32 v7, $1.599999960e-01  }
0x361: {  	v5 =	vadd.f32 v6, v5;
	v8 =	vadd.s32 v24, v8;
	v26 =	vsel vm0, $0x1, v0  }
0x362: {  	v6 =	vmul.f32 v10, v10;
	vm0 =	vge.f32 v7, $2.500000000e-01;
	v8 =	vadd.s32 v26, v8  }
0x363: {  	v28 =	vsel vm0, $0x1, v0;
	vm0 =	vge.f32 v7, $3.600000140e-01;
	vm1 =	vge.f32 v5, $3.999999910e-02  }
0x364: {  	v6 =	vadd.f32 v37, v6;
	v8 =	vadd.s32 v28, v8;
	v30 =	vsel vm0, $0x1, v0  }
0x365: {  	vm0 =	vge.f32 v7, $4.899999500e-01;
	v40 =	vsel vm1, $0x1, v0;
	v8 =	vadd.s32 v30, v8  }
0x366: {  	v32 =	vsel vm0, $0x1, v0;
	vm0 =	vge.f32 v7, $6.399999860e-01;
	vm1 =	vge.f32 v6, $9.999999770e-03  }
0x367: {  	vm2 =	vge.f32 v6, $3.999999910e-02;
	vm3 =	vge.f32 v6, $9.000000350e-02;
	v8 =	vadd.s32 v32, v8  }
0x368: {  	v33 =	vsel vm0, $0x1, v0;
	vm0 =	vge.f32 v7, $8.099999420e-01;
	v42 =	vsel vm1, $0x1, v0  }
0x369: {  	v31 =	vld [tilespmem:s0+$0x1000];
	v45 =	vsel vm2, $0x1, v0;
	v48 =	vsel vm3, $0x1, v0;
	vm2 =	vge.f32 v6, $1.599999960e-01  }
0x36a: {  	v7 =	vld [tilespmem:s0+$0x3000];
	v8 =	vadd.s32 v33, v8;
	v34 =	vsel vm0, $0x1, v0;
	vm0 =	vge.f32 v5, $9.999999770e-03  }
0x36b: {  	v10 =	vadd.s32 v45, v42;
	v51 =	vsel vm2, $0x1, v0;
	vm2 =	vge.f32 v6, $2.500000000e-01  }
0x36c: {  	v8 =	vadd.s32 v34, v8;
	v39 =	vsel vm0, $0x1, v0;
	vm0 =	vge.f32 v5, $9.000000350e-02  }
0x36d: {  	v10 =	vadd.s32 v48, v10;
	v54 =	vsel vm2, $0x1, v0;
	vm2 =	vge.f32 v6, $3.600000140e-01  }
0x36e: {  	v18 =	vshll.u32 v8, $0x9;
	v8 =	vshll.u32 v8, $0x7;
	v41 =	vadd.s32 v40, v39  }
0x36f: {  	v47 =	vsel vm0, $0x1, v0;
	v10 =	vadd.s32 v51, v10;
	v7 =	vsub.f32 v7, v31  }
0x370: {  	v57 =	vsel vm2, $0x1, v0;
	vm2 =	vge.f32 v6, $4.899999500e-01;
	v18 =	vand.u32 $0x7FFFF000, v18  }
0x371: {  	v8 =	vand.u32 $0x380, v8;
	v10 =	vadd.s32 v54, v10;
	v7 =	vmul.f32 v7, v7  }
0x372: {  	v60 =	vsel vm2, $0x1, v0;
	vm2 =	vge.f32 v6, $6.399999860e-01;
	v9 =	vor.u32 v18, v9  }
0x373: {  	v10 =	vadd.s32 v57, v10;
	v63 =	vsel vm2, $0x1, v0;
	v7 =	vadd.f32 v38, v7  }
0x374: {  	vm2 =	vge.f32 v6, $8.099999420e-01;
	v8 =	vor.u32 v8, v9;
	v10 =	vadd.s32 v60, v10  }
0x375: {  	v9 =	vadd.s32 v47, v41;
	v6 =	vadd.s32 v63, v10;
	vm4 =	vge.f32 v7, $9.999999770e-03  }
0x376: {  	vm5 =	vge.f32 v7, $3.999999910e-02;
	vm1 =	vge.f32 v7, $9.000000350e-02;
	vm0 =	vge.f32 v7, $1.599999960e-01  }
0x377: {  	v43 =	vsel vm4, $0x1, v0;
	v44 =	vsel vm5, $0x1, v0;
	v46 =	vsel vm1, $0x1, v0  }
0x378: {  	vm1 =	vge.f32 v5, $1.599999960e-01;
	v49 =	vsel vm0, $0x1, v0;
	vm0 =	vge.f32 v7, $2.500000000e-01  }
0x379: {  	v11 =	vadd.s32 v44, v43;
	v50 =	vsel vm1, $0x1, v0;
	vm1 =	vge.f32 v5, $2.500000000e-01  }
0x37a: {  	v52 =	vsel vm0, $0x1, v0;
	vm0 =	vge.f32 v7, $3.600000140e-01;
	v11 =	vadd.s32 v46, v11  }
0x37b: {  	s31 =	sld [smem:$0x7FC];
	v9 =	vadd.s32 v50, v9;
	v53 =	vsel vm1, $0x1, v0;
	vm1 =	vge.f32 v5, $3.600000140e-01  }
0x37c: {  	v55 =	vsel vm0, $0x1, v0;
	vm0 =	vge.f32 v7, $4.899999500e-01;
	v11 =	vadd.s32 v49, v11  }
0x37d: {  	p4 =	por @p0 $0x0, $0x0;
	p5 =	por @p0 $0x0, $0x0;
	v8 =	vld.idx.msk [tilespmem:v8+s13+$0x0], $0xffff;
	v9 =	vadd.s32 v53, v9;
	v56 =	vsel vm1, $0x1, v0;
	vm1 =	vge.f32 v5, $4.899999500e-01  }
0x37e: {  	p6 =	por @!p2 $0x1, $0x1;
	p3 =	por @!p2 $0x0, $0x0;
	p2 =	seq.s32 s31, $0x1;
	v58 =	vsel vm0, $0x1, v0;
	vm0 =	vge.f32 v7, $6.399999860e-01;
	v11 =	vadd.s32 v52, v11  }
0x37f: {  	s23 =	simm.s32 $0x0;
	s22 =	simm.s32 $0x8220;
	p5 =	por @!p2 p3, p3;
	v9 =	vadd.s32 v56, v9;
	v59 =	vsel vm1, $0x1, v0;
	vm1 =	vge.f32 v5, $6.399999860e-01  }
0x380: {  	p3 =	por @!p1 $0x1, $0x1;
	p4 =	por @!p2 p6, p6;
	p6 =	por @!p1 $0x0, $0x0;
	v61 =	vsel vm0, $0x1, v0;
	vm0 =	vge.f32 v7, $8.099999420e-01;
	v11 =	vadd.s32 v55, v11  }
0x381: {  	p5 =	por @!p1 p3, p3;
	p3 =	por @!p0 $0x0, $0x0;
	p4 =	por @!p1 p6, p6;
	v9 =	vadd.s32 v59, v9;
	v62 =	vsel vm1, $0x1, v0;
	v11 =	vadd.s32 v58, v11  }
0x382: {  	s24 =	simm.s32 $0x40;
	p5 =	por @!p0 p3, p3;
	p4 =	por @!p0 p3, p3;
	[tilespmem:s22+$0x10] =	vst v8;
	vm1 =	vge.f32 v5, $8.099999420e-01;
	v7 =	vadd.s32 v62, v9;
	v5 =	vadd.s32 v61, v11  }
.LBB2_12:
0x383: {  	s0 =	sadd.s32 $0x10, s24;
	s25 =	sadd.s32 $0x30, s24;
	v8 =	vsel vm0, $0x1, v0;
	v9 =	vsel vm1, $0x1, v0;
	v10 =	vsel vm2, $0x1, v0;
	s21 =	sadd.s32 $0x200, s21  }
0x384: {  	v11 =	vmov s24;
	s28 =	sadd.s32 $0x20, s24;
	s1 =	sand.u32 $0xC00, s21;
	v12 =	vmov s0;
	s26 =	sand.u32 $0x70, s25;
	v7 =	vadd.s32 v9, v7  }
0x385: {  	s29 =	sand.u32 $0x50, s0;
	s30 =	sand.u32 $0x60, s28;
	v9 =	vmov s28;
	v5 =	vadd.s32 v8, v5;
	v6 =	vadd.s32 v10, v6;
	s31 =	sor.u32 s1, s26  }
0x386: {  	s23 =	sadd.s32 $0x4, s23;
	v8 =	vshll.u32 v11, $0x3;
	s26 =	sand.u32 $0x40, s24;
	s29 =	sor.u32 s1, s29;
	v10 =	vshll.u32 v12, $0x3;
	v9 =	vshll.u32 v9, $0x3;
	v11 =	vld [tilespmem:s31+$0x1000]  }
0x387: {  	v13 =	vor.u32 s0, v1;
	v14 =	vor.u32 s28, v1;
	p6 =	slt.u32 s23, $0x1C;
	v12 =	vor.u32 s24, v1;
	s0 =	sor.u32 s1, s30;
	s26 =	sor.u32 s26, s1;
	v15 =	vld [tilespmem:s31+$0x1100]  }
0x388: {  	v17 =	vshll.u32 v5, $0x9;
	v18 =	vshll.u32 v7, $0x9;
	v19 =	vshll.u32 v6, $0x9;
	v16 =	vld [tilespmem:s31+$0x3000]  }
0x389: {  	v8 =	vand.u32 $0xC00, v8;
	v10 =	vand.u32 $0xC00, v10;
	v9 =	vand.u32 $0xC00, v9;
	v20 =	vld [tilespmem:s31+$0x3100]  }
0x38a: {  	v13 =	vand.u32 $0x5F, v13;
	v14 =	vand.u32 $0x6F, v14;
	v12 =	vand.u32 $0x4F, v12;
	v21 =	vld [tilespmem:s29+$0x1000]  }
0x38b: {  	v17 =	vand.u32 $0x7FFFF000, v17;
	v18 =	vand.u32 $0x7FFFF000, v18;
	v19 =	vand.u32 $0x7FFFF000, v19;
	v22 =	vld [tilespmem:s29+$0x1100]  }
0x38c: {  	v5 =	vshll.u32 v5, $0x7;
	v7 =	vshll.u32 v7, $0x7;
	v6 =	vshll.u32 v6, $0x7;
	v23 =	vld [tilespmem:s29+$0x3000]  }
0x38d: {  	v8 =	vor.u32 v8, v12;
	v10 =	vor.u32 v10, v13;
	v9 =	vor.u32 v9, v14;
	v12 =	vld [tilespmem:s29+$0x3100]  }
0x38e: {  	v11 =	vsub.f32 v16, v11;
	v13 =	vld [tilespmem:s0+$0x1000];
	v14 =	vsub.f32 v20, v15;
	v15 =	vor.u32 v18, v3;
	v3 =	vmovc v10  }
0x38f: {  	v7 =	vand.u32 $0x380, v7;
	v16 =	vor.u32 v17, v2;
	v17 =	vor.u32 v19, v4;
	v2 =	vmovc v8;
	v4 =	vmovc v9;
	v10 =	vld [tilespmem:s0+$0x1100]  }
0x390: {  	v6 =	vand.u32 $0x380, v6;
	v9 =	vmul.f32 v11, v11;
	v8 =	vld [tilespmem:s0+$0x3000];
	v11 =	vmul.f32 v14, v14  }
0x391: {  	v5 =	vand.u32 $0x380, v5;
	v7 =	vor.u32 v7, v15;
	v14 =	vsub.f32 v23, v21;
	v18 =	vld [tilespmem:s0+$0x3100]  }
0x392: {  	v6 =	vor.u32 v6, v17;
	v15 =	vld [tilespmem:s26+$0x1000];
	v12 =	vsub.f32 v12, v22;
	v9 =	vadd.f32 v11, v9  }
0x393: {  	v5 =	vor.u32 v5, v16;
	v11 =	vld [tilespmem:s26+$0x1100];
	v14 =	vmul.f32 v14, v14  }
0x394: {  	v16 =	vld [tilespmem:s26+$0x3000];
	v12 =	vmul.f32 v12, v12;
	vm0 =	vge.f32 v9, $9.999999770e-03;
	vm1 =	vge.f32 v9, $3.999999910e-02  }
0x395: {  	v17 =	vld [tilespmem:s26+$0x3100];
	v19 =	vsel vm0, $0x1, v0;
	v20 =	vsel vm1, $0x1, v0;
	vm0 =	vge.f32 v9, $9.000000350e-02  }
0x396: {  	v19 =	vadd.s32 v20, v19;
	v20 =	vsel vm0, $0x1, v0;
	vm0 =	vge.f32 v9, $1.599999960e-01;
	v7 =	vld.idx.msk [tilespmem:v7+s13+$0x0], $0xffff  }
0x397: {  	v19 =	vadd.s32 v20, v19;
	v20 =	vsel vm0, $0x1, v0;
	vm0 =	vge.f32 v9, $2.500000000e-01;
	v6 =	vld.idx.msk [tilespmem:v6+s13+$0x0], $0xffff  }
0x398: {  	v19 =	vadd.s32 v20, v19;
	v20 =	vsel vm0, $0x1, v0;
	vm0 =	vge.f32 v9, $3.600000140e-01;
	v5 =	vld.idx.msk [tilespmem:v5+s13+$0x0], $0xffff  }
0x399: {  	v19 =	vadd.s32 v20, v19;
	v20 =	vsel vm0, $0x1, v0;
	vm0 =	vge.f32 v9, $4.899999500e-01  }
0x39a: {  	v19 =	vadd.s32 v20, v19;
	v20 =	vsel vm0, $0x1, v0;
	vm0 =	vge.f32 v9, $6.399999860e-01  }
0x39b: {  	v19 =	vadd.s32 v20, v19;
	v20 =	vsel vm0, $0x1, v0;
	vm0 =	vge.f32 v9, $8.099999420e-01  }
0x39c: {  	v9 =	vadd.s32 v20, v19;
	v19 =	vsel vm0, $0x1, v0;
	v20 =	vmov s25;
	[tilespmem:s22+$0xFFFFFFF0] =	vst v7  }
0x39d: {  	v7 =	vadd.s32 v19, v9;
	v9 =	vor.u32 s25, v1;
	v19 =	vshll.u32 v20, $0x3;
	[tilespmem:s22+$0x0] =	vst v6  }
0x39e: {  	v6 =	vand.u32 $0x7F, v9;
	v9 =	vshll.u32 v7, $0x9;
	v19 =	vand.u32 $0xC00, v19;
	[tilespmem:s22+$0xFFFFFFE0] =	vst v5  }
0x39f: {  	v7 =	vshll.u32 v7, $0x7;
	v5 =	vand.u32 $0x7FFFF000, v9;
	v6 =	vor.u32 v19, v6  }
0x3a0: {  	v8 =	vsub.f32 v8, v13;
	v7 =	vand.u32 $0x380, v7;
	v5 =	vor.u32 v5, v6  }
0x3a1: {  	v9 =	vsub.f32 v18, v10;
	v6 =	vsub.f32 v16, v15;
	v5 =	vor.u32 v7, v5  }
0x3a2: {  	v8 =	vmul.f32 v8, v8;
	v10 =	vadd.f32 v12, v14;
	v7 =	vsub.f32 v17, v11  }
0x3a3: {  	v9 =	vmul.f32 v9, v9;
	v6 =	vmul.f32 v6, v6  }
0x3a4: {  	vm0 =	vge.f32 v10, $9.999999770e-03;
	vm1 =	vge.f32 v10, $3.999999910e-02;
	v7 =	vmul.f32 v7, v7  }
0x3a5: {  	v11 =	vsel vm0, $0x1, v0;
	v12 =	vsel vm1, $0x1, v0;
	v8 =	vadd.f32 v9, v8  }
0x3a6: {  	vm0 =	vge.f32 v10, $9.000000350e-02;
	v6 =	vadd.f32 v7, v6;
	v7 =	vadd.s32 v12, v11;
	v5 =	vld.idx.msk [tilespmem:v5+s13+$0x0], $0xffff  }
0x3a7: {  	vm1 =	vge.f32 v8, $9.999999770e-03;
	vm2 =	vge.f32 v8, $3.999999910e-02;
	vm3 =	vge.f32 v8, $9.000000350e-02  }
0x3a8: {  	v9 =	vsel vm1, $0x1, v0;
	vm4 =	vge.f32 v6, $9.999999770e-03;
	vm5 =	vge.f32 v6, $3.999999910e-02  }
0x3a9: {  	v13 =	vsel vm2, $0x1, v0;
	v11 =	vsel vm4, $0x1, v0;
	v12 =	vsel vm5, $0x1, v0  }
0x3aa: {  	vm1 =	vge.f32 v6, $9.000000350e-02;
	v9 =	vadd.s32 v13, v9;
	v11 =	vadd.s32 v12, v11  }
0x3ab: {  	s22 =	sadd.s32 $0x40, s22;
	v14 =	vsel vm3, $0x1, v0;
	v13 =	vsel vm0, $0x1, v0;
	v12 =	vsel vm1, $0x1, v0  }
0x3ac: {  	vm2 =	vge.f32 v8, $1.599999960e-01;
	vm0 =	vge.f32 v6, $1.599999960e-01;
	vm1 =	vge.f32 v10, $1.599999960e-01;
	[tilespmem:s22+$0x10] =	vst v5  }
0x3ad: {  	v7 =	vadd.s32 v13, v7;
	v9 =	vadd.s32 v14, v9;
	v5 =	vadd.s32 v12, v11  }
0x3ae: {  	v13 =	vsel vm2, $0x1, v0;
	v11 =	vsel vm0, $0x1, v0;
	v12 =	vsel vm1, $0x1, v0  }
0x3af: {  	vm2 =	vge.f32 v8, $2.500000000e-01;
	vm0 =	vge.f32 v6, $2.500000000e-01;
	vm1 =	vge.f32 v10, $2.500000000e-01  }
0x3b0: {  	v9 =	vadd.s32 v13, v9;
	v5 =	vadd.s32 v11, v5;
	v7 =	vadd.s32 v12, v7  }
0x3b1: {  	v13 =	vsel vm2, $0x1, v0;
	v11 =	vsel vm0, $0x1, v0;
	v12 =	vsel vm1, $0x1, v0  }
0x3b2: {  	vm2 =	vge.f32 v8, $3.600000140e-01;
	vm0 =	vge.f32 v6, $3.600000140e-01;
	vm1 =	vge.f32 v10, $3.600000140e-01  }
0x3b3: {  	v9 =	vadd.s32 v13, v9;
	v5 =	vadd.s32 v11, v5;
	v7 =	vadd.s32 v12, v7  }
0x3b4: {  	v13 =	vsel vm2, $0x1, v0;
	v11 =	vsel vm0, $0x1, v0;
	v12 =	vsel vm1, $0x1, v0  }
0x3b5: {  	vm2 =	vge.f32 v8, $4.899999500e-01;
	vm0 =	vge.f32 v6, $4.899999500e-01;
	vm1 =	vge.f32 v10, $4.899999500e-01  }
0x3b6: {  	v9 =	vadd.s32 v13, v9;
	v5 =	vadd.s32 v11, v5;
	v7 =	vadd.s32 v12, v7  }
0x3b7: {  	v13 =	vsel vm2, $0x1, v0;
	v11 =	vsel vm0, $0x1, v0;
	v12 =	vsel vm1, $0x1, v0  }
.Ltmp7:
0x3b8: {  	vm2 =	vge.f32 v8, $6.399999860e-01;
	vm0 =	vge.f32 v6, $6.399999860e-01;
	vm1 =	vge.f32 v10, $6.399999860e-01;
	(pc) =	sbr.rel @p6 .LBB2_12-.Ltmp7, $4  }
0x3b9: {  	v9 =	vadd.s32 v13, v9;
	v5 =	vadd.s32 v11, v5;
	v7 =	vadd.s32 v12, v7  }
0x3ba: {  	v13 =	vsel vm2, $0x1, v0;
	v11 =	vsel vm0, $0x1, v0;
	v12 =	vsel vm1, $0x1, v0  }
0x3bb: {  	vm2 =	vge.f32 v8, $8.099999420e-01;
	vm0 =	vge.f32 v6, $8.099999420e-01;
	vm1 =	vge.f32 v10, $8.099999420e-01  }
0x3bc: {  	s24 =	sadd.s32 $0x40, s24;
	v6 =	vadd.s32 v13, v9;
	v5 =	vadd.s32 v11, v5;
	v7 =	vadd.s32 v12, v7  }
0x3bd: {  	v8 =	vsel vm0, $0x1, v0;
	v9 =	vsel vm1, $0x1, v0  }
0x3be: {  	v10 =	vsel vm2, $0x1, v0;
	v7 =	vadd.s32 v9, v7;
	v5 =	vadd.s32 v8, v5  }
0x3bf: {  	v6 =	vadd.s32 v10, v6;
	v8 =	vshll.u32 v5, $0x9;
	v9 =	vshll.u32 v7, $0x9  }
0x3c0: {  	v10 =	vshll.u32 v6, $0x9;
	v5 =	vshll.u32 v5, $0x7;
	v7 =	vshll.u32 v7, $0x7  }
0x3c1: {  	v6 =	vshll.u32 v6, $0x7;
	v8 =	vand.u32 $0x7FFFF000, v8;
	v9 =	vand.u32 $0x7FFFF000, v9  }
0x3c2: {  	v10 =	vand.u32 $0x7FFFF000, v10;
	v7 =	vand.u32 $0x380, v7;
	v3 =	vor.u32 v9, v3  }
0x3c3: {  	v6 =	vand.u32 $0x380, v6;
	v4 =	vor.u32 v10, v4;
	v3 =	vor.u32 v7, v3  }
0x3c4: {  	v5 =	vand.u32 $0x380, v5;
	v2 =	vor.u32 v8, v2;
	v4 =	vor.u32 v6, v4  }
0x3c5: {  	v2 =	vor.u32 v5, v2;
	_ =	sdelay $0x2  }
0x3c6: {  	v3 =	vld.idx.msk [tilespmem:v3+s13+$0x0], $0xffff  }
0x3c7: {  	v4 =	vld.idx.msk [tilespmem:v4+s13+$0x0], $0xffff  }
0x3c8: {  	v2 =	vld.idx.msk [tilespmem:v2+s13+$0x0], $0xffff;
	_ =	sdelay $0x2  }
0x3c9: {  	[tilespmem:s22+$0xFFFFFFF0] =	vst v3  }
0x3ca: {  	[tilespmem:s22+$0x0] =	vst v4  }
.Ltmp8:
0x3cb: {  	[tilespmem:s22+$0xFFFFFFE0] =	vst v2;
	(pc) =	sbr.rel @p0 .LBB2_17-.Ltmp8, $4  }
0x3cc: {  	[hbm4b:s5+s2] =	stream.linear.scatter [tilespmem:s17], [sflag:$0x4], $0x200, $0x38;
	[tilespmem:$0x9480] =	vst v63  }
0x3cd: {  	_ =	swait.ge [sflag:s18], $0x200  }
0x3ce: {  	[sflag:s18] =	ssyncset.done $0x0  }
0x3cf: {  	[sflag:s18] =	ssyncadd.s32 $0xFFFFFE00  }
0x3d0: {  	_ =	swait.ge [sflag:s14], $0x1000  }
0x3d1: {  	[sflag:s14] =	ssyncset.done $0x0  }
0x3d2: {  	[sflag:s14] =	ssyncadd.s32 $0xFFFFF000  }
0x3d3: {  	_ =	swait.ge [sflag:s14], $0x1000  }
0x3d4: {  	[sflag:s14] =	ssyncset.done $0x0  }
0x3d5: {  	[sflag:s14] =	ssyncadd.s32 $0xFFFFF000  }
0x3d6: {  	s21 =	simm.s32 $0x0;
	s22 =	simm.s32 $0x30;
	_ =	swait.ge [sflag:s14], $0x2000  }
0x3d7: {  	s0 =	sand.u32 $0xC00, s21;
	s1 =	sand.u32 $0x70, s22;
	[sflag:s14] =	ssyncset.done $0x0  }
0x3d8: {  	s1 =	sor.u32 s0, s1;
	[sflag:s14] =	ssyncadd.s32 $0xFFFFE000  }
0x3d9: {  	v2 =	vld [tilespmem:s1+$0x0]  }
0x3da: {  	s23 =	simm.s32 $0x10;
	v3 =	vld [tilespmem:s1+$0x100]  }
0x3db: {  	s24 =	sand.u32 $0x50, s23;
	v4 =	vld [tilespmem:s1+$0x2000]  }
0x3dc: {  	s28 =	sor.u32 s0, s24;
	v5 =	vld [tilespmem:s1+$0x2100]  }
0x3dd: {  	s29 =	simm.s32 $0x20;
	v7 =	vld [tilespmem:s28+$0x0]  }
0x3de: {  	s30 =	sand.u32 $0x60, s29;
	v10 =	vld [tilespmem:s28+$0x100]  }
0x3df: {  	v6 =	vmov s21;
	s31 =	sand.u32 $0x40, s21;
	v12 =	vld [tilespmem:s28+$0x2000];
	s1 =	sor.u32 s0, s30  }
0x3e0: {  	v8 =	vmov s23;
	v9 =	vmov s29;
	v11 =	vor.u32 s21, v1;
	s0 =	sor.u32 s31, s0;
	v25 =	vld [tilespmem:s1+$0x100]  }
0x3e1: {  	v13 =	vor.u32 s23, v1;
	v17 =	vmov s22;
	v35 =	vor.u32 s22, v1;
	v15 =	vld [tilespmem:s0+$0x100]  }
0x3e2: {  	v6 =	vshll.u32 v6, $0x3;
	v8 =	vshll.u32 v8, $0x3;
	v17 =	vshll.u32 v17, $0x3;
	v16 =	vld [tilespmem:s0+$0x2100]  }
0x3e3: {  	v9 =	vshll.u32 v9, $0x3;
	v17 =	vand.u32 $0xC00, v17;
	v29 =	vld [tilespmem:s1+$0x2100];
	v2 =	vsub.f32 v4, v2  }
0x3e4: {  	v14 =	vld [tilespmem:s28+$0x2100];
	v3 =	vsub.f32 v5, v3;
	v4 =	vor.u32 s29, v1;
	v5 =	vand.u32 $0xC00, v6  }
0x3e5: {  	v23 =	vld [tilespmem:s1+$0x0];
	v6 =	vand.u32 $0xC00, v8;
	v8 =	vand.u32 $0xC00, v9;
	v9 =	vand.u32 $0x7F, v35  }
0x3e6: {  	v21 =	vand.u32 $0x5F, v13;
	v27 =	vld [tilespmem:s1+$0x2000];
	v4 =	vand.u32 $0x6F, v4;
	v9 =	vor.u32 v17, v9  }
0x3e7: {  	v36 =	vsub.f32 v16, v15;
	v20 =	vmul.f32 v2, v2;
	v3 =	vmul.f32 v3, v3  }
0x3e8: {  	v2 =	vand.u32 $0x4F, v11;
	v4 =	vor.u32 v8, v4;
	v11 =	vsub.f32 v29, v25  }
0x3e9: {  	v2 =	vor.u32 v5, v2;
	v5 =	vsub.f32 v12, v7;
	v38 =	vmul.f32 v36, v36  }
0x3ea: {  	v7 =	vadd.f32 v3, v20;
	v3 =	vor.u32 v6, v21;
	v6 =	vsub.f32 v14, v10  }
0x3eb: {  	v10 =	vsub.f32 v27, v23;
	v37 =	vmul.f32 v11, v11;
	v5 =	vmul.f32 v5, v5  }
0x3ec: {  	vm0 =	vge.f32 v7, $9.999999770e-03;
	vm1 =	vge.f32 v7, $3.999999910e-02;
	v6 =	vmul.f32 v6, v6  }
0x3ed: {  	v8 =	vsel vm0, $0x1, v0;
	v22 =	vsel vm1, $0x1, v0;
	vm0 =	vge.f32 v7, $9.000000350e-02  }
0x3ee: {  	v8 =	vadd.s32 v22, v8;
	v24 =	vsel vm0, $0x1, v0;
	vm0 =	vge.f32 v7, $1.599999960e-01  }
0x3ef: {  	v5 =	vadd.f32 v6, v5;
	v8 =	vadd.s32 v24, v8;
	v26 =	vsel vm0, $0x1, v0  }
0x3f0: {  	v6 =	vmul.f32 v10, v10;
	vm0 =	vge.f32 v7, $2.500000000e-01;
	v8 =	vadd.s32 v26, v8  }
0x3f1: {  	v28 =	vsel vm0, $0x1, v0;
	vm0 =	vge.f32 v7, $3.600000140e-01;
	vm1 =	vge.f32 v5, $3.999999910e-02  }
0x3f2: {  	v6 =	vadd.f32 v37, v6;
	v8 =	vadd.s32 v28, v8;
	v30 =	vsel vm0, $0x1, v0  }
0x3f3: {  	vm0 =	vge.f32 v7, $4.899999500e-01;
	v40 =	vsel vm1, $0x1, v0;
	v8 =	vadd.s32 v30, v8  }
0x3f4: {  	v32 =	vsel vm0, $0x1, v0;
	vm0 =	vge.f32 v7, $6.399999860e-01;
	vm1 =	vge.f32 v6, $9.999999770e-03  }
0x3f5: {  	vm2 =	vge.f32 v6, $3.999999910e-02;
	vm3 =	vge.f32 v6, $9.000000350e-02;
	v8 =	vadd.s32 v32, v8  }
0x3f6: {  	v33 =	vsel vm0, $0x1, v0;
	vm0 =	vge.f32 v7, $8.099999420e-01;
	v42 =	vsel vm1, $0x1, v0  }
0x3f7: {  	v31 =	vld [tilespmem:s0+$0x0];
	v45 =	vsel vm2, $0x1, v0;
	v48 =	vsel vm3, $0x1, v0;
	vm2 =	vge.f32 v6, $1.599999960e-01  }
0x3f8: {  	v7 =	vld [tilespmem:s0+$0x2000];
	v8 =	vadd.s32 v33, v8;
	v34 =	vsel vm0, $0x1, v0;
	vm0 =	vge.f32 v5, $9.999999770e-03  }
0x3f9: {  	v10 =	vadd.s32 v45, v42;
	v51 =	vsel vm2, $0x1, v0;
	vm2 =	vge.f32 v6, $2.500000000e-01  }
0x3fa: {  	v8 =	vadd.s32 v34, v8;
	v39 =	vsel vm0, $0x1, v0;
	vm0 =	vge.f32 v5, $9.000000350e-02  }
0x3fb: {  	v10 =	vadd.s32 v48, v10;
	v54 =	vsel vm2, $0x1, v0;
	vm2 =	vge.f32 v6, $3.600000140e-01  }
0x3fc: {  	v18 =	vshll.u32 v8, $0x9;
	v8 =	vshll.u32 v8, $0x7;
	v41 =	vadd.s32 v40, v39  }
0x3fd: {  	v47 =	vsel vm0, $0x1, v0;
	v10 =	vadd.s32 v51, v10;
	v7 =	vsub.f32 v7, v31  }
0x3fe: {  	v57 =	vsel vm2, $0x1, v0;
	vm2 =	vge.f32 v6, $4.899999500e-01;
	v18 =	vand.u32 $0x7FFFF000, v18  }
0x3ff: {  	v8 =	vand.u32 $0x380, v8;
	v10 =	vadd.s32 v54, v10;
	v7 =	vmul.f32 v7, v7  }
0x400: {  	v60 =	vsel vm2, $0x1, v0;
	vm2 =	vge.f32 v6, $6.399999860e-01;
	v9 =	vor.u32 v18, v9  }
0x401: {  	v10 =	vadd.s32 v57, v10;
	v63 =	vsel vm2, $0x1, v0;
	v7 =	vadd.f32 v38, v7  }
0x402: {  	vm2 =	vge.f32 v6, $8.099999420e-01;
	v8 =	vor.u32 v8, v9;
	v10 =	vadd.s32 v60, v10  }
0x403: {  	v9 =	vadd.s32 v47, v41;
	v6 =	vadd.s32 v63, v10;
	vm4 =	vge.f32 v7, $9.999999770e-03  }
0x404: {  	vm5 =	vge.f32 v7, $3.999999910e-02;
	vm1 =	vge.f32 v7, $9.000000350e-02;
	vm0 =	vge.f32 v7, $1.599999960e-01  }
0x405: {  	v43 =	vsel vm4, $0x1, v0;
	v44 =	vsel vm5, $0x1, v0;
	v46 =	vsel vm1, $0x1, v0  }
0x406: {  	vm1 =	vge.f32 v5, $1.599999960e-01;
	v49 =	vsel vm0, $0x1, v0;
	vm0 =	vge.f32 v7, $2.500000000e-01  }
0x407: {  	v11 =	vadd.s32 v44, v43;
	v50 =	vsel vm1, $0x1, v0;
	vm1 =	vge.f32 v5, $2.500000000e-01  }
0x408: {  	v52 =	vsel vm0, $0x1, v0;
	vm0 =	vge.f32 v7, $3.600000140e-01;
	v11 =	vadd.s32 v46, v11  }
0x409: {  	v9 =	vadd.s32 v50, v9;
	v53 =	vsel vm1, $0x1, v0;
	vm1 =	vge.f32 v5, $3.600000140e-01  }
0x40a: {  	v55 =	vsel vm0, $0x1, v0;
	vm0 =	vge.f32 v7, $4.899999500e-01;
	v11 =	vadd.s32 v49, v11  }
0x40b: {  	v8 =	vld.idx.msk [tilespmem:v8+s11+$0x0], $0xffff;
	v9 =	vadd.s32 v53, v9;
	v56 =	vsel vm1, $0x1, v0;
	vm1 =	vge.f32 v5, $4.899999500e-01  }
0x40c: {  	v58 =	vsel vm0, $0x1, v0;
	vm0 =	vge.f32 v7, $6.399999860e-01;
	v11 =	vadd.s32 v52, v11  }
0x40d: {  	v9 =	vadd.s32 v56, v9;
	v59 =	vsel vm1, $0x1, v0;
	vm1 =	vge.f32 v5, $6.399999860e-01  }
0x40e: {  	v61 =	vsel vm0, $0x1, v0;
	vm0 =	vge.f32 v7, $8.099999420e-01;
	v11 =	vadd.s32 v55, v11  }
0x40f: {  	s22 =	simm.s32 $0x8020;
	v9 =	vadd.s32 v59, v9;
	v62 =	vsel vm1, $0x1, v0;
	v11 =	vadd.s32 v58, v11  }
0x410: {  	s23 =	simm.s32 $0x0;
	s24 =	simm.s32 $0x40;
	[tilespmem:s22+$0x10] =	vst v8;
	vm1 =	vge.f32 v5, $8.099999420e-01;
	v7 =	vadd.s32 v62, v9;
	v5 =	vadd.s32 v61, v11  }
.LBB2_15:
0x411: {  	s0 =	sadd.s32 $0x10, s24;
	s25 =	sadd.s32 $0x30, s24;
	v8 =	vsel vm0, $0x1, v0;
	v9 =	vsel vm1, $0x1, v0;
	v10 =	vsel vm2, $0x1, v0;
	s21 =	sadd.s32 $0x200, s21  }
0x412: {  	v11 =	vmov s24;
	s28 =	sadd.s32 $0x20, s24;
	s1 =	sand.u32 $0xC00, s21;
	v12 =	vmov s0;
	s26 =	sand.u32 $0x70, s25;
	v7 =	vadd.s32 v9, v7  }
0x413: {  	s29 =	sand.u32 $0x50, s0;
	s30 =	sand.u32 $0x60, s28;
	v9 =	vmov s28;
	v5 =	vadd.s32 v8, v5;
	v6 =	vadd.s32 v10, v6;
	s31 =	sor.u32 s1, s26  }
0x414: {  	s23 =	sadd.s32 $0x4, s23;
	v8 =	vshll.u32 v11, $0x3;
	s26 =	sand.u32 $0x40, s24;
	s29 =	sor.u32 s1, s29;
	v10 =	vshll.u32 v12, $0x3;
	v9 =	vshll.u32 v9, $0x3;
	v11 =	vld [tilespmem:s31+$0x0]  }
0x415: {  	v13 =	vor.u32 s0, v1;
	v14 =	vor.u32 s28, v1;
	p6 =	slt.u32 s23, $0x1C;
	v12 =	vor.u32 s24, v1;
	s0 =	sor.u32 s1, s30;
	s26 =	sor.u32 s26, s1;
	v15 =	vld [tilespmem:s31+$0x100]  }
0x416: {  	v17 =	vshll.u32 v5, $0x9;
	v18 =	vshll.u32 v7, $0x9;
	v19 =	vshll.u32 v6, $0x9;
	v16 =	vld [tilespmem:s31+$0x2000]  }
0x417: {  	v8 =	vand.u32 $0xC00, v8;
	v10 =	vand.u32 $0xC00, v10;
	v9 =	vand.u32 $0xC00, v9;
	v20 =	vld [tilespmem:s31+$0x2100]  }
0x418: {  	v13 =	vand.u32 $0x5F, v13;
	v14 =	vand.u32 $0x6F, v14;
	v12 =	vand.u32 $0x4F, v12;
	v21 =	vld [tilespmem:s29+$0x0]  }
0x419: {  	v17 =	vand.u32 $0x7FFFF000, v17;
	v18 =	vand.u32 $0x7FFFF000, v18;
	v19 =	vand.u32 $0x7FFFF000, v19;
	v22 =	vld [tilespmem:s29+$0x100]  }
0x41a: {  	v5 =	vshll.u32 v5, $0x7;
	v7 =	vshll.u32 v7, $0x7;
	v6 =	vshll.u32 v6, $0x7;
	v23 =	vld [tilespmem:s29+$0x2000]  }
0x41b: {  	v8 =	vor.u32 v8, v12;
	v10 =	vor.u32 v10, v13;
	v9 =	vor.u32 v9, v14;
	v12 =	vld [tilespmem:s29+$0x2100]  }
0x41c: {  	v11 =	vsub.f32 v16, v11;
	v13 =	vld [tilespmem:s0+$0x0];
	v14 =	vsub.f32 v20, v15;
	v15 =	vor.u32 v18, v3;
	v3 =	vmovc v10  }
0x41d: {  	v7 =	vand.u32 $0x380, v7;
	v16 =	vor.u32 v17, v2;
	v17 =	vor.u32 v19, v4;
	v2 =	vmovc v8;
	v4 =	vmovc v9;
	v10 =	vld [tilespmem:s0+$0x100]  }
0x41e: {  	v6 =	vand.u32 $0x380, v6;
	v9 =	vmul.f32 v11, v11;
	v8 =	vld [tilespmem:s0+$0x2000];
	v11 =	vmul.f32 v14, v14  }
0x41f: {  	v5 =	vand.u32 $0x380, v5;
	v7 =	vor.u32 v7, v15;
	v14 =	vsub.f32 v23, v21;
	v18 =	vld [tilespmem:s0+$0x2100]  }
0x420: {  	v6 =	vor.u32 v6, v17;
	v15 =	vld [tilespmem:s26+$0x0];
	v12 =	vsub.f32 v12, v22;
	v9 =	vadd.f32 v11, v9  }
0x421: {  	v5 =	vor.u32 v5, v16;
	v11 =	vld [tilespmem:s26+$0x100];
	v14 =	vmul.f32 v14, v14  }
0x422: {  	v16 =	vld [tilespmem:s26+$0x2000];
	v12 =	vmul.f32 v12, v12;
	vm0 =	vge.f32 v9, $9.999999770e-03;
	vm1 =	vge.f32 v9, $3.999999910e-02  }
0x423: {  	v17 =	vld [tilespmem:s26+$0x2100];
	v19 =	vsel vm0, $0x1, v0;
	v20 =	vsel vm1, $0x1, v0;
	vm0 =	vge.f32 v9, $9.000000350e-02  }
0x424: {  	v19 =	vadd.s32 v20, v19;
	v20 =	vsel vm0, $0x1, v0;
	vm0 =	vge.f32 v9, $1.599999960e-01;
	v7 =	vld.idx.msk [tilespmem:v7+s11+$0x0], $0xffff  }
0x425: {  	v19 =	vadd.s32 v20, v19;
	v20 =	vsel vm0, $0x1, v0;
	vm0 =	vge.f32 v9, $2.500000000e-01;
	v6 =	vld.idx.msk [tilespmem:v6+s11+$0x0], $0xffff  }
0x426: {  	v19 =	vadd.s32 v20, v19;
	v20 =	vsel vm0, $0x1, v0;
	vm0 =	vge.f32 v9, $3.600000140e-01;
	v5 =	vld.idx.msk [tilespmem:v5+s11+$0x0], $0xffff  }
0x427: {  	v19 =	vadd.s32 v20, v19;
	v20 =	vsel vm0, $0x1, v0;
	vm0 =	vge.f32 v9, $4.899999500e-01  }
0x428: {  	v19 =	vadd.s32 v20, v19;
	v20 =	vsel vm0, $0x1, v0;
	vm0 =	vge.f32 v9, $6.399999860e-01  }
0x429: {  	v19 =	vadd.s32 v20, v19;
	v20 =	vsel vm0, $0x1, v0;
	vm0 =	vge.f32 v9, $8.099999420e-01  }
0x42a: {  	v9 =	vadd.s32 v20, v19;
	v19 =	vsel vm0, $0x1, v0;
	v20 =	vmov s25;
	[tilespmem:s22+$0xFFFFFFF0] =	vst v7  }
0x42b: {  	v7 =	vadd.s32 v19, v9;
	v9 =	vor.u32 s25, v1;
	v19 =	vshll.u32 v20, $0x3;
	[tilespmem:s22+$0x0] =	vst v6  }
0x42c: {  	v6 =	vand.u32 $0x7F, v9;
	v9 =	vshll.u32 v7, $0x9;
	v19 =	vand.u32 $0xC00, v19;
	[tilespmem:s22+$0xFFFFFFE0] =	vst v5  }
0x42d: {  	v7 =	vshll.u32 v7, $0x7;
	v5 =	vand.u32 $0x7FFFF000, v9;
	v6 =	vor.u32 v19, v6  }
0x42e: {  	v8 =	vsub.f32 v8, v13;
	v7 =	vand.u32 $0x380, v7;
	v5 =	vor.u32 v5, v6  }
0x42f: {  	v9 =	vsub.f32 v18, v10;
	v6 =	vsub.f32 v16, v15;
	v5 =	vor.u32 v7, v5  }
0x430: {  	v8 =	vmul.f32 v8, v8;
	v10 =	vadd.f32 v12, v14;
	v7 =	vsub.f32 v17, v11  }
0x431: {  	v9 =	vmul.f32 v9, v9;
	v6 =	vmul.f32 v6, v6  }
0x432: {  	vm0 =	vge.f32 v10, $9.999999770e-03;
	vm1 =	vge.f32 v10, $3.999999910e-02;
	v7 =	vmul.f32 v7, v7  }
0x433: {  	v11 =	vsel vm0, $0x1, v0;
	v12 =	vsel vm1, $0x1, v0;
	v8 =	vadd.f32 v9, v8  }
0x434: {  	vm0 =	vge.f32 v10, $9.000000350e-02;
	v6 =	vadd.f32 v7, v6;
	v7 =	vadd.s32 v12, v11;
	v5 =	vld.idx.msk [tilespmem:v5+s11+$0x0], $0xffff  }
0x435: {  	vm1 =	vge.f32 v8, $9.999999770e-03;
	vm2 =	vge.f32 v8, $3.999999910e-02;
	vm3 =	vge.f32 v8, $9.000000350e-02  }
0x436: {  	v9 =	vsel vm1, $0x1, v0;
	vm4 =	vge.f32 v6, $9.999999770e-03;
	vm5 =	vge.f32 v6, $3.999999910e-02  }
0x437: {  	v13 =	vsel vm2, $0x1, v0;
	v11 =	vsel vm4, $0x1, v0;
	v12 =	vsel vm5, $0x1, v0  }
0x438: {  	vm1 =	vge.f32 v6, $9.000000350e-02;
	v9 =	vadd.s32 v13, v9;
	v11 =	vadd.s32 v12, v11  }
0x439: {  	s22 =	sadd.s32 $0x40, s22;
	v14 =	vsel vm3, $0x1, v0;
	v13 =	vsel vm0, $0x1, v0;
	v12 =	vsel vm1, $0x1, v0  }
0x43a: {  	vm2 =	vge.f32 v8, $1.599999960e-01;
	vm0 =	vge.f32 v6, $1.599999960e-01;
	vm1 =	vge.f32 v10, $1.599999960e-01;
	[tilespmem:s22+$0x10] =	vst v5  }
0x43b: {  	v7 =	vadd.s32 v13, v7;
	v9 =	vadd.s32 v14, v9;
	v5 =	vadd.s32 v12, v11  }
0x43c: {  	v13 =	vsel vm2, $0x1, v0;
	v11 =	vsel vm0, $0x1, v0;
	v12 =	vsel vm1, $0x1, v0  }
0x43d: {  	vm2 =	vge.f32 v8, $2.500000000e-01;
	vm0 =	vge.f32 v6, $2.500000000e-01;
	vm1 =	vge.f32 v10, $2.500000000e-01  }
0x43e: {  	v9 =	vadd.s32 v13, v9;
	v5 =	vadd.s32 v11, v5;
	v7 =	vadd.s32 v12, v7  }
0x43f: {  	v13 =	vsel vm2, $0x1, v0;
	v11 =	vsel vm0, $0x1, v0;
	v12 =	vsel vm1, $0x1, v0  }
0x440: {  	vm2 =	vge.f32 v8, $3.600000140e-01;
	vm0 =	vge.f32 v6, $3.600000140e-01;
	vm1 =	vge.f32 v10, $3.600000140e-01  }
0x441: {  	v9 =	vadd.s32 v13, v9;
	v5 =	vadd.s32 v11, v5;
	v7 =	vadd.s32 v12, v7  }
0x442: {  	v13 =	vsel vm2, $0x1, v0;
	v11 =	vsel vm0, $0x1, v0;
	v12 =	vsel vm1, $0x1, v0  }
0x443: {  	vm2 =	vge.f32 v8, $4.899999500e-01;
	vm0 =	vge.f32 v6, $4.899999500e-01;
	vm1 =	vge.f32 v10, $4.899999500e-01  }
0x444: {  	v9 =	vadd.s32 v13, v9;
	v5 =	vadd.s32 v11, v5;
	v7 =	vadd.s32 v12, v7  }
0x445: {  	v13 =	vsel vm2, $0x1, v0;
	v11 =	vsel vm0, $0x1, v0;
	v12 =	vsel vm1, $0x1, v0  }
.Ltmp9:
0x446: {  	vm2 =	vge.f32 v8, $6.399999860e-01;
	vm0 =	vge.f32 v6, $6.399999860e-01;
	vm1 =	vge.f32 v10, $6.399999860e-01;
	(pc) =	sbr.rel @p6 .LBB2_15-.Ltmp9, $4  }
0x447: {  	v9 =	vadd.s32 v13, v9;
	v5 =	vadd.s32 v11, v5;
	v7 =	vadd.s32 v12, v7  }
0x448: {  	v13 =	vsel vm2, $0x1, v0;
	v11 =	vsel vm0, $0x1, v0;
	v12 =	vsel vm1, $0x1, v0  }
0x449: {  	vm2 =	vge.f32 v8, $8.099999420e-01;
	vm0 =	vge.f32 v6, $8.099999420e-01;
	vm1 =	vge.f32 v10, $8.099999420e-01  }
0x44a: {  	s24 =	sadd.s32 $0x40, s24;
	v6 =	vadd.s32 v13, v9;
	v5 =	vadd.s32 v11, v5;
	v7 =	vadd.s32 v12, v7  }
0x44b: {  	v8 =	vsel vm0, $0x1, v0;
	v9 =	vsel vm1, $0x1, v0  }
0x44c: {  	v10 =	vsel vm2, $0x1, v0;
	v7 =	vadd.s32 v9, v7;
	v5 =	vadd.s32 v8, v5  }
0x44d: {  	v6 =	vadd.s32 v10, v6;
	v8 =	vshll.u32 v5, $0x9;
	v9 =	vshll.u32 v7, $0x9  }
0x44e: {  	v10 =	vshll.u32 v6, $0x9;
	v5 =	vshll.u32 v5, $0x7;
	v7 =	vshll.u32 v7, $0x7  }
0x44f: {  	v6 =	vshll.u32 v6, $0x7;
	v8 =	vand.u32 $0x7FFFF000, v8;
	v9 =	vand.u32 $0x7FFFF000, v9  }
0x450: {  	v10 =	vand.u32 $0x7FFFF000, v10;
	v7 =	vand.u32 $0x380, v7;
	v3 =	vor.u32 v9, v3  }
0x451: {  	v6 =	vand.u32 $0x380, v6;
	v4 =	vor.u32 v10, v4;
	v3 =	vor.u32 v7, v3  }
0x452: {  	v5 =	vand.u32 $0x380, v5;
	v2 =	vor.u32 v8, v2;
	v4 =	vor.u32 v6, v4  }
0x453: {  	v2 =	vor.u32 v5, v2;
	_ =	sdelay $0x2  }
0x454: {  	v3 =	vld.idx.msk [tilespmem:v3+s11+$0x0], $0xffff  }
0x455: {  	v4 =	vld.idx.msk [tilespmem:v4+s11+$0x0], $0xffff  }
0x456: {  	v2 =	vld.idx.msk [tilespmem:v2+s11+$0x0], $0xffff;
	_ =	sdelay $0x2  }
0x457: {  	[tilespmem:s22+$0xFFFFFFF0] =	vst v3  }
0x458: {  	[tilespmem:s22+$0x0] =	vst v4  }
0x459: {  	[tilespmem:s22+$0xFFFFFFE0] =	vst v2  }
0x45a: {  	s0 =	sld [smem:$0x7FD];
	_ =	sdelay $0x2  }
0x45b: {  	[hbm4b:s0+s2] =	stream.linear.scatter [tilespmem:s15], [sflag:$0x3], $0x200, $0x38;
	[tilespmem:$0x9480] =	vst v63  }
.LBB2_17:
.Ltmp10:
0x45c: {  	(pc) =	sbr.rel @!p4 .LBB2_19-.Ltmp10, $1  }
0x45d: {  	_ =	sdelay $0x3  }
0x45e: {  	_ =	swait.ge [sflag:s14], $0x400  }
0x45f: {  	[sflag:s14] =	ssyncset.done $0x0  }
0x460: {  	[sflag:s14] =	ssyncadd.s32 $0xFFFFFC00  }
0x461: {  	_ =	swait.ge [sflag:s14], $0x400  }
0x462: {  	[sflag:s14] =	ssyncset.done $0x0  }
0x463: {  	[sflag:s14] =	ssyncadd.s32 $0xFFFFFC00  }
0x464: {  	_ =	swait.ge [sflag:s14], $0x800  }
0x465: {  	[sflag:s14] =	ssyncset.done $0x0  }
0x466: {  	[sflag:s14] =	ssyncadd.s32 $0xFFFFF800  }
0x467: {  	v2 =	vld [tilespmem:$0x0]  }
0x468: {  	v3 =	vld [tilespmem:$0x100]  }
0x469: {  	v4 =	vld [tilespmem:$0x2000]  }
0x46a: {  	v5 =	vld [tilespmem:$0x2100]  }
0x46b: {  	v6 =	vld [tilespmem:$0x10]  }
0x46c: {  	v7 =	vld [tilespmem:$0x110]  }
0x46d: {  	v8 =	vld [tilespmem:$0x2010]  }
0x46e: {  	v9 =	vld [tilespmem:$0x2110]  }
0x46f: {  	v10 =	vld [tilespmem:$0x20]  }
0x470: {  	v11 =	vld [tilespmem:$0x120]  }
0x471: {  	v12 =	vld [tilespmem:$0x2020]  }
0x472: {  	v13 =	vld [tilespmem:$0x2120]  }
0x473: {  	v14 =	vld [tilespmem:$0x30]  }
0x474: {  	v15 =	vld [tilespmem:$0x130]  }
0x475: {  	v16 =	vld [tilespmem:$0x2030]  }
0x476: {  	v17 =	vld [tilespmem:$0x2130]  }
0x477: {  	v18 =	vld [tilespmem:$0x40]  }
0x478: {  	v19 =	vld [tilespmem:$0x140]  }
0x479: {  	v20 =	vld [tilespmem:$0x2040]  }
0x47a: {  	v21 =	vld [tilespmem:$0x2140]  }
0x47b: {  	v22 =	vld [tilespmem:$0x50]  }
0x47c: {  	v23 =	vld [tilespmem:$0x150]  }
0x47d: {  	v24 =	vld [tilespmem:$0x2050]  }
0x47e: {  	v25 =	vld [tilespmem:$0x2150]  }
0x47f: {  	v26 =	vld [tilespmem:$0x60]  }
0x480: {  	v27 =	vld [tilespmem:$0x160]  }
0x481: {  	v61 =	vld [tilespmem:$0x2160];
	v2 =	vsub.f32 v4, v2;
	v3 =	vsub.f32 v5, v3  }
0x482: {  	v29 =	vld [tilespmem:$0x70];
	v62 =	vsub.f32 v8, v6;
	v63 =	vsub.f32 v9, v7  }
0x483: {  	v32 =	vld [tilespmem:$0x170];
	v30 =	vsub.f32 v12, v10;
	v31 =	vsub.f32 v13, v11  }
0x484: {  	v35 =	vld [tilespmem:$0x2070];
	v33 =	vsub.f32 v16, v14;
	v34 =	vsub.f32 v17, v15  }
0x485: {  	v38 =	vld [tilespmem:$0x2170];
	v36 =	vsub.f32 v20, v18;
	v37 =	vsub.f32 v21, v19;
	v2 =	vmul.f32 v2, v2  }
0x486: {  	v28 =	vld [tilespmem:$0x2060];
	v39 =	vsub.f32 v24, v22;
	v3 =	vmul.f32 v3, v3;
	v43 =	vmul.f32 v62, v62  }
0x487: {  	v40 =	vsub.f32 v25, v23;
	v44 =	vmul.f32 v63, v63;
	v46 =	vmul.f32 v30, v30  }
0x488: {  	v42 =	vsub.f32 v61, v27;
	v47 =	vmul.f32 v31, v31;
	v49 =	vmul.f32 v33, v33  }
0x489: {  	v45 =	vsub.f32 v35, v29;
	v50 =	vmul.f32 v34, v34;
	v53 =	vmul.f32 v37, v37  }
0x48a: {  	v48 =	vsub.f32 v38, v32;
	v54 =	vmul.f32 v39, v39;
	v55 =	vmul.f32 v40, v40  }
0x48b: {  	v41 =	vsub.f32 v28, v26;
	v60 =	vmul.f32 v42, v42;
	v6 =	vmul.f32 v45, v45  }
0x48c: {  	v9 =	vmul.f32 v48, v48;
	v2 =	vadd.f32 v3, v2;
	v51 =	vadd.f32 v44, v43  }
0x48d: {  	v7 =	vadd.f32 v47, v46;
	v52 =	vadd.f32 v50, v49;
	v3 =	vmul.f32 v36, v36  }
0x48e: {  	v4 =	vadd.f32 v55, v54;
	vm0 =	vge.f32 v2, $9.999999770e-03;
	vm5 =	vge.f32 v2, $3.999999910e-02  }
0x48f: {  	v5 =	vadd.f32 v53, v3;
	vm6 =	vge.f32 v2, $9.000000350e-02;
	vm7 =	vge.f32 v2, $1.599999960e-01  }
0x490: {  	v3 =	vmul.f32 v41, v41;
	vm8 =	vge.f32 v2, $2.500000000e-01;
	vm9 =	vge.f32 v2, $3.600000140e-01  }
0x491: {  	vm10 =	vge.f32 v2, $4.899999500e-01;
	vm11 =	vge.f32 v2, $6.399999860e-01;
	vm12 =	vge.f32 v2, $8.099999420e-01  }
0x492: {  	v2 =	vadd.f32 v9, v6;
	vm13 =	vge.f32 v51, $9.999999770e-03;
	vm14 =	vge.f32 v51, $3.999999910e-02  }
0x493: {  	vm15 =	vge.f32 v51, $9.000000350e-02;
	vm4 =	vge.f32 v51, $1.599999960e-01;
	v56 =	vsel vm0, $0x1, v0  }
0x494: {  	v57 =	vsel vm5, $0x1, v0;
	v58 =	vsel vm6, $0x1, v0;
	v59 =	vsel vm7, $0x1, v0  }
0x495: {  	v61 =	vsel vm8, $0x1, v0;
	v62 =	vsel vm9, $0x1, v0;
	v63 =	vsel vm10, $0x1, v0  }
0x496: {  	v20 =	vsel vm11, $0x1, v0;
	v21 =	vsel vm12, $0x1, v0;
	v23 =	vsel vm13, $0x1, v0  }
0x497: {  	v24 =	vsel vm14, $0x1, v0;
	v25 =	vsel vm15, $0x1, v0;
	v26 =	vsel vm4, $0x1, v0  }
0x498: {  	vm5 =	vge.f32 v51, $2.500000000e-01;
	vm6 =	vge.f32 v51, $3.600000140e-01;
	vm7 =	vge.f32 v51, $4.899999500e-01  }
0x499: {  	vm8 =	vge.f32 v51, $6.399999860e-01;
	vm9 =	vge.f32 v51, $8.099999420e-01;
	vm10 =	vge.f32 v7, $9.999999770e-03  }
0x49a: {  	vm11 =	vge.f32 v7, $3.999999910e-02;
	vm12 =	vge.f32 v7, $9.000000350e-02;
	vm13 =	vge.f32 v7, $1.599999960e-01  }
0x49b: {  	vm14 =	vge.f32 v7, $2.500000000e-01;
	vm15 =	vge.f32 v7, $3.600000140e-01;
	vm4 =	vge.f32 v7, $4.899999500e-01  }
0x49c: {  	v3 =	vadd.f32 v60, v3;
	v22 =	vadd.s32 v57, v56;
	v27 =	vsel vm5, $0x1, v0  }
0x49d: {  	v28 =	vsel vm6, $0x1, v0;
	v29 =	vsel vm7, $0x1, v0;
	v30 =	vsel vm8, $0x1, v0  }
0x49e: {  	v10 =	vadd.s32 v24, v23;
	v12 =	vsel vm9, $0x1, v0;
	v31 =	vsel vm10, $0x1, v0  }
0x49f: {  	v32 =	vsel vm11, $0x1, v0;
	v33 =	vsel vm12, $0x1, v0;
	v34 =	vsel vm13, $0x1, v0  }
0x4a0: {  	v35 =	vsel vm14, $0x1, v0;
	v36 =	vsel vm15, $0x1, v0;
	v37 =	vsel vm4, $0x1, v0  }
0x4a1: {  	vm5 =	vge.f32 v7, $6.399999860e-01;
	vm6 =	vge.f32 v7, $8.099999420e-01;
	vm7 =	vge.f32 v52, $9.999999770e-03  }
0x4a2: {  	vm8 =	vge.f32 v52, $3.999999910e-02;
	vm9 =	vge.f32 v52, $9.000000350e-02;
	vm10 =	vge.f32 v52, $1.599999960e-01  }
0x4a3: {  	vm11 =	vge.f32 v52, $2.500000000e-01;
	vm12 =	vge.f32 v52, $3.600000140e-01;
	vm13 =	vge.f32 v52, $4.899999500e-01  }
0x4a4: {  	vm14 =	vge.f32 v52, $6.399999860e-01;
	vm15 =	vge.f32 v52, $8.099999420e-01;
	vm4 =	vge.f32 v5, $9.999999770e-03  }
0x4a5: {  	v23 =	vor.u32 $0x10, v1;
	v9 =	vadd.s32 v58, v22;
	v10 =	vadd.s32 v25, v10  }
0x4a6: {  	v11 =	vadd.s32 v32, v31;
	v38 =	vsel vm5, $0x1, v0;
	v40 =	vsel vm6, $0x1, v0  }
0x4a7: {  	v41 =	vsel vm7, $0x1, v0;
	v42 =	vsel vm8, $0x1, v0;
	v43 =	vsel vm9, $0x1, v0  }
0x4a8: {  	v44 =	vsel vm10, $0x1, v0;
	v45 =	vsel vm11, $0x1, v0;
	v46 =	vsel vm12, $0x1, v0  }
0x4a9: {  	v47 =	vsel vm13, $0x1, v0;
	v48 =	vsel vm14, $0x1, v0;
	v50 =	vsel vm15, $0x1, v0  }
0x4aa: {  	v51 =	vsel vm4, $0x1, v0;
	vm5 =	vge.f32 v5, $3.999999910e-02;
	vm6 =	vge.f32 v5, $9.000000350e-02  }
0x4ab: {  	vm7 =	vge.f32 v5, $1.599999960e-01;
	vm8 =	vge.f32 v5, $2.500000000e-01;
	vm9 =	vge.f32 v5, $3.600000140e-01  }
0x4ac: {  	vm10 =	vge.f32 v5, $4.899999500e-01;
	vm11 =	vge.f32 v5, $6.399999860e-01;
	vm12 =	vge.f32 v4, $9.999999770e-03  }
0x4ad: {  	vm13 =	vge.f32 v4, $3.999999910e-02;
	vm14 =	vge.f32 v5, $8.099999420e-01;
	vm15 =	vge.f32 v4, $9.000000350e-02  }
0x4ae: {  	vm4 =	vge.f32 v4, $1.599999960e-01;
	v9 =	vadd.s32 v59, v9;
	v10 =	vadd.s32 v26, v10  }
0x4af: {  	v39 =	vadd.s32 v33, v11;
	v14 =	vadd.s32 v42, v41;
	v52 =	vsel vm5, $0x1, v0  }
0x4b0: {  	v53 =	vsel vm6, $0x1, v0;
	v54 =	vsel vm7, $0x1, v0;
	v55 =	vsel vm8, $0x1, v0  }
0x4b1: {  	v56 =	vsel vm9, $0x1, v0;
	v57 =	vsel vm10, $0x1, v0;
	v58 =	vsel vm11, $0x1, v0  }
0x4b2: {  	v59 =	vsel vm12, $0x1, v0;
	v60 =	vsel vm13, $0x1, v0;
	v16 =	vsel vm15, $0x1, v0  }
0x4b3: {  	v17 =	vsel vm4, $0x1, v0;
	vm5 =	vge.f32 v4, $2.500000000e-01;
	vm6 =	vge.f32 v4, $3.600000140e-01  }
0x4b4: {  	vm7 =	vge.f32 v4, $4.899999500e-01;
	vm8 =	vge.f32 v4, $6.399999860e-01;
	vm9 =	vge.f32 v3, $9.999999770e-03  }
0x4b5: {  	vm10 =	vge.f32 v3, $3.999999910e-02;
	vm11 =	vge.f32 v3, $9.000000350e-02;
	vm12 =	vge.f32 v3, $1.599999960e-01  }
0x4b6: {  	vm13 =	vge.f32 v4, $8.099999420e-01;
	vm15 =	vge.f32 v3, $3.600000140e-01;
	vm4 =	vge.f32 v3, $4.899999500e-01  }
0x4b7: {  	v9 =	vadd.s32 v61, v9;
	v10 =	vadd.s32 v27, v10;
	v7 =	vadd.s32 v34, v39  }
0x4b8: {  	v11 =	vadd.s32 v52, v51;
	v18 =	vsel vm5, $0x1, v0;
	v9 =	vadd.s32 v62, v9  }
0x4b9: {  	v24 =	vsel vm7, $0x1, v0;
	v25 =	vsel vm8, $0x1, v0;
	v9 =	vadd.s32 v63, v9  }
0x4ba: {  	v26 =	vsel vm9, $0x1, v0;
	v10 =	vadd.s32 v28, v10;
	v9 =	vadd.s32 v20, v9  }
0x4bb: {  	v27 =	vsel vm10, $0x1, v0;
	v10 =	vadd.s32 v29, v10;
	v6 =	vadd.s32 v21, v9  }
0x4bc: {  	v9 =	vadd.s32 v30, v10;
	v63 =	vshll.u32 v6, $0x9;
	v6 =	vshll.u32 v6, $0x7  }
0x4bd: {  	v9 =	vadd.s32 v12, v9;
	v12 =	vand.u32 $0x7FFFF000, v63;
	v6 =	vand.u32 $0x380, v6  }
0x4be: {  	v31 =	vsel vm11, $0x1, v0;
	v32 =	vsel vm12, $0x1, v0;
	v6 =	vor.u32 v12, v6  }
0x4bf: {  	v34 =	vsel vm13, $0x1, v0;
	v39 =	vsel vm15, $0x1, v0;
	v6 =	vor.u32 v1, v6  }
0x4c0: {  	vm5 =	vge.f32 v3, $6.399999860e-01;
	vm7 =	vge.f32 v2, $3.999999910e-02;
	vm8 =	vge.f32 v2, $9.000000350e-02  }
0x4c1: {  	vm9 =	vge.f32 v3, $8.099999420e-01;
	vm10 =	vge.f32 v2, $1.599999960e-01;
	vm11 =	vge.f32 v2, $2.500000000e-01  }
0x4c2: {  	vm12 =	vge.f32 v2, $3.600000140e-01;
	v21 =	vshll.u32 v9, $0x9;
	v9 =	vshll.u32 v9, $0x7  }
0x4c3: {  	v7 =	vadd.s32 v35, v7;
	v22 =	vand.u32 $0x7FFFF000, v21;
	v9 =	vand.u32 $0x380, v9  }
0x4c4: {  	vm13 =	vge.f32 v2, $4.899999500e-01;
	v7 =	vadd.s32 v36, v7;
	v9 =	vor.u32 v22, v9;
	v6 =	vld.idx.msk [tilespmem:v6+s11+$0x0], $0xffff  }
0x4c5: {  	vm15 =	vge.f32 v2, $8.099999420e-01;
	v7 =	vadd.s32 v37, v7;
	v9 =	vor.u32 v23, v9  }
0x4c6: {  	v11 =	vadd.s32 v53, v11;
	v62 =	vsel vm14, $0x1, v0;
	v7 =	vadd.s32 v38, v7  }
0x4c7: {  	vm14 =	vge.f32 v3, $2.500000000e-01;
	v10 =	vadd.s32 v43, v14;
	v7 =	vadd.s32 v40, v7  }
0x4c8: {  	v49 =	vadd.s32 v44, v10;
	v28 =	vshll.u32 v7, $0x9;
	v7 =	vshll.u32 v7, $0x7  }
0x4c9: {  	v8 =	vadd.s32 v45, v49;
	v29 =	vand.u32 $0x7FFFF000, v28;
	v7 =	vand.u32 $0x380, v7;
	[tilespmem:$0x8000] =	vst v6  }
0x4ca: {  	v30 =	vor.u32 $0x20, v1;
	v8 =	vadd.s32 v46, v8;
	v6 =	vor.u32 v29, v7;
	v9 =	vld.idx.msk [tilespmem:v9+s11+$0x0], $0xffff  }
0x4cb: {  	v42 =	vsel vm5, $0x1, v0;
	v8 =	vadd.s32 v47, v8;
	v6 =	vor.u32 v30, v6  }
0x4cc: {  	v11 =	vadd.s32 v54, v11;
	v35 =	vsel vm14, $0x1, v0;
	v8 =	vadd.s32 v48, v8  }
0x4cd: {  	v54 =	vor.u32 $0x50, v1;
	vm14 =	vge.f32 v2, $6.399999860e-01;
	v8 =	vadd.s32 v50, v8  }
0x4ce: {  	v20 =	vsel vm6, $0x1, v0;
	v36 =	vshll.u32 v8, $0x9;
	v8 =	vshll.u32 v8, $0x7  }
0x4cf: {  	v10 =	vadd.s32 v55, v11;
	v37 =	vand.u32 $0x7FFFF000, v36;
	v8 =	vand.u32 $0x380, v8;
	[tilespmem:$0x8010] =	vst v9  }
0x4d0: {  	v38 =	vor.u32 $0x30, v1;
	v10 =	vadd.s32 v56, v10;
	v7 =	vor.u32 v37, v8;
	v6 =	vld.idx.msk [tilespmem:v6+s11+$0x0], $0xffff  }
0x4d1: {  	vm6 =	vge.f32 v2, $9.999999770e-03;
	v61 =	vadd.s32 v57, v10;
	v7 =	vor.u32 v38, v7  }
0x4d2: {  	v11 =	vadd.s32 v60, v59;
	v40 =	vsel vm4, $0x1, v0;
	v5 =	vadd.s32 v58, v61  }
0x4d3: {  	v44 =	vsel vm6, $0x1, v0;
	v11 =	vadd.s32 v16, v11;
	v5 =	vadd.s32 v62, v5  }
0x4d4: {  	v11 =	vadd.s32 v17, v11;
	v43 =	vshll.u32 v5, $0x9;
	v5 =	vshll.u32 v5, $0x7  }
0x4d5: {  	v19 =	vadd.s32 v18, v11;
	v45 =	vand.u32 $0x7FFFF000, v43;
	v5 =	vand.u32 $0x380, v5;
	[tilespmem:$0x8020] =	vst v6  }
0x4d6: {  	v46 =	vor.u32 $0x40, v1;
	v10 =	vadd.s32 v20, v19;
	v5 =	vor.u32 v45, v5;
	v7 =	vld.idx.msk [tilespmem:v7+s11+$0x0], $0xffff  }
0x4d7: {  	v55 =	vsel vm11, $0x1, v0;
	v10 =	vadd.s32 v24, v10;
	v5 =	vor.u32 v46, v5  }
0x4d8: {  	v60 =	vor.u32 $0x60, v1;
	v11 =	vadd.s32 v27, v26;
	v10 =	vadd.s32 v25, v10  }
0x4d9: {  	v49 =	vsel vm9, $0x1, v0;
	v33 =	vadd.s32 v31, v11;
	v41 =	vadd.s32 v34, v10  }
0x4da: {  	v4 =	vadd.s32 v32, v33;
	v51 =	vshll.u32 v41, $0x9;
	v9 =	vshll.u32 v41, $0x7  }
0x4db: {  	v4 =	vadd.s32 v35, v4;
	v52 =	vand.u32 $0x7FFFF000, v51;
	v53 =	vand.u32 $0x380, v9;
	[tilespmem:$0x8030] =	vst v7  }
0x4dc: {  	v56 =	vsel vm12, $0x1, v0;
	v4 =	vadd.s32 v39, v4;
	v6 =	vor.u32 v52, v53;
	v5 =	vld.idx.msk [tilespmem:v5+s11+$0x0], $0xffff  }
0x4dd: {  	v47 =	vsel vm7, $0x1, v0;
	v4 =	vadd.s32 v40, v4;
	v6 =	vor.u32 v54, v6  }
0x4de: {  	v48 =	vsel vm8, $0x1, v0;
	v3 =	vadd.s32 v47, v44;
	v4 =	vadd.s32 v42, v4  }
0x4df: {  	v3 =	vadd.s32 v48, v3;
	v50 =	vsel vm10, $0x1, v0;
	v4 =	vadd.s32 v49, v4  }
0x4e0: {  	v3 =	vadd.s32 v50, v3;
	v58 =	vshll.u32 v4, $0x9;
	v4 =	vshll.u32 v4, $0x7  }
0x4e1: {  	v3 =	vadd.s32 v55, v3;
	v59 =	vand.u32 $0x7FFFF000, v58;
	v4 =	vand.u32 $0x380, v4;
	[tilespmem:$0x8040] =	vst v5  }
0x4e2: {  	v57 =	vsel vm13, $0x1, v0;
	v3 =	vadd.s32 v56, v3;
	v4 =	vor.u32 v59, v4;
	v6 =	vld.idx.msk [tilespmem:v6+s11+$0x0], $0xffff  }
0x4e3: {  	v61 =	vsel vm14, $0x1, v0;
	v3 =	vadd.s32 v57, v3;
	v2 =	vor.u32 v60, v4  }
0x4e4: {  	v62 =	vsel vm15, $0x1, v0;
	v3 =	vadd.s32 v61, v3  }
0x4e5: {  	v3 =	vadd.s32 v62, v3  }
0x4e6: {  	v4 =	vshll.u32 v3, $0x9;
	v3 =	vshll.u32 v3, $0x7  }
0x4e7: {  	v4 =	vand.u32 $0x7FFFF000, v4;
	v3 =	vand.u32 $0x380, v3;
	[tilespmem:$0x8050] =	vst v6  }
0x4e8: {  	v63 =	vor.u32 $0x70, v1;
	v3 =	vor.u32 v4, v3;
	v2 =	vld.idx.msk [tilespmem:v2+s11+$0x0], $0xffff  }
0x4e9: {  	v3 =	vor.u32 v63, v3;
	_ =	sdelay $0x3  }
0x4ea: {  	[tilespmem:$0x8060] =	vst v2  }
0x4eb: {  	v2 =	vld.idx.msk [tilespmem:v3+s11+$0x0], $0xffff;
	_ =	sdelay $0x2  }
0x4ec: {  	s0 =	sld [smem:$0x7F9];
	_ =	sdelay $0x1  }
0x4ed: {  	[tilespmem:$0x8070] =	vst v2  }
0x4ee: {  	[hbm4b:s0+s2] =	stream.linear.scatter [tilespmem:s15], [sflag:$0x3], $0x80, $0x38;
	[tilespmem:$0x9480] =	vst v63  }
.LBB2_19:
.Ltmp11:
0x4ef: {  	(pc) =	sbr.rel @!p5 .LBB2_21-.Ltmp11, $1  }
0x4f0: {  	_ =	sdelay $0x3  }
0x4f1: {  	_ =	swait.ge [sflag:s14], $0x400  }
0x4f2: {  	[sflag:s14] =	ssyncset.done $0x0  }
0x4f3: {  	[sflag:s14] =	ssyncadd.s32 $0xFFFFFC00  }
0x4f4: {  	_ =	swait.ge [sflag:s14], $0x400  }
0x4f5: {  	[sflag:s14] =	ssyncset.done $0x0  }
0x4f6: {  	[sflag:s14] =	ssyncadd.s32 $0xFFFFFC00  }
0x4f7: {  	_ =	swait.ge [sflag:s14], $0x500  }
0x4f8: {  	[sflag:s14] =	ssyncset.done $0x0  }
0x4f9: {  	[sflag:s14] =	ssyncadd.s32 $0xFFFFFB00  }
0x4fa: {  	v2 =	vld [tilespmem:$0x8400]  }
0x4fb: {  	v3 =	vld [tilespmem:$0x8500]  }
0x4fc: {  	v4 =	vld [tilespmem:$0x8800]  }
0x4fd: {  	v5 =	vld [tilespmem:$0x8900]  }
0x4fe: {  	v6 =	vld [tilespmem:$0x8410]  }
0x4ff: {  	v7 =	vld [tilespmem:$0x8510]  }
0x500: {  	v8 =	vld [tilespmem:$0x8810]  }
0x501: {  	v9 =	vld [tilespmem:$0x8910]  }
0x502: {  	v2 =	vsub.f32 v4, v2;
	v3 =	vsub.f32 v5, v3;
	_ =	sdelay $0x1  }
0x503: {  	v2 =	vmul.f32 v2, v2;
	v3 =	vmul.f32 v3, v3  }
0x504: {  	v41 =	vsub.f32 v8, v6  }
0x505: {  	v42 =	vsub.f32 v9, v7;
	v2 =	vadd.f32 v3, v2;
	_ =	sdelay $0x1  }
0x506: {  	v43 =	vmul.f32 v42, v42;
	v3 =	vmul.f32 v41, v41;
	vm0 =	vge.f32 v2, $9.999999770e-03  }
0x507: {  	vm12 =	vge.f32 v2, $3.999999910e-02;
	vm1 =	vge.f32 v2, $9.000000350e-02;
	vm13 =	vge.f32 v2, $1.599999960e-01  }
0x508: {  	v3 =	vadd.f32 v43, v3;
	vm14 =	vge.f32 v2, $2.500000000e-01;
	vm15 =	vge.f32 v2, $3.600000140e-01  }
0x509: {  	vm4 =	vge.f32 v2, $4.899999500e-01;
	vm5 =	vge.f32 v2, $6.399999860e-01;
	vm6 =	vge.f32 v2, $8.099999420e-01  }
0x50a: {  	v44 =	vsel vm0, $0x1, v0;
	v45 =	vsel vm12, $0x1, v0;
	v46 =	vsel vm1, $0x1, v0  }
0x50b: {  	v47 =	vsel vm13, $0x1, v0;
	v48 =	vsel vm14, $0x1, v0;
	v49 =	vsel vm15, $0x1, v0  }
0x50c: {  	v50 =	vsel vm4, $0x1, v0;
	v51 =	vsel vm5, $0x1, v0;
	v5 =	vadd.s32 v45, v44  }
0x50d: {  	v52 =	vsel vm6, $0x1, v0;
	vm7 =	vge.f32 v3, $9.999999770e-03;
	v5 =	vadd.s32 v46, v5  }
0x50e: {  	vm8 =	vge.f32 v3, $3.999999910e-02;
	vm9 =	vge.f32 v3, $9.000000350e-02;
	v4 =	vadd.s32 v47, v5  }
0x50f: {  	vm10 =	vge.f32 v3, $1.599999960e-01;
	vm11 =	vge.f32 v3, $2.500000000e-01;
	v4 =	vadd.s32 v48, v4  }
0x510: {  	vm12 =	vge.f32 v3, $3.600000140e-01;
	vm13 =	vge.f32 v3, $4.899999500e-01;
	v2 =	vadd.s32 v49, v4  }
0x511: {  	v53 =	vsel vm7, $0x1, v0;
	v54 =	vsel vm8, $0x1, v0;
	v2 =	vadd.s32 v50, v2  }
0x512: {  	v55 =	vsel vm9, $0x1, v0;
	v5 =	vadd.s32 v54, v53;
	v2 =	vadd.s32 v51, v2  }
0x513: {  	v56 =	vsel vm10, $0x1, v0;
	v5 =	vadd.s32 v55, v5;
	v2 =	vadd.s32 v52, v2  }
0x514: {  	v58 =	vsel vm11, $0x1, v0;
	v57 =	vadd.s32 v56, v5;
	v2 =	vshll.u32 v2, $0x7  }
0x515: {  	v59 =	vsel vm12, $0x1, v0;
	v4 =	vadd.s32 v58, v57;
	v2 =	vor.u32 v1, v2  }
0x516: {  	vm14 =	vge.f32 v3, $6.399999860e-01;
	v60 =	vsel vm13, $0x1, v0;
	v4 =	vadd.s32 v59, v4  }
0x517: {  	vm15 =	vge.f32 v3, $8.099999420e-01;
	v61 =	vsel vm14, $0x1, v0;
	v4 =	vadd.s32 v60, v4  }
0x518: {  	v62 =	vsel vm15, $0x1, v0;
	v3 =	vadd.s32 v61, v4  }
0x519: {  	s0 =	simm.s32 $0x8C00;
	v3 =	vadd.s32 v62, v3  }
0x51a: {  	v63 =	vor.u32 $0x10, v1;
	v3 =	vshll.u32 v3, $0x7;
	v2 =	vld.idx.msk [tilespmem:v2+s0+$0x0], $0xffff  }
0x51b: {  	v3 =	vor.u32 v63, v3;
	_ =	sdelay $0x3  }
0x51c: {  	[tilespmem:$0x9400] =	vst v2  }
0x51d: {  	v2 =	vld.idx.msk [tilespmem:v3+s0+$0x0], $0xffff;
	_ =	sdelay $0x1  }
.Ltmp12:
0x51e: {  	_ = 	snop;
	(pc) =	sbr.rel .LBB2_21-.Ltmp12, $3  }
0x51f: {  	s31 =	sld [smem:$0x7FA];
	_ =	sdelay $0x1  }
0x520: {  	s1 =	simm.s32 $0x9400;
	[tilespmem:$0x9410] =	vst v2  }
0x521: {  	[hbm4b:s31+s2] =	stream.linear.scatter [tilespmem:s1], [sflag:$0x3], $0x20, $0x38;
	[tilespmem:$0x9480] =	vst v63  }
.LBB2_22:
0x522: {  	_ =	sfence.sel $0x180000  }
0x523: {  	[bflag:$0x0] =	sbarrier.arrive $0xFFFF  }
0x524: {  	_ =	strace $0x90000047  }
0x525: {  	s0 =	stileid.u32;
	[bflag:$0x2] =	sbarrier.arrive $0xFFFF  }
0x526: {  	p0 =	sne.s32 s0, $0x0;
	s0 =	rddreg [dreg:$0x4]  }
0x527: {  	s0 =	sadd.s32 @!p0 $0x100000, s0  }
0x528: {  	[sflag:s0] =	ssyncadd.tile.s32 @!p0 $0x1;
	_ =	shalt  }
.Lfunc_end2:
_tile_overlayer_lowered:
.L_overlay_start_2:
0x529: {  	(tag) =	ssettag $0x2  }
0x52a: {  	s0 =	rddreg [dreg:$0x0];
	s2 =	stileid.u32  }
0x52b: {  	s1 =	rddreg [dreg:$0x1];
	p0 =	sne.s32 s2, $0x0  }
0x52c: {  	s3 =	rddreg [dreg:$0x2];
	[bflag:$0x3] =	sbarrier.arrive $0xFFFF;
	s2 =	simm.s32 @!p0 $0x1C05  }
0x52d: {  	[timem:s3], [sflag:s2] =	dma.local @!p0 [hbm:s0], s1  }
0x52e: {  	s0 =	simm.s32 @!p0 $0x5  }
0x52f: {  	_ =	swait.ge @!p0 [sflag:s0], s1  }
0x530: {  	s1 =	ssub.s32 @!p0 $0x0, s1;
	[sflag:s0] =	ssyncset.done @!p0 $0x0  }
0x531: {  	[sflag:s0] =	ssyncadd.s32 @!p0 s1  }
0x532: {  	[bflag:$0x3] =	sbarrier.arrive $0xFFFF  }
0x533: {  	_ =	shalt  }

</sc_bundles>
